<compile_context>
chip_gen: v7x
topology: tpu7x:2x2x1
jax: 0.10.2.dev20260603
libtpu: 0.0.44.dev20260713+nightly
codegen_flags: <defaults>
</compile_context>

<pallas_src>
import dataclasses
import functools

import jax
import jax.numpy as jnp
from jax import lax
from jax.experimental import pallas as pl
from jax.experimental.pallas import tpu as pltpu
from jax.experimental.pallas import tpu_sc as plsc

N = 50000
C = 128
KV = 27
P = 8192
TOT = KV * P
NC = 2
NS = 16
NW = NC * NS

NQ = 4
QTR = TOT // NQ
SPQ = NS // NQ
G_ROWS = QTR // NW
G_CH = 64
G_NCH = G_ROWS // G_CH

TILE = 12512
TPC = 2
S_ROWS = TOT // NS
SEG = 1728
SEG_G = SEG // 16
CCH = 128
CAP = 5248
CAP_CH = CAP // CCH
DUMP = TILE
ACC_ROWS = 12544
WB_CH = 96
WB_N = TILE // WB_CH


def _gather_sc(feats, in_idx):
    mesh = plsc.VectorSubcoreMesh(core_axis_name="c", subcore_axis_name="s")

    @functools.partial(
        pl.kernel,
        out_type=jax.ShapeDtypeStruct((QTR, C), jnp.float32),
        mesh=mesh,
        scratch_types=[
            pltpu.VMEM((G_ROWS,), jnp.int32),
            pltpu.VMEM((G_CH, C), jnp.float32),
            pltpu.VMEM((G_CH, C), jnp.float32),
            pltpu.SemaphoreType.DMA,
            pltpu.SemaphoreType.DMA,
            pltpu.SemaphoreType.DMA,
            pltpu.SemaphoreType.DMA,
        ],
    )
    def k(feats_hbm, idx_hbm, out_hbm, idx_v, rows_a, rows_b,
          gsem_a, gsem_b, wsem_a, wsem_b):
        wid = lax.axis_index("s") * NC + lax.axis_index("c")
        base = wid * G_ROWS
        pltpu.sync_copy(idx_hbm.at[pl.ds(base, G_ROWS)], idx_v)

        def gather_desc(j, buf, sem):
            return pltpu.make_async_copy(
                feats_hbm.at[idx_v.at[pl.ds(j * G_CH, G_CH)]], buf, sem)

        def write_desc(j, buf, sem):
            return pltpu.make_async_copy(
                buf, out_hbm.at[pl.ds(base + j * G_CH, G_CH)], sem)

        gather_desc(0, rows_a, gsem_a).start()
        gather_desc(1, rows_b, gsem_b).start()

        def body(p, carry):
            j0 = 2 * p
            j1 = j0 + 1
            gather_desc(j0, rows_a, gsem_a).wait()
            write_desc(j0, rows_a, wsem_a).start()
            gather_desc(j1, rows_b, gsem_b).wait()
            write_desc(j1, rows_b, wsem_b).start()

            @pl.when(p + 1 < G_NCH // 2)
            def _():
                write_desc(j0, rows_a, wsem_a).wait()
                gather_desc(j0 + 2, rows_a, gsem_a).start()
                write_desc(j1, rows_b, wsem_b).wait()
                gather_desc(j1 + 2, rows_b, gsem_b).start()

            return carry

        lax.fori_loop(0, G_NCH // 2, body, jnp.int32(0))
        write_desc(G_NCH - 3, rows_a, wsem_a).wait()
        write_desc(G_NCH - 2, rows_b, wsem_b).wait()
        gather_desc(G_NCH - 1, rows_a, gsem_a).start()
        gather_desc(G_NCH - 1, rows_a, gsem_a).wait()
        write_desc(G_NCH - 1, rows_a, wsem_a).start()
        write_desc(G_NCH - 1, rows_a, wsem_a).wait()

    return k(feats, in_idx)


def _gemm_tc(gathered, w, quarter):
    BP = 2048
    KB = P // BP

    def body(x_ref, w_ref, o_ref):
        x = x_ref[...].astype(jnp.bfloat16)
        wb = w_ref[0].astype(jnp.bfloat16)
        o_ref[...] = jnp.dot(x, wb, preferred_element_type=jnp.float32)

    blk0 = quarter * (QTR // BP)
    return pl.pallas_call(
        body,
        grid=(QTR // BP,),
        in_specs=[
            pl.BlockSpec((BP, C), lambda p: (p, 0)),
            pl.BlockSpec((1, C, C), lambda p: ((blk0 + p) // KB, 0, 0)),
        ],
        out_specs=pl.BlockSpec((BP, C), lambda p: (p, 0)),
        out_shape=jax.ShapeDtypeStruct((QTR, C), jnp.float32),
        compiler_params=pltpu.CompilerParams(
            dimension_semantics=("parallel",),
        ),
    )(gathered, w)


def _sc_compiler_params():
    cp = pltpu.CompilerParams()
    if "needs_layout_passes" in pltpu.CompilerParams.__dataclass_fields__:
        cp = dataclasses.replace(cp, needs_layout_passes=False)
    return cp


def _scatter_sc(contribs, out_idx):
    mesh = plsc.VectorSubcoreMesh(core_axis_name="c", subcore_axis_name="s")

    @functools.partial(
        pl.kernel,
        out_type=jax.ShapeDtypeStruct((N, C), jnp.float32),
        mesh=mesh,
        compiler_params=_sc_compiler_params(),
        scratch_types=[
            pltpu.VMEM((SEG,), jnp.int32),
            pltpu.VMEM((CAP_CH, CCH), jnp.int32),
            pltpu.VMEM((CAP_CH, CCH), jnp.int32),
            pltpu.VMEM((CCH, C), jnp.float32),
            pltpu.VMEM_SHARED((ACC_ROWS, C), jnp.float32),
            pltpu.SemaphoreType.DMA,
        ],
    )
    def k(c0_hbm, c1_hbm, c2_hbm, c3_hbm, idx_hbm, out_hbm, idxseg, loc, pos,
          rows_a, acc, sem):
        cid = lax.axis_index("c")
        sid = lax.axis_index("s")
        qid = lax.div(sid, SPQ)
        c_hbms = [c0_hbm, c1_hbm, c2_hbm, c3_hbm]

        zero16f = jnp.zeros((16,), jnp.float32)
        zero16i = jnp.zeros((16,), jnp.int32)
        lane = lax.iota(jnp.int32, 16)

        def process(cntv):
            cnt = jnp.max(cntv)
            top = lax.bitwise_and(cnt + CCH - 1, -CCH)
            for gi in range(CCH // 16):
                q = cnt + gi * 16 + lane
                maskp = q < top
                row_i = lax.shift_right_logical(q, 7)
                col_i = lax.bitwise_and(q, CCH - 1)
                dumpv = DUMP + lax.bitwise_and(q, 31)
                plsc.store_scatter(loc, [row_i, col_i], dumpv, mask=maskp)
                plsc.store_scatter(pos, [row_i, col_i], zero16i, mask=maskp)

            def chunk_body(j, carry):
                for qq in range(NQ):
                    @pl.when(qid == qq)
                    def _():
                        pltpu.async_copy(c_hbms[qq].at[pos.at[j]], rows_a,
                                         sem).wait()

                pltpu.sync_copy(rows_a, acc.at[loc.at[j]], add=True)
                return carry

            lax.fori_loop(0, lax.shift_right_logical(top, 7), chunk_body,
                          jnp.int32(0))
            return jnp.zeros((16,), jnp.int32)

        for t_local in range(TPC):
            base = (TPC * cid + t_local) * TILE
            rows_t = jnp.minimum(TILE, N - base)

            @pl.loop(0, CCH)
            def _(r):
                @pl.loop(0, C, step=16)
                def _(cc):
                    rows_a[r, pl.ds(cc, 16)] = zero16f

            @pl.loop(0, ACC_ROWS // CCH)
            def _(m):
                @pl.when(lax.rem(m, NS) == sid)
                def _():
                    pltpu.sync_copy(rows_a, acc.at[pl.ds(m * CCH, CCH)])

            plsc.subcore_barrier()

            def seg_body(g, cntv):
                cntv = lax.cond(jnp.max(cntv) + SEG > CAP, process,
                                lambda c: c, cntv)
                pltpu.sync_copy(
                    idx_hbm.at[pl.ds(sid * S_ROWS + g * SEG, SEG)], idxseg)

                def scan_group(i, cntv):
                    col = i * 16
                    v = idxseg[pl.ds(col, 16)]
                    localv = v - base
                    maskv = (localv >= 0) & (localv < rows_t)
                    pc = plsc.cumsum(maskv.astype(jnp.int32))
                    q = cntv + pc - 1
                    row_i = lax.shift_right_logical(q, 7)
                    col_i = lax.bitwise_and(q, CCH - 1)
                    plsc.store_scatter(loc, [row_i, col_i], localv,
                                       mask=maskv)
                    pv = (lax.rem(sid, SPQ) * S_ROWS + g * SEG + col) + lane
                    plsc.store_scatter(pos, [row_i, col_i], pv, mask=maskv)
                    return cntv + plsc.all_reduce_population_count(maskv)

                return lax.fori_loop(0, SEG_G, scan_group, cntv)

            cntv = lax.fori_loop(0, S_ROWS // SEG, seg_body,
                                 jnp.zeros((16,), jnp.int32))
            process(cntv)

            plsc.subcore_barrier()

            mcov = rows_t - lax.rem(rows_t, WB_CH)

            @pl.loop(0, WB_N)
            def _(m):
                @pl.when((lax.rem(m, NS) == sid) & ((m + 1) * WB_CH <= rows_t))
                def _():
                    pltpu.sync_copy(acc.at[pl.ds(m * WB_CH, WB_CH)],
                                    out_hbm.at[pl.ds(base + m * WB_CH, WB_CH)])

            for mt in range(WB_CH // 16):
                @pl.when((sid == mt) & (mcov + (mt + 1) * 16 <= rows_t))
                def _():
                    pltpu.sync_copy(
                        acc.at[pl.ds(mcov + mt * 16, 16)],
                        out_hbm.at[pl.ds(base + mcov + mt * 16, 16)])

            plsc.subcore_barrier()

    return k(*contribs, out_idx)


def kernel(coords, feats, maps, mappat, kernel):
    w = kernel
    in_idx = maps[:, :, 0].reshape(TOT)
    out_idx = maps[:, :, 1].reshape(TOT)
    contribs = []
    for q in range(NQ):
        gathered = _gather_sc(feats, in_idx[q * QTR:(q + 1) * QTR])
        contribs.append(_gemm_tc(gathered, w, q))
    return _scatter_sc(contribs, out_idx)

# --- scband reference (transcript-rebuilt; emitter-appended) ---
"""Pipeline reference for scband-conv3d-42700564857380 (READ-ONLY COPY).

The authoritative reference and input builder live on the scoring server;
editing this copy changes nothing except your own understanding.
"""

import jax, jax.numpy as jnp
import numpy as np
import math

N = 50000
C_IN = 128
C_OUT = 128
KERNEL_SIZE = 3
K_VOL = KERNEL_SIZE ** 3  # 27
P = 8192  # active (input, output) pairs per kernel offset


def setup_inputs(seed: int = 0) -> dict:
    key = jax.random.key(seed)
    k1, k2, k3, k4 = jax.random.split(key, 4)
    coords = jax.random.randint(k1, (N, 4), 0, 128, dtype=jnp.int32)
    feats = jax.random.normal(k2, (N, C_IN), dtype=jnp.float32)
    # maps[k, p] = (input_voxel_idx, output_voxel_idx) for kernel offset k
    maps = jax.random.randint(k3, (K_VOL, P, 2), 0, N, dtype=jnp.int32)
    # mappat is a remap-cache pattern list in the original; represented as a dummy int tensor here
    mappat = jnp.arange(1, dtype=jnp.int64)
    # kernel init mirrors reset_parameters: uniform(-stdv, stdv), stdv = 1/sqrt(out_channels * kernel_volume)
    n = C_OUT * K_VOL
    stdv = 1.0 / math.sqrt(n)
    kernel = jax.random.uniform(k4, (K_VOL, C_IN, C_OUT), dtype=jnp.float32, minval=-stdv, maxval=stdv)
    return {"coords": coords, "feats": feats, "maps": maps, "mappat": mappat, "kernel": kernel}


def reference(coords, feats, maps, mappat, kernel):
    # Faithful gather -> per-offset GEMM -> scatter-add sparse 3D convolution
    # (the semantics of backend.conv_fwd_cuda with precomputed in/out maps).
    n_out = feats.shape[0]
    c_out = kernel.shape[2]
    in_idx = maps[:, :, 0]   # [K_VOL, P]
    out_idx = maps[:, :, 1]  # [K_VOL, P]
    gathered = feats[in_idx]                                   # [K_VOL, P, C_IN]
    contrib = jnp.einsum('kpc,kco->kpo', gathered, kernel)     # [K_VOL, P, C_OUT]
    output = jnp.zeros((n_out, c_out), dtype=feats.dtype)
    output = output.at[out_idx.reshape(-1)].add(contrib.reshape(-1, c_out))
    return output

if __name__ == "__main__":
    import jax
    _d = setup_inputs()
    print(jax.jit(kernel)(*tuple(_d.values())))

</pallas_src>

<mosaic_0001>
#map = affine_map<(d0, d1) -> (0, 0)>
#map1 = affine_map<(d0, d1) -> (0)>
module attributes {stable_mosaic.version = 14 : i64} {
  func.func @k(%arg0: i32, %arg1: i32, %arg2: memref<50000x128xf32, #tpu.memory_space<hbm>>, %arg3: memref<55296xi32, #tpu.memory_space<hbm>>, %arg4: memref<55296x128xf32, #tpu.memory_space<hbm>>, %arg5: memref<1728xi32, #tpu.memory_space<vmem>>, %arg6: memref<64x128xf32, #tpu.memory_space<vmem>>, %arg7: memref<64x128xf32, #tpu.memory_space<vmem>>, %arg8: memref<!tpu.dma_semaphore, #tpu.memory_space<semaphore_mem>>, %arg9: memref<!tpu.dma_semaphore, #tpu.memory_space<semaphore_mem>>, %arg10: memref<!tpu.dma_semaphore, #tpu.memory_space<semaphore_mem>>, %arg11: memref<!tpu.dma_semaphore, #tpu.memory_space<semaphore_mem>>) attributes {dimension_semantics = [#tpu.dimension_semantics<core_parallel>, #tpu.dimension_semantics<subcore_parallel>], iteration_bounds = array<i64: 2, 16>, scalar_prefetch = 0 : i64, scratch_operands = 7 : i64, tpu.core_type = #tpu.core_type<sc_vector_subcore>, window_params = [{transform_indices = #map}, {transform_indices = #map1}, {transform_indices = #map}]} {
    %mul3A = arith.constant 2 : i32
    %mul3A_0 = arith.muli %arg1, %mul3A : i32
    %add3A = arith.addi %mul3A_0, %arg0 : i32
    %mul3A_1 = arith.constant 1728 : i32
    %mul3A_2 = arith.muli %add3A, %mul3A_1 : i32
    "tpu.region"() ({
      %run_scoped3A = tpu.sem_alloc : memref<!tpu.dma_semaphore, #tpu.memory_space<semaphore_mem>>
      %dma_start3A_50 = tpu.memref_slice %arg3[%mul3A_2] : memref<55296xi32, #tpu.memory_space<hbm>> -> memref<1728xi32, #tpu.memory_space<hbm>>
      %dma_start3A_51 = tpu.memref_slice %arg3[%mul3A_2] : memref<55296xi32, #tpu.memory_space<hbm>> -> memref<1728xi32, #tpu.memory_space<hbm>>
      tpu.enqueue_dma source(%dma_start3A_51 : memref<1728xi32, #tpu.memory_space<hbm>>) target(%arg5 : memref<1728xi32, #tpu.memory_space<vmem>>) target_semaphore(%run_scoped3A : memref<!tpu.dma_semaphore, #tpu.memory_space<semaphore_mem>>)
      %dma_wait3A_52 = tpu.memref_slice %arg3[%mul3A_2] : memref<55296xi32, #tpu.memory_space<hbm>> -> memref<1728xi32, #tpu.memory_space<hbm>>
      %dma_wait3A_53 = tpu.memref_slice %arg3[%mul3A_2] : memref<55296xi32, #tpu.memory_space<hbm>> -> memref<1728xi32, #tpu.memory_space<hbm>>
      tpu.wait_dma2 semaphore(%run_scoped3A : memref<!tpu.dma_semaphore, #tpu.memory_space<semaphore_mem>>) src(%dma_wait3A_53 : memref<1728xi32, #tpu.memory_space<hbm>>) dst(%arg5 : memref<1728xi32, #tpu.memory_space<vmem>>)
      tpu.yield
    }) : () -> ()
    %dma_start3A = arith.constant 0 : i32
    %dma_start3A_3 = tpu.memref_slice %arg5[%dma_start3A] : memref<1728xi32, #tpu.memory_space<vmem>> -> memref<64xi32, #tpu.memory_space<vmem>>
    %dma_start3A_4 = arith.constant 0 : i32
    %dma_start3A_5 = arith.constant 0 : i32
    %dma_start3A_6 = tpu.memref_slice %arg2[%dma_start3A_4, %dma_start3A_5] : memref<50000x128xf32, #tpu.memory_space<hbm>> -> memref<50000x128xf32, #tpu.memory_space<hbm>>
    tpu.enqueue_indirect_dma source(%dma_start3A_6 : memref<50000x128xf32, #tpu.memory_space<hbm>>) target(%arg6 : memref<64x128xf32, #tpu.memory_space<vmem>>) offsets(%dma_start3A_3 : memref<64xi32, #tpu.memory_space<vmem>>) semaphore(%arg8 : memref<!tpu.dma_semaphore, #tpu.memory_space<semaphore_mem>>)
    %dma_start3A_7 = arith.constant 64 : i32
    %dma_start3A_8 = tpu.memref_slice %arg5[%dma_start3A_7] : memref<1728xi32, #tpu.memory_space<vmem>> -> memref<64xi32, #tpu.memory_space<vmem>>
    %dma_start3A_9 = arith.constant 0 : i32
    %dma_start3A_10 = arith.constant 0 : i32
    %dma_start3A_11 = tpu.memref_slice %arg2[%dma_start3A_9, %dma_start3A_10] : memref<50000x128xf32, #tpu.memory_space<hbm>> -> memref<50000x128xf32, #tpu.memory_space<hbm>>
    tpu.enqueue_indirect_dma source(%dma_start3A_11 : memref<50000x128xf32, #tpu.memory_space<hbm>>) target(%arg7 : memref<64x128xf32, #tpu.memory_space<vmem>>) offsets(%dma_start3A_8 : memref<64xi32, #tpu.memory_space<vmem>>) semaphore(%arg9 : memref<!tpu.dma_semaphore, #tpu.memory_space<semaphore_mem>>)
    %scan3A = arith.constant 0 : i32
    %scan3A_12 = arith.constant 0 : i32
    %scan3A_13 = arith.constant 13 : i32
    %scan3A_14 = arith.addi %scan3A_12, %scan3A_13 : i32
    %scan3A_15 = arith.constant 1 : i32
    scf.for %scan3A_50 = %scan3A_12 to %scan3A_14 step %scan3A_15  : i32 {
      %mul3A_51 = arith.constant 2 : i32
      %mul3A_52 = arith.muli %mul3A_51, %scan3A_50 : i32
      %add3A_53 = arith.constant 1 : i32
      %add3A_54 = arith.addi %mul3A_52, %add3A_53 : i32
      %mul3A_55 = arith.constant 64 : i32
      %mul3A_56 = arith.muli %mul3A_52, %mul3A_55 : i32
      %dma_wait3A_57 = tpu.memref_slice %arg5[%mul3A_56] : memref<1728xi32, #tpu.memory_space<vmem>> -> memref<64xi32, #tpu.memory_space<vmem>>
      %dma_wait3A_58 = arith.constant 0 : i32
      %dma_wait3A_59 = arith.constant 0 : i32
      %dma_wait3A_60 = tpu.memref_slice %arg2[%dma_wait3A_58, %dma_wait3A_59] : memref<50000x128xf32, #tpu.memory_space<hbm>> -> memref<50000x128xf32, #tpu.memory_space<hbm>>
      tpu.wait_indirect_dma semaphore(%arg8 : memref<!tpu.dma_semaphore, #tpu.memory_space<semaphore_mem>>) src(%dma_wait3A_60 : memref<50000x128xf32, #tpu.memory_space<hbm>>) dst(%arg6 : memref<64x128xf32, #tpu.memory_space<vmem>>)
      %mul3A_61 = arith.constant 64 : i32
      %mul3A_62 = arith.muli %mul3A_52, %mul3A_61 : i32
      %add3A_63 = arith.addi %mul3A_2, %mul3A_62 : i32
      %dma_start3A_64 = arith.constant 0 : i32
      %dma_start3A_65 = tpu.memref_slice %arg4[%add3A_63, %dma_start3A_64] : memref<55296x128xf32, #tpu.memory_space<hbm>> -> memref<64x128xf32, #tpu.memory_space<hbm>>
      %dma_start3A_66 = arith.constant 0 : i32
      %dma_start3A_67 = tpu.memref_slice %arg4[%add3A_63, %dma_start3A_66] : memref<55296x128xf32, #tpu.memory_space<hbm>> -> memref<64x128xf32, #tpu.memory_space<hbm>>
      tpu.enqueue_dma source(%arg6 : memref<64x128xf32, #tpu.memory_space<vmem>>) target(%dma_start3A_67 : memref<64x128xf32, #tpu.memory_space<hbm>>) target_semaphore(%arg10 : memref<!tpu.dma_semaphore, #tpu.memory_space<semaphore_mem>>)
      %mul3A_68 = arith.constant 64 : i32
      %mul3A_69 = arith.muli %add3A_54, %mul3A_68 : i32
      %dma_wait3A_70 = tpu.memref_slice %arg5[%mul3A_69] : memref<1728xi32, #tpu.memory_space<vmem>> -> memref<64xi32, #tpu.memory_space<vmem>>
      %dma_wait3A_71 = arith.constant 0 : i32
      %dma_wait3A_72 = arith.constant 0 : i32
      %dma_wait3A_73 = tpu.memref_slice %arg2[%dma_wait3A_71, %dma_wait3A_72] : memref<50000x128xf32, #tpu.memory_space<hbm>> -> memref<50000x128xf32, #tpu.memory_space<hbm>>
      tpu.wait_indirect_dma semaphore(%arg9 : memref<!tpu.dma_semaphore, #tpu.memory_space<semaphore_mem>>) src(%dma_wait3A_73 : memref<50000x128xf32, #tpu.memory_space<hbm>>) dst(%arg7 : memref<64x128xf32, #tpu.memory_space<vmem>>)
      %mul3A_74 = arith.constant 64 : i32
      %mul3A_75 = arith.muli %add3A_54, %mul3A_74 : i32
      %add3A_76 = arith.addi %mul3A_2, %mul3A_75 : i32
      %dma_start3A_77 = arith.constant 0 : i32
      %dma_start3A_78 = tpu.memref_slice %arg4[%add3A_76, %dma_start3A_77] : memref<55296x128xf32, #tpu.memory_space<hbm>> -> memref<64x128xf32, #tpu.memory_space<hbm>>
      %dma_start3A_79 = arith.constant 0 : i32
      %dma_start3A_80 = tpu.memref_slice %arg4[%add3A_76, %dma_start3A_79] : memref<55296x128xf32, #tpu.memory_space<hbm>> -> memref<64x128xf32, #tpu.memory_space<hbm>>
      tpu.enqueue_dma source(%arg7 : memref<64x128xf32, #tpu.memory_space<vmem>>) target(%dma_start3A_80 : memref<64x128xf32, #tpu.memory_space<hbm>>) target_semaphore(%arg11 : memref<!tpu.dma_semaphore, #tpu.memory_space<semaphore_mem>>)
      %add3A_81 = arith.constant 1 : i32
      %add3A_82 = arith.addi %scan3A_50, %add3A_81 : i32
      %lt3A = arith.constant 13 : i32
      %lt3A_83 = arith.cmpi slt, %add3A_82, %lt3A : i32
      %convert_element_type3A = arith.extui %lt3A_83 : i1 to i32
      %cond3A = arith.constant 0 : i32
      %cond3A_84 = arith.cmpi ne, %convert_element_type3A, %cond3A : i32
      scf.if %cond3A_84 {
        %mul3A_85 = arith.constant 64 : i32
        %mul3A_86 = arith.muli %mul3A_52, %mul3A_85 : i32
        %add3A_87 = arith.addi %mul3A_2, %mul3A_86 : i32
        %dma_wait3A_88 = arith.constant 0 : i32
        %dma_wait3A_89 = tpu.memref_slice %arg4[%add3A_87, %dma_wait3A_88] : memref<55296x128xf32, #tpu.memory_space<hbm>> -> memref<64x128xf32, #tpu.memory_space<hbm>>
        %dma_wait3A_90 = arith.constant 0 : i32
        %dma_wait3A_91 = tpu.memref_slice %arg4[%add3A_87, %dma_wait3A_90] : memref<55296x128xf32, #tpu.memory_space<hbm>> -> memref<64x128xf32, #tpu.memory_space<hbm>>
        tpu.wait_dma2 semaphore(%arg10 : memref<!tpu.dma_semaphore, #tpu.memory_space<semaphore_mem>>) src(%arg6 : memref<64x128xf32, #tpu.memory_space<vmem>>) dst(%dma_wait3A_91 : memref<64x128xf32, #tpu.memory_space<hbm>>)
        %add3A_92 = arith.constant 2 : i32
        %add3A_93 = arith.addi %mul3A_52, %add3A_92 : i32
        %mul3A_94 = arith.constant 64 : i32
        %mul3A_95 = arith.muli %add3A_93, %mul3A_94 : i32
        %dma_start3A_96 = tpu.memref_slice %arg5[%mul3A_95] : memref<1728xi32, #tpu.memory_space<vmem>> -> memref<64xi32, #tpu.memory_space<vmem>>
        %dma_start3A_97 = arith.constant 0 : i32
        %dma_start3A_98 = arith.constant 0 : i32
        %dma_start3A_99 = tpu.memref_slice %arg2[%dma_start3A_97, %dma_start3A_98] : memref<50000x128xf32, #tpu.memory_space<hbm>> -> memref<50000x128xf32, #tpu.memory_space<hbm>>
        tpu.enqueue_indirect_dma source(%dma_start3A_99 : memref<50000x128xf32, #tpu.memory_space<hbm>>) target(%arg6 : memref<64x128xf32, #tpu.memory_space<vmem>>) offsets(%dma_start3A_96 : memref<64xi32, #tpu.memory_space<vmem>>) semaphore(%arg8 : memref<!tpu.dma_semaphore, #tpu.memory_space<semaphore_mem>>)
        %mul3A_100 = arith.constant 64 : i32
        %mul3A_101 = arith.muli %add3A_54, %mul3A_100 : i32
        %add3A_102 = arith.addi %mul3A_2, %mul3A_101 : i32
        %dma_wait3A_103 = arith.constant 0 : i32
        %dma_wait3A_104 = tpu.memref_slice %arg4[%add3A_102, %dma_wait3A_103] : memref<55296x128xf32, #tpu.memory_space<hbm>> -> memref<64x128xf32, #tpu.memory_space<hbm>>
        %dma_wait3A_105 = arith.constant 0 : i32
        %dma_wait3A_106 = tpu.memref_slice %arg4[%add3A_102, %dma_wait3A_105] : memref<55296x128xf32, #tpu.memory_space<hbm>> -> memref<64x128xf32, #tpu.memory_space<hbm>>
        tpu.wait_dma2 semaphore(%arg11 : memref<!tpu.dma_semaphore, #tpu.memory_space<semaphore_mem>>) src(%arg7 : memref<64x128xf32, #tpu.memory_space<vmem>>) dst(%dma_wait3A_106 : memref<64x128xf32, #tpu.memory_space<hbm>>)
        %add3A_107 = arith.constant 2 : i32
        %add3A_108 = arith.addi %add3A_54, %add3A_107 : i32
        %mul3A_109 = arith.constant 64 : i32
        %mul3A_110 = arith.muli %add3A_108, %mul3A_109 : i32
        %dma_start3A_111 = tpu.memref_slice %arg5[%mul3A_110] : memref<1728xi32, #tpu.memory_space<vmem>> -> memref<64xi32, #tpu.memory_space<vmem>>
        %dma_start3A_112 = arith.constant 0 : i32
        %dma_start3A_113 = arith.constant 0 : i32
        %dma_start3A_114 = tpu.memref_slice %arg2[%dma_start3A_112, %dma_start3A_113] : memref<50000x128xf32, #tpu.memory_space<hbm>> -> memref<50000x128xf32, #tpu.memory_space<hbm>>
        tpu.enqueue_indirect_dma source(%dma_start3A_114 : memref<50000x128xf32, #tpu.memory_space<hbm>>) target(%arg7 : memref<64x128xf32, #tpu.memory_space<vmem>>) offsets(%dma_start3A_111 : memref<64xi32, #tpu.memory_space<vmem>>) semaphore(%arg9 : memref<!tpu.dma_semaphore, #tpu.memory_space<semaphore_mem>>)
      } else {
      }
    }
    %scan3A_16 = arith.constant 13 : i32
    %add3A_17 = arith.constant 1536 : i32
    %add3A_18 = arith.addi %mul3A_2, %add3A_17 : i32
    %dma_wait3A = arith.constant 0 : i32
    %dma_wait3A_19 = tpu.memref_slice %arg4[%add3A_18, %dma_wait3A] : memref<55296x128xf32, #tpu.memory_space<hbm>> -> memref<64x128xf32, #tpu.memory_space<hbm>>
    %dma_wait3A_20 = arith.constant 0 : i32
    %dma_wait3A_21 = tpu.memref_slice %arg4[%add3A_18, %dma_wait3A_20] : memref<55296x128xf32, #tpu.memory_space<hbm>> -> memref<64x128xf32, #tpu.memory_space<hbm>>
    tpu.wait_dma2 semaphore(%arg10 : memref<!tpu.dma_semaphore, #tpu.memory_space<semaphore_mem>>) src(%arg6 : memref<64x128xf32, #tpu.memory_space<vmem>>) dst(%dma_wait3A_21 : memref<64x128xf32, #tpu.memory_space<hbm>>)
    %add3A_22 = arith.constant 1600 : i32
    %add3A_23 = arith.addi %mul3A_2, %add3A_22 : i32
    %dma_wait3A_24 = arith.constant 0 : i32
    %dma_wait3A_25 = tpu.memref_slice %arg4[%add3A_23, %dma_wait3A_24] : memref<55296x128xf32, #tpu.memory_space<hbm>> -> memref<64x128xf32, #tpu.memory_space<hbm>>
    %dma_wait3A_26 = arith.constant 0 : i32
    %dma_wait3A_27 = tpu.memref_slice %arg4[%add3A_23, %dma_wait3A_26] : memref<55296x128xf32, #tpu.memory_space<hbm>> -> memref<64x128xf32, #tpu.memory_space<hbm>>
    tpu.wait_dma2 semaphore(%arg11 : memref<!tpu.dma_semaphore, #tpu.memory_space<semaphore_mem>>) src(%arg7 : memref<64x128xf32, #tpu.memory_space<vmem>>) dst(%dma_wait3A_27 : memref<64x128xf32, #tpu.memory_space<hbm>>)
    %dma_start3A_28 = arith.constant 1664 : i32
    %dma_start3A_29 = tpu.memref_slice %arg5[%dma_start3A_28] : memref<1728xi32, #tpu.memory_space<vmem>> -> memref<64xi32, #tpu.memory_space<vmem>>
    %dma_start3A_30 = arith.constant 0 : i32
    %dma_start3A_31 = arith.constant 0 : i32
    %dma_start3A_32 = tpu.memref_slice %arg2[%dma_start3A_30, %dma_start3A_31] : memref<50000x128xf32, #tpu.memory_space<hbm>> -> memref<50000x128xf32, #tpu.memory_space<hbm>>
    tpu.enqueue_indirect_dma source(%dma_start3A_32 : memref<50000x128xf32, #tpu.memory_space<hbm>>) target(%arg6 : memref<64x128xf32, #tpu.memory_space<vmem>>) offsets(%dma_start3A_29 : memref<64xi32, #tpu.memory_space<vmem>>) semaphore(%arg8 : memref<!tpu.dma_semaphore, #tpu.memory_space<semaphore_mem>>)
    %dma_wait3A_33 = arith.constant 1664 : i32
    %dma_wait3A_34 = tpu.memref_slice %arg5[%dma_wait3A_33] : memref<1728xi32, #tpu.memory_space<vmem>> -> memref<64xi32, #tpu.memory_space<vmem>>
    %dma_wait3A_35 = arith.constant 0 : i32
    %dma_wait3A_36 = arith.constant 0 : i32
    %dma_wait3A_37 = tpu.memref_slice %arg2[%dma_wait3A_35, %dma_wait3A_36] : memref<50000x128xf32, #tpu.memory_space<hbm>> -> memref<50000x128xf32, #tpu.memory_space<hbm>>
    tpu.wait_indirect_dma semaphore(%arg8 : memref<!tpu.dma_semaphore, #tpu.memory_space<semaphore_mem>>) src(%dma_wait3A_37 : memref<50000x128xf32, #tpu.memory_space<hbm>>) dst(%arg6 : memref<64x128xf32, #tpu.memory_space<vmem>>)
    %add3A_38 = arith.constant 1664 : i32
    %add3A_39 = arith.addi %mul3A_2, %add3A_38 : i32
    %dma_start3A_40 = arith.constant 0 : i32
    %dma_start3A_41 = tpu.memref_slice %arg4[%add3A_39, %dma_start3A_40] : memref<55296x128xf32, #tpu.memory_space<hbm>> -> memref<64x128xf32, #tpu.memory_space<hbm>>
    %dma_start3A_42 = arith.constant 0 : i32
    %dma_start3A_43 = tpu.memref_slice %arg4[%add3A_39, %dma_start3A_42] : memref<55296x128xf32, #tpu.memory_space<hbm>> -> memref<64x128xf32, #tpu.memory_space<hbm>>
    tpu.enqueue_dma source(%arg6 : memref<64x128xf32, #tpu.memory_space<vmem>>) target(%dma_start3A_43 : memref<64x128xf32, #tpu.memory_space<hbm>>) target_semaphore(%arg10 : memref<!tpu.dma_semaphore, #tpu.memory_space<semaphore_mem>>)
    %add3A_44 = arith.constant 1664 : i32
    %add3A_45 = arith.addi %mul3A_2, %add3A_44 : i32
    %dma_wait3A_46 = arith.constant 0 : i32
    %dma_wait3A_47 = tpu.memref_slice %arg4[%add3A_45, %dma_wait3A_46] : memref<55296x128xf32, #tpu.memory_space<hbm>> -> memref<64x128xf32, #tpu.memory_space<hbm>>
    %dma_wait3A_48 = arith.constant 0 : i32
    %dma_wait3A_49 = tpu.memref_slice %arg4[%add3A_45, %dma_wait3A_48] : memref<55296x128xf32, #tpu.memory_space<hbm>> -> memref<64x128xf32, #tpu.memory_space<hbm>>
    tpu.wait_dma2 semaphore(%arg10 : memref<!tpu.dma_semaphore, #tpu.memory_space<semaphore_mem>>) src(%arg6 : memref<64x128xf32, #tpu.memory_space<vmem>>) dst(%dma_wait3A_49 : memref<64x128xf32, #tpu.memory_space<hbm>>)
    return
  }
}

#map = affine_map<(d0, d1) -> (0, 0)>
#map1 = affine_map<(d0, d1) -> (0)>
module attributes {stable_mosaic.version = 14 : i64} {
  func.func @k(%arg0: i32, %arg1: i32, %arg2: memref<50000x128xf32, #tpu.memory_space<hbm>>, %arg3: memref<55296xi32, #tpu.memory_space<hbm>>, %arg4: memref<55296x128xf32, #tpu.memory_space<hbm>>, %arg5: memref<1728xi32, #tpu.memory_space<vmem>>, %arg6: memref<64x128xf32, #tpu.memory_space<vmem>>, %arg7: memref<64x128xf32, #tpu.memory_space<vmem>>, %arg8: memref<!tpu.dma_semaphore, #tpu.memory_space<semaphore_mem>>, %arg9: memref<!tpu.dma_semaphore, #tpu.memory_space<semaphore_mem>>, %arg10: memref<!tpu.dma_semaphore, #tpu.memory_space<semaphore_mem>>, %arg11: memref<!tpu.dma_semaphore, #tpu.memory_space<semaphore_mem>>) attributes {dimension_semantics = [#tpu.dimension_semantics<core_parallel>, #tpu.dimension_semantics<subcore_parallel>], iteration_bounds = array<i64: 2, 16>, scalar_prefetch = 0 : i64, scratch_operands = 7 : i64, tpu.core_type = #tpu.core_type<sc_vector_subcore>, window_params = [{transform_indices = #map}, {transform_indices = #map1}, {transform_indices = #map}]} {
    %mul3A = arith.constant 2 : i32
    %mul3A_0 = arith.muli %arg1, %mul3A : i32
    %add3A = arith.addi %mul3A_0, %arg0 : i32
    %mul3A_1 = arith.constant 1728 : i32
    %mul3A_2 = arith.muli %add3A, %mul3A_1 : i32
    "tpu.region"() ({
      %run_scoped3A = tpu.sem_alloc : memref<!tpu.dma_semaphore, #tpu.memory_space<semaphore_mem>>
      %dma_start3A_50 = tpu.memref_slice %arg3[%mul3A_2] : memref<55296xi32, #tpu.memory_space<hbm>> -> memref<1728xi32, #tpu.memory_space<hbm>>
      %dma_start3A_51 = tpu.memref_slice %arg3[%mul3A_2] : memref<55296xi32, #tpu.memory_space<hbm>> -> memref<1728xi32, #tpu.memory_space<hbm>>
      tpu.enqueue_dma source(%dma_start3A_51 : memref<1728xi32, #tpu.memory_space<hbm>>) target(%arg5 : memref<1728xi32, #tpu.memory_space<vmem>>) target_semaphore(%run_scoped3A : memref<!tpu.dma_semaphore, #tpu.memory_space<semaphore_mem>>)
      %dma_wait3A_52 = tpu.memref_slice %arg3[%mul3A_2] : memref<55296xi32, #tpu.memory_space<hbm>> -> memref<1728xi32, #tpu.memory_space<hbm>>
      %dma_wait3A_53 = tpu.memref_slice %arg3[%mul3A_2] : memref<55296xi32, #tpu.memory_space<hbm>> -> memref<1728xi32, #tpu.memory_space<hbm>>
      tpu.wait_dma2 semaphore(%run_scoped3A : memref<!tpu.dma_semaphore, #tpu.memory_space<semaphore_mem>>) src(%dma_wait3A_53 : memref<1728xi32, #tpu.memory_space<hbm>>) dst(%arg5 : memref<1728xi32, #tpu.memory_space<vmem>>)
      tpu.yield
    }) : () -> ()
    %dma_start3A = arith.constant 0 : i32
    %dma_start3A_3 = tpu.memref_slice %arg5[%dma_start3A] : memref<1728xi32, #tpu.memory_space<vmem>> -> memref<64xi32, #tpu.memory_space<vmem>>
    %dma_start3A_4 = arith.constant 0 : i32
    %dma_start3A_5 = arith.constant 0 : i32
    %dma_start3A_6 = tpu.memref_slice %arg2[%dma_start3A_4, %dma_start3A_5] : memref<50000x128xf32, #tpu.memory_space<hbm>> -> memref<50000x128xf32, #tpu.memory_space<hbm>>
    tpu.enqueue_indirect_dma source(%dma_start3A_6 : memref<50000x128xf32, #tpu.memory_space<hbm>>) target(%arg6 : memref<64x128xf32, #tpu.memory_space<vmem>>) offsets(%dma_start3A_3 : memref<64xi32, #tpu.memory_space<vmem>>) semaphore(%arg8 : memref<!tpu.dma_semaphore, #tpu.memory_space<semaphore_mem>>)
    %dma_start3A_7 = arith.constant 64 : i32
    %dma_start3A_8 = tpu.memref_slice %arg5[%dma_start3A_7] : memref<1728xi32, #tpu.memory_space<vmem>> -> memref<64xi32, #tpu.memory_space<vmem>>
    %dma_start3A_9 = arith.constant 0 : i32
    %dma_start3A_10 = arith.constant 0 : i32
    %dma_start3A_11 = tpu.memref_slice %arg2[%dma_start3A_9, %dma_start3A_10] : memref<50000x128xf32, #tpu.memory_space<hbm>> -> memref<50000x128xf32, #tpu.memory_space<hbm>>
    tpu.enqueue_indirect_dma source(%dma_start3A_11 : memref<50000x128xf32, #tpu.memory_space<hbm>>) target(%arg7 : memref<64x128xf32, #tpu.memory_space<vmem>>) offsets(%dma_start3A_8 : memref<64xi32, #tpu.memory_space<vmem>>) semaphore(%arg9 : memref<!tpu.dma_semaphore, #tpu.memory_space<semaphore_mem>>)
    %scan3A = arith.constant 0 : i32
    %scan3A_12 = arith.constant 0 : i32
    %scan3A_13 = arith.constant 13 : i32
    %scan3A_14 = arith.addi %scan3A_12, %scan3A_13 : i32
    %scan3A_15 = arith.constant 1 : i32
    scf.for %scan3A_50 = %scan3A_12 to %scan3A_14 step %scan3A_15  : i32 {
      %mul3A_51 = arith.constant 2 : i32
      %mul3A_52 = arith.muli %mul3A_51, %scan3A_50 : i32
      %add3A_53 = arith.constant 1 : i32
      %add3A_54 = arith.addi %mul3A_52, %add3A_53 : i32
      %mul3A_55 = arith.constant 64 : i32
      %mul3A_56 = arith.muli %mul3A_52, %mul3A_55 : i32
      %dma_wait3A_57 = tpu.memref_slice %arg5[%mul3A_56] : memref<1728xi32, #tpu.memory_space<vmem>> -> memref<64xi32, #tpu.memory_space<vmem>>
      %dma_wait3A_58 = arith.constant 0 : i32
      %dma_wait3A_59 = arith.constant 0 : i32
      %dma_wait3A_60 = tpu.memref_slice %arg2[%dma_wait3A_58, %dma_wait3A_59] : memref<50000x128xf32, #tpu.memory_space<hbm>> -> memref<50000x128xf32, #tpu.memory_space<hbm>>
      tpu.wait_indirect_dma semaphore(%arg8 : memref<!tpu.dma_semaphore, #tpu.memory_space<semaphore_mem>>) src(%dma_wait3A_60 : memref<50000x128xf32, #tpu.memory_space<hbm>>) dst(%arg6 : memref<64x128xf32, #tpu.memory_space<vmem>>)
      %mul3A_61 = arith.constant 64 : i32
      %mul3A_62 = arith.muli %mul3A_52, %mul3A_61 : i32
      %add3A_63 = arith.addi %mul3A_2, %mul3A_62 : i32
      %dma_start3A_64 = arith.constant 0 : i32
      %dma_start3A_65 = tpu.memref_slice %arg4[%add3A_63, %dma_start3A_64] : memref<55296x128xf32, #tpu.memory_space<hbm>> -> memref<64x128xf32, #tpu.memory_space<hbm>>
      %dma_start3A_66 = arith.constant 0 : i32
      %dma_start3A_67 = tpu.memref_slice %arg4[%add3A_63, %dma_start3A_66] : memref<55296x128xf32, #tpu.memory_space<hbm>> -> memref<64x128xf32, #tpu.memory_space<hbm>>
      tpu.enqueue_dma source(%arg6 : memref<64x128xf32, #tpu.memory_space<vmem>>) target(%dma_start3A_67 : memref<64x128xf32, #tpu.memory_space<hbm>>) target_semaphore(%arg10 : memref<!tpu.dma_semaphore, #tpu.memory_space<semaphore_mem>>)
      %mul3A_68 = arith.constant 64 : i32
      %mul3A_69 = arith.muli %add3A_54, %mul3A_68 : i32
      %dma_wait3A_70 = tpu.memref_slice %arg5[%mul3A_69] : memref<1728xi32, #tpu.memory_space<vmem>> -> memref<64xi32, #tpu.memory_space<vmem>>
      %dma_wait3A_71 = arith.constant 0 : i32
      %dma_wait3A_72 = arith.constant 0 : i32
      %dma_wait3A_73 = tpu.memref_slice %arg2[%dma_wait3A_71, %dma_wait3A_72] : memref<50000x128xf32, #tpu.memory_space<hbm>> -> memref<50000x128xf32, #tpu.memory_space<hbm>>
      tpu.wait_indirect_dma semaphore(%arg9 : memref<!tpu.dma_semaphore, #tpu.memory_space<semaphore_mem>>) src(%dma_wait3A_73 : memref<50000x128xf32, #tpu.memory_space<hbm>>) dst(%arg7 : memref<64x128xf32, #tpu.memory_space<vmem>>)
      %mul3A_74 = arith.constant 64 : i32
      %mul3A_75 = arith.muli %add3A_54, %mul3A_74 : i32
      %add3A_76 = arith.addi %mul3A_2, %mul3A_75 : i32
      %dma_start3A_77 = arith.constant 0 : i32
      %dma_start3A_78 = tpu.memref_slice %arg4[%add3A_76, %dma_start3A_77] : memref<55296x128xf32, #tpu.memory_space<hbm>> -> memref<64x128xf32, #tpu.memory_space<hbm>>
      %dma_start3A_79 = arith.constant 0 : i32
      %dma_start3A_80 = tpu.memref_slice %arg4[%add3A_76, %dma_start3A_79] : memref<55296x128xf32, #tpu.memory_space<hbm>> -> memref<64x128xf32, #tpu.memory_space<hbm>>
      tpu.enqueue_dma source(%arg7 : memref<64x128xf32, #tpu.memory_space<vmem>>) target(%dma_start3A_80 : memref<64x128xf32, #tpu.memory_space<hbm>>) target_semaphore(%arg11 : memref<!tpu.dma_semaphore, #tpu.memory_space<semaphore_mem>>)
      %add3A_81 = arith.constant 1 : i32
      %add3A_82 = arith.addi %scan3A_50, %add3A_81 : i32
      %lt3A = arith.constant 13 : i32
      %lt3A_83 = arith.cmpi slt, %add3A_82, %lt3A : i32
      %convert_element_type3A = arith.extui %lt3A_83 : i1 to i32
      %cond3A = arith.constant 0 : i32
      %cond3A_84 = arith.cmpi ne, %convert_element_type3A, %cond3A : i32
      scf.if %cond3A_84 {
        %mul3A_85 = arith.constant 64 : i32
        %mul3A_86 = arith.muli %mul3A_52, %mul3A_85 : i32
        %add3A_87 = arith.addi %mul3A_2, %mul3A_86 : i32
        %dma_wait3A_88 = arith.constant 0 : i32
        %dma_wait3A_89 = tpu.memref_slice %arg4[%add3A_87, %dma_wait3A_88] : memref<55296x128xf32, #tpu.memory_space<hbm>> -> memref<64x128xf32, #tpu.memory_space<hbm>>
        %dma_wait3A_90 = arith.constant 0 : i32
        %dma_wait3A_91 = tpu.memref_slice %arg4[%add3A_87, %dma_wait3A_90] : memref<55296x128xf32, #tpu.memory_space<hbm>> -> memref<64x128xf32, #tpu.memory_space<hbm>>
        tpu.wait_dma2 semaphore(%arg10 : memref<!tpu.dma_semaphore, #tpu.memory_space<semaphore_mem>>) src(%arg6 : memref<64x128xf32, #tpu.memory_space<vmem>>) dst(%dma_wait3A_91 : memref<64x128xf32, #tpu.memory_space<hbm>>)
        %add3A_92 = arith.constant 2 : i32
        %add3A_93 = arith.addi %mul3A_52, %add3A_92 : i32
        %mul3A_94 = arith.constant 64 : i32
        %mul3A_95 = arith.muli %add3A_93, %mul3A_94 : i32
        %dma_start3A_96 = tpu.memref_slice %arg5[%mul3A_95] : memref<1728xi32, #tpu.memory_space<vmem>> -> memref<64xi32, #tpu.memory_space<vmem>>
        %dma_start3A_97 = arith.constant 0 : i32
        %dma_start3A_98 = arith.constant 0 : i32
        %dma_start3A_99 = tpu.memref_slice %arg2[%dma_start3A_97, %dma_start3A_98] : memref<50000x128xf32, #tpu.memory_space<hbm>> -> memref<50000x128xf32, #tpu.memory_space<hbm>>
        tpu.enqueue_indirect_dma source(%dma_start3A_99 : memref<50000x128xf32, #tpu.memory_space<hbm>>) target(%arg6 : memref<64x128xf32, #tpu.memory_space<vmem>>) offsets(%dma_start3A_96 : memref<64xi32, #tpu.memory_space<vmem>>) semaphore(%arg8 : memref<!tpu.dma_semaphore, #tpu.memory_space<semaphore_mem>>)
        %mul3A_100 = arith.constant 64 : i32
        %mul3A_101 = arith.muli %add3A_54, %mul3A_100 : i32
        %add3A_102 = arith.addi %mul3A_2, %mul3A_101 : i32
        %dma_wait3A_103 = arith.constant 0 : i32
        %dma_wait3A_104 = tpu.memref_slice %arg4[%add3A_102, %dma_wait3A_103] : memref<55296x128xf32, #tpu.memory_space<hbm>> -> memref<64x128xf32, #tpu.memory_space<hbm>>
        %dma_wait3A_105 = arith.constant 0 : i32
        %dma_wait3A_106 = tpu.memref_slice %arg4[%add3A_102, %dma_wait3A_105] : memref<55296x128xf32, #tpu.memory_space<hbm>> -> memref<64x128xf32, #tpu.memory_space<hbm>>
        tpu.wait_dma2 semaphore(%arg11 : memref<!tpu.dma_semaphore, #tpu.memory_space<semaphore_mem>>) src(%arg7 : memref<64x128xf32, #tpu.memory_space<vmem>>) dst(%dma_wait3A_106 : memref<64x128xf32, #tpu.memory_space<hbm>>)
        %add3A_107 = arith.constant 2 : i32
        %add3A_108 = arith.addi %add3A_54, %add3A_107 : i32
        %mul3A_109 = arith.constant 64 : i32
        %mul3A_110 = arith.muli %add3A_108, %mul3A_109 : i32
        %dma_start3A_111 = tpu.memref_slice %arg5[%mul3A_110] : memref<1728xi32, #tpu.memory_space<vmem>> -> memref<64xi32, #tpu.memory_space<vmem>>
        %dma_start3A_112 = arith.constant 0 : i32
        %dma_start3A_113 = arith.constant 0 : i32
        %dma_start3A_114 = tpu.memref_slice %arg2[%dma_start3A_112, %dma_start3A_113] : memref<50000x128xf32, #tpu.memory_space<hbm>> -> memref<50000x128xf32, #tpu.memory_space<hbm>>
        tpu.enqueue_indirect_dma source(%dma_start3A_114 : memref<50000x128xf32, #tpu.memory_space<hbm>>) target(%arg7 : memref<64x128xf32, #tpu.memory_space<vmem>>) offsets(%dma_start3A_111 : memref<64xi32, #tpu.memory_space<vmem>>) semaphore(%arg9 : memref<!tpu.dma_semaphore, #tpu.memory_space<semaphore_mem>>)
      } else {
      }
    }
    %scan3A_16 = arith.constant 13 : i32
    %add3A_17 = arith.constant 1536 : i32
    %add3A_18 = arith.addi %mul3A_2, %add3A_17 : i32
    %dma_wait3A = arith.constant 0 : i32
    %dma_wait3A_19 = tpu.memref_slice %arg4[%add3A_18, %dma_wait3A] : memref<55296x128xf32, #tpu.memory_space<hbm>> -> memref<64x128xf32, #tpu.memory_space<hbm>>
    %dma_wait3A_20 = arith.constant 0 : i32
    %dma_wait3A_21 = tpu.memref_slice %arg4[%add3A_18, %dma_wait3A_20] : memref<55296x128xf32, #tpu.memory_space<hbm>> -> memref<64x128xf32, #tpu.memory_space<hbm>>
    tpu.wait_dma2 semaphore(%arg10 : memref<!tpu.dma_semaphore, #tpu.memory_space<semaphore_mem>>) src(%arg6 : memref<64x128xf32, #tpu.memory_space<vmem>>) dst(%dma_wait3A_21 : memref<64x128xf32, #tpu.memory_space<hbm>>)
    %add3A_22 = arith.constant 1600 : i32
    %add3A_23 = arith.addi %mul3A_2, %add3A_22 : i32
    %dma_wait3A_24 = arith.constant 0 : i32
    %dma_wait3A_25 = tpu.memref_slice %arg4[%add3A_23, %dma_wait3A_24] : memref<55296x128xf32, #tpu.memory_space<hbm>> -> memref<64x128xf32, #tpu.memory_space<hbm>>
    %dma_wait3A_26 = arith.constant 0 : i32
    %dma_wait3A_27 = tpu.memref_slice %arg4[%add3A_23, %dma_wait3A_26] : memref<55296x128xf32, #tpu.memory_space<hbm>> -> memref<64x128xf32, #tpu.memory_space<hbm>>
    tpu.wait_dma2 semaphore(%arg11 : memref<!tpu.dma_semaphore, #tpu.memory_space<semaphore_mem>>) src(%arg7 : memref<64x128xf32, #tpu.memory_space<vmem>>) dst(%dma_wait3A_27 : memref<64x128xf32, #tpu.memory_space<hbm>>)
    %dma_start3A_28 = arith.constant 1664 : i32
    %dma_start3A_29 = tpu.memref_slice %arg5[%dma_start3A_28] : memref<1728xi32, #tpu.memory_space<vmem>> -> memref<64xi32, #tpu.memory_space<vmem>>
    %dma_start3A_30 = arith.constant 0 : i32
    %dma_start3A_31 = arith.constant 0 : i32
    %dma_start3A_32 = tpu.memref_slice %arg2[%dma_start3A_30, %dma_start3A_31] : memref<50000x128xf32, #tpu.memory_space<hbm>> -> memref<50000x128xf32, #tpu.memory_space<hbm>>
    tpu.enqueue_indirect_dma source(%dma_start3A_32 : memref<50000x128xf32, #tpu.memory_space<hbm>>) target(%arg6 : memref<64x128xf32, #tpu.memory_space<vmem>>) offsets(%dma_start3A_29 : memref<64xi32, #tpu.memory_space<vmem>>) semaphore(%arg8 : memref<!tpu.dma_semaphore, #tpu.memory_space<semaphore_mem>>)
    %dma_wait3A_33 = arith.constant 1664 : i32
    %dma_wait3A_34 = tpu.memref_slice %arg5[%dma_wait3A_33] : memref<1728xi32, #tpu.memory_space<vmem>> -> memref<64xi32, #tpu.memory_space<vmem>>
    %dma_wait3A_35 = arith.constant 0 : i32
    %dma_wait3A_36 = arith.constant 0 : i32
    %dma_wait3A_37 = tpu.memref_slice %arg2[%dma_wait3A_35, %dma_wait3A_36] : memref<50000x128xf32, #tpu.memory_space<hbm>> -> memref<50000x128xf32, #tpu.memory_space<hbm>>
    tpu.wait_indirect_dma semaphore(%arg8 : memref<!tpu.dma_semaphore, #tpu.memory_space<semaphore_mem>>) src(%dma_wait3A_37 : memref<50000x128xf32, #tpu.memory_space<hbm>>) dst(%arg6 : memref<64x128xf32, #tpu.memory_space<vmem>>)
    %add3A_38 = arith.constant 1664 : i32
    %add3A_39 = arith.addi %mul3A_2, %add3A_38 : i32
    %dma_start3A_40 = arith.constant 0 : i32
    %dma_start3A_41 = tpu.memref_slice %arg4[%add3A_39, %dma_start3A_40] : memref<55296x128xf32, #tpu.memory_space<hbm>> -> memref<64x128xf32, #tpu.memory_space<hbm>>
    %dma_start3A_42 = arith.constant 0 : i32
    %dma_start3A_43 = tpu.memref_slice %arg4[%add3A_39, %dma_start3A_42] : memref<55296x128xf32, #tpu.memory_space<hbm>> -> memref<64x128xf32, #tpu.memory_space<hbm>>
    tpu.enqueue_dma source(%arg6 : memref<64x128xf32, #tpu.memory_space<vmem>>) target(%dma_start3A_43 : memref<64x128xf32, #tpu.memory_space<hbm>>) target_semaphore(%arg10 : memref<!tpu.dma_semaphore, #tpu.memory_space<semaphore_mem>>)
    %add3A_44 = arith.constant 1664 : i32
    %add3A_45 = arith.addi %mul3A_2, %add3A_44 : i32
    %dma_wait3A_46 = arith.constant 0 : i32
    %dma_wait3A_47 = tpu.memref_slice %arg4[%add3A_45, %dma_wait3A_46] : memref<55296x128xf32, #tpu.memory_space<hbm>> -> memref<64x128xf32, #tpu.memory_space<hbm>>
    %dma_wait3A_48 = arith.constant 0 : i32
    %dma_wait3A_49 = tpu.memref_slice %arg4[%add3A_45, %dma_wait3A_48] : memref<55296x128xf32, #tpu.memory_space<hbm>> -> memref<64x128xf32, #tpu.memory_space<hbm>>
    tpu.wait_dma2 semaphore(%arg10 : memref<!tpu.dma_semaphore, #tpu.memory_space<semaphore_mem>>) src(%arg6 : memref<64x128xf32, #tpu.memory_space<vmem>>) dst(%dma_wait3A_49 : memref<64x128xf32, #tpu.memory_space<hbm>>)
    return
  }
}

#map = affine_map<(d0, d1) -> (0, 0)>
#map1 = affine_map<(d0, d1) -> (0)>
module attributes {stable_mosaic.version = 14 : i64} {
  func.func @k(%arg0: i32, %arg1: i32, %arg2: memref<50000x128xf32, #tpu.memory_space<hbm>>, %arg3: memref<55296xi32, #tpu.memory_space<hbm>>, %arg4: memref<55296x128xf32, #tpu.memory_space<hbm>>, %arg5: memref<1728xi32, #tpu.memory_space<vmem>>, %arg6: memref<64x128xf32, #tpu.memory_space<vmem>>, %arg7: memref<64x128xf32, #tpu.memory_space<vmem>>, %arg8: memref<!tpu.dma_semaphore, #tpu.memory_space<semaphore_mem>>, %arg9: memref<!tpu.dma_semaphore, #tpu.memory_space<semaphore_mem>>, %arg10: memref<!tpu.dma_semaphore, #tpu.memory_space<semaphore_mem>>, %arg11: memref<!tpu.dma_semaphore, #tpu.memory_space<semaphore_mem>>) attributes {dimension_semantics = [#tpu.dimension_semantics<core_parallel>, #tpu.dimension_semantics<subcore_parallel>], iteration_bounds = array<i64: 2, 16>, scalar_prefetch = 0 : i64, scratch_operands = 7 : i64, tpu.core_type = #tpu.core_type<sc_vector_subcore>, window_params = [{transform_indices = #map}, {transform_indices = #map1}, {transform_indices = #map}]} {
    %mul3A = arith.constant 2 : i32
    %mul3A_0 = arith.muli %arg1, %mul3A : i32
    %add3A = arith.addi %mul3A_0, %arg0 : i32
    %mul3A_1 = arith.constant 1728 : i32
    %mul3A_2 = arith.muli %add3A, %mul3A_1 : i32
    "tpu.region"() ({
      %run_scoped3A = tpu.sem_alloc : memref<!tpu.dma_semaphore, #tpu.memory_space<semaphore_mem>>
      %dma_start3A_50 = tpu.memref_slice %arg3[%mul3A_2] : memref<55296xi32, #tpu.memory_space<hbm>> -> memref<1728xi32, #tpu.memory_space<hbm>>
      %dma_start3A_51 = tpu.memref_slice %arg3[%mul3A_2] : memref<55296xi32, #tpu.memory_space<hbm>> -> memref<1728xi32, #tpu.memory_space<hbm>>
      tpu.enqueue_dma source(%dma_start3A_51 : memref<1728xi32, #tpu.memory_space<hbm>>) target(%arg5 : memref<1728xi32, #tpu.memory_space<vmem>>) target_semaphore(%run_scoped3A : memref<!tpu.dma_semaphore, #tpu.memory_space<semaphore_mem>>)
      %dma_wait3A_52 = tpu.memref_slice %arg3[%mul3A_2] : memref<55296xi32, #tpu.memory_space<hbm>> -> memref<1728xi32, #tpu.memory_space<hbm>>
      %dma_wait3A_53 = tpu.memref_slice %arg3[%mul3A_2] : memref<55296xi32, #tpu.memory_space<hbm>> -> memref<1728xi32, #tpu.memory_space<hbm>>
      tpu.wait_dma2 semaphore(%run_scoped3A : memref<!tpu.dma_semaphore, #tpu.memory_space<semaphore_mem>>) src(%dma_wait3A_53 : memref<1728xi32, #tpu.memory_space<hbm>>) dst(%arg5 : memref<1728xi32, #tpu.memory_space<vmem>>)
      tpu.yield
    }) : () -> ()
    %dma_start3A = arith.constant 0 : i32
    %dma_start3A_3 = tpu.memref_slice %arg5[%dma_start3A] : memref<1728xi32, #tpu.memory_space<vmem>> -> memref<64xi32, #tpu.memory_space<vmem>>
    %dma_start3A_4 = arith.constant 0 : i32
    %dma_start3A_5 = arith.constant 0 : i32
    %dma_start3A_6 = tpu.memref_slice %arg2[%dma_start3A_4, %dma_start3A_5] : memref<50000x128xf32, #tpu.memory_space<hbm>> -> memref<50000x128xf32, #tpu.memory_space<hbm>>
    tpu.enqueue_indirect_dma source(%dma_start3A_6 : memref<50000x128xf32, #tpu.memory_space<hbm>>) target(%arg6 : memref<64x128xf32, #tpu.memory_space<vmem>>) offsets(%dma_start3A_3 : memref<64xi32, #tpu.memory_space<vmem>>) semaphore(%arg8 : memref<!tpu.dma_semaphore, #tpu.memory_space<semaphore_mem>>)
    %dma_start3A_7 = arith.constant 64 : i32
    %dma_start3A_8 = tpu.memref_slice %arg5[%dma_start3A_7] : memref<1728xi32, #tpu.memory_space<vmem>> -> memref<64xi32, #tpu.memory_space<vmem>>
    %dma_start3A_9 = arith.constant 0 : i32
    %dma_start3A_10 = arith.constant 0 : i32
    %dma_start3A_11 = tpu.memref_slice %arg2[%dma_start3A_9, %dma_start3A_10] : memref<50000x128xf32, #tpu.memory_space<hbm>> -> memref<50000x128xf32, #tpu.memory_space<hbm>>
    tpu.enqueue_indirect_dma source(%dma_start3A_11 : memref<50000x128xf32, #tpu.memory_space<hbm>>) target(%arg7 : memref<64x128xf32, #tpu.memory_space<vmem>>) offsets(%dma_start3A_8 : memref<64xi32, #tpu.memory_space<vmem>>) semaphore(%arg9 : memref<!tpu.dma_semaphore, #tpu.memory_space<semaphore_mem>>)
    %scan3A = arith.constant 0 : i32
    %scan3A_12 = arith.constant 0 : i32
    %scan3A_13 = arith.constant 13 : i32
    %scan3A_14 = arith.addi %scan3A_12, %scan3A_13 : i32
    %scan3A_15 = arith.constant 1 : i32
    scf.for %scan3A_50 = %scan3A_12 to %scan3A_14 step %scan3A_15  : i32 {
      %mul3A_51 = arith.constant 2 : i32
      %mul3A_52 = arith.muli %mul3A_51, %scan3A_50 : i32
      %add3A_53 = arith.constant 1 : i32
      %add3A_54 = arith.addi %mul3A_52, %add3A_53 : i32
      %mul3A_55 = arith.constant 64 : i32
      %mul3A_56 = arith.muli %mul3A_52, %mul3A_55 : i32
      %dma_wait3A_57 = tpu.memref_slice %arg5[%mul3A_56] : memref<1728xi32, #tpu.memory_space<vmem>> -> memref<64xi32, #tpu.memory_space<vmem>>
      %dma_wait3A_58 = arith.constant 0 : i32
      %dma_wait3A_59 = arith.constant 0 : i32
      %dma_wait3A_60 = tpu.memref_slice %arg2[%dma_wait3A_58, %dma_wait3A_59] : memref<50000x128xf32, #tpu.memory_space<hbm>> -> memref<50000x128xf32, #tpu.memory_space<hbm>>
      tpu.wait_indirect_dma semaphore(%arg8 : memref<!tpu.dma_semaphore, #tpu.memory_space<semaphore_mem>>) src(%dma_wait3A_60 : memref<50000x128xf32, #tpu.memory_space<hbm>>) dst(%arg6 : memref<64x128xf32, #tpu.memory_space<vmem>>)
      %mul3A_61 = arith.constant 64 : i32
      %mul3A_62 = arith.muli %mul3A_52, %mul3A_61 : i32
      %add3A_63 = arith.addi %mul3A_2, %mul3A_62 : i32
      %dma_start3A_64 = arith.constant 0 : i32
      %dma_start3A_65 = tpu.memref_slice %arg4[%add3A_63, %dma_start3A_64] : memref<55296x128xf32, #tpu.memory_space<hbm>> -> memref<64x128xf32, #tpu.memory_space<hbm>>
      %dma_start3A_66 = arith.constant 0 : i32
      %dma_start3A_67 = tpu.memref_slice %arg4[%add3A_63, %dma_start3A_66] : memref<55296x128xf32, #tpu.memory_space<hbm>> -> memref<64x128xf32, #tpu.memory_space<hbm>>
      tpu.enqueue_dma source(%arg6 : memref<64x128xf32, #tpu.memory_space<vmem>>) target(%dma_start3A_67 : memref<64x128xf32, #tpu.memory_space<hbm>>) target_semaphore(%arg10 : memref<!tpu.dma_semaphore, #tpu.memory_space<semaphore_mem>>)
      %mul3A_68 = arith.constant 64 : i32
      %mul3A_69 = arith.muli %add3A_54, %mul3A_68 : i32
      %dma_wait3A_70 = tpu.memref_slice %arg5[%mul3A_69] : memref<1728xi32, #tpu.memory_space<vmem>> -> memref<64xi32, #tpu.memory_space<vmem>>
      %dma_wait3A_71 = arith.constant 0 : i32
      %dma_wait3A_72 = arith.constant 0 : i32
      %dma_wait3A_73 = tpu.memref_slice %arg2[%dma_wait3A_71, %dma_wait3A_72] : memref<50000x128xf32, #tpu.memory_space<hbm>> -> memref<50000x128xf32, #tpu.memory_space<hbm>>
      tpu.wait_indirect_dma semaphore(%arg9 : memref<!tpu.dma_semaphore, #tpu.memory_space<semaphore_mem>>) src(%dma_wait3A_73 : memref<50000x128xf32, #tpu.memory_space<hbm>>) dst(%arg7 : memref<64x128xf32, #tpu.memory_space<vmem>>)
      %mul3A_74 = arith.constant 64 : i32
      %mul3A_75 = arith.muli %add3A_54, %mul3A_74 : i32
      %add3A_76 = arith.addi %mul3A_2, %mul3A_75 : i32
      %dma_start3A_77 = arith.constant 0 : i32
      %dma_start3A_78 = tpu.memref_slice %arg4[%add3A_76, %dma_start3A_77] : memref<55296x128xf32, #tpu.memory_space<hbm>> -> memref<64x128xf32, #tpu.memory_space<hbm>>
      %dma_start3A_79 = arith.constant 0 : i32
      %dma_start3A_80 = tpu.memref_slice %arg4[%add3A_76, %dma_start3A_79] : memref<55296x128xf32, #tpu.memory_space<hbm>> -> memref<64x128xf32, #tpu.memory_space<hbm>>
      tpu.enqueue_dma source(%arg7 : memref<64x128xf32, #tpu.memory_space<vmem>>) target(%dma_start3A_80 : memref<64x128xf32, #tpu.memory_space<hbm>>) target_semaphore(%arg11 : memref<!tpu.dma_semaphore, #tpu.memory_space<semaphore_mem>>)
      %add3A_81 = arith.constant 1 : i32
      %add3A_82 = arith.addi %scan3A_50, %add3A_81 : i32
      %lt3A = arith.constant 13 : i32
      %lt3A_83 = arith.cmpi slt, %add3A_82, %lt3A : i32
      %convert_element_type3A = arith.extui %lt3A_83 : i1 to i32
      %cond3A = arith.constant 0 : i32
      %cond3A_84 = arith.cmpi ne, %convert_element_type3A, %cond3A : i32
      scf.if %cond3A_84 {
        %mul3A_85 = arith.constant 64 : i32
        %mul3A_86 = arith.muli %mul3A_52, %mul3A_85 : i32
        %add3A_87 = arith.addi %mul3A_2, %mul3A_86 : i32
        %dma_wait3A_88 = arith.constant 0 : i32
        %dma_wait3A_89 = tpu.memref_slice %arg4[%add3A_87, %dma_wait3A_88] : memref<55296x128xf32, #tpu.memory_space<hbm>> -> memref<64x128xf32, #tpu.memory_space<hbm>>
        %dma_wait3A_90 = arith.constant 0 : i32
        %dma_wait3A_91 = tpu.memref_slice %arg4[%add3A_87, %dma_wait3A_90] : memref<55296x128xf32, #tpu.memory_space<hbm>> -> memref<64x128xf32, #tpu.memory_space<hbm>>
        tpu.wait_dma2 semaphore(%arg10 : memref<!tpu.dma_semaphore, #tpu.memory_space<semaphore_mem>>) src(%arg6 : memref<64x128xf32, #tpu.memory_space<vmem>>) dst(%dma_wait3A_91 : memref<64x128xf32, #tpu.memory_space<hbm>>)
        %add3A_92 = arith.constant 2 : i32
        %add3A_93 = arith.addi %mul3A_52, %add3A_92 : i32
        %mul3A_94 = arith.constant 64 : i32
        %mul3A_95 = arith.muli %add3A_93, %mul3A_94 : i32
        %dma_start3A_96 = tpu.memref_slice %arg5[%mul3A_95] : memref<1728xi32, #tpu.memory_space<vmem>> -> memref<64xi32, #tpu.memory_space<vmem>>
        %dma_start3A_97 = arith.constant 0 : i32
        %dma_start3A_98 = arith.constant 0 : i32
        %dma_start3A_99 = tpu.memref_slice %arg2[%dma_start3A_97, %dma_start3A_98] : memref<50000x128xf32, #tpu.memory_space<hbm>> -> memref<50000x128xf32, #tpu.memory_space<hbm>>
        tpu.enqueue_indirect_dma source(%dma_start3A_99 : memref<50000x128xf32, #tpu.memory_space<hbm>>) target(%arg6 : memref<64x128xf32, #tpu.memory_space<vmem>>) offsets(%dma_start3A_96 : memref<64xi32, #tpu.memory_space<vmem>>) semaphore(%arg8 : memref<!tpu.dma_semaphore, #tpu.memory_space<semaphore_mem>>)
        %mul3A_100 = arith.constant 64 : i32
        %mul3A_101 = arith.muli %add3A_54, %mul3A_100 : i32
        %add3A_102 = arith.addi %mul3A_2, %mul3A_101 : i32
        %dma_wait3A_103 = arith.constant 0 : i32
        %dma_wait3A_104 = tpu.memref_slice %arg4[%add3A_102, %dma_wait3A_103] : memref<55296x128xf32, #tpu.memory_space<hbm>> -> memref<64x128xf32, #tpu.memory_space<hbm>>
        %dma_wait3A_105 = arith.constant 0 : i32
        %dma_wait3A_106 = tpu.memref_slice %arg4[%add3A_102, %dma_wait3A_105] : memref<55296x128xf32, #tpu.memory_space<hbm>> -> memref<64x128xf32, #tpu.memory_space<hbm>>
        tpu.wait_dma2 semaphore(%arg11 : memref<!tpu.dma_semaphore, #tpu.memory_space<semaphore_mem>>) src(%arg7 : memref<64x128xf32, #tpu.memory_space<vmem>>) dst(%dma_wait3A_106 : memref<64x128xf32, #tpu.memory_space<hbm>>)
        %add3A_107 = arith.constant 2 : i32
        %add3A_108 = arith.addi %add3A_54, %add3A_107 : i32
        %mul3A_109 = arith.constant 64 : i32
        %mul3A_110 = arith.muli %add3A_108, %mul3A_109 : i32
        %dma_start3A_111 = tpu.memref_slice %arg5[%mul3A_110] : memref<1728xi32, #tpu.memory_space<vmem>> -> memref<64xi32, #tpu.memory_space<vmem>>
        %dma_start3A_112 = arith.constant 0 : i32
        %dma_start3A_113 = arith.constant 0 : i32
        %dma_start3A_114 = tpu.memref_slice %arg2[%dma_start3A_112, %dma_start3A_113] : memref<50000x128xf32, #tpu.memory_space<hbm>> -> memref<50000x128xf32, #tpu.memory_space<hbm>>
        tpu.enqueue_indirect_dma source(%dma_start3A_114 : memref<50000x128xf32, #tpu.memory_space<hbm>>) target(%arg7 : memref<64x128xf32, #tpu.memory_space<vmem>>) offsets(%dma_start3A_111 : memref<64xi32, #tpu.memory_space<vmem>>) semaphore(%arg9 : memref<!tpu.dma_semaphore, #tpu.memory_space<semaphore_mem>>)
      } else {
      }
    }
    %scan3A_16 = arith.constant 13 : i32
    %add3A_17 = arith.constant 1536 : i32
    %add3A_18 = arith.addi %mul3A_2, %add3A_17 : i32
    %dma_wait3A = arith.constant 0 : i32
    %dma_wait3A_19 = tpu.memref_slice %arg4[%add3A_18, %dma_wait3A] : memref<55296x128xf32, #tpu.memory_space<hbm>> -> memref<64x128xf32, #tpu.memory_space<hbm>>
    %dma_wait3A_20 = arith.constant 0 : i32
    %dma_wait3A_21 = tpu.memref_slice %arg4[%add3A_18, %dma_wait3A_20] : memref<55296x128xf32, #tpu.memory_space<hbm>> -> memref<64x128xf32, #tpu.memory_space<hbm>>
    tpu.wait_dma2 semaphore(%arg10 : memref<!tpu.dma_semaphore, #tpu.memory_space<semaphore_mem>>) src(%arg6 : memref<64x128xf32, #tpu.memory_space<vmem>>) dst(%dma_wait3A_21 : memref<64x128xf32, #tpu.memory_space<hbm>>)
    %add3A_22 = arith.constant 1600 : i32
    %add3A_23 = arith.addi %mul3A_2, %add3A_22 : i32
    %dma_wait3A_24 = arith.constant 0 : i32
    %dma_wait3A_25 = tpu.memref_slice %arg4[%add3A_23, %dma_wait3A_24] : memref<55296x128xf32, #tpu.memory_space<hbm>> -> memref<64x128xf32, #tpu.memory_space<hbm>>
    %dma_wait3A_26 = arith.constant 0 : i32
    %dma_wait3A_27 = tpu.memref_slice %arg4[%add3A_23, %dma_wait3A_26] : memref<55296x128xf32, #tpu.memory_space<hbm>> -> memref<64x128xf32, #tpu.memory_space<hbm>>
    tpu.wait_dma2 semaphore(%arg11 : memref<!tpu.dma_semaphore, #tpu.memory_space<semaphore_mem>>) src(%arg7 : memref<64x128xf32, #tpu.memory_space<vmem>>) dst(%dma_wait3A_27 : memref<64x128xf32, #tpu.memory_space<hbm>>)
    %dma_start3A_28 = arith.constant 1664 : i32
    %dma_start3A_29 = tpu.memref_slice %arg5[%dma_start3A_28] : memref<1728xi32, #tpu.memory_space<vmem>> -> memref<64xi32, #tpu.memory_space<vmem>>
    %dma_start3A_30 = arith.constant 0 : i32
    %dma_start3A_31 = arith.constant 0 : i32
    %dma_start3A_32 = tpu.memref_slice %arg2[%dma_start3A_30, %dma_start3A_31] : memref<50000x128xf32, #tpu.memory_space<hbm>> -> memref<50000x128xf32, #tpu.memory_space<hbm>>
    tpu.enqueue_indirect_dma source(%dma_start3A_32 : memref<50000x128xf32, #tpu.memory_space<hbm>>) target(%arg6 : memref<64x128xf32, #tpu.memory_space<vmem>>) offsets(%dma_start3A_29 : memref<64xi32, #tpu.memory_space<vmem>>) semaphore(%arg8 : memref<!tpu.dma_semaphore, #tpu.memory_space<semaphore_mem>>)
    %dma_wait3A_33 = arith.constant 1664 : i32
    %dma_wait3A_34 = tpu.memref_slice %arg5[%dma_wait3A_33] : memref<1728xi32, #tpu.memory_space<vmem>> -> memref<64xi32, #tpu.memory_space<vmem>>
    %dma_wait3A_35 = arith.constant 0 : i32
    %dma_wait3A_36 = arith.constant 0 : i32
    %dma_wait3A_37 = tpu.memref_slice %arg2[%dma_wait3A_35, %dma_wait3A_36] : memref<50000x128xf32, #tpu.memory_space<hbm>> -> memref<50000x128xf32, #tpu.memory_space<hbm>>
    tpu.wait_indirect_dma semaphore(%arg8 : memref<!tpu.dma_semaphore, #tpu.memory_space<semaphore_mem>>) src(%dma_wait3A_37 : memref<50000x128xf32, #tpu.memory_space<hbm>>) dst(%arg6 : memref<64x128xf32, #tpu.memory_space<vmem>>)
    %add3A_38 = arith.constant 1664 : i32
    %add3A_39 = arith.addi %mul3A_2, %add3A_38 : i32
    %dma_start3A_40 = arith.constant 0 : i32
    %dma_start3A_41 = tpu.memref_slice %arg4[%add3A_39, %dma_start3A_40] : memref<55296x128xf32, #tpu.memory_space<hbm>> -> memref<64x128xf32, #tpu.memory_space<hbm>>
    %dma_start3A_42 = arith.constant 0 : i32
    %dma_start3A_43 = tpu.memref_slice %arg4[%add3A_39, %dma_start3A_42] : memref<55296x128xf32, #tpu.memory_space<hbm>> -> memref<64x128xf32, #tpu.memory_space<hbm>>
    tpu.enqueue_dma source(%arg6 : memref<64x128xf32, #tpu.memory_space<vmem>>) target(%dma_start3A_43 : memref<64x128xf32, #tpu.memory_space<hbm>>) target_semaphore(%arg10 : memref<!tpu.dma_semaphore, #tpu.memory_space<semaphore_mem>>)
    %add3A_44 = arith.constant 1664 : i32
    %add3A_45 = arith.addi %mul3A_2, %add3A_44 : i32
    %dma_wait3A_46 = arith.constant 0 : i32
    %dma_wait3A_47 = tpu.memref_slice %arg4[%add3A_45, %dma_wait3A_46] : memref<55296x128xf32, #tpu.memory_space<hbm>> -> memref<64x128xf32, #tpu.memory_space<hbm>>
    %dma_wait3A_48 = arith.constant 0 : i32
    %dma_wait3A_49 = tpu.memref_slice %arg4[%add3A_45, %dma_wait3A_48] : memref<55296x128xf32, #tpu.memory_space<hbm>> -> memref<64x128xf32, #tpu.memory_space<hbm>>
    tpu.wait_dma2 semaphore(%arg10 : memref<!tpu.dma_semaphore, #tpu.memory_space<semaphore_mem>>) src(%arg6 : memref<64x128xf32, #tpu.memory_space<vmem>>) dst(%dma_wait3A_49 : memref<64x128xf32, #tpu.memory_space<hbm>>)
    return
  }
}

#map = affine_map<(d0, d1) -> (0, 0)>
#map1 = affine_map<(d0, d1) -> (0)>
module attributes {stable_mosaic.version = 14 : i64} {
  func.func @k(%arg0: i32, %arg1: i32, %arg2: memref<50000x128xf32, #tpu.memory_space<hbm>>, %arg3: memref<55296xi32, #tpu.memory_space<hbm>>, %arg4: memref<55296x128xf32, #tpu.memory_space<hbm>>, %arg5: memref<1728xi32, #tpu.memory_space<vmem>>, %arg6: memref<64x128xf32, #tpu.memory_space<vmem>>, %arg7: memref<64x128xf32, #tpu.memory_space<vmem>>, %arg8: memref<!tpu.dma_semaphore, #tpu.memory_space<semaphore_mem>>, %arg9: memref<!tpu.dma_semaphore, #tpu.memory_space<semaphore_mem>>, %arg10: memref<!tpu.dma_semaphore, #tpu.memory_space<semaphore_mem>>, %arg11: memref<!tpu.dma_semaphore, #tpu.memory_space<semaphore_mem>>) attributes {dimension_semantics = [#tpu.dimension_semantics<core_parallel>, #tpu.dimension_semantics<subcore_parallel>], iteration_bounds = array<i64: 2, 16>, scalar_prefetch = 0 : i64, scratch_operands = 7 : i64, tpu.core_type = #tpu.core_type<sc_vector_subcore>, window_params = [{transform_indices = #map}, {transform_indices = #map1}, {transform_indices = #map}]} {
    %mul3A = arith.constant 2 : i32
    %mul3A_0 = arith.muli %arg1, %mul3A : i32
    %add3A = arith.addi %mul3A_0, %arg0 : i32
    %mul3A_1 = arith.constant 1728 : i32
    %mul3A_2 = arith.muli %add3A, %mul3A_1 : i32
    "tpu.region"() ({
      %run_scoped3A = tpu.sem_alloc : memref<!tpu.dma_semaphore, #tpu.memory_space<semaphore_mem>>
      %dma_start3A_50 = tpu.memref_slice %arg3[%mul3A_2] : memref<55296xi32, #tpu.memory_space<hbm>> -> memref<1728xi32, #tpu.memory_space<hbm>>
      %dma_start3A_51 = tpu.memref_slice %arg3[%mul3A_2] : memref<55296xi32, #tpu.memory_space<hbm>> -> memref<1728xi32, #tpu.memory_space<hbm>>
      tpu.enqueue_dma source(%dma_start3A_51 : memref<1728xi32, #tpu.memory_space<hbm>>) target(%arg5 : memref<1728xi32, #tpu.memory_space<vmem>>) target_semaphore(%run_scoped3A : memref<!tpu.dma_semaphore, #tpu.memory_space<semaphore_mem>>)
      %dma_wait3A_52 = tpu.memref_slice %arg3[%mul3A_2] : memref<55296xi32, #tpu.memory_space<hbm>> -> memref<1728xi32, #tpu.memory_space<hbm>>
      %dma_wait3A_53 = tpu.memref_slice %arg3[%mul3A_2] : memref<55296xi32, #tpu.memory_space<hbm>> -> memref<1728xi32, #tpu.memory_space<hbm>>
      tpu.wait_dma2 semaphore(%run_scoped3A : memref<!tpu.dma_semaphore, #tpu.memory_space<semaphore_mem>>) src(%dma_wait3A_53 : memref<1728xi32, #tpu.memory_space<hbm>>) dst(%arg5 : memref<1728xi32, #tpu.memory_space<vmem>>)
      tpu.yield
    }) : () -> ()
    %dma_start3A = arith.constant 0 : i32
    %dma_start3A_3 = tpu.memref_slice %arg5[%dma_start3A] : memref<1728xi32, #tpu.memory_space<vmem>> -> memref<64xi32, #tpu.memory_space<vmem>>
    %dma_start3A_4 = arith.constant 0 : i32
    %dma_start3A_5 = arith.constant 0 : i32
    %dma_start3A_6 = tpu.memref_slice %arg2[%dma_start3A_4, %dma_start3A_5] : memref<50000x128xf32, #tpu.memory_space<hbm>> -> memref<50000x128xf32, #tpu.memory_space<hbm>>
    tpu.enqueue_indirect_dma source(%dma_start3A_6 : memref<50000x128xf32, #tpu.memory_space<hbm>>) target(%arg6 : memref<64x128xf32, #tpu.memory_space<vmem>>) offsets(%dma_start3A_3 : memref<64xi32, #tpu.memory_space<vmem>>) semaphore(%arg8 : memref<!tpu.dma_semaphore, #tpu.memory_space<semaphore_mem>>)
    %dma_start3A_7 = arith.constant 64 : i32
    %dma_start3A_8 = tpu.memref_slice %arg5[%dma_start3A_7] : memref<1728xi32, #tpu.memory_space<vmem>> -> memref<64xi32, #tpu.memory_space<vmem>>
    %dma_start3A_9 = arith.constant 0 : i32
    %dma_start3A_10 = arith.constant 0 : i32
    %dma_start3A_11 = tpu.memref_slice %arg2[%dma_start3A_9, %dma_start3A_10] : memref<50000x128xf32, #tpu.memory_space<hbm>> -> memref<50000x128xf32, #tpu.memory_space<hbm>>
    tpu.enqueue_indirect_dma source(%dma_start3A_11 : memref<50000x128xf32, #tpu.memory_space<hbm>>) target(%arg7 : memref<64x128xf32, #tpu.memory_space<vmem>>) offsets(%dma_start3A_8 : memref<64xi32, #tpu.memory_space<vmem>>) semaphore(%arg9 : memref<!tpu.dma_semaphore, #tpu.memory_space<semaphore_mem>>)
    %scan3A = arith.constant 0 : i32
    %scan3A_12 = arith.constant 0 : i32
    %scan3A_13 = arith.constant 13 : i32
    %scan3A_14 = arith.addi %scan3A_12, %scan3A_13 : i32
    %scan3A_15 = arith.constant 1 : i32
    scf.for %scan3A_50 = %scan3A_12 to %scan3A_14 step %scan3A_15  : i32 {
      %mul3A_51 = arith.constant 2 : i32
      %mul3A_52 = arith.muli %mul3A_51, %scan3A_50 : i32
      %add3A_53 = arith.constant 1 : i32
      %add3A_54 = arith.addi %mul3A_52, %add3A_53 : i32
      %mul3A_55 = arith.constant 64 : i32
      %mul3A_56 = arith.muli %mul3A_52, %mul3A_55 : i32
      %dma_wait3A_57 = tpu.memref_slice %arg5[%mul3A_56] : memref<1728xi32, #tpu.memory_space<vmem>> -> memref<64xi32, #tpu.memory_space<vmem>>
      %dma_wait3A_58 = arith.constant 0 : i32
      %dma_wait3A_59 = arith.constant 0 : i32
      %dma_wait3A_60 = tpu.memref_slice %arg2[%dma_wait3A_58, %dma_wait3A_59] : memref<50000x128xf32, #tpu.memory_space<hbm>> -> memref<50000x128xf32, #tpu.memory_space<hbm>>
      tpu.wait_indirect_dma semaphore(%arg8 : memref<!tpu.dma_semaphore, #tpu.memory_space<semaphore_mem>>) src(%dma_wait3A_60 : memref<50000x128xf32, #tpu.memory_space<hbm>>) dst(%arg6 : memref<64x128xf32, #tpu.memory_space<vmem>>)
      %mul3A_61 = arith.constant 64 : i32
      %mul3A_62 = arith.muli %mul3A_52, %mul3A_61 : i32
      %add3A_63 = arith.addi %mul3A_2, %mul3A_62 : i32
      %dma_start3A_64 = arith.constant 0 : i32
      %dma_start3A_65 = tpu.memref_slice %arg4[%add3A_63, %dma_start3A_64] : memref<55296x128xf32, #tpu.memory_space<hbm>> -> memref<64x128xf32, #tpu.memory_space<hbm>>
      %dma_start3A_66 = arith.constant 0 : i32
      %dma_start3A_67 = tpu.memref_slice %arg4[%add3A_63, %dma_start3A_66] : memref<55296x128xf32, #tpu.memory_space<hbm>> -> memref<64x128xf32, #tpu.memory_space<hbm>>
      tpu.enqueue_dma source(%arg6 : memref<64x128xf32, #tpu.memory_space<vmem>>) target(%dma_start3A_67 : memref<64x128xf32, #tpu.memory_space<hbm>>) target_semaphore(%arg10 : memref<!tpu.dma_semaphore, #tpu.memory_space<semaphore_mem>>)
      %mul3A_68 = arith.constant 64 : i32
      %mul3A_69 = arith.muli %add3A_54, %mul3A_68 : i32
      %dma_wait3A_70 = tpu.memref_slice %arg5[%mul3A_69] : memref<1728xi32, #tpu.memory_space<vmem>> -> memref<64xi32, #tpu.memory_space<vmem>>
      %dma_wait3A_71 = arith.constant 0 : i32
      %dma_wait3A_72 = arith.constant 0 : i32
      %dma_wait3A_73 = tpu.memref_slice %arg2[%dma_wait3A_71, %dma_wait3A_72] : memref<50000x128xf32, #tpu.memory_space<hbm>> -> memref<50000x128xf32, #tpu.memory_space<hbm>>
      tpu.wait_indirect_dma semaphore(%arg9 : memref<!tpu.dma_semaphore, #tpu.memory_space<semaphore_mem>>) src(%dma_wait3A_73 : memref<50000x128xf32, #tpu.memory_space<hbm>>) dst(%arg7 : memref<64x128xf32, #tpu.memory_space<vmem>>)
      %mul3A_74 = arith.constant 64 : i32
      %mul3A_75 = arith.muli %add3A_54, %mul3A_74 : i32
      %add3A_76 = arith.addi %mul3A_2, %mul3A_75 : i32
      %dma_start3A_77 = arith.constant 0 : i32
      %dma_start3A_78 = tpu.memref_slice %arg4[%add3A_76, %dma_start3A_77] : memref<55296x128xf32, #tpu.memory_space<hbm>> -> memref<64x128xf32, #tpu.memory_space<hbm>>
      %dma_start3A_79 = arith.constant 0 : i32
      %dma_start3A_80 = tpu.memref_slice %arg4[%add3A_76, %dma_start3A_79] : memref<55296x128xf32, #tpu.memory_space<hbm>> -> memref<64x128xf32, #tpu.memory_space<hbm>>
      tpu.enqueue_dma source(%arg7 : memref<64x128xf32, #tpu.memory_space<vmem>>) target(%dma_start3A_80 : memref<64x128xf32, #tpu.memory_space<hbm>>) target_semaphore(%arg11 : memref<!tpu.dma_semaphore, #tpu.memory_space<semaphore_mem>>)
      %add3A_81 = arith.constant 1 : i32
      %add3A_82 = arith.addi %scan3A_50, %add3A_81 : i32
      %lt3A = arith.constant 13 : i32
      %lt3A_83 = arith.cmpi slt, %add3A_82, %lt3A : i32
      %convert_element_type3A = arith.extui %lt3A_83 : i1 to i32
      %cond3A = arith.constant 0 : i32
      %cond3A_84 = arith.cmpi ne, %convert_element_type3A, %cond3A : i32
      scf.if %cond3A_84 {
        %mul3A_85 = arith.constant 64 : i32
        %mul3A_86 = arith.muli %mul3A_52, %mul3A_85 : i32
        %add3A_87 = arith.addi %mul3A_2, %mul3A_86 : i32
        %dma_wait3A_88 = arith.constant 0 : i32
        %dma_wait3A_89 = tpu.memref_slice %arg4[%add3A_87, %dma_wait3A_88] : memref<55296x128xf32, #tpu.memory_space<hbm>> -> memref<64x128xf32, #tpu.memory_space<hbm>>
        %dma_wait3A_90 = arith.constant 0 : i32
        %dma_wait3A_91 = tpu.memref_slice %arg4[%add3A_87, %dma_wait3A_90] : memref<55296x128xf32, #tpu.memory_space<hbm>> -> memref<64x128xf32, #tpu.memory_space<hbm>>
        tpu.wait_dma2 semaphore(%arg10 : memref<!tpu.dma_semaphore, #tpu.memory_space<semaphore_mem>>) src(%arg6 : memref<64x128xf32, #tpu.memory_space<vmem>>) dst(%dma_wait3A_91 : memref<64x128xf32, #tpu.memory_space<hbm>>)
        %add3A_92 = arith.constant 2 : i32
        %add3A_93 = arith.addi %mul3A_52, %add3A_92 : i32
        %mul3A_94 = arith.constant 64 : i32
        %mul3A_95 = arith.muli %add3A_93, %mul3A_94 : i32
        %dma_start3A_96 = tpu.memref_slice %arg5[%mul3A_95] : memref<1728xi32, #tpu.memory_space<vmem>> -> memref<64xi32, #tpu.memory_space<vmem>>
        %dma_start3A_97 = arith.constant 0 : i32
        %dma_start3A_98 = arith.constant 0 : i32
        %dma_start3A_99 = tpu.memref_slice %arg2[%dma_start3A_97, %dma_start3A_98] : memref<50000x128xf32, #tpu.memory_space<hbm>> -> memref<50000x128xf32, #tpu.memory_space<hbm>>
        tpu.enqueue_indirect_dma source(%dma_start3A_99 : memref<50000x128xf32, #tpu.memory_space<hbm>>) target(%arg6 : memref<64x128xf32, #tpu.memory_space<vmem>>) offsets(%dma_start3A_96 : memref<64xi32, #tpu.memory_space<vmem>>) semaphore(%arg8 : memref<!tpu.dma_semaphore, #tpu.memory_space<semaphore_mem>>)
        %mul3A_100 = arith.constant 64 : i32
        %mul3A_101 = arith.muli %add3A_54, %mul3A_100 : i32
        %add3A_102 = arith.addi %mul3A_2, %mul3A_101 : i32
        %dma_wait3A_103 = arith.constant 0 : i32
        %dma_wait3A_104 = tpu.memref_slice %arg4[%add3A_102, %dma_wait3A_103] : memref<55296x128xf32, #tpu.memory_space<hbm>> -> memref<64x128xf32, #tpu.memory_space<hbm>>
        %dma_wait3A_105 = arith.constant 0 : i32
        %dma_wait3A_106 = tpu.memref_slice %arg4[%add3A_102, %dma_wait3A_105] : memref<55296x128xf32, #tpu.memory_space<hbm>> -> memref<64x128xf32, #tpu.memory_space<hbm>>
        tpu.wait_dma2 semaphore(%arg11 : memref<!tpu.dma_semaphore, #tpu.memory_space<semaphore_mem>>) src(%arg7 : memref<64x128xf32, #tpu.memory_space<vmem>>) dst(%dma_wait3A_106 : memref<64x128xf32, #tpu.memory_space<hbm>>)
        %add3A_107 = arith.constant 2 : i32
        %add3A_108 = arith.addi %add3A_54, %add3A_107 : i32
        %mul3A_109 = arith.constant 64 : i32
        %mul3A_110 = arith.muli %add3A_108, %mul3A_109 : i32
        %dma_start3A_111 = tpu.memref_slice %arg5[%mul3A_110] : memref<1728xi32, #tpu.memory_space<vmem>> -> memref<64xi32, #tpu.memory_space<vmem>>
        %dma_start3A_112 = arith.constant 0 : i32
        %dma_start3A_113 = arith.constant 0 : i32
        %dma_start3A_114 = tpu.memref_slice %arg2[%dma_start3A_112, %dma_start3A_113] : memref<50000x128xf32, #tpu.memory_space<hbm>> -> memref<50000x128xf32, #tpu.memory_space<hbm>>
        tpu.enqueue_indirect_dma source(%dma_start3A_114 : memref<50000x128xf32, #tpu.memory_space<hbm>>) target(%arg7 : memref<64x128xf32, #tpu.memory_space<vmem>>) offsets(%dma_start3A_111 : memref<64xi32, #tpu.memory_space<vmem>>) semaphore(%arg9 : memref<!tpu.dma_semaphore, #tpu.memory_space<semaphore_mem>>)
      } else {
      }
    }
    %scan3A_16 = arith.constant 13 : i32
    %add3A_17 = arith.constant 1536 : i32
    %add3A_18 = arith.addi %mul3A_2, %add3A_17 : i32
    %dma_wait3A = arith.constant 0 : i32
    %dma_wait3A_19 = tpu.memref_slice %arg4[%add3A_18, %dma_wait3A] : memref<55296x128xf32, #tpu.memory_space<hbm>> -> memref<64x128xf32, #tpu.memory_space<hbm>>
    %dma_wait3A_20 = arith.constant 0 : i32
    %dma_wait3A_21 = tpu.memref_slice %arg4[%add3A_18, %dma_wait3A_20] : memref<55296x128xf32, #tpu.memory_space<hbm>> -> memref<64x128xf32, #tpu.memory_space<hbm>>
    tpu.wait_dma2 semaphore(%arg10 : memref<!tpu.dma_semaphore, #tpu.memory_space<semaphore_mem>>) src(%arg6 : memref<64x128xf32, #tpu.memory_space<vmem>>) dst(%dma_wait3A_21 : memref<64x128xf32, #tpu.memory_space<hbm>>)
    %add3A_22 = arith.constant 1600 : i32
    %add3A_23 = arith.addi %mul3A_2, %add3A_22 : i32
    %dma_wait3A_24 = arith.constant 0 : i32
    %dma_wait3A_25 = tpu.memref_slice %arg4[%add3A_23, %dma_wait3A_24] : memref<55296x128xf32, #tpu.memory_space<hbm>> -> memref<64x128xf32, #tpu.memory_space<hbm>>
    %dma_wait3A_26 = arith.constant 0 : i32
    %dma_wait3A_27 = tpu.memref_slice %arg4[%add3A_23, %dma_wait3A_26] : memref<55296x128xf32, #tpu.memory_space<hbm>> -> memref<64x128xf32, #tpu.memory_space<hbm>>
    tpu.wait_dma2 semaphore(%arg11 : memref<!tpu.dma_semaphore, #tpu.memory_space<semaphore_mem>>) src(%arg7 : memref<64x128xf32, #tpu.memory_space<vmem>>) dst(%dma_wait3A_27 : memref<64x128xf32, #tpu.memory_space<hbm>>)
    %dma_start3A_28 = arith.constant 1664 : i32
    %dma_start3A_29 = tpu.memref_slice %arg5[%dma_start3A_28] : memref<1728xi32, #tpu.memory_space<vmem>> -> memref<64xi32, #tpu.memory_space<vmem>>
    %dma_start3A_30 = arith.constant 0 : i32
    %dma_start3A_31 = arith.constant 0 : i32
    %dma_start3A_32 = tpu.memref_slice %arg2[%dma_start3A_30, %dma_start3A_31] : memref<50000x128xf32, #tpu.memory_space<hbm>> -> memref<50000x128xf32, #tpu.memory_space<hbm>>
    tpu.enqueue_indirect_dma source(%dma_start3A_32 : memref<50000x128xf32, #tpu.memory_space<hbm>>) target(%arg6 : memref<64x128xf32, #tpu.memory_space<vmem>>) offsets(%dma_start3A_29 : memref<64xi32, #tpu.memory_space<vmem>>) semaphore(%arg8 : memref<!tpu.dma_semaphore, #tpu.memory_space<semaphore_mem>>)
    %dma_wait3A_33 = arith.constant 1664 : i32
    %dma_wait3A_34 = tpu.memref_slice %arg5[%dma_wait3A_33] : memref<1728xi32, #tpu.memory_space<vmem>> -> memref<64xi32, #tpu.memory_space<vmem>>
    %dma_wait3A_35 = arith.constant 0 : i32
    %dma_wait3A_36 = arith.constant 0 : i32
    %dma_wait3A_37 = tpu.memref_slice %arg2[%dma_wait3A_35, %dma_wait3A_36] : memref<50000x128xf32, #tpu.memory_space<hbm>> -> memref<50000x128xf32, #tpu.memory_space<hbm>>
    tpu.wait_indirect_dma semaphore(%arg8 : memref<!tpu.dma_semaphore, #tpu.memory_space<semaphore_mem>>) src(%dma_wait3A_37 : memref<50000x128xf32, #tpu.memory_space<hbm>>) dst(%arg6 : memref<64x128xf32, #tpu.memory_space<vmem>>)
    %add3A_38 = arith.constant 1664 : i32
    %add3A_39 = arith.addi %mul3A_2, %add3A_38 : i32
    %dma_start3A_40 = arith.constant 0 : i32
    %dma_start3A_41 = tpu.memref_slice %arg4[%add3A_39, %dma_start3A_40] : memref<55296x128xf32, #tpu.memory_space<hbm>> -> memref<64x128xf32, #tpu.memory_space<hbm>>
    %dma_start3A_42 = arith.constant 0 : i32
    %dma_start3A_43 = tpu.memref_slice %arg4[%add3A_39, %dma_start3A_42] : memref<55296x128xf32, #tpu.memory_space<hbm>> -> memref<64x128xf32, #tpu.memory_space<hbm>>
    tpu.enqueue_dma source(%arg6 : memref<64x128xf32, #tpu.memory_space<vmem>>) target(%dma_start3A_43 : memref<64x128xf32, #tpu.memory_space<hbm>>) target_semaphore(%arg10 : memref<!tpu.dma_semaphore, #tpu.memory_space<semaphore_mem>>)
    %add3A_44 = arith.constant 1664 : i32
    %add3A_45 = arith.addi %mul3A_2, %add3A_44 : i32
    %dma_wait3A_46 = arith.constant 0 : i32
    %dma_wait3A_47 = tpu.memref_slice %arg4[%add3A_45, %dma_wait3A_46] : memref<55296x128xf32, #tpu.memory_space<hbm>> -> memref<64x128xf32, #tpu.memory_space<hbm>>
    %dma_wait3A_48 = arith.constant 0 : i32
    %dma_wait3A_49 = tpu.memref_slice %arg4[%add3A_45, %dma_wait3A_48] : memref<55296x128xf32, #tpu.memory_space<hbm>> -> memref<64x128xf32, #tpu.memory_space<hbm>>
    tpu.wait_dma2 semaphore(%arg10 : memref<!tpu.dma_semaphore, #tpu.memory_space<semaphore_mem>>) src(%arg6 : memref<64x128xf32, #tpu.memory_space<vmem>>) dst(%dma_wait3A_49 : memref<64x128xf32, #tpu.memory_space<hbm>>)
    return
  }
}

#map = affine_map<(d0, d1) -> (0, 0)>
#map1 = affine_map<(d0, d1) -> (0)>
module attributes {stable_mosaic.version = 14 : i64} {
  func.func @k(%arg0: i32, %arg1: i32, %arg2: memref<55296x128xf32, #tpu.memory_space<hbm>>, %arg3: memref<55296x128xf32, #tpu.memory_space<hbm>>, %arg4: memref<55296x128xf32, #tpu.memory_space<hbm>>, %arg5: memref<55296x128xf32, #tpu.memory_space<hbm>>, %arg6: memref<221184xi32, #tpu.memory_space<hbm>>, %arg7: memref<50000x128xf32, #tpu.memory_space<hbm>>, %arg8: memref<1728xi32, #tpu.memory_space<vmem>>, %arg9: memref<41x128xi32, #tpu.memory_space<vmem>>, %arg10: memref<41x128xi32, #tpu.memory_space<vmem>>, %arg11: memref<128x128xf32, #tpu.memory_space<vmem>>, %arg12: memref<12544x128xf32, #tpu.memory_space<vmem_shared>>, %arg13: memref<!tpu.dma_semaphore, #tpu.memory_space<semaphore_mem>>) attributes {dimension_semantics = [#tpu.dimension_semantics<core_parallel>, #tpu.dimension_semantics<subcore_parallel>], iteration_bounds = array<i64: 2, 16>, scalar_prefetch = 0 : i64, scratch_operands = 6 : i64, tpu.core_type = #tpu.core_type<sc_vector_subcore>, window_params = [{transform_indices = #map}, {transform_indices = #map}, {transform_indices = #map}, {transform_indices = #map}, {transform_indices = #map1}, {transform_indices = #map}]} {
    %div3A = arith.constant 4 : i32
    %div3A_0 = arith.divsi %arg1, %div3A : i32
    %broadcast_in_dim3A = arith.constant 0.000000e+00 : f32
    %broadcast_in_dim3A_1 = vector.broadcast %broadcast_in_dim3A : f32 to vector<16xf32>
    %broadcast_in_dim3A_2 = arith.constant 0 : i32
    %broadcast_in_dim3A_3 = vector.broadcast %broadcast_in_dim3A_2 : i32 to vector<16xi32>
    %iota3A = tpu.iota {dimensions = array<i32: 0>} : vector<16xi32>
    %mul3A = arith.constant 2 : i32
    %mul3A_4 = arith.muli %mul3A, %arg0 : i32
    %add3A = arith.constant 0 : i32
    %add3A_5 = arith.addi %mul3A_4, %add3A : i32
    %mul3A_6 = arith.constant 12512 : i32
    %mul3A_7 = arith.muli %add3A_5, %mul3A_6 : i32
    %sub3A = arith.constant 50000 : i32
    %sub3A_8 = arith.subi %sub3A, %mul3A_7 : i32
    %min3A = arith.constant 12512 : i32
    %min3A_9 = arith.minsi %min3A, %sub3A_8 : i32
    %scan3A = arith.constant 0 : i32
    %scan3A_10 = arith.constant 128 : i32
    %scan3A_11 = arith.addi %scan3A, %scan3A_10 : i32
    %scan3A_12 = arith.constant 1 : i32
    scf.for %scan3A_518 = %scan3A to %scan3A_11 step %scan3A_12  : i32 {
      %mul3A_519 = arith.constant 1 : i32
      %mul3A_520 = arith.muli %scan3A_518, %mul3A_519 : i32
      %add3A_521 = arith.constant 0 : i32
      %add3A_522 = arith.addi %add3A_521, %mul3A_520 : i32
      %scan3A_523 = arith.constant 0 : i32
      %scan3A_524 = arith.constant 8 : i32
      %scan3A_525 = arith.addi %scan3A_523, %scan3A_524 : i32
      %scan3A_526 = arith.constant 1 : i32
      scf.for %scan3A_528 = %scan3A_523 to %scan3A_525 step %scan3A_526  : i32 {
        %mul3A_529 = arith.constant 16 : i32
        %mul3A_530 = arith.muli %scan3A_528, %mul3A_529 : i32
        %add3A_531 = arith.constant 0 : i32
        %add3A_532 = arith.addi %add3A_531, %mul3A_530 : i32
        %swap3A = arith.index_cast %add3A_522 : i32 to index
        %swap3A_533 = arith.index_cast %add3A_532 : i32 to index
        %swap3A_534 = tpu.vector_load %arg11[%swap3A, %swap3A_533] {strides = array<i32>} : memref<128x128xf32, #tpu.memory_space<vmem>>, vector<16xf32>,
        tpu.vector_store %arg11[%swap3A, %swap3A_533], %broadcast_in_dim3A_1 {strides = array<i32>} : memref<128x128xf32, #tpu.memory_space<vmem>>, vector<16xf32>,
      }
      %scan3A_527 = arith.constant 8 : i32
    }
    %scan3A_13 = arith.constant 128 : i32
    %scan3A_14 = arith.constant 0 : i32
    %scan3A_15 = arith.constant 98 : i32
    %scan3A_16 = arith.addi %scan3A_14, %scan3A_15 : i32
    %scan3A_17 = arith.constant 1 : i32
    scf.for %scan3A_518 = %scan3A_14 to %scan3A_16 step %scan3A_17  : i32 {
      %mul3A_519 = arith.constant 1 : i32
      %mul3A_520 = arith.muli %scan3A_518, %mul3A_519 : i32
      %add3A_521 = arith.constant 0 : i32
      %add3A_522 = arith.addi %add3A_521, %mul3A_520 : i32
      %rem3A_523 = arith.constant 16 : i32
      %rem3A_524 = arith.remsi %add3A_522, %rem3A_523 : i32
      %eq3A_525 = arith.cmpi eq, %rem3A_524, %arg1 : i32
      %convert_element_type3A_526 = arith.extui %eq3A_525 : i1 to i32
      %cond3A_527 = arith.constant 0 : i32
      %cond3A_528 = arith.cmpi ne, %convert_element_type3A_526, %cond3A_527 : i32
      scf.if %cond3A_528 {
        %mul3A_529 = arith.constant 128 : i32
        %mul3A_530 = arith.muli %add3A_522, %mul3A_529 : i32
        "tpu.region"() ({
          %run_scoped3A = tpu.sem_alloc : memref<!tpu.dma_semaphore, #tpu.memory_space<semaphore_mem>>
          %dma_start3A = arith.constant 0 : i32
          %dma_start3A_531 = tpu.memref_slice %arg12[%mul3A_530, %dma_start3A] : memref<12544x128xf32, #tpu.memory_space<vmem_shared>> -> memref<128x128xf32, #tpu.memory_space<vmem_shared>>
          %dma_start3A_532 = arith.constant 0 : i32
          %dma_start3A_533 = tpu.memref_slice %arg12[%mul3A_530, %dma_start3A_532] : memref<12544x128xf32, #tpu.memory_space<vmem_shared>> -> memref<128x128xf32, #tpu.memory_space<vmem_shared>>
          tpu.enqueue_dma source(%arg11 : memref<128x128xf32, #tpu.memory_space<vmem>>) target(%dma_start3A_533 : memref<128x128xf32, #tpu.memory_space<vmem_shared>>) target_semaphore(%run_scoped3A : memref<!tpu.dma_semaphore, #tpu.memory_space<semaphore_mem>>)
          %dma_wait3A = arith.constant 0 : i32
          %dma_wait3A_534 = tpu.memref_slice %arg12[%mul3A_530, %dma_wait3A] : memref<12544x128xf32, #tpu.memory_space<vmem_shared>> -> memref<128x128xf32, #tpu.memory_space<vmem_shared>>
          %dma_wait3A_535 = arith.constant 0 : i32
          %dma_wait3A_536 = tpu.memref_slice %arg12[%mul3A_530, %dma_wait3A_535] : memref<12544x128xf32, #tpu.memory_space<vmem_shared>> -> memref<128x128xf32, #tpu.memory_space<vmem_shared>>
          tpu.wait_dma2 semaphore(%run_scoped3A : memref<!tpu.dma_semaphore, #tpu.memory_space<semaphore_mem>>) src(%arg11 : memref<128x128xf32, #tpu.memory_space<vmem>>) dst(%dma_wait3A_536 : memref<128x128xf32, #tpu.memory_space<vmem_shared>>)
          tpu.yield
        }) : () -> ()
      } else {
      }
    }
    %scan3A_18 = arith.constant 98 : i32
    %barrier3A = arith.constant 0 : index
    tpu.barrier barrier_id(%barrier3A)
    %broadcast_in_dim3A_19 = arith.constant 0 : i32
    %broadcast_in_dim3A_20 = vector.broadcast %broadcast_in_dim3A_19 : i32 to vector<16xi32>
    %scan3A_21 = arith.constant 0 : i32
    %scan3A_22 = arith.constant 8 : i32
    %scan3A_23 = arith.addi %scan3A_21, %scan3A_22 : i32
    %scan3A_24 = arith.constant 1 : i32
    %scan3A_25 = scf.for %scan3A_518 = %scan3A_21 to %scan3A_23 step %scan3A_24 iter_args(%scan3A_519 = %broadcast_in_dim3A_20) -> (vector<16xi32>)  : i32 {
      %reduce_max3A_520 = arith.constant true
      %reduce_max3A_521 = vector.broadcast %reduce_max3A_520 : i1 to vector<16xi1>
      %reduce_max3A_522 = arith.constant -2147483648 : i32
      %reduce_max3A_523 = vector.broadcast %reduce_max3A_522 : i32 to vector<16xi32>
      %reduce_max3A_524 = arith.xori %scan3A_519, %reduce_max3A_523 : vector<16xi32>
      %reduce_max3A_525 = tpu.scan <max>, %reduce_max3A_524 masked %reduce_max3A_521 : vector<16xi32>, vector<16xi1> -> vector<16xi32>
      %reduce_max3A_526 = arith.xori %reduce_max3A_525, %reduce_max3A_523 : vector<16xi32>
      %reduce_max3A_527 = vector.extract %reduce_max3A_526[15] : i32 from vector<16xi32>
      %add3A_528 = arith.constant 1728 : i32
      %add3A_529 = arith.addi %reduce_max3A_527, %add3A_528 : i32
      %gt3A = arith.constant 5248 : i32
      %gt3A_530 = arith.cmpi sgt, %add3A_529, %gt3A : i32
      %convert_element_type3A_531 = arith.extui %gt3A_530 : i1 to i32
      %cond3A_532 = arith.constant 0 : i32
      %cond3A_533 = arith.cmpi ne, %convert_element_type3A_531, %cond3A_532 : i32
      %cond3A_534 = scf.if %cond3A_533 -> (vector<16xi32>) {
        %reduce_max3A_546 = arith.constant true
        %reduce_max3A_547 = vector.broadcast %reduce_max3A_546 : i1 to vector<16xi1>
        %reduce_max3A_548 = arith.constant -2147483648 : i32
        %reduce_max3A_549 = vector.broadcast %reduce_max3A_548 : i32 to vector<16xi32>
        %reduce_max3A_550 = arith.xori %scan3A_519, %reduce_max3A_549 : vector<16xi32>
        %reduce_max3A_551 = tpu.scan <max>, %reduce_max3A_550 masked %reduce_max3A_547 : vector<16xi32>, vector<16xi1> -> vector<16xi32>
        %reduce_max3A_552 = arith.xori %reduce_max3A_551, %reduce_max3A_549 : vector<16xi32>
        %reduce_max3A_553 = vector.extract %reduce_max3A_552[15] : i32 from vector<16xi32>
        %add3A_554 = arith.constant 128 : i32
        %add3A_555 = arith.addi %reduce_max3A_553, %add3A_554 : i32
        %sub3A_556 = arith.constant 1 : i32
        %sub3A_557 = arith.subi %add3A_555, %sub3A_556 : i32
        %and3A_558 = arith.constant -128 : i32
        %and3A_559 = arith.andi %sub3A_557, %and3A_558 : i32
        %add3A_560 = arith.constant 0 : i32
        %add3A_561 = arith.addi %reduce_max3A_553, %add3A_560 : i32
        %add3A_562 = vector.broadcast %add3A_561 : i32 to vector<16xi32>
        %add3A_563 = arith.addi %add3A_562, %iota3A : vector<16xi32>
        %lt3A_564 = vector.broadcast %and3A_559 : i32 to vector<16xi32>
        %lt3A_565 = arith.cmpi slt, %add3A_563, %lt3A_564 : vector<16xi32>
        %shift_right_logical3A_566 = arith.constant 7 : i32
        %shift_right_logical3A_567 = vector.broadcast %shift_right_logical3A_566 : i32 to vector<16xi32>
        %shift_right_logical3A_568 = arith.shrui %add3A_563, %shift_right_logical3A_567 : vector<16xi32>
        %and3A_569 = arith.constant 127 : i32
        %and3A_570 = vector.broadcast %and3A_569 : i32 to vector<16xi32>
        %and3A_571 = arith.andi %add3A_563, %and3A_570 : vector<16xi32>
        %and3A_572 = arith.constant 31 : i32
        %and3A_573 = vector.broadcast %and3A_572 : i32 to vector<16xi32>
        %and3A_574 = arith.andi %add3A_563, %and3A_573 : vector<16xi32>
        %add3A_575 = arith.constant 12512 : i32
        %add3A_576 = vector.broadcast %add3A_575 : i32 to vector<16xi32>
        %add3A_577 = arith.addi %add3A_576, %and3A_574 : vector<16xi32>
        tpu.vector_store_idx %arg9[%shift_right_logical3A_568, %and3A_571], %add3A_577 masked %lt3A_565 : memref<41x128xi32, #tpu.memory_space<vmem>>[vector<16xi32>, vector<16xi32>], vector<16xi32>, vector<16xi1>
        tpu.vector_store_idx %arg10[%shift_right_logical3A_568, %and3A_571], %broadcast_in_dim3A_3 masked %lt3A_565 : memref<41x128xi32, #tpu.memory_space<vmem>>[vector<16xi32>, vector<16xi32>], vector<16xi32>, vector<16xi1>
        %add3A_578 = arith.constant 16 : i32
        %add3A_579 = arith.addi %reduce_max3A_553, %add3A_578 : i32
        %add3A_580 = vector.broadcast %add3A_579 : i32 to vector<16xi32>
        %add3A_581 = arith.addi %add3A_580, %iota3A : vector<16xi32>
        %lt3A_582 = vector.broadcast %and3A_559 : i32 to vector<16xi32>
        %lt3A_583 = arith.cmpi slt, %add3A_581, %lt3A_582 : vector<16xi32>
        %shift_right_logical3A_584 = arith.constant 7 : i32
        %shift_right_logical3A_585 = vector.broadcast %shift_right_logical3A_584 : i32 to vector<16xi32>
        %shift_right_logical3A_586 = arith.shrui %add3A_581, %shift_right_logical3A_585 : vector<16xi32>
        %and3A_587 = arith.constant 127 : i32
        %and3A_588 = vector.broadcast %and3A_587 : i32 to vector<16xi32>
        %and3A_589 = arith.andi %add3A_581, %and3A_588 : vector<16xi32>
        %and3A_590 = arith.constant 31 : i32
        %and3A_591 = vector.broadcast %and3A_590 : i32 to vector<16xi32>
        %and3A_592 = arith.andi %add3A_581, %and3A_591 : vector<16xi32>
        %add3A_593 = arith.constant 12512 : i32
        %add3A_594 = vector.broadcast %add3A_593 : i32 to vector<16xi32>
        %add3A_595 = arith.addi %add3A_594, %and3A_592 : vector<16xi32>
        tpu.vector_store_idx %arg9[%shift_right_logical3A_586, %and3A_589], %add3A_595 masked %lt3A_583 : memref<41x128xi32, #tpu.memory_space<vmem>>[vector<16xi32>, vector<16xi32>], vector<16xi32>, vector<16xi1>
        tpu.vector_store_idx %arg10[%shift_right_logical3A_586, %and3A_589], %broadcast_in_dim3A_3 masked %lt3A_583 : memref<41x128xi32, #tpu.memory_space<vmem>>[vector<16xi32>, vector<16xi32>], vector<16xi32>, vector<16xi1>
        %add3A_596 = arith.constant 32 : i32
        %add3A_597 = arith.addi %reduce_max3A_553, %add3A_596 : i32
        %add3A_598 = vector.broadcast %add3A_597 : i32 to vector<16xi32>
        %add3A_599 = arith.addi %add3A_598, %iota3A : vector<16xi32>
        %lt3A_600 = vector.broadcast %and3A_559 : i32 to vector<16xi32>
        %lt3A_601 = arith.cmpi slt, %add3A_599, %lt3A_600 : vector<16xi32>
        %shift_right_logical3A_602 = arith.constant 7 : i32
        %shift_right_logical3A_603 = vector.broadcast %shift_right_logical3A_602 : i32 to vector<16xi32>
        %shift_right_logical3A_604 = arith.shrui %add3A_599, %shift_right_logical3A_603 : vector<16xi32>
        %and3A_605 = arith.constant 127 : i32
        %and3A_606 = vector.broadcast %and3A_605 : i32 to vector<16xi32>
        %and3A_607 = arith.andi %add3A_599, %and3A_606 : vector<16xi32>
        %and3A_608 = arith.constant 31 : i32
        %and3A_609 = vector.broadcast %and3A_608 : i32 to vector<16xi32>
        %and3A_610 = arith.andi %add3A_599, %and3A_609 : vector<16xi32>
        %add3A_611 = arith.constant 12512 : i32
        %add3A_612 = vector.broadcast %add3A_611 : i32 to vector<16xi32>
        %add3A_613 = arith.addi %add3A_612, %and3A_610 : vector<16xi32>
        tpu.vector_store_idx %arg9[%shift_right_logical3A_604, %and3A_607], %add3A_613 masked %lt3A_601 : memref<41x128xi32, #tpu.memory_space<vmem>>[vector<16xi32>, vector<16xi32>], vector<16xi32>, vector<16xi1>
        tpu.vector_store_idx %arg10[%shift_right_logical3A_604, %and3A_607], %broadcast_in_dim3A_3 masked %lt3A_601 : memref<41x128xi32, #tpu.memory_space<vmem>>[vector<16xi32>, vector<16xi32>], vector<16xi32>, vector<16xi1>
        %add3A_614 = arith.constant 48 : i32
        %add3A_615 = arith.addi %reduce_max3A_553, %add3A_614 : i32
        %add3A_616 = vector.broadcast %add3A_615 : i32 to vector<16xi32>
        %add3A_617 = arith.addi %add3A_616, %iota3A : vector<16xi32>
        %lt3A_618 = vector.broadcast %and3A_559 : i32 to vector<16xi32>
        %lt3A_619 = arith.cmpi slt, %add3A_617, %lt3A_618 : vector<16xi32>
        %shift_right_logical3A_620 = arith.constant 7 : i32
        %shift_right_logical3A_621 = vector.broadcast %shift_right_logical3A_620 : i32 to vector<16xi32>
        %shift_right_logical3A_622 = arith.shrui %add3A_617, %shift_right_logical3A_621 : vector<16xi32>
        %and3A_623 = arith.constant 127 : i32
        %and3A_624 = vector.broadcast %and3A_623 : i32 to vector<16xi32>
        %and3A_625 = arith.andi %add3A_617, %and3A_624 : vector<16xi32>
        %and3A_626 = arith.constant 31 : i32
        %and3A_627 = vector.broadcast %and3A_626 : i32 to vector<16xi32>
        %and3A_628 = arith.andi %add3A_617, %and3A_627 : vector<16xi32>
        %add3A_629 = arith.constant 12512 : i32
        %add3A_630 = vector.broadcast %add3A_629 : i32 to vector<16xi32>
        %add3A_631 = arith.addi %add3A_630, %and3A_628 : vector<16xi32>
        tpu.vector_store_idx %arg9[%shift_right_logical3A_622, %and3A_625], %add3A_631 masked %lt3A_619 : memref<41x128xi32, #tpu.memory_space<vmem>>[vector<16xi32>, vector<16xi32>], vector<16xi32>, vector<16xi1>
        tpu.vector_store_idx %arg10[%shift_right_logical3A_622, %and3A_625], %broadcast_in_dim3A_3 masked %lt3A_619 : memref<41x128xi32, #tpu.memory_space<vmem>>[vector<16xi32>, vector<16xi32>], vector<16xi32>, vector<16xi1>
        %add3A_632 = arith.constant 64 : i32
        %add3A_633 = arith.addi %reduce_max3A_553, %add3A_632 : i32
        %add3A_634 = vector.broadcast %add3A_633 : i32 to vector<16xi32>
        %add3A_635 = arith.addi %add3A_634, %iota3A : vector<16xi32>
        %lt3A_636 = vector.broadcast %and3A_559 : i32 to vector<16xi32>
        %lt3A_637 = arith.cmpi slt, %add3A_635, %lt3A_636 : vector<16xi32>
        %shift_right_logical3A_638 = arith.constant 7 : i32
        %shift_right_logical3A_639 = vector.broadcast %shift_right_logical3A_638 : i32 to vector<16xi32>
        %shift_right_logical3A_640 = arith.shrui %add3A_635, %shift_right_logical3A_639 : vector<16xi32>
        %and3A_641 = arith.constant 127 : i32
        %and3A_642 = vector.broadcast %and3A_641 : i32 to vector<16xi32>
        %and3A_643 = arith.andi %add3A_635, %and3A_642 : vector<16xi32>
        %and3A_644 = arith.constant 31 : i32
        %and3A_645 = vector.broadcast %and3A_644 : i32 to vector<16xi32>
        %and3A_646 = arith.andi %add3A_635, %and3A_645 : vector<16xi32>
        %add3A_647 = arith.constant 12512 : i32
        %add3A_648 = vector.broadcast %add3A_647 : i32 to vector<16xi32>
        %add3A_649 = arith.addi %add3A_648, %and3A_646 : vector<16xi32>
        tpu.vector_store_idx %arg9[%shift_right_logical3A_640, %and3A_643], %add3A_649 masked %lt3A_637 : memref<41x128xi32, #tpu.memory_space<vmem>>[vector<16xi32>, vector<16xi32>], vector<16xi32>, vector<16xi1>
        tpu.vector_store_idx %arg10[%shift_right_logical3A_640, %and3A_643], %broadcast_in_dim3A_3 masked %lt3A_637 : memref<41x128xi32, #tpu.memory_space<vmem>>[vector<16xi32>, vector<16xi32>], vector<16xi32>, vector<16xi1>
        %add3A_650 = arith.constant 80 : i32
        %add3A_651 = arith.addi %reduce_max3A_553, %add3A_650 : i32
        %add3A_652 = vector.broadcast %add3A_651 : i32 to vector<16xi32>
        %add3A_653 = arith.addi %add3A_652, %iota3A : vector<16xi32>
        %lt3A_654 = vector.broadcast %and3A_559 : i32 to vector<16xi32>
        %lt3A_655 = arith.cmpi slt, %add3A_653, %lt3A_654 : vector<16xi32>
        %shift_right_logical3A_656 = arith.constant 7 : i32
        %shift_right_logical3A_657 = vector.broadcast %shift_right_logical3A_656 : i32 to vector<16xi32>
        %shift_right_logical3A_658 = arith.shrui %add3A_653, %shift_right_logical3A_657 : vector<16xi32>
        %and3A_659 = arith.constant 127 : i32
        %and3A_660 = vector.broadcast %and3A_659 : i32 to vector<16xi32>
        %and3A_661 = arith.andi %add3A_653, %and3A_660 : vector<16xi32>
        %and3A_662 = arith.constant 31 : i32
        %and3A_663 = vector.broadcast %and3A_662 : i32 to vector<16xi32>
        %and3A_664 = arith.andi %add3A_653, %and3A_663 : vector<16xi32>
        %add3A_665 = arith.constant 12512 : i32
        %add3A_666 = vector.broadcast %add3A_665 : i32 to vector<16xi32>
        %add3A_667 = arith.addi %add3A_666, %and3A_664 : vector<16xi32>
        tpu.vector_store_idx %arg9[%shift_right_logical3A_658, %and3A_661], %add3A_667 masked %lt3A_655 : memref<41x128xi32, #tpu.memory_space<vmem>>[vector<16xi32>, vector<16xi32>], vector<16xi32>, vector<16xi1>
        tpu.vector_store_idx %arg10[%shift_right_logical3A_658, %and3A_661], %broadcast_in_dim3A_3 masked %lt3A_655 : memref<41x128xi32, #tpu.memory_space<vmem>>[vector<16xi32>, vector<16xi32>], vector<16xi32>, vector<16xi1>
        %add3A_668 = arith.constant 96 : i32
        %add3A_669 = arith.addi %reduce_max3A_553, %add3A_668 : i32
        %add3A_670 = vector.broadcast %add3A_669 : i32 to vector<16xi32>
        %add3A_671 = arith.addi %add3A_670, %iota3A : vector<16xi32>
        %lt3A_672 = vector.broadcast %and3A_559 : i32 to vector<16xi32>
        %lt3A_673 = arith.cmpi slt, %add3A_671, %lt3A_672 : vector<16xi32>
        %shift_right_logical3A_674 = arith.constant 7 : i32
        %shift_right_logical3A_675 = vector.broadcast %shift_right_logical3A_674 : i32 to vector<16xi32>
        %shift_right_logical3A_676 = arith.shrui %add3A_671, %shift_right_logical3A_675 : vector<16xi32>
        %and3A_677 = arith.constant 127 : i32
        %and3A_678 = vector.broadcast %and3A_677 : i32 to vector<16xi32>
        %and3A_679 = arith.andi %add3A_671, %and3A_678 : vector<16xi32>
        %and3A_680 = arith.constant 31 : i32
        %and3A_681 = vector.broadcast %and3A_680 : i32 to vector<16xi32>
        %and3A_682 = arith.andi %add3A_671, %and3A_681 : vector<16xi32>
        %add3A_683 = arith.constant 12512 : i32
        %add3A_684 = vector.broadcast %add3A_683 : i32 to vector<16xi32>
        %add3A_685 = arith.addi %add3A_684, %and3A_682 : vector<16xi32>
        tpu.vector_store_idx %arg9[%shift_right_logical3A_676, %and3A_679], %add3A_685 masked %lt3A_673 : memref<41x128xi32, #tpu.memory_space<vmem>>[vector<16xi32>, vector<16xi32>], vector<16xi32>, vector<16xi1>
        tpu.vector_store_idx %arg10[%shift_right_logical3A_676, %and3A_679], %broadcast_in_dim3A_3 masked %lt3A_673 : memref<41x128xi32, #tpu.memory_space<vmem>>[vector<16xi32>, vector<16xi32>], vector<16xi32>, vector<16xi1>
        %add3A_686 = arith.constant 112 : i32
        %add3A_687 = arith.addi %reduce_max3A_553, %add3A_686 : i32
        %add3A_688 = vector.broadcast %add3A_687 : i32 to vector<16xi32>
        %add3A_689 = arith.addi %add3A_688, %iota3A : vector<16xi32>
        %lt3A_690 = vector.broadcast %and3A_559 : i32 to vector<16xi32>
        %lt3A_691 = arith.cmpi slt, %add3A_689, %lt3A_690 : vector<16xi32>
        %shift_right_logical3A_692 = arith.constant 7 : i32
        %shift_right_logical3A_693 = vector.broadcast %shift_right_logical3A_692 : i32 to vector<16xi32>
        %shift_right_logical3A_694 = arith.shrui %add3A_689, %shift_right_logical3A_693 : vector<16xi32>
        %and3A_695 = arith.constant 127 : i32
        %and3A_696 = vector.broadcast %and3A_695 : i32 to vector<16xi32>
        %and3A_697 = arith.andi %add3A_689, %and3A_696 : vector<16xi32>
        %and3A_698 = arith.constant 31 : i32
        %and3A_699 = vector.broadcast %and3A_698 : i32 to vector<16xi32>
        %and3A_700 = arith.andi %add3A_689, %and3A_699 : vector<16xi32>
        %add3A_701 = arith.constant 12512 : i32
        %add3A_702 = vector.broadcast %add3A_701 : i32 to vector<16xi32>
        %add3A_703 = arith.addi %add3A_702, %and3A_700 : vector<16xi32>
        tpu.vector_store_idx %arg9[%shift_right_logical3A_694, %and3A_697], %add3A_703 masked %lt3A_691 : memref<41x128xi32, #tpu.memory_space<vmem>>[vector<16xi32>, vector<16xi32>], vector<16xi32>, vector<16xi1>
        tpu.vector_store_idx %arg10[%shift_right_logical3A_694, %and3A_697], %broadcast_in_dim3A_3 masked %lt3A_691 : memref<41x128xi32, #tpu.memory_space<vmem>>[vector<16xi32>, vector<16xi32>], vector<16xi32>, vector<16xi1>
        %shift_right_logical3A_704 = arith.constant 7 : i32
        %shift_right_logical3A_705 = arith.shrui %and3A_559, %shift_right_logical3A_704 : i32
        %while3A_706 = arith.constant 0 : i32
        %while3A_707 = arith.constant 0 : i32
        %while3A_708 = arith.subi %shift_right_logical3A_705, %while3A_707 : i32
        %while3A_709 = arith.addi %while3A_707, %while3A_708 : i32
        %while3A_710 = arith.constant 1 : i32
        %while3A_711 = arith.divsi %while3A_708, %while3A_710 : i32
        %while3A_712 = arith.muli %while3A_711, %while3A_710 : i32
        %while3A_713 = arith.addi %while3A_707, %while3A_712 : i32
        %while3A_714 = arith.constant 1 : i32
        scf.for %while3A_718 = %while3A_707 to %while3A_713 step %while3A_714  : i32 {
          %eq3A_719 = arith.constant 0 : i32
          %eq3A_720 = arith.cmpi eq, %div3A_0, %eq3A_719 : i32
          %convert_element_type3A_721 = arith.extui %eq3A_720 : i1 to i32
          %cond3A_722 = arith.constant 0 : i32
          %cond3A_723 = arith.cmpi ne, %convert_element_type3A_721, %cond3A_722 : i32
          scf.if %cond3A_723 {
            %dma_start3A = arith.constant 0 : i32
            %dma_start3A_739 = tpu.memref_slice %arg10[%while3A_718, %dma_start3A] : memref<41x128xi32, #tpu.memory_space<vmem>> -> memref<1x128xi32, #tpu.memory_space<vmem>>
            %dma_start3A_740 = tpu.memref_squeeze %dma_start3A_739 : memref<1x128xi32, #tpu.memory_space<vmem>> -> memref<128xi32, #tpu.memory_space<vmem>>
            %dma_start3A_741 = arith.constant 0 : i32
            %dma_start3A_742 = arith.constant 0 : i32
            %dma_start3A_743 = tpu.memref_slice %arg2[%dma_start3A_741, %dma_start3A_742] : memref<55296x128xf32, #tpu.memory_space<hbm>> -> memref<55296x128xf32, #tpu.memory_space<hbm>>
            tpu.enqueue_indirect_dma source(%dma_start3A_743 : memref<55296x128xf32, #tpu.memory_space<hbm>>) target(%arg11 : memref<128x128xf32, #tpu.memory_space<vmem>>) offsets(%dma_start3A_740 : memref<128xi32, #tpu.memory_space<vmem>>) semaphore(%arg13 : memref<!tpu.dma_semaphore, #tpu.memory_space<semaphore_mem>>)
            %dma_wait3A = arith.constant 0 : i32
            %dma_wait3A_744 = tpu.memref_slice %arg10[%while3A_718, %dma_wait3A] : memref<41x128xi32, #tpu.memory_space<vmem>> -> memref<1x128xi32, #tpu.memory_space<vmem>>
            %dma_wait3A_745 = tpu.memref_squeeze %dma_wait3A_744 : memref<1x128xi32, #tpu.memory_space<vmem>> -> memref<128xi32, #tpu.memory_space<vmem>>
            %dma_wait3A_746 = arith.constant 0 : i32
            %dma_wait3A_747 = arith.constant 0 : i32
            %dma_wait3A_748 = tpu.memref_slice %arg2[%dma_wait3A_746, %dma_wait3A_747] : memref<55296x128xf32, #tpu.memory_space<hbm>> -> memref<55296x128xf32, #tpu.memory_space<hbm>>
            tpu.wait_indirect_dma semaphore(%arg13 : memref<!tpu.dma_semaphore, #tpu.memory_space<semaphore_mem>>) src(%dma_wait3A_748 : memref<55296x128xf32, #tpu.memory_space<hbm>>) dst(%arg11 : memref<128x128xf32, #tpu.memory_space<vmem>>)
          } else {
          }
          %eq3A_724 = arith.constant 1 : i32
          %eq3A_725 = arith.cmpi eq, %div3A_0, %eq3A_724 : i32
          %convert_element_type3A_726 = arith.extui %eq3A_725 : i1 to i32
          %cond3A_727 = arith.constant 0 : i32
          %cond3A_728 = arith.cmpi ne, %convert_element_type3A_726, %cond3A_727 : i32
          scf.if %cond3A_728 {
            %dma_start3A = arith.constant 0 : i32
            %dma_start3A_739 = tpu.memref_slice %arg10[%while3A_718, %dma_start3A] : memref<41x128xi32, #tpu.memory_space<vmem>> -> memref<1x128xi32, #tpu.memory_space<vmem>>
            %dma_start3A_740 = tpu.memref_squeeze %dma_start3A_739 : memref<1x128xi32, #tpu.memory_space<vmem>> -> memref<128xi32, #tpu.memory_space<vmem>>
            %dma_start3A_741 = arith.constant 0 : i32
            %dma_start3A_742 = arith.constant 0 : i32
            %dma_start3A_743 = tpu.memref_slice %arg3[%dma_start3A_741, %dma_start3A_742] : memref<55296x128xf32, #tpu.memory_space<hbm>> -> memref<55296x128xf32, #tpu.memory_space<hbm>>
            tpu.enqueue_indirect_dma source(%dma_start3A_743 : memref<55296x128xf32, #tpu.memory_space<hbm>>) target(%arg11 : memref<128x128xf32, #tpu.memory_space<vmem>>) offsets(%dma_start3A_740 : memref<128xi32, #tpu.memory_space<vmem>>) semaphore(%arg13 : memref<!tpu.dma_semaphore, #tpu.memory_space<semaphore_mem>>)
            %dma_wait3A = arith.constant 0 : i32
            %dma_wait3A_744 = tpu.memref_slice %arg10[%while3A_718, %dma_wait3A] : memref<41x128xi32, #tpu.memory_space<vmem>> -> memref<1x128xi32, #tpu.memory_space<vmem>>
            %dma_wait3A_745 = tpu.memref_squeeze %dma_wait3A_744 : memref<1x128xi32, #tpu.memory_space<vmem>> -> memref<128xi32, #tpu.memory_space<vmem>>
            %dma_wait3A_746 = arith.constant 0 : i32
            %dma_wait3A_747 = arith.constant 0 : i32
            %dma_wait3A_748 = tpu.memref_slice %arg3[%dma_wait3A_746, %dma_wait3A_747] : memref<55296x128xf32, #tpu.memory_space<hbm>> -> memref<55296x128xf32, #tpu.memory_space<hbm>>
            tpu.wait_indirect_dma semaphore(%arg13 : memref<!tpu.dma_semaphore, #tpu.memory_space<semaphore_mem>>) src(%dma_wait3A_748 : memref<55296x128xf32, #tpu.memory_space<hbm>>) dst(%arg11 : memref<128x128xf32, #tpu.memory_space<vmem>>)
          } else {
          }
          %eq3A_729 = arith.constant 2 : i32
          %eq3A_730 = arith.cmpi eq, %div3A_0, %eq3A_729 : i32
          %convert_element_type3A_731 = arith.extui %eq3A_730 : i1 to i32
          %cond3A_732 = arith.constant 0 : i32
          %cond3A_733 = arith.cmpi ne, %convert_element_type3A_731, %cond3A_732 : i32
          scf.if %cond3A_733 {
            %dma_start3A = arith.constant 0 : i32
            %dma_start3A_739 = tpu.memref_slice %arg10[%while3A_718, %dma_start3A] : memref<41x128xi32, #tpu.memory_space<vmem>> -> memref<1x128xi32, #tpu.memory_space<vmem>>
            %dma_start3A_740 = tpu.memref_squeeze %dma_start3A_739 : memref<1x128xi32, #tpu.memory_space<vmem>> -> memref<128xi32, #tpu.memory_space<vmem>>
            %dma_start3A_741 = arith.constant 0 : i32
            %dma_start3A_742 = arith.constant 0 : i32
            %dma_start3A_743 = tpu.memref_slice %arg4[%dma_start3A_741, %dma_start3A_742] : memref<55296x128xf32, #tpu.memory_space<hbm>> -> memref<55296x128xf32, #tpu.memory_space<hbm>>
            tpu.enqueue_indirect_dma source(%dma_start3A_743 : memref<55296x128xf32, #tpu.memory_space<hbm>>) target(%arg11 : memref<128x128xf32, #tpu.memory_space<vmem>>) offsets(%dma_start3A_740 : memref<128xi32, #tpu.memory_space<vmem>>) semaphore(%arg13 : memref<!tpu.dma_semaphore, #tpu.memory_space<semaphore_mem>>)
            %dma_wait3A = arith.constant 0 : i32
            %dma_wait3A_744 = tpu.memref_slice %arg10[%while3A_718, %dma_wait3A] : memref<41x128xi32, #tpu.memory_space<vmem>> -> memref<1x128xi32, #tpu.memory_space<vmem>>
            %dma_wait3A_745 = tpu.memref_squeeze %dma_wait3A_744 : memref<1x128xi32, #tpu.memory_space<vmem>> -> memref<128xi32, #tpu.memory_space<vmem>>
            %dma_wait3A_746 = arith.constant 0 : i32
            %dma_wait3A_747 = arith.constant 0 : i32
            %dma_wait3A_748 = tpu.memref_slice %arg4[%dma_wait3A_746, %dma_wait3A_747] : memref<55296x128xf32, #tpu.memory_space<hbm>> -> memref<55296x128xf32, #tpu.memory_space<hbm>>
            tpu.wait_indirect_dma semaphore(%arg13 : memref<!tpu.dma_semaphore, #tpu.memory_space<semaphore_mem>>) src(%dma_wait3A_748 : memref<55296x128xf32, #tpu.memory_space<hbm>>) dst(%arg11 : memref<128x128xf32, #tpu.memory_space<vmem>>)
          } else {
          }
          %eq3A_734 = arith.constant 3 : i32
          %eq3A_735 = arith.cmpi eq, %div3A_0, %eq3A_734 : i32
          %convert_element_type3A_736 = arith.extui %eq3A_735 : i1 to i32
          %cond3A_737 = arith.constant 0 : i32
          %cond3A_738 = arith.cmpi ne, %convert_element_type3A_736, %cond3A_737 : i32
          scf.if %cond3A_738 {
            %dma_start3A = arith.constant 0 : i32
            %dma_start3A_739 = tpu.memref_slice %arg10[%while3A_718, %dma_start3A] : memref<41x128xi32, #tpu.memory_space<vmem>> -> memref<1x128xi32, #tpu.memory_space<vmem>>
            %dma_start3A_740 = tpu.memref_squeeze %dma_start3A_739 : memref<1x128xi32, #tpu.memory_space<vmem>> -> memref<128xi32, #tpu.memory_space<vmem>>
            %dma_start3A_741 = arith.constant 0 : i32
            %dma_start3A_742 = arith.constant 0 : i32
            %dma_start3A_743 = tpu.memref_slice %arg5[%dma_start3A_741, %dma_start3A_742] : memref<55296x128xf32, #tpu.memory_space<hbm>> -> memref<55296x128xf32, #tpu.memory_space<hbm>>
            tpu.enqueue_indirect_dma source(%dma_start3A_743 : memref<55296x128xf32, #tpu.memory_space<hbm>>) target(%arg11 : memref<128x128xf32, #tpu.memory_space<vmem>>) offsets(%dma_start3A_740 : memref<128xi32, #tpu.memory_space<vmem>>) semaphore(%arg13 : memref<!tpu.dma_semaphore, #tpu.memory_space<semaphore_mem>>)
            %dma_wait3A = arith.constant 0 : i32
            %dma_wait3A_744 = tpu.memref_slice %arg10[%while3A_718, %dma_wait3A] : memref<41x128xi32, #tpu.memory_space<vmem>> -> memref<1x128xi32, #tpu.memory_space<vmem>>
            %dma_wait3A_745 = tpu.memref_squeeze %dma_wait3A_744 : memref<1x128xi32, #tpu.memory_space<vmem>> -> memref<128xi32, #tpu.memory_space<vmem>>
            %dma_wait3A_746 = arith.constant 0 : i32
            %dma_wait3A_747 = arith.constant 0 : i32
            %dma_wait3A_748 = tpu.memref_slice %arg5[%dma_wait3A_746, %dma_wait3A_747] : memref<55296x128xf32, #tpu.memory_space<hbm>> -> memref<55296x128xf32, #tpu.memory_space<hbm>>
            tpu.wait_indirect_dma semaphore(%arg13 : memref<!tpu.dma_semaphore, #tpu.memory_space<semaphore_mem>>) src(%dma_wait3A_748 : memref<55296x128xf32, #tpu.memory_space<hbm>>) dst(%arg11 : memref<128x128xf32, #tpu.memory_space<vmem>>)
          } else {
          }
          "tpu.region"() ({
            %run_scoped3A = tpu.sem_alloc : memref<!tpu.dma_semaphore, #tpu.memory_space<semaphore_mem>>
            %dma_start3A = arith.constant 0 : i32
            %dma_start3A_739 = tpu.memref_slice %arg9[%while3A_718, %dma_start3A] : memref<41x128xi32, #tpu.memory_space<vmem>> -> memref<1x128xi32, #tpu.memory_space<vmem>>
            %dma_start3A_740 = tpu.memref_squeeze %dma_start3A_739 : memref<1x128xi32, #tpu.memory_space<vmem>> -> memref<128xi32, #tpu.memory_space<vmem>>
            %dma_start3A_741 = arith.constant 0 : i32
            %dma_start3A_742 = arith.constant 0 : i32
            %dma_start3A_743 = tpu.memref_slice %arg12[%dma_start3A_741, %dma_start3A_742] : memref<12544x128xf32, #tpu.memory_space<vmem_shared>> -> memref<12544x128xf32, #tpu.memory_space<vmem_shared>>
            tpu.enqueue_indirect_dma source(%arg11 : memref<128x128xf32, #tpu.memory_space<vmem>>) target(%dma_start3A_743 : memref<12544x128xf32, #tpu.memory_space<vmem_shared>>) offsets(%dma_start3A_740 : memref<128xi32, #tpu.memory_space<vmem>>) semaphore(%run_scoped3A : memref<!tpu.dma_semaphore, #tpu.memory_space<semaphore_mem>>) {add = true}
            %dma_wait3A = arith.constant 0 : i32
            %dma_wait3A_744 = tpu.memref_slice %arg9[%while3A_718, %dma_wait3A] : memref<41x128xi32, #tpu.memory_space<vmem>> -> memref<1x128xi32, #tpu.memory_space<vmem>>
            %dma_wait3A_745 = tpu.memref_squeeze %dma_wait3A_744 : memref<1x128xi32, #tpu.memory_space<vmem>> -> memref<128xi32, #tpu.memory_space<vmem>>
            %dma_wait3A_746 = arith.constant 0 : i32
            %dma_wait3A_747 = arith.constant 0 : i32
            %dma_wait3A_748 = tpu.memref_slice %arg12[%dma_wait3A_746, %dma_wait3A_747] : memref<12544x128xf32, #tpu.memory_space<vmem_shared>> -> memref<12544x128xf32, #tpu.memory_space<vmem_shared>>
            tpu.wait_indirect_dma semaphore(%run_scoped3A : memref<!tpu.dma_semaphore, #tpu.memory_space<semaphore_mem>>) src(%arg11 : memref<128x128xf32, #tpu.memory_space<vmem>>) dst(%dma_wait3A_748 : memref<12544x128xf32, #tpu.memory_space<vmem_shared>>)
            tpu.yield
          }) : () -> ()
        }
        %while3A_715 = arith.constant 1 : i32
        scf.for %while3A_718 = %while3A_713 to %while3A_709 step %while3A_715  : i32 {
          %eq3A_719 = arith.constant 0 : i32
          %eq3A_720 = arith.cmpi eq, %div3A_0, %eq3A_719 : i32
          %convert_element_type3A_721 = arith.extui %eq3A_720 : i1 to i32
          %cond3A_722 = arith.constant 0 : i32
          %cond3A_723 = arith.cmpi ne, %convert_element_type3A_721, %cond3A_722 : i32
          scf.if %cond3A_723 {
            %dma_start3A = arith.constant 0 : i32
            %dma_start3A_739 = tpu.memref_slice %arg10[%while3A_718, %dma_start3A] : memref<41x128xi32, #tpu.memory_space<vmem>> -> memref<1x128xi32, #tpu.memory_space<vmem>>
            %dma_start3A_740 = tpu.memref_squeeze %dma_start3A_739 : memref<1x128xi32, #tpu.memory_space<vmem>> -> memref<128xi32, #tpu.memory_space<vmem>>
            %dma_start3A_741 = arith.constant 0 : i32
            %dma_start3A_742 = arith.constant 0 : i32
            %dma_start3A_743 = tpu.memref_slice %arg2[%dma_start3A_741, %dma_start3A_742] : memref<55296x128xf32, #tpu.memory_space<hbm>> -> memref<55296x128xf32, #tpu.memory_space<hbm>>
            tpu.enqueue_indirect_dma source(%dma_start3A_743 : memref<55296x128xf32, #tpu.memory_space<hbm>>) target(%arg11 : memref<128x128xf32, #tpu.memory_space<vmem>>) offsets(%dma_start3A_740 : memref<128xi32, #tpu.memory_space<vmem>>) semaphore(%arg13 : memref<!tpu.dma_semaphore, #tpu.memory_space<semaphore_mem>>)
            %dma_wait3A = arith.constant 0 : i32
            %dma_wait3A_744 = tpu.memref_slice %arg10[%while3A_718, %dma_wait3A] : memref<41x128xi32, #tpu.memory_space<vmem>> -> memref<1x128xi32, #tpu.memory_space<vmem>>
            %dma_wait3A_745 = tpu.memref_squeeze %dma_wait3A_744 : memref<1x128xi32, #tpu.memory_space<vmem>> -> memref<128xi32, #tpu.memory_space<vmem>>
            %dma_wait3A_746 = arith.constant 0 : i32
            %dma_wait3A_747 = arith.constant 0 : i32
            %dma_wait3A_748 = tpu.memref_slice %arg2[%dma_wait3A_746, %dma_wait3A_747] : memref<55296x128xf32, #tpu.memory_space<hbm>> -> memref<55296x128xf32, #tpu.memory_space<hbm>>
            tpu.wait_indirect_dma semaphore(%arg13 : memref<!tpu.dma_semaphore, #tpu.memory_space<semaphore_mem>>) src(%dma_wait3A_748 : memref<55296x128xf32, #tpu.memory_space<hbm>>) dst(%arg11 : memref<128x128xf32, #tpu.memory_space<vmem>>)
          } else {
          }
          %eq3A_724 = arith.constant 1 : i32
          %eq3A_725 = arith.cmpi eq, %div3A_0, %eq3A_724 : i32
          %convert_element_type3A_726 = arith.extui %eq3A_725 : i1 to i32
          %cond3A_727 = arith.constant 0 : i32
          %cond3A_728 = arith.cmpi ne, %convert_element_type3A_726, %cond3A_727 : i32
          scf.if %cond3A_728 {
            %dma_start3A = arith.constant 0 : i32
            %dma_start3A_739 = tpu.memref_slice %arg10[%while3A_718, %dma_start3A] : memref<41x128xi32, #tpu.memory_space<vmem>> -> memref<1x128xi32, #tpu.memory_space<vmem>>
            %dma_start3A_740 = tpu.memref_squeeze %dma_start3A_739 : memref<1x128xi32, #tpu.memory_space<vmem>> -> memref<128xi32, #tpu.memory_space<vmem>>
            %dma_start3A_741 = arith.constant 0 : i32
            %dma_start3A_742 = arith.constant 0 : i32
            %dma_start3A_743 = tpu.memref_slice %arg3[%dma_start3A_741, %dma_start3A_742] : memref<55296x128xf32, #tpu.memory_space<hbm>> -> memref<55296x128xf32, #tpu.memory_space<hbm>>
            tpu.enqueue_indirect_dma source(%dma_start3A_743 : memref<55296x128xf32, #tpu.memory_space<hbm>>) target(%arg11 : memref<128x128xf32, #tpu.memory_space<vmem>>) offsets(%dma_start3A_740 : memref<128xi32, #tpu.memory_space<vmem>>) semaphore(%arg13 : memref<!tpu.dma_semaphore, #tpu.memory_space<semaphore_mem>>)
            %dma_wait3A = arith.constant 0 : i32
            %dma_wait3A_744 = tpu.memref_slice %arg10[%while3A_718, %dma_wait3A] : memref<41x128xi32, #tpu.memory_space<vmem>> -> memref<1x128xi32, #tpu.memory_space<vmem>>
            %dma_wait3A_745 = tpu.memref_squeeze %dma_wait3A_744 : memref<1x128xi32, #tpu.memory_space<vmem>> -> memref<128xi32, #tpu.memory_space<vmem>>
            %dma_wait3A_746 = arith.constant 0 : i32
            %dma_wait3A_747 = arith.constant 0 : i32
            %dma_wait3A_748 = tpu.memref_slice %arg3[%dma_wait3A_746, %dma_wait3A_747] : memref<55296x128xf32, #tpu.memory_space<hbm>> -> memref<55296x128xf32, #tpu.memory_space<hbm>>
            tpu.wait_indirect_dma semaphore(%arg13 : memref<!tpu.dma_semaphore, #tpu.memory_space<semaphore_mem>>) src(%dma_wait3A_748 : memref<55296x128xf32, #tpu.memory_space<hbm>>) dst(%arg11 : memref<128x128xf32, #tpu.memory_space<vmem>>)
          } else {
          }
          %eq3A_729 = arith.constant 2 : i32
          %eq3A_730 = arith.cmpi eq, %div3A_0, %eq3A_729 : i32
          %convert_element_type3A_731 = arith.extui %eq3A_730 : i1 to i32
          %cond3A_732 = arith.constant 0 : i32
          %cond3A_733 = arith.cmpi ne, %convert_element_type3A_731, %cond3A_732 : i32
          scf.if %cond3A_733 {
            %dma_start3A = arith.constant 0 : i32
            %dma_start3A_739 = tpu.memref_slice %arg10[%while3A_718, %dma_start3A] : memref<41x128xi32, #tpu.memory_space<vmem>> -> memref<1x128xi32, #tpu.memory_space<vmem>>
            %dma_start3A_740 = tpu.memref_squeeze %dma_start3A_739 : memref<1x128xi32, #tpu.memory_space<vmem>> -> memref<128xi32, #tpu.memory_space<vmem>>
            %dma_start3A_741 = arith.constant 0 : i32
            %dma_start3A_742 = arith.constant 0 : i32
            %dma_start3A_743 = tpu.memref_slice %arg4[%dma_start3A_741, %dma_start3A_742] : memref<55296x128xf32, #tpu.memory_space<hbm>> -> memref<55296x128xf32, #tpu.memory_space<hbm>>
            tpu.enqueue_indirect_dma source(%dma_start3A_743 : memref<55296x128xf32, #tpu.memory_space<hbm>>) target(%arg11 : memref<128x128xf32, #tpu.memory_space<vmem>>) offsets(%dma_start3A_740 : memref<128xi32, #tpu.memory_space<vmem>>) semaphore(%arg13 : memref<!tpu.dma_semaphore, #tpu.memory_space<semaphore_mem>>)
            %dma_wait3A = arith.constant 0 : i32
            %dma_wait3A_744 = tpu.memref_slice %arg10[%while3A_718, %dma_wait3A] : memref<41x128xi32, #tpu.memory_space<vmem>> -> memref<1x128xi32, #tpu.memory_space<vmem>>
            %dma_wait3A_745 = tpu.memref_squeeze %dma_wait3A_744 : memref<1x128xi32, #tpu.memory_space<vmem>> -> memref<128xi32, #tpu.memory_space<vmem>>
            %dma_wait3A_746 = arith.constant 0 : i32
            %dma_wait3A_747 = arith.constant 0 : i32
            %dma_wait3A_748 = tpu.memref_slice %arg4[%dma_wait3A_746, %dma_wait3A_747] : memref<55296x128xf32, #tpu.memory_space<hbm>> -> memref<55296x128xf32, #tpu.memory_space<hbm>>
            tpu.wait_indirect_dma semaphore(%arg13 : memref<!tpu.dma_semaphore, #tpu.memory_space<semaphore_mem>>) src(%dma_wait3A_748 : memref<55296x128xf32, #tpu.memory_space<hbm>>) dst(%arg11 : memref<128x128xf32, #tpu.memory_space<vmem>>)
          } else {
          }
          %eq3A_734 = arith.constant 3 : i32
          %eq3A_735 = arith.cmpi eq, %div3A_0, %eq3A_734 : i32
          %convert_element_type3A_736 = arith.extui %eq3A_735 : i1 to i32
          %cond3A_737 = arith.constant 0 : i32
          %cond3A_738 = arith.cmpi ne, %convert_element_type3A_736, %cond3A_737 : i32
          scf.if %cond3A_738 {
            %dma_start3A = arith.constant 0 : i32
            %dma_start3A_739 = tpu.memref_slice %arg10[%while3A_718, %dma_start3A] : memref<41x128xi32, #tpu.memory_space<vmem>> -> memref<1x128xi32, #tpu.memory_space<vmem>>
            %dma_start3A_740 = tpu.memref_squeeze %dma_start3A_739 : memref<1x128xi32, #tpu.memory_space<vmem>> -> memref<128xi32, #tpu.memory_space<vmem>>
            %dma_start3A_741 = arith.constant 0 : i32
            %dma_start3A_742 = arith.constant 0 : i32
            %dma_start3A_743 = tpu.memref_slice %arg5[%dma_start3A_741, %dma_start3A_742] : memref<55296x128xf32, #tpu.memory_space<hbm>> -> memref<55296x128xf32, #tpu.memory_space<hbm>>
            tpu.enqueue_indirect_dma source(%dma_start3A_743 : memref<55296x128xf32, #tpu.memory_space<hbm>>) target(%arg11 : memref<128x128xf32, #tpu.memory_space<vmem>>) offsets(%dma_start3A_740 : memref<128xi32, #tpu.memory_space<vmem>>) semaphore(%arg13 : memref<!tpu.dma_semaphore, #tpu.memory_space<semaphore_mem>>)
            %dma_wait3A = arith.constant 0 : i32
            %dma_wait3A_744 = tpu.memref_slice %arg10[%while3A_718, %dma_wait3A] : memref<41x128xi32, #tpu.memory_space<vmem>> -> memref<1x128xi32, #tpu.memory_space<vmem>>
            %dma_wait3A_745 = tpu.memref_squeeze %dma_wait3A_744 : memref<1x128xi32, #tpu.memory_space<vmem>> -> memref<128xi32, #tpu.memory_space<vmem>>
            %dma_wait3A_746 = arith.constant 0 : i32
            %dma_wait3A_747 = arith.constant 0 : i32
            %dma_wait3A_748 = tpu.memref_slice %arg5[%dma_wait3A_746, %dma_wait3A_747] : memref<55296x128xf32, #tpu.memory_space<hbm>> -> memref<55296x128xf32, #tpu.memory_space<hbm>>
            tpu.wait_indirect_dma semaphore(%arg13 : memref<!tpu.dma_semaphore, #tpu.memory_space<semaphore_mem>>) src(%dma_wait3A_748 : memref<55296x128xf32, #tpu.memory_space<hbm>>) dst(%arg11 : memref<128x128xf32, #tpu.memory_space<vmem>>)
          } else {
          }
          "tpu.region"() ({
            %run_scoped3A = tpu.sem_alloc : memref<!tpu.dma_semaphore, #tpu.memory_space<semaphore_mem>>
            %dma_start3A = arith.constant 0 : i32
            %dma_start3A_739 = tpu.memref_slice %arg9[%while3A_718, %dma_start3A] : memref<41x128xi32, #tpu.memory_space<vmem>> -> memref<1x128xi32, #tpu.memory_space<vmem>>
            %dma_start3A_740 = tpu.memref_squeeze %dma_start3A_739 : memref<1x128xi32, #tpu.memory_space<vmem>> -> memref<128xi32, #tpu.memory_space<vmem>>
            %dma_start3A_741 = arith.constant 0 : i32
            %dma_start3A_742 = arith.constant 0 : i32
            %dma_start3A_743 = tpu.memref_slice %arg12[%dma_start3A_741, %dma_start3A_742] : memref<12544x128xf32, #tpu.memory_space<vmem_shared>> -> memref<12544x128xf32, #tpu.memory_space<vmem_shared>>
            tpu.enqueue_indirect_dma source(%arg11 : memref<128x128xf32, #tpu.memory_space<vmem>>) target(%dma_start3A_743 : memref<12544x128xf32, #tpu.memory_space<vmem_shared>>) offsets(%dma_start3A_740 : memref<128xi32, #tpu.memory_space<vmem>>) semaphore(%run_scoped3A : memref<!tpu.dma_semaphore, #tpu.memory_space<semaphore_mem>>) {add = true}
            %dma_wait3A = arith.constant 0 : i32
            %dma_wait3A_744 = tpu.memref_slice %arg9[%while3A_718, %dma_wait3A] : memref<41x128xi32, #tpu.memory_space<vmem>> -> memref<1x128xi32, #tpu.memory_space<vmem>>
            %dma_wait3A_745 = tpu.memref_squeeze %dma_wait3A_744 : memref<1x128xi32, #tpu.memory_space<vmem>> -> memref<128xi32, #tpu.memory_space<vmem>>
            %dma_wait3A_746 = arith.constant 0 : i32
            %dma_wait3A_747 = arith.constant 0 : i32
            %dma_wait3A_748 = tpu.memref_slice %arg12[%dma_wait3A_746, %dma_wait3A_747] : memref<12544x128xf32, #tpu.memory_space<vmem_shared>> -> memref<12544x128xf32, #tpu.memory_space<vmem_shared>>
            tpu.wait_indirect_dma semaphore(%run_scoped3A : memref<!tpu.dma_semaphore, #tpu.memory_space<semaphore_mem>>) src(%arg11 : memref<128x128xf32, #tpu.memory_space<vmem>>) dst(%dma_wait3A_748 : memref<12544x128xf32, #tpu.memory_space<vmem_shared>>)
            tpu.yield
          }) : () -> ()
        }
        %broadcast_in_dim3A_716 = arith.constant 0 : i32
        %broadcast_in_dim3A_717 = vector.broadcast %broadcast_in_dim3A_716 : i32 to vector<16xi32>
        scf.yield %broadcast_in_dim3A_717 : vector<16xi32>
      } else {
        scf.yield %scan3A_519 : vector<16xi32>
      }
      %mul3A_535 = arith.constant 13824 : i32
      %mul3A_536 = arith.muli %arg1, %mul3A_535 : i32
      %mul3A_537 = arith.constant 1728 : i32
      %mul3A_538 = arith.muli %scan3A_518, %mul3A_537 : i32
      %add3A_539 = arith.addi %mul3A_536, %mul3A_538 : i32
      "tpu.region"() ({
        %run_scoped3A = tpu.sem_alloc : memref<!tpu.dma_semaphore, #tpu.memory_space<semaphore_mem>>
        %dma_start3A = tpu.memref_slice %arg6[%add3A_539] : memref<221184xi32, #tpu.memory_space<hbm>> -> memref<1728xi32, #tpu.memory_space<hbm>>
        %dma_start3A_546 = tpu.memref_slice %arg6[%add3A_539] : memref<221184xi32, #tpu.memory_space<hbm>> -> memref<1728xi32, #tpu.memory_space<hbm>>
        tpu.enqueue_dma source(%dma_start3A_546 : memref<1728xi32, #tpu.memory_space<hbm>>) target(%arg8 : memref<1728xi32, #tpu.memory_space<vmem>>) target_semaphore(%run_scoped3A : memref<!tpu.dma_semaphore, #tpu.memory_space<semaphore_mem>>)
        %dma_wait3A = tpu.memref_slice %arg6[%add3A_539] : memref<221184xi32, #tpu.memory_space<hbm>> -> memref<1728xi32, #tpu.memory_space<hbm>>
        %dma_wait3A_547 = tpu.memref_slice %arg6[%add3A_539] : memref<221184xi32, #tpu.memory_space<hbm>> -> memref<1728xi32, #tpu.memory_space<hbm>>
        tpu.wait_dma2 semaphore(%run_scoped3A : memref<!tpu.dma_semaphore, #tpu.memory_space<semaphore_mem>>) src(%dma_wait3A_547 : memref<1728xi32, #tpu.memory_space<hbm>>) dst(%arg8 : memref<1728xi32, #tpu.memory_space<vmem>>)
        tpu.yield
      }) : () -> ()
      %scan3A_540 = arith.constant 0 : i32
      %scan3A_541 = arith.constant 108 : i32
      %scan3A_542 = arith.addi %scan3A_540, %scan3A_541 : i32
      %scan3A_543 = arith.constant 1 : i32
      %scan3A_544 = scf.for %scan3A_546 = %scan3A_540 to %scan3A_542 step %scan3A_543 iter_args(%scan3A_547 = %cond3A_534) -> (vector<16xi32>)  : i32 {
        %mul3A_548 = arith.constant 16 : i32
        %mul3A_549 = arith.muli %scan3A_546, %mul3A_548 : i32
        %get3A = arith.index_cast %mul3A_549 : i32 to index
        %get3A_550 = tpu.vector_load %arg8[%get3A] {strides = array<i32>} : memref<1728xi32, #tpu.memory_space<vmem>>, vector<16xi32>,
        %sub3A_551 = vector.broadcast %mul3A_7 : i32 to vector<16xi32>
        %sub3A_552 = arith.subi %get3A_550, %sub3A_551 : vector<16xi32>
        %ge3A = arith.constant 0 : i32
        %ge3A_553 = vector.broadcast %ge3A : i32 to vector<16xi32>
        %ge3A_554 = arith.cmpi sge, %sub3A_552, %ge3A_553 : vector<16xi32>
        %lt3A_555 = vector.broadcast %min3A_9 : i32 to vector<16xi32>
        %lt3A_556 = arith.cmpi slt, %sub3A_552, %lt3A_555 : vector<16xi32>
        %and3A_557 = arith.andi %ge3A_554, %lt3A_556 : vector<16xi1>
        %convert_element_type3A_558 = arith.extui %and3A_557 : vector<16xi1> to vector<16xi32>
        %broadcast_in_dim3A_559 = arith.constant true
        %broadcast_in_dim3A_560 = vector.broadcast %broadcast_in_dim3A_559 : i1 to vector<16xi1>
        %masked_cumsum3A = tpu.scan <sum>, %convert_element_type3A_558 masked %broadcast_in_dim3A_560 : vector<16xi32>, vector<16xi1> -> vector<16xi32>
        %add3A_561 = arith.addi %scan3A_547, %masked_cumsum3A : vector<16xi32>
        %sub3A_562 = arith.constant 1 : i32
        %sub3A_563 = vector.broadcast %sub3A_562 : i32 to vector<16xi32>
        %sub3A_564 = arith.subi %add3A_561, %sub3A_563 : vector<16xi32>
        %shift_right_logical3A_565 = arith.constant 7 : i32
        %shift_right_logical3A_566 = vector.broadcast %shift_right_logical3A_565 : i32 to vector<16xi32>
        %shift_right_logical3A_567 = arith.shrui %sub3A_564, %shift_right_logical3A_566 : vector<16xi32>
        %and3A_568 = arith.constant 127 : i32
        %and3A_569 = vector.broadcast %and3A_568 : i32 to vector<16xi32>
        %and3A_570 = arith.andi %sub3A_564, %and3A_569 : vector<16xi32>
        tpu.vector_store_idx %arg9[%shift_right_logical3A_567, %and3A_570], %sub3A_552 masked %and3A_557 : memref<41x128xi32, #tpu.memory_space<vmem>>[vector<16xi32>, vector<16xi32>], vector<16xi32>, vector<16xi1>
        %rem3A_571 = arith.constant 4 : i32
        %rem3A_572 = arith.remsi %arg1, %rem3A_571 : i32
        %mul3A_573 = arith.constant 13824 : i32
        %mul3A_574 = arith.muli %rem3A_572, %mul3A_573 : i32
        %mul3A_575 = arith.constant 1728 : i32
        %mul3A_576 = arith.muli %scan3A_518, %mul3A_575 : i32
        %add3A_577 = arith.addi %mul3A_574, %mul3A_576 : i32
        %add3A_578 = arith.addi %add3A_577, %mul3A_549 : i32
        %add3A_579 = vector.broadcast %add3A_578 : i32 to vector<16xi32>
        %add3A_580 = arith.addi %add3A_579, %iota3A : vector<16xi32>
        tpu.vector_store_idx %arg10[%shift_right_logical3A_567, %and3A_570], %add3A_580 masked %and3A_557 : memref<41x128xi32, #tpu.memory_space<vmem>>[vector<16xi32>, vector<16xi32>], vector<16xi32>, vector<16xi1>
        %all_reduce_population_count3A = tpu.all_reduce %and3A_557 {dim = 0 : i64, kind = #tpu.reduction_kind<sum>} : vector<16xi1> -> vector<16xi32>
        %add3A_581 = arith.addi %scan3A_547, %all_reduce_population_count3A : vector<16xi32>
        scf.yield %add3A_581 : vector<16xi32>
      }
      %scan3A_545 = arith.constant 108 : i32
      scf.yield %scan3A_544 : vector<16xi32>
    }
    %scan3A_26 = arith.constant 8 : i32
    %reduce_max3A = arith.constant true
    %reduce_max3A_27 = vector.broadcast %reduce_max3A : i1 to vector<16xi1>
    %reduce_max3A_28 = arith.constant -2147483648 : i32
    %reduce_max3A_29 = vector.broadcast %reduce_max3A_28 : i32 to vector<16xi32>
    %reduce_max3A_30 = arith.xori %scan3A_25, %reduce_max3A_29 : vector<16xi32>
    %reduce_max3A_31 = tpu.scan <max>, %reduce_max3A_30 masked %reduce_max3A_27 : vector<16xi32>, vector<16xi1> -> vector<16xi32>
    %reduce_max3A_32 = arith.xori %reduce_max3A_31, %reduce_max3A_29 : vector<16xi32>
    %reduce_max3A_33 = vector.extract %reduce_max3A_32[15] : i32 from vector<16xi32>
    %add3A_34 = arith.constant 128 : i32
    %add3A_35 = arith.addi %reduce_max3A_33, %add3A_34 : i32
    %sub3A_36 = arith.constant 1 : i32
    %sub3A_37 = arith.subi %add3A_35, %sub3A_36 : i32
    %and3A = arith.constant -128 : i32
    %and3A_38 = arith.andi %sub3A_37, %and3A : i32
    %add3A_39 = arith.constant 0 : i32
    %add3A_40 = arith.addi %reduce_max3A_33, %add3A_39 : i32
    %add3A_41 = vector.broadcast %add3A_40 : i32 to vector<16xi32>
    %add3A_42 = arith.addi %add3A_41, %iota3A : vector<16xi32>
    %lt3A = vector.broadcast %and3A_38 : i32 to vector<16xi32>
    %lt3A_43 = arith.cmpi slt, %add3A_42, %lt3A : vector<16xi32>
    %shift_right_logical3A = arith.constant 7 : i32
    %shift_right_logical3A_44 = vector.broadcast %shift_right_logical3A : i32 to vector<16xi32>
    %shift_right_logical3A_45 = arith.shrui %add3A_42, %shift_right_logical3A_44 : vector<16xi32>
    %and3A_46 = arith.constant 127 : i32
    %and3A_47 = vector.broadcast %and3A_46 : i32 to vector<16xi32>
    %and3A_48 = arith.andi %add3A_42, %and3A_47 : vector<16xi32>
    %and3A_49 = arith.constant 31 : i32
    %and3A_50 = vector.broadcast %and3A_49 : i32 to vector<16xi32>
    %and3A_51 = arith.andi %add3A_42, %and3A_50 : vector<16xi32>
    %add3A_52 = arith.constant 12512 : i32
    %add3A_53 = vector.broadcast %add3A_52 : i32 to vector<16xi32>
    %add3A_54 = arith.addi %add3A_53, %and3A_51 : vector<16xi32>
    tpu.vector_store_idx %arg9[%shift_right_logical3A_45, %and3A_48], %add3A_54 masked %lt3A_43 : memref<41x128xi32, #tpu.memory_space<vmem>>[vector<16xi32>, vector<16xi32>], vector<16xi32>, vector<16xi1>
    tpu.vector_store_idx %arg10[%shift_right_logical3A_45, %and3A_48], %broadcast_in_dim3A_3 masked %lt3A_43 : memref<41x128xi32, #tpu.memory_space<vmem>>[vector<16xi32>, vector<16xi32>], vector<16xi32>, vector<16xi1>
    %add3A_55 = arith.constant 16 : i32
    %add3A_56 = arith.addi %reduce_max3A_33, %add3A_55 : i32
    %add3A_57 = vector.broadcast %add3A_56 : i32 to vector<16xi32>
    %add3A_58 = arith.addi %add3A_57, %iota3A : vector<16xi32>
    %lt3A_59 = vector.broadcast %and3A_38 : i32 to vector<16xi32>
    %lt3A_60 = arith.cmpi slt, %add3A_58, %lt3A_59 : vector<16xi32>
    %shift_right_logical3A_61 = arith.constant 7 : i32
    %shift_right_logical3A_62 = vector.broadcast %shift_right_logical3A_61 : i32 to vector<16xi32>
    %shift_right_logical3A_63 = arith.shrui %add3A_58, %shift_right_logical3A_62 : vector<16xi32>
    %and3A_64 = arith.constant 127 : i32
    %and3A_65 = vector.broadcast %and3A_64 : i32 to vector<16xi32>
    %and3A_66 = arith.andi %add3A_58, %and3A_65 : vector<16xi32>
    %and3A_67 = arith.constant 31 : i32
    %and3A_68 = vector.broadcast %and3A_67 : i32 to vector<16xi32>
    %and3A_69 = arith.andi %add3A_58, %and3A_68 : vector<16xi32>
    %add3A_70 = arith.constant 12512 : i32
    %add3A_71 = vector.broadcast %add3A_70 : i32 to vector<16xi32>
    %add3A_72 = arith.addi %add3A_71, %and3A_69 : vector<16xi32>
    tpu.vector_store_idx %arg9[%shift_right_logical3A_63, %and3A_66], %add3A_72 masked %lt3A_60 : memref<41x128xi32, #tpu.memory_space<vmem>>[vector<16xi32>, vector<16xi32>], vector<16xi32>, vector<16xi1>
    tpu.vector_store_idx %arg10[%shift_right_logical3A_63, %and3A_66], %broadcast_in_dim3A_3 masked %lt3A_60 : memref<41x128xi32, #tpu.memory_space<vmem>>[vector<16xi32>, vector<16xi32>], vector<16xi32>, vector<16xi1>
    %add3A_73 = arith.constant 32 : i32
    %add3A_74 = arith.addi %reduce_max3A_33, %add3A_73 : i32
    %add3A_75 = vector.broadcast %add3A_74 : i32 to vector<16xi32>
    %add3A_76 = arith.addi %add3A_75, %iota3A : vector<16xi32>
    %lt3A_77 = vector.broadcast %and3A_38 : i32 to vector<16xi32>
    %lt3A_78 = arith.cmpi slt, %add3A_76, %lt3A_77 : vector<16xi32>
    %shift_right_logical3A_79 = arith.constant 7 : i32
    %shift_right_logical3A_80 = vector.broadcast %shift_right_logical3A_79 : i32 to vector<16xi32>
    %shift_right_logical3A_81 = arith.shrui %add3A_76, %shift_right_logical3A_80 : vector<16xi32>
    %and3A_82 = arith.constant 127 : i32
    %and3A_83 = vector.broadcast %and3A_82 : i32 to vector<16xi32>
    %and3A_84 = arith.andi %add3A_76, %and3A_83 : vector<16xi32>
    %and3A_85 = arith.constant 31 : i32
    %and3A_86 = vector.broadcast %and3A_85 : i32 to vector<16xi32>
    %and3A_87 = arith.andi %add3A_76, %and3A_86 : vector<16xi32>
    %add3A_88 = arith.constant 12512 : i32
    %add3A_89 = vector.broadcast %add3A_88 : i32 to vector<16xi32>
    %add3A_90 = arith.addi %add3A_89, %and3A_87 : vector<16xi32>
    tpu.vector_store_idx %arg9[%shift_right_logical3A_81, %and3A_84], %add3A_90 masked %lt3A_78 : memref<41x128xi32, #tpu.memory_space<vmem>>[vector<16xi32>, vector<16xi32>], vector<16xi32>, vector<16xi1>
    tpu.vector_store_idx %arg10[%shift_right_logical3A_81, %and3A_84], %broadcast_in_dim3A_3 masked %lt3A_78 : memref<41x128xi32, #tpu.memory_space<vmem>>[vector<16xi32>, vector<16xi32>], vector<16xi32>, vector<16xi1>
    %add3A_91 = arith.constant 48 : i32
    %add3A_92 = arith.addi %reduce_max3A_33, %add3A_91 : i32
    %add3A_93 = vector.broadcast %add3A_92 : i32 to vector<16xi32>
    %add3A_94 = arith.addi %add3A_93, %iota3A : vector<16xi32>
    %lt3A_95 = vector.broadcast %and3A_38 : i32 to vector<16xi32>
    %lt3A_96 = arith.cmpi slt, %add3A_94, %lt3A_95 : vector<16xi32>
    %shift_right_logical3A_97 = arith.constant 7 : i32
    %shift_right_logical3A_98 = vector.broadcast %shift_right_logical3A_97 : i32 to vector<16xi32>
    %shift_right_logical3A_99 = arith.shrui %add3A_94, %shift_right_logical3A_98 : vector<16xi32>
    %and3A_100 = arith.constant 127 : i32
    %and3A_101 = vector.broadcast %and3A_100 : i32 to vector<16xi32>
    %and3A_102 = arith.andi %add3A_94, %and3A_101 : vector<16xi32>
    %and3A_103 = arith.constant 31 : i32
    %and3A_104 = vector.broadcast %and3A_103 : i32 to vector<16xi32>
    %and3A_105 = arith.andi %add3A_94, %and3A_104 : vector<16xi32>
    %add3A_106 = arith.constant 12512 : i32
    %add3A_107 = vector.broadcast %add3A_106 : i32 to vector<16xi32>
    %add3A_108 = arith.addi %add3A_107, %and3A_105 : vector<16xi32>
    tpu.vector_store_idx %arg9[%shift_right_logical3A_99, %and3A_102], %add3A_108 masked %lt3A_96 : memref<41x128xi32, #tpu.memory_space<vmem>>[vector<16xi32>, vector<16xi32>], vector<16xi32>, vector<16xi1>
    tpu.vector_store_idx %arg10[%shift_right_logical3A_99, %and3A_102], %broadcast_in_dim3A_3 masked %lt3A_96 : memref<41x128xi32, #tpu.memory_space<vmem>>[vector<16xi32>, vector<16xi32>], vector<16xi32>, vector<16xi1>
    %add3A_109 = arith.constant 64 : i32
    %add3A_110 = arith.addi %reduce_max3A_33, %add3A_109 : i32
    %add3A_111 = vector.broadcast %add3A_110 : i32 to vector<16xi32>
    %add3A_112 = arith.addi %add3A_111, %iota3A : vector<16xi32>
    %lt3A_113 = vector.broadcast %and3A_38 : i32 to vector<16xi32>
    %lt3A_114 = arith.cmpi slt, %add3A_112, %lt3A_113 : vector<16xi32>
    %shift_right_logical3A_115 = arith.constant 7 : i32
    %shift_right_logical3A_116 = vector.broadcast %shift_right_logical3A_115 : i32 to vector<16xi32>
    %shift_right_logical3A_117 = arith.shrui %add3A_112, %shift_right_logical3A_116 : vector<16xi32>
    %and3A_118 = arith.constant 127 : i32
    %and3A_119 = vector.broadcast %and3A_118 : i32 to vector<16xi32>
    %and3A_120 = arith.andi %add3A_112, %and3A_119 : vector<16xi32>
    %and3A_121 = arith.constant 31 : i32
    %and3A_122 = vector.broadcast %and3A_121 : i32 to vector<16xi32>
    %and3A_123 = arith.andi %add3A_112, %and3A_122 : vector<16xi32>
    %add3A_124 = arith.constant 12512 : i32
    %add3A_125 = vector.broadcast %add3A_124 : i32 to vector<16xi32>
    %add3A_126 = arith.addi %add3A_125, %and3A_123 : vector<16xi32>
    tpu.vector_store_idx %arg9[%shift_right_logical3A_117, %and3A_120], %add3A_126 masked %lt3A_114 : memref<41x128xi32, #tpu.memory_space<vmem>>[vector<16xi32>, vector<16xi32>], vector<16xi32>, vector<16xi1>
    tpu.vector_store_idx %arg10[%shift_right_logical3A_117, %and3A_120], %broadcast_in_dim3A_3 masked %lt3A_114 : memref<41x128xi32, #tpu.memory_space<vmem>>[vector<16xi32>, vector<16xi32>], vector<16xi32>, vector<16xi1>
    %add3A_127 = arith.constant 80 : i32
    %add3A_128 = arith.addi %reduce_max3A_33, %add3A_127 : i32
    %add3A_129 = vector.broadcast %add3A_128 : i32 to vector<16xi32>
    %add3A_130 = arith.addi %add3A_129, %iota3A : vector<16xi32>
    %lt3A_131 = vector.broadcast %and3A_38 : i32 to vector<16xi32>
    %lt3A_132 = arith.cmpi slt, %add3A_130, %lt3A_131 : vector<16xi32>
    %shift_right_logical3A_133 = arith.constant 7 : i32
    %shift_right_logical3A_134 = vector.broadcast %shift_right_logical3A_133 : i32 to vector<16xi32>
    %shift_right_logical3A_135 = arith.shrui %add3A_130, %shift_right_logical3A_134 : vector<16xi32>
    %and3A_136 = arith.constant 127 : i32
    %and3A_137 = vector.broadcast %and3A_136 : i32 to vector<16xi32>
    %and3A_138 = arith.andi %add3A_130, %and3A_137 : vector<16xi32>
    %and3A_139 = arith.constant 31 : i32
    %and3A_140 = vector.broadcast %and3A_139 : i32 to vector<16xi32>
    %and3A_141 = arith.andi %add3A_130, %and3A_140 : vector<16xi32>
    %add3A_142 = arith.constant 12512 : i32
    %add3A_143 = vector.broadcast %add3A_142 : i32 to vector<16xi32>
    %add3A_144 = arith.addi %add3A_143, %and3A_141 : vector<16xi32>
    tpu.vector_store_idx %arg9[%shift_right_logical3A_135, %and3A_138], %add3A_144 masked %lt3A_132 : memref<41x128xi32, #tpu.memory_space<vmem>>[vector<16xi32>, vector<16xi32>], vector<16xi32>, vector<16xi1>
    tpu.vector_store_idx %arg10[%shift_right_logical3A_135, %and3A_138], %broadcast_in_dim3A_3 masked %lt3A_132 : memref<41x128xi32, #tpu.memory_space<vmem>>[vector<16xi32>, vector<16xi32>], vector<16xi32>, vector<16xi1>
    %add3A_145 = arith.constant 96 : i32
    %add3A_146 = arith.addi %reduce_max3A_33, %add3A_145 : i32
    %add3A_147 = vector.broadcast %add3A_146 : i32 to vector<16xi32>
    %add3A_148 = arith.addi %add3A_147, %iota3A : vector<16xi32>
    %lt3A_149 = vector.broadcast %and3A_38 : i32 to vector<16xi32>
    %lt3A_150 = arith.cmpi slt, %add3A_148, %lt3A_149 : vector<16xi32>
    %shift_right_logical3A_151 = arith.constant 7 : i32
    %shift_right_logical3A_152 = vector.broadcast %shift_right_logical3A_151 : i32 to vector<16xi32>
    %shift_right_logical3A_153 = arith.shrui %add3A_148, %shift_right_logical3A_152 : vector<16xi32>
    %and3A_154 = arith.constant 127 : i32
    %and3A_155 = vector.broadcast %and3A_154 : i32 to vector<16xi32>
    %and3A_156 = arith.andi %add3A_148, %and3A_155 : vector<16xi32>
    %and3A_157 = arith.constant 31 : i32
    %and3A_158 = vector.broadcast %and3A_157 : i32 to vector<16xi32>
    %and3A_159 = arith.andi %add3A_148, %and3A_158 : vector<16xi32>
    %add3A_160 = arith.constant 12512 : i32
    %add3A_161 = vector.broadcast %add3A_160 : i32 to vector<16xi32>
    %add3A_162 = arith.addi %add3A_161, %and3A_159 : vector<16xi32>
    tpu.vector_store_idx %arg9[%shift_right_logical3A_153, %and3A_156], %add3A_162 masked %lt3A_150 : memref<41x128xi32, #tpu.memory_space<vmem>>[vector<16xi32>, vector<16xi32>], vector<16xi32>, vector<16xi1>
    tpu.vector_store_idx %arg10[%shift_right_logical3A_153, %and3A_156], %broadcast_in_dim3A_3 masked %lt3A_150 : memref<41x128xi32, #tpu.memory_space<vmem>>[vector<16xi32>, vector<16xi32>], vector<16xi32>, vector<16xi1>
    %add3A_163 = arith.constant 112 : i32
    %add3A_164 = arith.addi %reduce_max3A_33, %add3A_163 : i32
    %add3A_165 = vector.broadcast %add3A_164 : i32 to vector<16xi32>
    %add3A_166 = arith.addi %add3A_165, %iota3A : vector<16xi32>
    %lt3A_167 = vector.broadcast %and3A_38 : i32 to vector<16xi32>
    %lt3A_168 = arith.cmpi slt, %add3A_166, %lt3A_167 : vector<16xi32>
    %shift_right_logical3A_169 = arith.constant 7 : i32
    %shift_right_logical3A_170 = vector.broadcast %shift_right_logical3A_169 : i32 to vector<16xi32>
    %shift_right_logical3A_171 = arith.shrui %add3A_166, %shift_right_logical3A_170 : vector<16xi32>
    %and3A_172 = arith.constant 127 : i32
    %and3A_173 = vector.broadcast %and3A_172 : i32 to vector<16xi32>
    %and3A_174 = arith.andi %add3A_166, %and3A_173 : vector<16xi32>
    %and3A_175 = arith.constant 31 : i32
    %and3A_176 = vector.broadcast %and3A_175 : i32 to vector<16xi32>
    %and3A_177 = arith.andi %add3A_166, %and3A_176 : vector<16xi32>
    %add3A_178 = arith.constant 12512 : i32
    %add3A_179 = vector.broadcast %add3A_178 : i32 to vector<16xi32>
    %add3A_180 = arith.addi %add3A_179, %and3A_177 : vector<16xi32>
    tpu.vector_store_idx %arg9[%shift_right_logical3A_171, %and3A_174], %add3A_180 masked %lt3A_168 : memref<41x128xi32, #tpu.memory_space<vmem>>[vector<16xi32>, vector<16xi32>], vector<16xi32>, vector<16xi1>
    tpu.vector_store_idx %arg10[%shift_right_logical3A_171, %and3A_174], %broadcast_in_dim3A_3 masked %lt3A_168 : memref<41x128xi32, #tpu.memory_space<vmem>>[vector<16xi32>, vector<16xi32>], vector<16xi32>, vector<16xi1>
    %shift_right_logical3A_181 = arith.constant 7 : i32
    %shift_right_logical3A_182 = arith.shrui %and3A_38, %shift_right_logical3A_181 : i32
    %while3A = arith.constant 0 : i32
    %while3A_183 = arith.constant 0 : i32
    %while3A_184 = arith.subi %shift_right_logical3A_182, %while3A_183 : i32
    %while3A_185 = arith.addi %while3A_183, %while3A_184 : i32
    %while3A_186 = arith.constant 1 : i32
    %while3A_187 = arith.divsi %while3A_184, %while3A_186 : i32
    %while3A_188 = arith.muli %while3A_187, %while3A_186 : i32
    %while3A_189 = arith.addi %while3A_183, %while3A_188 : i32
    %while3A_190 = arith.constant 1 : i32
    scf.for %while3A_518 = %while3A_183 to %while3A_189 step %while3A_190  : i32 {
      %eq3A_519 = arith.constant 0 : i32
      %eq3A_520 = arith.cmpi eq, %div3A_0, %eq3A_519 : i32
      %convert_element_type3A_521 = arith.extui %eq3A_520 : i1 to i32
      %cond3A_522 = arith.constant 0 : i32
      %cond3A_523 = arith.cmpi ne, %convert_element_type3A_521, %cond3A_522 : i32
      scf.if %cond3A_523 {
        %dma_start3A = arith.constant 0 : i32
        %dma_start3A_539 = tpu.memref_slice %arg10[%while3A_518, %dma_start3A] : memref<41x128xi32, #tpu.memory_space<vmem>> -> memref<1x128xi32, #tpu.memory_space<vmem>>
        %dma_start3A_540 = tpu.memref_squeeze %dma_start3A_539 : memref<1x128xi32, #tpu.memory_space<vmem>> -> memref<128xi32, #tpu.memory_space<vmem>>
        %dma_start3A_541 = arith.constant 0 : i32
        %dma_start3A_542 = arith.constant 0 : i32
        %dma_start3A_543 = tpu.memref_slice %arg2[%dma_start3A_541, %dma_start3A_542] : memref<55296x128xf32, #tpu.memory_space<hbm>> -> memref<55296x128xf32, #tpu.memory_space<hbm>>
        tpu.enqueue_indirect_dma source(%dma_start3A_543 : memref<55296x128xf32, #tpu.memory_space<hbm>>) target(%arg11 : memref<128x128xf32, #tpu.memory_space<vmem>>) offsets(%dma_start3A_540 : memref<128xi32, #tpu.memory_space<vmem>>) semaphore(%arg13 : memref<!tpu.dma_semaphore, #tpu.memory_space<semaphore_mem>>)
        %dma_wait3A = arith.constant 0 : i32
        %dma_wait3A_544 = tpu.memref_slice %arg10[%while3A_518, %dma_wait3A] : memref<41x128xi32, #tpu.memory_space<vmem>> -> memref<1x128xi32, #tpu.memory_space<vmem>>
        %dma_wait3A_545 = tpu.memref_squeeze %dma_wait3A_544 : memref<1x128xi32, #tpu.memory_space<vmem>> -> memref<128xi32, #tpu.memory_space<vmem>>
        %dma_wait3A_546 = arith.constant 0 : i32
        %dma_wait3A_547 = arith.constant 0 : i32
        %dma_wait3A_548 = tpu.memref_slice %arg2[%dma_wait3A_546, %dma_wait3A_547] : memref<55296x128xf32, #tpu.memory_space<hbm>> -> memref<55296x128xf32, #tpu.memory_space<hbm>>
        tpu.wait_indirect_dma semaphore(%arg13 : memref<!tpu.dma_semaphore, #tpu.memory_space<semaphore_mem>>) src(%dma_wait3A_548 : memref<55296x128xf32, #tpu.memory_space<hbm>>) dst(%arg11 : memref<128x128xf32, #tpu.memory_space<vmem>>)
      } else {
      }
      %eq3A_524 = arith.constant 1 : i32
      %eq3A_525 = arith.cmpi eq, %div3A_0, %eq3A_524 : i32
      %convert_element_type3A_526 = arith.extui %eq3A_525 : i1 to i32
      %cond3A_527 = arith.constant 0 : i32
      %cond3A_528 = arith.cmpi ne, %convert_element_type3A_526, %cond3A_527 : i32
      scf.if %cond3A_528 {
        %dma_start3A = arith.constant 0 : i32
        %dma_start3A_539 = tpu.memref_slice %arg10[%while3A_518, %dma_start3A] : memref<41x128xi32, #tpu.memory_space<vmem>> -> memref<1x128xi32, #tpu.memory_space<vmem>>
        %dma_start3A_540 = tpu.memref_squeeze %dma_start3A_539 : memref<1x128xi32, #tpu.memory_space<vmem>> -> memref<128xi32, #tpu.memory_space<vmem>>
        %dma_start3A_541 = arith.constant 0 : i32
        %dma_start3A_542 = arith.constant 0 : i32
        %dma_start3A_543 = tpu.memref_slice %arg3[%dma_start3A_541, %dma_start3A_542] : memref<55296x128xf32, #tpu.memory_space<hbm>> -> memref<55296x128xf32, #tpu.memory_space<hbm>>
        tpu.enqueue_indirect_dma source(%dma_start3A_543 : memref<55296x128xf32, #tpu.memory_space<hbm>>) target(%arg11 : memref<128x128xf32, #tpu.memory_space<vmem>>) offsets(%dma_start3A_540 : memref<128xi32, #tpu.memory_space<vmem>>) semaphore(%arg13 : memref<!tpu.dma_semaphore, #tpu.memory_space<semaphore_mem>>)
        %dma_wait3A = arith.constant 0 : i32
        %dma_wait3A_544 = tpu.memref_slice %arg10[%while3A_518, %dma_wait3A] : memref<41x128xi32, #tpu.memory_space<vmem>> -> memref<1x128xi32, #tpu.memory_space<vmem>>
        %dma_wait3A_545 = tpu.memref_squeeze %dma_wait3A_544 : memref<1x128xi32, #tpu.memory_space<vmem>> -> memref<128xi32, #tpu.memory_space<vmem>>
        %dma_wait3A_546 = arith.constant 0 : i32
        %dma_wait3A_547 = arith.constant 0 : i32
        %dma_wait3A_548 = tpu.memref_slice %arg3[%dma_wait3A_546, %dma_wait3A_547] : memref<55296x128xf32, #tpu.memory_space<hbm>> -> memref<55296x128xf32, #tpu.memory_space<hbm>>
        tpu.wait_indirect_dma semaphore(%arg13 : memref<!tpu.dma_semaphore, #tpu.memory_space<semaphore_mem>>) src(%dma_wait3A_548 : memref<55296x128xf32, #tpu.memory_space<hbm>>) dst(%arg11 : memref<128x128xf32, #tpu.memory_space<vmem>>)
      } else {
      }
      %eq3A_529 = arith.constant 2 : i32
      %eq3A_530 = arith.cmpi eq, %div3A_0, %eq3A_529 : i32
      %convert_element_type3A_531 = arith.extui %eq3A_530 : i1 to i32
      %cond3A_532 = arith.constant 0 : i32
      %cond3A_533 = arith.cmpi ne, %convert_element_type3A_531, %cond3A_532 : i32
      scf.if %cond3A_533 {
        %dma_start3A = arith.constant 0 : i32
        %dma_start3A_539 = tpu.memref_slice %arg10[%while3A_518, %dma_start3A] : memref<41x128xi32, #tpu.memory_space<vmem>> -> memref<1x128xi32, #tpu.memory_space<vmem>>
        %dma_start3A_540 = tpu.memref_squeeze %dma_start3A_539 : memref<1x128xi32, #tpu.memory_space<vmem>> -> memref<128xi32, #tpu.memory_space<vmem>>
        %dma_start3A_541 = arith.constant 0 : i32
        %dma_start3A_542 = arith.constant 0 : i32
        %dma_start3A_543 = tpu.memref_slice %arg4[%dma_start3A_541, %dma_start3A_542] : memref<55296x128xf32, #tpu.memory_space<hbm>> -> memref<55296x128xf32, #tpu.memory_space<hbm>>
        tpu.enqueue_indirect_dma source(%dma_start3A_543 : memref<55296x128xf32, #tpu.memory_space<hbm>>) target(%arg11 : memref<128x128xf32, #tpu.memory_space<vmem>>) offsets(%dma_start3A_540 : memref<128xi32, #tpu.memory_space<vmem>>) semaphore(%arg13 : memref<!tpu.dma_semaphore, #tpu.memory_space<semaphore_mem>>)
        %dma_wait3A = arith.constant 0 : i32
        %dma_wait3A_544 = tpu.memref_slice %arg10[%while3A_518, %dma_wait3A] : memref<41x128xi32, #tpu.memory_space<vmem>> -> memref<1x128xi32, #tpu.memory_space<vmem>>
        %dma_wait3A_545 = tpu.memref_squeeze %dma_wait3A_544 : memref<1x128xi32, #tpu.memory_space<vmem>> -> memref<128xi32, #tpu.memory_space<vmem>>
        %dma_wait3A_546 = arith.constant 0 : i32
        %dma_wait3A_547 = arith.constant 0 : i32
        %dma_wait3A_548 = tpu.memref_slice %arg4[%dma_wait3A_546, %dma_wait3A_547] : memref<55296x128xf32, #tpu.memory_space<hbm>> -> memref<55296x128xf32, #tpu.memory_space<hbm>>
        tpu.wait_indirect_dma semaphore(%arg13 : memref<!tpu.dma_semaphore, #tpu.memory_space<semaphore_mem>>) src(%dma_wait3A_548 : memref<55296x128xf32, #tpu.memory_space<hbm>>) dst(%arg11 : memref<128x128xf32, #tpu.memory_space<vmem>>)
      } else {
      }
      %eq3A_534 = arith.constant 3 : i32
      %eq3A_535 = arith.cmpi eq, %div3A_0, %eq3A_534 : i32
      %convert_element_type3A_536 = arith.extui %eq3A_535 : i1 to i32
      %cond3A_537 = arith.constant 0 : i32
      %cond3A_538 = arith.cmpi ne, %convert_element_type3A_536, %cond3A_537 : i32
      scf.if %cond3A_538 {
        %dma_start3A = arith.constant 0 : i32
        %dma_start3A_539 = tpu.memref_slice %arg10[%while3A_518, %dma_start3A] : memref<41x128xi32, #tpu.memory_space<vmem>> -> memref<1x128xi32, #tpu.memory_space<vmem>>
        %dma_start3A_540 = tpu.memref_squeeze %dma_start3A_539 : memref<1x128xi32, #tpu.memory_space<vmem>> -> memref<128xi32, #tpu.memory_space<vmem>>
        %dma_start3A_541 = arith.constant 0 : i32
        %dma_start3A_542 = arith.constant 0 : i32
        %dma_start3A_543 = tpu.memref_slice %arg5[%dma_start3A_541, %dma_start3A_542] : memref<55296x128xf32, #tpu.memory_space<hbm>> -> memref<55296x128xf32, #tpu.memory_space<hbm>>
        tpu.enqueue_indirect_dma source(%dma_start3A_543 : memref<55296x128xf32, #tpu.memory_space<hbm>>) target(%arg11 : memref<128x128xf32, #tpu.memory_space<vmem>>) offsets(%dma_start3A_540 : memref<128xi32, #tpu.memory_space<vmem>>) semaphore(%arg13 : memref<!tpu.dma_semaphore, #tpu.memory_space<semaphore_mem>>)
        %dma_wait3A = arith.constant 0 : i32
        %dma_wait3A_544 = tpu.memref_slice %arg10[%while3A_518, %dma_wait3A] : memref<41x128xi32, #tpu.memory_space<vmem>> -> memref<1x128xi32, #tpu.memory_space<vmem>>
        %dma_wait3A_545 = tpu.memref_squeeze %dma_wait3A_544 : memref<1x128xi32, #tpu.memory_space<vmem>> -> memref<128xi32, #tpu.memory_space<vmem>>
        %dma_wait3A_546 = arith.constant 0 : i32
        %dma_wait3A_547 = arith.constant 0 : i32
        %dma_wait3A_548 = tpu.memref_slice %arg5[%dma_wait3A_546, %dma_wait3A_547] : memref<55296x128xf32, #tpu.memory_space<hbm>> -> memref<55296x128xf32, #tpu.memory_space<hbm>>
        tpu.wait_indirect_dma semaphore(%arg13 : memref<!tpu.dma_semaphore, #tpu.memory_space<semaphore_mem>>) src(%dma_wait3A_548 : memref<55296x128xf32, #tpu.memory_space<hbm>>) dst(%arg11 : memref<128x128xf32, #tpu.memory_space<vmem>>)
      } else {
      }
      "tpu.region"() ({
        %run_scoped3A = tpu.sem_alloc : memref<!tpu.dma_semaphore, #tpu.memory_space<semaphore_mem>>
        %dma_start3A = arith.constant 0 : i32
        %dma_start3A_539 = tpu.memref_slice %arg9[%while3A_518, %dma_start3A] : memref<41x128xi32, #tpu.memory_space<vmem>> -> memref<1x128xi32, #tpu.memory_space<vmem>>
        %dma_start3A_540 = tpu.memref_squeeze %dma_start3A_539 : memref<1x128xi32, #tpu.memory_space<vmem>> -> memref<128xi32, #tpu.memory_space<vmem>>
        %dma_start3A_541 = arith.constant 0 : i32
        %dma_start3A_542 = arith.constant 0 : i32
        %dma_start3A_543 = tpu.memref_slice %arg12[%dma_start3A_541, %dma_start3A_542] : memref<12544x128xf32, #tpu.memory_space<vmem_shared>> -> memref<12544x128xf32, #tpu.memory_space<vmem_shared>>
        tpu.enqueue_indirect_dma source(%arg11 : memref<128x128xf32, #tpu.memory_space<vmem>>) target(%dma_start3A_543 : memref<12544x128xf32, #tpu.memory_space<vmem_shared>>) offsets(%dma_start3A_540 : memref<128xi32, #tpu.memory_space<vmem>>) semaphore(%run_scoped3A : memref<!tpu.dma_semaphore, #tpu.memory_space<semaphore_mem>>) {add = true}
        %dma_wait3A = arith.constant 0 : i32
        %dma_wait3A_544 = tpu.memref_slice %arg9[%while3A_518, %dma_wait3A] : memref<41x128xi32, #tpu.memory_space<vmem>> -> memref<1x128xi32, #tpu.memory_space<vmem>>
        %dma_wait3A_545 = tpu.memref_squeeze %dma_wait3A_544 : memref<1x128xi32, #tpu.memory_space<vmem>> -> memref<128xi32, #tpu.memory_space<vmem>>
        %dma_wait3A_546 = arith.constant 0 : i32
        %dma_wait3A_547 = arith.constant 0 : i32
        %dma_wait3A_548 = tpu.memref_slice %arg12[%dma_wait3A_546, %dma_wait3A_547] : memref<12544x128xf32, #tpu.memory_space<vmem_shared>> -> memref<12544x128xf32, #tpu.memory_space<vmem_shared>>
        tpu.wait_indirect_dma semaphore(%run_scoped3A : memref<!tpu.dma_semaphore, #tpu.memory_space<semaphore_mem>>) src(%arg11 : memref<128x128xf32, #tpu.memory_space<vmem>>) dst(%dma_wait3A_548 : memref<12544x128xf32, #tpu.memory_space<vmem_shared>>)
        tpu.yield
      }) : () -> ()
    }
    %while3A_191 = arith.constant 1 : i32
    scf.for %while3A_518 = %while3A_189 to %while3A_185 step %while3A_191  : i32 {
      %eq3A_519 = arith.constant 0 : i32
      %eq3A_520 = arith.cmpi eq, %div3A_0, %eq3A_519 : i32
      %convert_element_type3A_521 = arith.extui %eq3A_520 : i1 to i32
      %cond3A_522 = arith.constant 0 : i32
      %cond3A_523 = arith.cmpi ne, %convert_element_type3A_521, %cond3A_522 : i32
      scf.if %cond3A_523 {
        %dma_start3A = arith.constant 0 : i32
        %dma_start3A_539 = tpu.memref_slice %arg10[%while3A_518, %dma_start3A] : memref<41x128xi32, #tpu.memory_space<vmem>> -> memref<1x128xi32, #tpu.memory_space<vmem>>
        %dma_start3A_540 = tpu.memref_squeeze %dma_start3A_539 : memref<1x128xi32, #tpu.memory_space<vmem>> -> memref<128xi32, #tpu.memory_space<vmem>>
        %dma_start3A_541 = arith.constant 0 : i32
        %dma_start3A_542 = arith.constant 0 : i32
        %dma_start3A_543 = tpu.memref_slice %arg2[%dma_start3A_541, %dma_start3A_542] : memref<55296x128xf32, #tpu.memory_space<hbm>> -> memref<55296x128xf32, #tpu.memory_space<hbm>>
        tpu.enqueue_indirect_dma source(%dma_start3A_543 : memref<55296x128xf32, #tpu.memory_space<hbm>>) target(%arg11 : memref<128x128xf32, #tpu.memory_space<vmem>>) offsets(%dma_start3A_540 : memref<128xi32, #tpu.memory_space<vmem>>) semaphore(%arg13 : memref<!tpu.dma_semaphore, #tpu.memory_space<semaphore_mem>>)
        %dma_wait3A = arith.constant 0 : i32
        %dma_wait3A_544 = tpu.memref_slice %arg10[%while3A_518, %dma_wait3A] : memref<41x128xi32, #tpu.memory_space<vmem>> -> memref<1x128xi32, #tpu.memory_space<vmem>>
        %dma_wait3A_545 = tpu.memref_squeeze %dma_wait3A_544 : memref<1x128xi32, #tpu.memory_space<vmem>> -> memref<128xi32, #tpu.memory_space<vmem>>
        %dma_wait3A_546 = arith.constant 0 : i32
        %dma_wait3A_547 = arith.constant 0 : i32
        %dma_wait3A_548 = tpu.memref_slice %arg2[%dma_wait3A_546, %dma_wait3A_547] : memref<55296x128xf32, #tpu.memory_space<hbm>> -> memref<55296x128xf32, #tpu.memory_space<hbm>>
        tpu.wait_indirect_dma semaphore(%arg13 : memref<!tpu.dma_semaphore, #tpu.memory_space<semaphore_mem>>) src(%dma_wait3A_548 : memref<55296x128xf32, #tpu.memory_space<hbm>>) dst(%arg11 : memref<128x128xf32, #tpu.memory_space<vmem>>)
      } else {
      }
      %eq3A_524 = arith.constant 1 : i32
      %eq3A_525 = arith.cmpi eq, %div3A_0, %eq3A_524 : i32
      %convert_element_type3A_526 = arith.extui %eq3A_525 : i1 to i32
      %cond3A_527 = arith.constant 0 : i32
      %cond3A_528 = arith.cmpi ne, %convert_element_type3A_526, %cond3A_527 : i32
      scf.if %cond3A_528 {
        %dma_start3A = arith.constant 0 : i32
        %dma_start3A_539 = tpu.memref_slice %arg10[%while3A_518, %dma_start3A] : memref<41x128xi32, #tpu.memory_space<vmem>> -> memref<1x128xi32, #tpu.memory_space<vmem>>
        %dma_start3A_540 = tpu.memref_squeeze %dma_start3A_539 : memref<1x128xi32, #tpu.memory_space<vmem>> -> memref<128xi32, #tpu.memory_space<vmem>>
        %dma_start3A_541 = arith.constant 0 : i32
        %dma_start3A_542 = arith.constant 0 : i32
        %dma_start3A_543 = tpu.memref_slice %arg3[%dma_start3A_541, %dma_start3A_542] : memref<55296x128xf32, #tpu.memory_space<hbm>> -> memref<55296x128xf32, #tpu.memory_space<hbm>>
        tpu.enqueue_indirect_dma source(%dma_start3A_543 : memref<55296x128xf32, #tpu.memory_space<hbm>>) target(%arg11 : memref<128x128xf32, #tpu.memory_space<vmem>>) offsets(%dma_start3A_540 : memref<128xi32, #tpu.memory_space<vmem>>) semaphore(%arg13 : memref<!tpu.dma_semaphore, #tpu.memory_space<semaphore_mem>>)
        %dma_wait3A = arith.constant 0 : i32
        %dma_wait3A_544 = tpu.memref_slice %arg10[%while3A_518, %dma_wait3A] : memref<41x128xi32, #tpu.memory_space<vmem>> -> memref<1x128xi32, #tpu.memory_space<vmem>>
        %dma_wait3A_545 = tpu.memref_squeeze %dma_wait3A_544 : memref<1x128xi32, #tpu.memory_space<vmem>> -> memref<128xi32, #tpu.memory_space<vmem>>
        %dma_wait3A_546 = arith.constant 0 : i32
        %dma_wait3A_547 = arith.constant 0 : i32
        %dma_wait3A_548 = tpu.memref_slice %arg3[%dma_wait3A_546, %dma_wait3A_547] : memref<55296x128xf32, #tpu.memory_space<hbm>> -> memref<55296x128xf32, #tpu.memory_space<hbm>>
        tpu.wait_indirect_dma semaphore(%arg13 : memref<!tpu.dma_semaphore, #tpu.memory_space<semaphore_mem>>) src(%dma_wait3A_548 : memref<55296x128xf32, #tpu.memory_space<hbm>>) dst(%arg11 : memref<128x128xf32, #tpu.memory_space<vmem>>)
      } else {
      }
      %eq3A_529 = arith.constant 2 : i32
      %eq3A_530 = arith.cmpi eq, %div3A_0, %eq3A_529 : i32
      %convert_element_type3A_531 = arith.extui %eq3A_530 : i1 to i32
      %cond3A_532 = arith.constant 0 : i32
      %cond3A_533 = arith.cmpi ne, %convert_element_type3A_531, %cond3A_532 : i32
      scf.if %cond3A_533 {
        %dma_start3A = arith.constant 0 : i32
        %dma_start3A_539 = tpu.memref_slice %arg10[%while3A_518, %dma_start3A] : memref<41x128xi32, #tpu.memory_space<vmem>> -> memref<1x128xi32, #tpu.memory_space<vmem>>
        %dma_start3A_540 = tpu.memref_squeeze %dma_start3A_539 : memref<1x128xi32, #tpu.memory_space<vmem>> -> memref<128xi32, #tpu.memory_space<vmem>>
        %dma_start3A_541 = arith.constant 0 : i32
        %dma_start3A_542 = arith.constant 0 : i32
        %dma_start3A_543 = tpu.memref_slice %arg4[%dma_start3A_541, %dma_start3A_542] : memref<55296x128xf32, #tpu.memory_space<hbm>> -> memref<55296x128xf32, #tpu.memory_space<hbm>>
        tpu.enqueue_indirect_dma source(%dma_start3A_543 : memref<55296x128xf32, #tpu.memory_space<hbm>>) target(%arg11 : memref<128x128xf32, #tpu.memory_space<vmem>>) offsets(%dma_start3A_540 : memref<128xi32, #tpu.memory_space<vmem>>) semaphore(%arg13 : memref<!tpu.dma_semaphore, #tpu.memory_space<semaphore_mem>>)
        %dma_wait3A = arith.constant 0 : i32
        %dma_wait3A_544 = tpu.memref_slice %arg10[%while3A_518, %dma_wait3A] : memref<41x128xi32, #tpu.memory_space<vmem>> -> memref<1x128xi32, #tpu.memory_space<vmem>>
        %dma_wait3A_545 = tpu.memref_squeeze %dma_wait3A_544 : memref<1x128xi32, #tpu.memory_space<vmem>> -> memref<128xi32, #tpu.memory_space<vmem>>
        %dma_wait3A_546 = arith.constant 0 : i32
        %dma_wait3A_547 = arith.constant 0 : i32
        %dma_wait3A_548 = tpu.memref_slice %arg4[%dma_wait3A_546, %dma_wait3A_547] : memref<55296x128xf32, #tpu.memory_space<hbm>> -> memref<55296x128xf32, #tpu.memory_space<hbm>>
        tpu.wait_indirect_dma semaphore(%arg13 : memref<!tpu.dma_semaphore, #tpu.memory_space<semaphore_mem>>) src(%dma_wait3A_548 : memref<55296x128xf32, #tpu.memory_space<hbm>>) dst(%arg11 : memref<128x128xf32, #tpu.memory_space<vmem>>)
      } else {
      }
      %eq3A_534 = arith.constant 3 : i32
      %eq3A_535 = arith.cmpi eq, %div3A_0, %eq3A_534 : i32
      %convert_element_type3A_536 = arith.extui %eq3A_535 : i1 to i32
      %cond3A_537 = arith.constant 0 : i32
      %cond3A_538 = arith.cmpi ne, %convert_element_type3A_536, %cond3A_537 : i32
      scf.if %cond3A_538 {
        %dma_start3A = arith.constant 0 : i32
        %dma_start3A_539 = tpu.memref_slice %arg10[%while3A_518, %dma_start3A] : memref<41x128xi32, #tpu.memory_space<vmem>> -> memref<1x128xi32, #tpu.memory_space<vmem>>
        %dma_start3A_540 = tpu.memref_squeeze %dma_start3A_539 : memref<1x128xi32, #tpu.memory_space<vmem>> -> memref<128xi32, #tpu.memory_space<vmem>>
        %dma_start3A_541 = arith.constant 0 : i32
        %dma_start3A_542 = arith.constant 0 : i32
        %dma_start3A_543 = tpu.memref_slice %arg5[%dma_start3A_541, %dma_start3A_542] : memref<55296x128xf32, #tpu.memory_space<hbm>> -> memref<55296x128xf32, #tpu.memory_space<hbm>>
        tpu.enqueue_indirect_dma source(%dma_start3A_543 : memref<55296x128xf32, #tpu.memory_space<hbm>>) target(%arg11 : memref<128x128xf32, #tpu.memory_space<vmem>>) offsets(%dma_start3A_540 : memref<128xi32, #tpu.memory_space<vmem>>) semaphore(%arg13 : memref<!tpu.dma_semaphore, #tpu.memory_space<semaphore_mem>>)
        %dma_wait3A = arith.constant 0 : i32
        %dma_wait3A_544 = tpu.memref_slice %arg10[%while3A_518, %dma_wait3A] : memref<41x128xi32, #tpu.memory_space<vmem>> -> memref<1x128xi32, #tpu.memory_space<vmem>>
        %dma_wait3A_545 = tpu.memref_squeeze %dma_wait3A_544 : memref<1x128xi32, #tpu.memory_space<vmem>> -> memref<128xi32, #tpu.memory_space<vmem>>
        %dma_wait3A_546 = arith.constant 0 : i32
        %dma_wait3A_547 = arith.constant 0 : i32
        %dma_wait3A_548 = tpu.memref_slice %arg5[%dma_wait3A_546, %dma_wait3A_547] : memref<55296x128xf32, #tpu.memory_space<hbm>> -> memref<55296x128xf32, #tpu.memory_space<hbm>>
        tpu.wait_indirect_dma semaphore(%arg13 : memref<!tpu.dma_semaphore, #tpu.memory_space<semaphore_mem>>) src(%dma_wait3A_548 : memref<55296x128xf32, #tpu.memory_space<hbm>>) dst(%arg11 : memref<128x128xf32, #tpu.memory_space<vmem>>)
      } else {
      }
      "tpu.region"() ({
        %run_scoped3A = tpu.sem_alloc : memref<!tpu.dma_semaphore, #tpu.memory_space<semaphore_mem>>
        %dma_start3A = arith.constant 0 : i32
        %dma_start3A_539 = tpu.memref_slice %arg9[%while3A_518, %dma_start3A] : memref<41x128xi32, #tpu.memory_space<vmem>> -> memref<1x128xi32, #tpu.memory_space<vmem>>
        %dma_start3A_540 = tpu.memref_squeeze %dma_start3A_539 : memref<1x128xi32, #tpu.memory_space<vmem>> -> memref<128xi32, #tpu.memory_space<vmem>>
        %dma_start3A_541 = arith.constant 0 : i32
        %dma_start3A_542 = arith.constant 0 : i32
        %dma_start3A_543 = tpu.memref_slice %arg12[%dma_start3A_541, %dma_start3A_542] : memref<12544x128xf32, #tpu.memory_space<vmem_shared>> -> memref<12544x128xf32, #tpu.memory_space<vmem_shared>>
        tpu.enqueue_indirect_dma source(%arg11 : memref<128x128xf32, #tpu.memory_space<vmem>>) target(%dma_start3A_543 : memref<12544x128xf32, #tpu.memory_space<vmem_shared>>) offsets(%dma_start3A_540 : memref<128xi32, #tpu.memory_space<vmem>>) semaphore(%run_scoped3A : memref<!tpu.dma_semaphore, #tpu.memory_space<semaphore_mem>>) {add = true}
        %dma_wait3A = arith.constant 0 : i32
        %dma_wait3A_544 = tpu.memref_slice %arg9[%while3A_518, %dma_wait3A] : memref<41x128xi32, #tpu.memory_space<vmem>> -> memref<1x128xi32, #tpu.memory_space<vmem>>
        %dma_wait3A_545 = tpu.memref_squeeze %dma_wait3A_544 : memref<1x128xi32, #tpu.memory_space<vmem>> -> memref<128xi32, #tpu.memory_space<vmem>>
        %dma_wait3A_546 = arith.constant 0 : i32
        %dma_wait3A_547 = arith.constant 0 : i32
        %dma_wait3A_548 = tpu.memref_slice %arg12[%dma_wait3A_546, %dma_wait3A_547] : memref<12544x128xf32, #tpu.memory_space<vmem_shared>> -> memref<12544x128xf32, #tpu.memory_space<vmem_shared>>
        tpu.wait_indirect_dma semaphore(%run_scoped3A : memref<!tpu.dma_semaphore, #tpu.memory_space<semaphore_mem>>) src(%arg11 : memref<128x128xf32, #tpu.memory_space<vmem>>) dst(%dma_wait3A_548 : memref<12544x128xf32, #tpu.memory_space<vmem_shared>>)
        tpu.yield
      }) : () -> ()
    }
    %broadcast_in_dim3A_192 = arith.constant 0 : i32
    %broadcast_in_dim3A_193 = vector.broadcast %broadcast_in_dim3A_192 : i32 to vector<16xi32>
    %barrier3A_194 = arith.constant 0 : index
    tpu.barrier barrier_id(%barrier3A_194)
    %rem3A = arith.constant 96 : i32
    %rem3A_195 = arith.remsi %min3A_9, %rem3A : i32
    %sub3A_196 = arith.subi %min3A_9, %rem3A_195 : i32
    %scan3A_197 = arith.constant 0 : i32
    %scan3A_198 = arith.constant 130 : i32
    %scan3A_199 = arith.addi %scan3A_197, %scan3A_198 : i32
    %scan3A_200 = arith.constant 1 : i32
    scf.for %scan3A_518 = %scan3A_197 to %scan3A_199 step %scan3A_200  : i32 {
      %mul3A_519 = arith.constant 1 : i32
      %mul3A_520 = arith.muli %scan3A_518, %mul3A_519 : i32
      %add3A_521 = arith.constant 0 : i32
      %add3A_522 = arith.addi %add3A_521, %mul3A_520 : i32
      %rem3A_523 = arith.constant 16 : i32
      %rem3A_524 = arith.remsi %add3A_522, %rem3A_523 : i32
      %eq3A_525 = arith.cmpi eq, %rem3A_524, %arg1 : i32
      %add3A_526 = arith.constant 1 : i32
      %add3A_527 = arith.addi %add3A_522, %add3A_526 : i32
      %mul3A_528 = arith.constant 96 : i32
      %mul3A_529 = arith.muli %add3A_527, %mul3A_528 : i32
      %le3A_530 = arith.cmpi sle, %mul3A_529, %min3A_9 : i32
      %and3A_531 = arith.andi %eq3A_525, %le3A_530 : i1
      %convert_element_type3A_532 = arith.extui %and3A_531 : i1 to i32
      %cond3A_533 = arith.constant 0 : i32
      %cond3A_534 = arith.cmpi ne, %convert_element_type3A_532, %cond3A_533 : i32
      scf.if %cond3A_534 {
        %mul3A_535 = arith.constant 96 : i32
        %mul3A_536 = arith.muli %add3A_522, %mul3A_535 : i32
        %mul3A_537 = arith.constant 96 : i32
        %mul3A_538 = arith.muli %add3A_522, %mul3A_537 : i32
        %add3A_539 = arith.addi %mul3A_7, %mul3A_538 : i32
        "tpu.region"() ({
          %run_scoped3A = tpu.sem_alloc : memref<!tpu.dma_semaphore, #tpu.memory_space<semaphore_mem>>
          %dma_start3A = arith.constant 0 : i32
          %dma_start3A_540 = tpu.memref_slice %arg7[%add3A_539, %dma_start3A] : memref<50000x128xf32, #tpu.memory_space<hbm>> -> memref<96x128xf32, #tpu.memory_space<hbm>>
          %dma_start3A_541 = arith.constant 0 : i32
          %dma_start3A_542 = tpu.memref_slice %arg12[%mul3A_536, %dma_start3A_541] : memref<12544x128xf32, #tpu.memory_space<vmem_shared>> -> memref<96x128xf32, #tpu.memory_space<vmem_shared>>
          tpu.enqueue_dma source(%dma_start3A_542 : memref<96x128xf32, #tpu.memory_space<vmem_shared>>) target(%dma_start3A_540 : memref<96x128xf32, #tpu.memory_space<hbm>>) target_semaphore(%run_scoped3A : memref<!tpu.dma_semaphore, #tpu.memory_space<semaphore_mem>>)
          %dma_wait3A = arith.constant 0 : i32
          %dma_wait3A_543 = tpu.memref_slice %arg7[%add3A_539, %dma_wait3A] : memref<50000x128xf32, #tpu.memory_space<hbm>> -> memref<96x128xf32, #tpu.memory_space<hbm>>
          %dma_wait3A_544 = arith.constant 0 : i32
          %dma_wait3A_545 = tpu.memref_slice %arg12[%mul3A_536, %dma_wait3A_544] : memref<12544x128xf32, #tpu.memory_space<vmem_shared>> -> memref<96x128xf32, #tpu.memory_space<vmem_shared>>
          tpu.wait_dma2 semaphore(%run_scoped3A : memref<!tpu.dma_semaphore, #tpu.memory_space<semaphore_mem>>) src(%dma_wait3A_545 : memref<96x128xf32, #tpu.memory_space<vmem_shared>>) dst(%dma_wait3A_543 : memref<96x128xf32, #tpu.memory_space<hbm>>)
          tpu.yield
        }) : () -> ()
      } else {
      }
    }
    %scan3A_201 = arith.constant 130 : i32
    %eq3A = arith.constant 0 : i32
    %eq3A_202 = arith.cmpi eq, %arg1, %eq3A : i32
    %add3A_203 = arith.constant 16 : i32
    %add3A_204 = arith.addi %sub3A_196, %add3A_203 : i32
    %le3A = arith.cmpi sle, %add3A_204, %min3A_9 : i32
    %and3A_205 = arith.andi %eq3A_202, %le3A : i1
    %convert_element_type3A = arith.extui %and3A_205 : i1 to i32
    %cond3A = arith.constant 0 : i32
    %cond3A_206 = arith.cmpi ne, %convert_element_type3A, %cond3A : i32
    scf.if %cond3A_206 {
      %add3A_518 = arith.constant 0 : i32
      %add3A_519 = arith.addi %sub3A_196, %add3A_518 : i32
      %add3A_520 = arith.addi %mul3A_7, %sub3A_196 : i32
      %add3A_521 = arith.constant 0 : i32
      %add3A_522 = arith.addi %add3A_520, %add3A_521 : i32
      "tpu.region"() ({
        %run_scoped3A = tpu.sem_alloc : memref<!tpu.dma_semaphore, #tpu.memory_space<semaphore_mem>>
        %dma_start3A = arith.constant 0 : i32
        %dma_start3A_523 = tpu.memref_slice %arg7[%add3A_522, %dma_start3A] : memref<50000x128xf32, #tpu.memory_space<hbm>> -> memref<16x128xf32, #tpu.memory_space<hbm>>
        %dma_start3A_524 = arith.constant 0 : i32
        %dma_start3A_525 = tpu.memref_slice %arg12[%add3A_519, %dma_start3A_524] : memref<12544x128xf32, #tpu.memory_space<vmem_shared>> -> memref<16x128xf32, #tpu.memory_space<vmem_shared>>
        tpu.enqueue_dma source(%dma_start3A_525 : memref<16x128xf32, #tpu.memory_space<vmem_shared>>) target(%dma_start3A_523 : memref<16x128xf32, #tpu.memory_space<hbm>>) target_semaphore(%run_scoped3A : memref<!tpu.dma_semaphore, #tpu.memory_space<semaphore_mem>>)
        %dma_wait3A = arith.constant 0 : i32
        %dma_wait3A_526 = tpu.memref_slice %arg7[%add3A_522, %dma_wait3A] : memref<50000x128xf32, #tpu.memory_space<hbm>> -> memref<16x128xf32, #tpu.memory_space<hbm>>
        %dma_wait3A_527 = arith.constant 0 : i32
        %dma_wait3A_528 = tpu.memref_slice %arg12[%add3A_519, %dma_wait3A_527] : memref<12544x128xf32, #tpu.memory_space<vmem_shared>> -> memref<16x128xf32, #tpu.memory_space<vmem_shared>>
        tpu.wait_dma2 semaphore(%run_scoped3A : memref<!tpu.dma_semaphore, #tpu.memory_space<semaphore_mem>>) src(%dma_wait3A_528 : memref<16x128xf32, #tpu.memory_space<vmem_shared>>) dst(%dma_wait3A_526 : memref<16x128xf32, #tpu.memory_space<hbm>>)
        tpu.yield
      }) : () -> ()
    } else {
    }
    %eq3A_207 = arith.constant 1 : i32
    %eq3A_208 = arith.cmpi eq, %arg1, %eq3A_207 : i32
    %add3A_209 = arith.constant 32 : i32
    %add3A_210 = arith.addi %sub3A_196, %add3A_209 : i32
    %le3A_211 = arith.cmpi sle, %add3A_210, %min3A_9 : i32
    %and3A_212 = arith.andi %eq3A_208, %le3A_211 : i1
    %convert_element_type3A_213 = arith.extui %and3A_212 : i1 to i32
    %cond3A_214 = arith.constant 0 : i32
    %cond3A_215 = arith.cmpi ne, %convert_element_type3A_213, %cond3A_214 : i32
    scf.if %cond3A_215 {
      %add3A_518 = arith.constant 16 : i32
      %add3A_519 = arith.addi %sub3A_196, %add3A_518 : i32
      %add3A_520 = arith.addi %mul3A_7, %sub3A_196 : i32
      %add3A_521 = arith.constant 16 : i32
      %add3A_522 = arith.addi %add3A_520, %add3A_521 : i32
      "tpu.region"() ({
        %run_scoped3A = tpu.sem_alloc : memref<!tpu.dma_semaphore, #tpu.memory_space<semaphore_mem>>
        %dma_start3A = arith.constant 0 : i32
        %dma_start3A_523 = tpu.memref_slice %arg7[%add3A_522, %dma_start3A] : memref<50000x128xf32, #tpu.memory_space<hbm>> -> memref<16x128xf32, #tpu.memory_space<hbm>>
        %dma_start3A_524 = arith.constant 0 : i32
        %dma_start3A_525 = tpu.memref_slice %arg12[%add3A_519, %dma_start3A_524] : memref<12544x128xf32, #tpu.memory_space<vmem_shared>> -> memref<16x128xf32, #tpu.memory_space<vmem_shared>>
        tpu.enqueue_dma source(%dma_start3A_525 : memref<16x128xf32, #tpu.memory_space<vmem_shared>>) target(%dma_start3A_523 : memref<16x128xf32, #tpu.memory_space<hbm>>) target_semaphore(%run_scoped3A : memref<!tpu.dma_semaphore, #tpu.memory_space<semaphore_mem>>)
        %dma_wait3A = arith.constant 0 : i32
        %dma_wait3A_526 = tpu.memref_slice %arg7[%add3A_522, %dma_wait3A] : memref<50000x128xf32, #tpu.memory_space<hbm>> -> memref<16x128xf32, #tpu.memory_space<hbm>>
        %dma_wait3A_527 = arith.constant 0 : i32
        %dma_wait3A_528 = tpu.memref_slice %arg12[%add3A_519, %dma_wait3A_527] : memref<12544x128xf32, #tpu.memory_space<vmem_shared>> -> memref<16x128xf32, #tpu.memory_space<vmem_shared>>
        tpu.wait_dma2 semaphore(%run_scoped3A : memref<!tpu.dma_semaphore, #tpu.memory_space<semaphore_mem>>) src(%dma_wait3A_528 : memref<16x128xf32, #tpu.memory_space<vmem_shared>>) dst(%dma_wait3A_526 : memref<16x128xf32, #tpu.memory_space<hbm>>)
        tpu.yield
      }) : () -> ()
    } else {
    }
    %eq3A_216 = arith.constant 2 : i32
    %eq3A_217 = arith.cmpi eq, %arg1, %eq3A_216 : i32
    %add3A_218 = arith.constant 48 : i32
    %add3A_219 = arith.addi %sub3A_196, %add3A_218 : i32
    %le3A_220 = arith.cmpi sle, %add3A_219, %min3A_9 : i32
    %and3A_221 = arith.andi %eq3A_217, %le3A_220 : i1
    %convert_element_type3A_222 = arith.extui %and3A_221 : i1 to i32
    %cond3A_223 = arith.constant 0 : i32
    %cond3A_224 = arith.cmpi ne, %convert_element_type3A_222, %cond3A_223 : i32
    scf.if %cond3A_224 {
      %add3A_518 = arith.constant 32 : i32
      %add3A_519 = arith.addi %sub3A_196, %add3A_518 : i32
      %add3A_520 = arith.addi %mul3A_7, %sub3A_196 : i32
      %add3A_521 = arith.constant 32 : i32
      %add3A_522 = arith.addi %add3A_520, %add3A_521 : i32
      "tpu.region"() ({
        %run_scoped3A = tpu.sem_alloc : memref<!tpu.dma_semaphore, #tpu.memory_space<semaphore_mem>>
        %dma_start3A = arith.constant 0 : i32
        %dma_start3A_523 = tpu.memref_slice %arg7[%add3A_522, %dma_start3A] : memref<50000x128xf32, #tpu.memory_space<hbm>> -> memref<16x128xf32, #tpu.memory_space<hbm>>
        %dma_start3A_524 = arith.constant 0 : i32
        %dma_start3A_525 = tpu.memref_slice %arg12[%add3A_519, %dma_start3A_524] : memref<12544x128xf32, #tpu.memory_space<vmem_shared>> -> memref<16x128xf32, #tpu.memory_space<vmem_shared>>
        tpu.enqueue_dma source(%dma_start3A_525 : memref<16x128xf32, #tpu.memory_space<vmem_shared>>) target(%dma_start3A_523 : memref<16x128xf32, #tpu.memory_space<hbm>>) target_semaphore(%run_scoped3A : memref<!tpu.dma_semaphore, #tpu.memory_space<semaphore_mem>>)
        %dma_wait3A = arith.constant 0 : i32
        %dma_wait3A_526 = tpu.memref_slice %arg7[%add3A_522, %dma_wait3A] : memref<50000x128xf32, #tpu.memory_space<hbm>> -> memref<16x128xf32, #tpu.memory_space<hbm>>
        %dma_wait3A_527 = arith.constant 0 : i32
        %dma_wait3A_528 = tpu.memref_slice %arg12[%add3A_519, %dma_wait3A_527] : memref<12544x128xf32, #tpu.memory_space<vmem_shared>> -> memref<16x128xf32, #tpu.memory_space<vmem_shared>>
        tpu.wait_dma2 semaphore(%run_scoped3A : memref<!tpu.dma_semaphore, #tpu.memory_space<semaphore_mem>>) src(%dma_wait3A_528 : memref<16x128xf32, #tpu.memory_space<vmem_shared>>) dst(%dma_wait3A_526 : memref<16x128xf32, #tpu.memory_space<hbm>>)
        tpu.yield
      }) : () -> ()
    } else {
    }
    %eq3A_225 = arith.constant 3 : i32
    %eq3A_226 = arith.cmpi eq, %arg1, %eq3A_225 : i32
    %add3A_227 = arith.constant 64 : i32
    %add3A_228 = arith.addi %sub3A_196, %add3A_227 : i32
    %le3A_229 = arith.cmpi sle, %add3A_228, %min3A_9 : i32
    %and3A_230 = arith.andi %eq3A_226, %le3A_229 : i1
    %convert_element_type3A_231 = arith.extui %and3A_230 : i1 to i32
    %cond3A_232 = arith.constant 0 : i32
    %cond3A_233 = arith.cmpi ne, %convert_element_type3A_231, %cond3A_232 : i32
    scf.if %cond3A_233 {
      %add3A_518 = arith.constant 48 : i32
      %add3A_519 = arith.addi %sub3A_196, %add3A_518 : i32
      %add3A_520 = arith.addi %mul3A_7, %sub3A_196 : i32
      %add3A_521 = arith.constant 48 : i32
      %add3A_522 = arith.addi %add3A_520, %add3A_521 : i32
      "tpu.region"() ({
        %run_scoped3A = tpu.sem_alloc : memref<!tpu.dma_semaphore, #tpu.memory_space<semaphore_mem>>
        %dma_start3A = arith.constant 0 : i32
        %dma_start3A_523 = tpu.memref_slice %arg7[%add3A_522, %dma_start3A] : memref<50000x128xf32, #tpu.memory_space<hbm>> -> memref<16x128xf32, #tpu.memory_space<hbm>>
        %dma_start3A_524 = arith.constant 0 : i32
        %dma_start3A_525 = tpu.memref_slice %arg12[%add3A_519, %dma_start3A_524] : memref<12544x128xf32, #tpu.memory_space<vmem_shared>> -> memref<16x128xf32, #tpu.memory_space<vmem_shared>>
        tpu.enqueue_dma source(%dma_start3A_525 : memref<16x128xf32, #tpu.memory_space<vmem_shared>>) target(%dma_start3A_523 : memref<16x128xf32, #tpu.memory_space<hbm>>) target_semaphore(%run_scoped3A : memref<!tpu.dma_semaphore, #tpu.memory_space<semaphore_mem>>)
        %dma_wait3A = arith.constant 0 : i32
        %dma_wait3A_526 = tpu.memref_slice %arg7[%add3A_522, %dma_wait3A] : memref<50000x128xf32, #tpu.memory_space<hbm>> -> memref<16x128xf32, #tpu.memory_space<hbm>>
        %dma_wait3A_527 = arith.constant 0 : i32
        %dma_wait3A_528 = tpu.memref_slice %arg12[%add3A_519, %dma_wait3A_527] : memref<12544x128xf32, #tpu.memory_space<vmem_shared>> -> memref<16x128xf32, #tpu.memory_space<vmem_shared>>
        tpu.wait_dma2 semaphore(%run_scoped3A : memref<!tpu.dma_semaphore, #tpu.memory_space<semaphore_mem>>) src(%dma_wait3A_528 : memref<16x128xf32, #tpu.memory_space<vmem_shared>>) dst(%dma_wait3A_526 : memref<16x128xf32, #tpu.memory_space<hbm>>)
        tpu.yield
      }) : () -> ()
    } else {
    }
    %eq3A_234 = arith.constant 4 : i32
    %eq3A_235 = arith.cmpi eq, %arg1, %eq3A_234 : i32
    %add3A_236 = arith.constant 80 : i32
    %add3A_237 = arith.addi %sub3A_196, %add3A_236 : i32
    %le3A_238 = arith.cmpi sle, %add3A_237, %min3A_9 : i32
    %and3A_239 = arith.andi %eq3A_235, %le3A_238 : i1
    %convert_element_type3A_240 = arith.extui %and3A_239 : i1 to i32
    %cond3A_241 = arith.constant 0 : i32
    %cond3A_242 = arith.cmpi ne, %convert_element_type3A_240, %cond3A_241 : i32
    scf.if %cond3A_242 {
      %add3A_518 = arith.constant 64 : i32
      %add3A_519 = arith.addi %sub3A_196, %add3A_518 : i32
      %add3A_520 = arith.addi %mul3A_7, %sub3A_196 : i32
      %add3A_521 = arith.constant 64 : i32
      %add3A_522 = arith.addi %add3A_520, %add3A_521 : i32
      "tpu.region"() ({
        %run_scoped3A = tpu.sem_alloc : memref<!tpu.dma_semaphore, #tpu.memory_space<semaphore_mem>>
        %dma_start3A = arith.constant 0 : i32
        %dma_start3A_523 = tpu.memref_slice %arg7[%add3A_522, %dma_start3A] : memref<50000x128xf32, #tpu.memory_space<hbm>> -> memref<16x128xf32, #tpu.memory_space<hbm>>
        %dma_start3A_524 = arith.constant 0 : i32
        %dma_start3A_525 = tpu.memref_slice %arg12[%add3A_519, %dma_start3A_524] : memref<12544x128xf32, #tpu.memory_space<vmem_shared>> -> memref<16x128xf32, #tpu.memory_space<vmem_shared>>
        tpu.enqueue_dma source(%dma_start3A_525 : memref<16x128xf32, #tpu.memory_space<vmem_shared>>) target(%dma_start3A_523 : memref<16x128xf32, #tpu.memory_space<hbm>>) target_semaphore(%run_scoped3A : memref<!tpu.dma_semaphore, #tpu.memory_space<semaphore_mem>>)
        %dma_wait3A = arith.constant 0 : i32
        %dma_wait3A_526 = tpu.memref_slice %arg7[%add3A_522, %dma_wait3A] : memref<50000x128xf32, #tpu.memory_space<hbm>> -> memref<16x128xf32, #tpu.memory_space<hbm>>
        %dma_wait3A_527 = arith.constant 0 : i32
        %dma_wait3A_528 = tpu.memref_slice %arg12[%add3A_519, %dma_wait3A_527] : memref<12544x128xf32, #tpu.memory_space<vmem_shared>> -> memref<16x128xf32, #tpu.memory_space<vmem_shared>>
        tpu.wait_dma2 semaphore(%run_scoped3A : memref<!tpu.dma_semaphore, #tpu.memory_space<semaphore_mem>>) src(%dma_wait3A_528 : memref<16x128xf32, #tpu.memory_space<vmem_shared>>) dst(%dma_wait3A_526 : memref<16x128xf32, #tpu.memory_space<hbm>>)
        tpu.yield
      }) : () -> ()
    } else {
    }
    %eq3A_243 = arith.constant 5 : i32
    %eq3A_244 = arith.cmpi eq, %arg1, %eq3A_243 : i32
    %add3A_245 = arith.constant 96 : i32
    %add3A_246 = arith.addi %sub3A_196, %add3A_245 : i32
    %le3A_247 = arith.cmpi sle, %add3A_246, %min3A_9 : i32
    %and3A_248 = arith.andi %eq3A_244, %le3A_247 : i1
    %convert_element_type3A_249 = arith.extui %and3A_248 : i1 to i32
    %cond3A_250 = arith.constant 0 : i32
    %cond3A_251 = arith.cmpi ne, %convert_element_type3A_249, %cond3A_250 : i32
    scf.if %cond3A_251 {
      %add3A_518 = arith.constant 80 : i32
      %add3A_519 = arith.addi %sub3A_196, %add3A_518 : i32
      %add3A_520 = arith.addi %mul3A_7, %sub3A_196 : i32
      %add3A_521 = arith.constant 80 : i32
      %add3A_522 = arith.addi %add3A_520, %add3A_521 : i32
      "tpu.region"() ({
        %run_scoped3A = tpu.sem_alloc : memref<!tpu.dma_semaphore, #tpu.memory_space<semaphore_mem>>
        %dma_start3A = arith.constant 0 : i32
        %dma_start3A_523 = tpu.memref_slice %arg7[%add3A_522, %dma_start3A] : memref<50000x128xf32, #tpu.memory_space<hbm>> -> memref<16x128xf32, #tpu.memory_space<hbm>>
        %dma_start3A_524 = arith.constant 0 : i32
        %dma_start3A_525 = tpu.memref_slice %arg12[%add3A_519, %dma_start3A_524] : memref<12544x128xf32, #tpu.memory_space<vmem_shared>> -> memref<16x128xf32, #tpu.memory_space<vmem_shared>>
        tpu.enqueue_dma source(%dma_start3A_525 : memref<16x128xf32, #tpu.memory_space<vmem_shared>>) target(%dma_start3A_523 : memref<16x128xf32, #tpu.memory_space<hbm>>) target_semaphore(%run_scoped3A : memref<!tpu.dma_semaphore, #tpu.memory_space<semaphore_mem>>)
        %dma_wait3A = arith.constant 0 : i32
        %dma_wait3A_526 = tpu.memref_slice %arg7[%add3A_522, %dma_wait3A] : memref<50000x128xf32, #tpu.memory_space<hbm>> -> memref<16x128xf32, #tpu.memory_space<hbm>>
        %dma_wait3A_527 = arith.constant 0 : i32
        %dma_wait3A_528 = tpu.memref_slice %arg12[%add3A_519, %dma_wait3A_527] : memref<12544x128xf32, #tpu.memory_space<vmem_shared>> -> memref<16x128xf32, #tpu.memory_space<vmem_shared>>
        tpu.wait_dma2 semaphore(%run_scoped3A : memref<!tpu.dma_semaphore, #tpu.memory_space<semaphore_mem>>) src(%dma_wait3A_528 : memref<16x128xf32, #tpu.memory_space<vmem_shared>>) dst(%dma_wait3A_526 : memref<16x128xf32, #tpu.memory_space<hbm>>)
        tpu.yield
      }) : () -> ()
    } else {
    }
    %barrier3A_252 = arith.constant 0 : index
    tpu.barrier barrier_id(%barrier3A_252)
    %mul3A_253 = arith.constant 2 : i32
    %mul3A_254 = arith.muli %mul3A_253, %arg0 : i32
    %add3A_255 = arith.constant 1 : i32
    %add3A_256 = arith.addi %mul3A_254, %add3A_255 : i32
    %mul3A_257 = arith.constant 12512 : i32
    %mul3A_258 = arith.muli %add3A_256, %mul3A_257 : i32
    %sub3A_259 = arith.constant 50000 : i32
    %sub3A_260 = arith.subi %sub3A_259, %mul3A_258 : i32
    %min3A_261 = arith.constant 12512 : i32
    %min3A_262 = arith.minsi %min3A_261, %sub3A_260 : i32
    %scan3A_263 = arith.constant 0 : i32
    %scan3A_264 = arith.constant 128 : i32
    %scan3A_265 = arith.addi %scan3A_263, %scan3A_264 : i32
    %scan3A_266 = arith.constant 1 : i32
    scf.for %scan3A_518 = %scan3A_263 to %scan3A_265 step %scan3A_266  : i32 {
      %mul3A_519 = arith.constant 1 : i32
      %mul3A_520 = arith.muli %scan3A_518, %mul3A_519 : i32
      %add3A_521 = arith.constant 0 : i32
      %add3A_522 = arith.addi %add3A_521, %mul3A_520 : i32
      %scan3A_523 = arith.constant 0 : i32
      %scan3A_524 = arith.constant 8 : i32
      %scan3A_525 = arith.addi %scan3A_523, %scan3A_524 : i32
      %scan3A_526 = arith.constant 1 : i32
      scf.for %scan3A_528 = %scan3A_523 to %scan3A_525 step %scan3A_526  : i32 {
        %mul3A_529 = arith.constant 16 : i32
        %mul3A_530 = arith.muli %scan3A_528, %mul3A_529 : i32
        %add3A_531 = arith.constant 0 : i32
        %add3A_532 = arith.addi %add3A_531, %mul3A_530 : i32
        %swap3A = arith.index_cast %add3A_522 : i32 to index
        %swap3A_533 = arith.index_cast %add3A_532 : i32 to index
        %swap3A_534 = tpu.vector_load %arg11[%swap3A, %swap3A_533] {strides = array<i32>} : memref<128x128xf32, #tpu.memory_space<vmem>>, vector<16xf32>,
        tpu.vector_store %arg11[%swap3A, %swap3A_533], %broadcast_in_dim3A_1 {strides = array<i32>} : memref<128x128xf32, #tpu.memory_space<vmem>>, vector<16xf32>,
      }
      %scan3A_527 = arith.constant 8 : i32
    }
    %scan3A_267 = arith.constant 128 : i32
    %scan3A_268 = arith.constant 0 : i32
    %scan3A_269 = arith.constant 98 : i32
    %scan3A_270 = arith.addi %scan3A_268, %scan3A_269 : i32
    %scan3A_271 = arith.constant 1 : i32
    scf.for %scan3A_518 = %scan3A_268 to %scan3A_270 step %scan3A_271  : i32 {
      %mul3A_519 = arith.constant 1 : i32
      %mul3A_520 = arith.muli %scan3A_518, %mul3A_519 : i32
      %add3A_521 = arith.constant 0 : i32
      %add3A_522 = arith.addi %add3A_521, %mul3A_520 : i32
      %rem3A_523 = arith.constant 16 : i32
      %rem3A_524 = arith.remsi %add3A_522, %rem3A_523 : i32
      %eq3A_525 = arith.cmpi eq, %rem3A_524, %arg1 : i32
      %convert_element_type3A_526 = arith.extui %eq3A_525 : i1 to i32
      %cond3A_527 = arith.constant 0 : i32
      %cond3A_528 = arith.cmpi ne, %convert_element_type3A_526, %cond3A_527 : i32
      scf.if %cond3A_528 {
        %mul3A_529 = arith.constant 128 : i32
        %mul3A_530 = arith.muli %add3A_522, %mul3A_529 : i32
        "tpu.region"() ({
          %run_scoped3A = tpu.sem_alloc : memref<!tpu.dma_semaphore, #tpu.memory_space<semaphore_mem>>
          %dma_start3A = arith.constant 0 : i32
          %dma_start3A_531 = tpu.memref_slice %arg12[%mul3A_530, %dma_start3A] : memref<12544x128xf32, #tpu.memory_space<vmem_shared>> -> memref<128x128xf32, #tpu.memory_space<vmem_shared>>
          %dma_start3A_532 = arith.constant 0 : i32
          %dma_start3A_533 = tpu.memref_slice %arg12[%mul3A_530, %dma_start3A_532] : memref<12544x128xf32, #tpu.memory_space<vmem_shared>> -> memref<128x128xf32, #tpu.memory_space<vmem_shared>>
          tpu.enqueue_dma source(%arg11 : memref<128x128xf32, #tpu.memory_space<vmem>>) target(%dma_start3A_533 : memref<128x128xf32, #tpu.memory_space<vmem_shared>>) target_semaphore(%run_scoped3A : memref<!tpu.dma_semaphore, #tpu.memory_space<semaphore_mem>>)
          %dma_wait3A = arith.constant 0 : i32
          %dma_wait3A_534 = tpu.memref_slice %arg12[%mul3A_530, %dma_wait3A] : memref<12544x128xf32, #tpu.memory_space<vmem_shared>> -> memref<128x128xf32, #tpu.memory_space<vmem_shared>>
          %dma_wait3A_535 = arith.constant 0 : i32
          %dma_wait3A_536 = tpu.memref_slice %arg12[%mul3A_530, %dma_wait3A_535] : memref<12544x128xf32, #tpu.memory_space<vmem_shared>> -> memref<128x128xf32, #tpu.memory_space<vmem_shared>>
          tpu.wait_dma2 semaphore(%run_scoped3A : memref<!tpu.dma_semaphore, #tpu.memory_space<semaphore_mem>>) src(%arg11 : memref<128x128xf32, #tpu.memory_space<vmem>>) dst(%dma_wait3A_536 : memref<128x128xf32, #tpu.memory_space<vmem_shared>>)
          tpu.yield
        }) : () -> ()
      } else {
      }
    }
    %scan3A_272 = arith.constant 98 : i32
    %barrier3A_273 = arith.constant 0 : index
    tpu.barrier barrier_id(%barrier3A_273)
    %broadcast_in_dim3A_274 = arith.constant 0 : i32
    %broadcast_in_dim3A_275 = vector.broadcast %broadcast_in_dim3A_274 : i32 to vector<16xi32>
    %scan3A_276 = arith.constant 0 : i32
    %scan3A_277 = arith.constant 8 : i32
    %scan3A_278 = arith.addi %scan3A_276, %scan3A_277 : i32
    %scan3A_279 = arith.constant 1 : i32
    %scan3A_280 = scf.for %scan3A_518 = %scan3A_276 to %scan3A_278 step %scan3A_279 iter_args(%scan3A_519 = %broadcast_in_dim3A_275) -> (vector<16xi32>)  : i32 {
      %reduce_max3A_520 = arith.constant true
      %reduce_max3A_521 = vector.broadcast %reduce_max3A_520 : i1 to vector<16xi1>
      %reduce_max3A_522 = arith.constant -2147483648 : i32
      %reduce_max3A_523 = vector.broadcast %reduce_max3A_522 : i32 to vector<16xi32>
      %reduce_max3A_524 = arith.xori %scan3A_519, %reduce_max3A_523 : vector<16xi32>
      %reduce_max3A_525 = tpu.scan <max>, %reduce_max3A_524 masked %reduce_max3A_521 : vector<16xi32>, vector<16xi1> -> vector<16xi32>
      %reduce_max3A_526 = arith.xori %reduce_max3A_525, %reduce_max3A_523 : vector<16xi32>
      %reduce_max3A_527 = vector.extract %reduce_max3A_526[15] : i32 from vector<16xi32>
      %add3A_528 = arith.constant 1728 : i32
      %add3A_529 = arith.addi %reduce_max3A_527, %add3A_528 : i32
      %gt3A = arith.constant 5248 : i32
      %gt3A_530 = arith.cmpi sgt, %add3A_529, %gt3A : i32
      %convert_element_type3A_531 = arith.extui %gt3A_530 : i1 to i32
      %cond3A_532 = arith.constant 0 : i32
      %cond3A_533 = arith.cmpi ne, %convert_element_type3A_531, %cond3A_532 : i32
      %cond3A_534 = scf.if %cond3A_533 -> (vector<16xi32>) {
        %reduce_max3A_546 = arith.constant true
        %reduce_max3A_547 = vector.broadcast %reduce_max3A_546 : i1 to vector<16xi1>
        %reduce_max3A_548 = arith.constant -2147483648 : i32
        %reduce_max3A_549 = vector.broadcast %reduce_max3A_548 : i32 to vector<16xi32>
        %reduce_max3A_550 = arith.xori %scan3A_519, %reduce_max3A_549 : vector<16xi32>
        %reduce_max3A_551 = tpu.scan <max>, %reduce_max3A_550 masked %reduce_max3A_547 : vector<16xi32>, vector<16xi1> -> vector<16xi32>
        %reduce_max3A_552 = arith.xori %reduce_max3A_551, %reduce_max3A_549 : vector<16xi32>
        %reduce_max3A_553 = vector.extract %reduce_max3A_552[15] : i32 from vector<16xi32>
        %add3A_554 = arith.constant 128 : i32
        %add3A_555 = arith.addi %reduce_max3A_553, %add3A_554 : i32
        %sub3A_556 = arith.constant 1 : i32
        %sub3A_557 = arith.subi %add3A_555, %sub3A_556 : i32
        %and3A_558 = arith.constant -128 : i32
        %and3A_559 = arith.andi %sub3A_557, %and3A_558 : i32
        %add3A_560 = arith.constant 0 : i32
        %add3A_561 = arith.addi %reduce_max3A_553, %add3A_560 : i32
        %add3A_562 = vector.broadcast %add3A_561 : i32 to vector<16xi32>
        %add3A_563 = arith.addi %add3A_562, %iota3A : vector<16xi32>
        %lt3A_564 = vector.broadcast %and3A_559 : i32 to vector<16xi32>
        %lt3A_565 = arith.cmpi slt, %add3A_563, %lt3A_564 : vector<16xi32>
        %shift_right_logical3A_566 = arith.constant 7 : i32
        %shift_right_logical3A_567 = vector.broadcast %shift_right_logical3A_566 : i32 to vector<16xi32>
        %shift_right_logical3A_568 = arith.shrui %add3A_563, %shift_right_logical3A_567 : vector<16xi32>
        %and3A_569 = arith.constant 127 : i32
        %and3A_570 = vector.broadcast %and3A_569 : i32 to vector<16xi32>
        %and3A_571 = arith.andi %add3A_563, %and3A_570 : vector<16xi32>
        %and3A_572 = arith.constant 31 : i32
        %and3A_573 = vector.broadcast %and3A_572 : i32 to vector<16xi32>
        %and3A_574 = arith.andi %add3A_563, %and3A_573 : vector<16xi32>
        %add3A_575 = arith.constant 12512 : i32
        %add3A_576 = vector.broadcast %add3A_575 : i32 to vector<16xi32>
        %add3A_577 = arith.addi %add3A_576, %and3A_574 : vector<16xi32>
        tpu.vector_store_idx %arg9[%shift_right_logical3A_568, %and3A_571], %add3A_577 masked %lt3A_565 : memref<41x128xi32, #tpu.memory_space<vmem>>[vector<16xi32>, vector<16xi32>], vector<16xi32>, vector<16xi1>
        tpu.vector_store_idx %arg10[%shift_right_logical3A_568, %and3A_571], %broadcast_in_dim3A_3 masked %lt3A_565 : memref<41x128xi32, #tpu.memory_space<vmem>>[vector<16xi32>, vector<16xi32>], vector<16xi32>, vector<16xi1>
        %add3A_578 = arith.constant 16 : i32
        %add3A_579 = arith.addi %reduce_max3A_553, %add3A_578 : i32
        %add3A_580 = vector.broadcast %add3A_579 : i32 to vector<16xi32>
        %add3A_581 = arith.addi %add3A_580, %iota3A : vector<16xi32>
        %lt3A_582 = vector.broadcast %and3A_559 : i32 to vector<16xi32>
        %lt3A_583 = arith.cmpi slt, %add3A_581, %lt3A_582 : vector<16xi32>
        %shift_right_logical3A_584 = arith.constant 7 : i32
        %shift_right_logical3A_585 = vector.broadcast %shift_right_logical3A_584 : i32 to vector<16xi32>
        %shift_right_logical3A_586 = arith.shrui %add3A_581, %shift_right_logical3A_585 : vector<16xi32>
        %and3A_587 = arith.constant 127 : i32
        %and3A_588 = vector.broadcast %and3A_587 : i32 to vector<16xi32>
        %and3A_589 = arith.andi %add3A_581, %and3A_588 : vector<16xi32>
        %and3A_590 = arith.constant 31 : i32
        %and3A_591 = vector.broadcast %and3A_590 : i32 to vector<16xi32>
        %and3A_592 = arith.andi %add3A_581, %and3A_591 : vector<16xi32>
        %add3A_593 = arith.constant 12512 : i32
        %add3A_594 = vector.broadcast %add3A_593 : i32 to vector<16xi32>
        %add3A_595 = arith.addi %add3A_594, %and3A_592 : vector<16xi32>
        tpu.vector_store_idx %arg9[%shift_right_logical3A_586, %and3A_589], %add3A_595 masked %lt3A_583 : memref<41x128xi32, #tpu.memory_space<vmem>>[vector<16xi32>, vector<16xi32>], vector<16xi32>, vector<16xi1>
        tpu.vector_store_idx %arg10[%shift_right_logical3A_586, %and3A_589], %broadcast_in_dim3A_3 masked %lt3A_583 : memref<41x128xi32, #tpu.memory_space<vmem>>[vector<16xi32>, vector<16xi32>], vector<16xi32>, vector<16xi1>
        %add3A_596 = arith.constant 32 : i32
        %add3A_597 = arith.addi %reduce_max3A_553, %add3A_596 : i32
        %add3A_598 = vector.broadcast %add3A_597 : i32 to vector<16xi32>
        %add3A_599 = arith.addi %add3A_598, %iota3A : vector<16xi32>
        %lt3A_600 = vector.broadcast %and3A_559 : i32 to vector<16xi32>
        %lt3A_601 = arith.cmpi slt, %add3A_599, %lt3A_600 : vector<16xi32>
        %shift_right_logical3A_602 = arith.constant 7 : i32
        %shift_right_logical3A_603 = vector.broadcast %shift_right_logical3A_602 : i32 to vector<16xi32>
        %shift_right_logical3A_604 = arith.shrui %add3A_599, %shift_right_logical3A_603 : vector<16xi32>
        %and3A_605 = arith.constant 127 : i32
        %and3A_606 = vector.broadcast %and3A_605 : i32 to vector<16xi32>
        %and3A_607 = arith.andi %add3A_599, %and3A_606 : vector<16xi32>
        %and3A_608 = arith.constant 31 : i32
        %and3A_609 = vector.broadcast %and3A_608 : i32 to vector<16xi32>
        %and3A_610 = arith.andi %add3A_599, %and3A_609 : vector<16xi32>
        %add3A_611 = arith.constant 12512 : i32
        %add3A_612 = vector.broadcast %add3A_611 : i32 to vector<16xi32>
        %add3A_613 = arith.addi %add3A_612, %and3A_610 : vector<16xi32>
        tpu.vector_store_idx %arg9[%shift_right_logical3A_604, %and3A_607], %add3A_613 masked %lt3A_601 : memref<41x128xi32, #tpu.memory_space<vmem>>[vector<16xi32>, vector<16xi32>], vector<16xi32>, vector<16xi1>
        tpu.vector_store_idx %arg10[%shift_right_logical3A_604, %and3A_607], %broadcast_in_dim3A_3 masked %lt3A_601 : memref<41x128xi32, #tpu.memory_space<vmem>>[vector<16xi32>, vector<16xi32>], vector<16xi32>, vector<16xi1>
        %add3A_614 = arith.constant 48 : i32
        %add3A_615 = arith.addi %reduce_max3A_553, %add3A_614 : i32
        %add3A_616 = vector.broadcast %add3A_615 : i32 to vector<16xi32>
        %add3A_617 = arith.addi %add3A_616, %iota3A : vector<16xi32>
        %lt3A_618 = vector.broadcast %and3A_559 : i32 to vector<16xi32>
        %lt3A_619 = arith.cmpi slt, %add3A_617, %lt3A_618 : vector<16xi32>
        %shift_right_logical3A_620 = arith.constant 7 : i32
        %shift_right_logical3A_621 = vector.broadcast %shift_right_logical3A_620 : i32 to vector<16xi32>
        %shift_right_logical3A_622 = arith.shrui %add3A_617, %shift_right_logical3A_621 : vector<16xi32>
        %and3A_623 = arith.constant 127 : i32
        %and3A_624 = vector.broadcast %and3A_623 : i32 to vector<16xi32>
        %and3A_625 = arith.andi %add3A_617, %and3A_624 : vector<16xi32>
        %and3A_626 = arith.constant 31 : i32
        %and3A_627 = vector.broadcast %and3A_626 : i32 to vector<16xi32>
        %and3A_628 = arith.andi %add3A_617, %and3A_627 : vector<16xi32>
        %add3A_629 = arith.constant 12512 : i32
        %add3A_630 = vector.broadcast %add3A_629 : i32 to vector<16xi32>
        %add3A_631 = arith.addi %add3A_630, %and3A_628 : vector<16xi32>
        tpu.vector_store_idx %arg9[%shift_right_logical3A_622, %and3A_625], %add3A_631 masked %lt3A_619 : memref<41x128xi32, #tpu.memory_space<vmem>>[vector<16xi32>, vector<16xi32>], vector<16xi32>, vector<16xi1>
        tpu.vector_store_idx %arg10[%shift_right_logical3A_622, %and3A_625], %broadcast_in_dim3A_3 masked %lt3A_619 : memref<41x128xi32, #tpu.memory_space<vmem>>[vector<16xi32>, vector<16xi32>], vector<16xi32>, vector<16xi1>
        %add3A_632 = arith.constant 64 : i32
        %add3A_633 = arith.addi %reduce_max3A_553, %add3A_632 : i32
        %add3A_634 = vector.broadcast %add3A_633 : i32 to vector<16xi32>
        %add3A_635 = arith.addi %add3A_634, %iota3A : vector<16xi32>
        %lt3A_636 = vector.broadcast %and3A_559 : i32 to vector<16xi32>
        %lt3A_637 = arith.cmpi slt, %add3A_635, %lt3A_636 : vector<16xi32>
        %shift_right_logical3A_638 = arith.constant 7 : i32
        %shift_right_logical3A_639 = vector.broadcast %shift_right_logical3A_638 : i32 to vector<16xi32>
        %shift_right_logical3A_640 = arith.shrui %add3A_635, %shift_right_logical3A_639 : vector<16xi32>
        %and3A_641 = arith.constant 127 : i32
        %and3A_642 = vector.broadcast %and3A_641 : i32 to vector<16xi32>
        %and3A_643 = arith.andi %add3A_635, %and3A_642 : vector<16xi32>
        %and3A_644 = arith.constant 31 : i32
        %and3A_645 = vector.broadcast %and3A_644 : i32 to vector<16xi32>
        %and3A_646 = arith.andi %add3A_635, %and3A_645 : vector<16xi32>
        %add3A_647 = arith.constant 12512 : i32
        %add3A_648 = vector.broadcast %add3A_647 : i32 to vector<16xi32>
        %add3A_649 = arith.addi %add3A_648, %and3A_646 : vector<16xi32>
        tpu.vector_store_idx %arg9[%shift_right_logical3A_640, %and3A_643], %add3A_649 masked %lt3A_637 : memref<41x128xi32, #tpu.memory_space<vmem>>[vector<16xi32>, vector<16xi32>], vector<16xi32>, vector<16xi1>
        tpu.vector_store_idx %arg10[%shift_right_logical3A_640, %and3A_643], %broadcast_in_dim3A_3 masked %lt3A_637 : memref<41x128xi32, #tpu.memory_space<vmem>>[vector<16xi32>, vector<16xi32>], vector<16xi32>, vector<16xi1>
        %add3A_650 = arith.constant 80 : i32
        %add3A_651 = arith.addi %reduce_max3A_553, %add3A_650 : i32
        %add3A_652 = vector.broadcast %add3A_651 : i32 to vector<16xi32>
        %add3A_653 = arith.addi %add3A_652, %iota3A : vector<16xi32>
        %lt3A_654 = vector.broadcast %and3A_559 : i32 to vector<16xi32>
        %lt3A_655 = arith.cmpi slt, %add3A_653, %lt3A_654 : vector<16xi32>
        %shift_right_logical3A_656 = arith.constant 7 : i32
        %shift_right_logical3A_657 = vector.broadcast %shift_right_logical3A_656 : i32 to vector<16xi32>
        %shift_right_logical3A_658 = arith.shrui %add3A_653, %shift_right_logical3A_657 : vector<16xi32>
        %and3A_659 = arith.constant 127 : i32
        %and3A_660 = vector.broadcast %and3A_659 : i32 to vector<16xi32>
        %and3A_661 = arith.andi %add3A_653, %and3A_660 : vector<16xi32>
        %and3A_662 = arith.constant 31 : i32
        %and3A_663 = vector.broadcast %and3A_662 : i32 to vector<16xi32>
        %and3A_664 = arith.andi %add3A_653, %and3A_663 : vector<16xi32>
        %add3A_665 = arith.constant 12512 : i32
        %add3A_666 = vector.broadcast %add3A_665 : i32 to vector<16xi32>
        %add3A_667 = arith.addi %add3A_666, %and3A_664 : vector<16xi32>
        tpu.vector_store_idx %arg9[%shift_right_logical3A_658, %and3A_661], %add3A_667 masked %lt3A_655 : memref<41x128xi32, #tpu.memory_space<vmem>>[vector<16xi32>, vector<16xi32>], vector<16xi32>, vector<16xi1>
        tpu.vector_store_idx %arg10[%shift_right_logical3A_658, %and3A_661], %broadcast_in_dim3A_3 masked %lt3A_655 : memref<41x128xi32, #tpu.memory_space<vmem>>[vector<16xi32>, vector<16xi32>], vector<16xi32>, vector<16xi1>
        %add3A_668 = arith.constant 96 : i32
        %add3A_669 = arith.addi %reduce_max3A_553, %add3A_668 : i32
        %add3A_670 = vector.broadcast %add3A_669 : i32 to vector<16xi32>
        %add3A_671 = arith.addi %add3A_670, %iota3A : vector<16xi32>
        %lt3A_672 = vector.broadcast %and3A_559 : i32 to vector<16xi32>
        %lt3A_673 = arith.cmpi slt, %add3A_671, %lt3A_672 : vector<16xi32>
        %shift_right_logical3A_674 = arith.constant 7 : i32
        %shift_right_logical3A_675 = vector.broadcast %shift_right_logical3A_674 : i32 to vector<16xi32>
        %shift_right_logical3A_676 = arith.shrui %add3A_671, %shift_right_logical3A_675 : vector<16xi32>
        %and3A_677 = arith.constant 127 : i32
        %and3A_678 = vector.broadcast %and3A_677 : i32 to vector<16xi32>
        %and3A_679 = arith.andi %add3A_671, %and3A_678 : vector<16xi32>
        %and3A_680 = arith.constant 31 : i32
        %and3A_681 = vector.broadcast %and3A_680 : i32 to vector<16xi32>
        %and3A_682 = arith.andi %add3A_671, %and3A_681 : vector<16xi32>
        %add3A_683 = arith.constant 12512 : i32
        %add3A_684 = vector.broadcast %add3A_683 : i32 to vector<16xi32>
        %add3A_685 = arith.addi %add3A_684, %and3A_682 : vector<16xi32>
        tpu.vector_store_idx %arg9[%shift_right_logical3A_676, %and3A_679], %add3A_685 masked %lt3A_673 : memref<41x128xi32, #tpu.memory_space<vmem>>[vector<16xi32>, vector<16xi32>], vector<16xi32>, vector<16xi1>
        tpu.vector_store_idx %arg10[%shift_right_logical3A_676, %and3A_679], %broadcast_in_dim3A_3 masked %lt3A_673 : memref<41x128xi32, #tpu.memory_space<vmem>>[vector<16xi32>, vector<16xi32>], vector<16xi32>, vector<16xi1>
        %add3A_686 = arith.constant 112 : i32
        %add3A_687 = arith.addi %reduce_max3A_553, %add3A_686 : i32
        %add3A_688 = vector.broadcast %add3A_687 : i32 to vector<16xi32>
        %add3A_689 = arith.addi %add3A_688, %iota3A : vector<16xi32>
        %lt3A_690 = vector.broadcast %and3A_559 : i32 to vector<16xi32>
        %lt3A_691 = arith.cmpi slt, %add3A_689, %lt3A_690 : vector<16xi32>
        %shift_right_logical3A_692 = arith.constant 7 : i32
        %shift_right_logical3A_693 = vector.broadcast %shift_right_logical3A_692 : i32 to vector<16xi32>
        %shift_right_logical3A_694 = arith.shrui %add3A_689, %shift_right_logical3A_693 : vector<16xi32>
        %and3A_695 = arith.constant 127 : i32
        %and3A_696 = vector.broadcast %and3A_695 : i32 to vector<16xi32>
        %and3A_697 = arith.andi %add3A_689, %and3A_696 : vector<16xi32>
        %and3A_698 = arith.constant 31 : i32
        %and3A_699 = vector.broadcast %and3A_698 : i32 to vector<16xi32>
        %and3A_700 = arith.andi %add3A_689, %and3A_699 : vector<16xi32>
        %add3A_701 = arith.constant 12512 : i32
        %add3A_702 = vector.broadcast %add3A_701 : i32 to vector<16xi32>
        %add3A_703 = arith.addi %add3A_702, %and3A_700 : vector<16xi32>
        tpu.vector_store_idx %arg9[%shift_right_logical3A_694, %and3A_697], %add3A_703 masked %lt3A_691 : memref<41x128xi32, #tpu.memory_space<vmem>>[vector<16xi32>, vector<16xi32>], vector<16xi32>, vector<16xi1>
        tpu.vector_store_idx %arg10[%shift_right_logical3A_694, %and3A_697], %broadcast_in_dim3A_3 masked %lt3A_691 : memref<41x128xi32, #tpu.memory_space<vmem>>[vector<16xi32>, vector<16xi32>], vector<16xi32>, vector<16xi1>
        %shift_right_logical3A_704 = arith.constant 7 : i32
        %shift_right_logical3A_705 = arith.shrui %and3A_559, %shift_right_logical3A_704 : i32
        %while3A_706 = arith.constant 0 : i32
        %while3A_707 = arith.constant 0 : i32
        %while3A_708 = arith.subi %shift_right_logical3A_705, %while3A_707 : i32
        %while3A_709 = arith.addi %while3A_707, %while3A_708 : i32
        %while3A_710 = arith.constant 1 : i32
        %while3A_711 = arith.divsi %while3A_708, %while3A_710 : i32
        %while3A_712 = arith.muli %while3A_711, %while3A_710 : i32
        %while3A_713 = arith.addi %while3A_707, %while3A_712 : i32
        %while3A_714 = arith.constant 1 : i32
        scf.for %while3A_718 = %while3A_707 to %while3A_713 step %while3A_714  : i32 {
          %eq3A_719 = arith.constant 0 : i32
          %eq3A_720 = arith.cmpi eq, %div3A_0, %eq3A_719 : i32
          %convert_element_type3A_721 = arith.extui %eq3A_720 : i1 to i32
          %cond3A_722 = arith.constant 0 : i32
          %cond3A_723 = arith.cmpi ne, %convert_element_type3A_721, %cond3A_722 : i32
          scf.if %cond3A_723 {
            %dma_start3A = arith.constant 0 : i32
            %dma_start3A_739 = tpu.memref_slice %arg10[%while3A_718, %dma_start3A] : memref<41x128xi32, #tpu.memory_space<vmem>> -> memref<1x128xi32, #tpu.memory_space<vmem>>
            %dma_start3A_740 = tpu.memref_squeeze %dma_start3A_739 : memref<1x128xi32, #tpu.memory_space<vmem>> -> memref<128xi32, #tpu.memory_space<vmem>>
            %dma_start3A_741 = arith.constant 0 : i32
            %dma_start3A_742 = arith.constant 0 : i32
            %dma_start3A_743 = tpu.memref_slice %arg2[%dma_start3A_741, %dma_start3A_742] : memref<55296x128xf32, #tpu.memory_space<hbm>> -> memref<55296x128xf32, #tpu.memory_space<hbm>>
            tpu.enqueue_indirect_dma source(%dma_start3A_743 : memref<55296x128xf32, #tpu.memory_space<hbm>>) target(%arg11 : memref<128x128xf32, #tpu.memory_space<vmem>>) offsets(%dma_start3A_740 : memref<128xi32, #tpu.memory_space<vmem>>) semaphore(%arg13 : memref<!tpu.dma_semaphore, #tpu.memory_space<semaphore_mem>>)
            %dma_wait3A = arith.constant 0 : i32
            %dma_wait3A_744 = tpu.memref_slice %arg10[%while3A_718, %dma_wait3A] : memref<41x128xi32, #tpu.memory_space<vmem>> -> memref<1x128xi32, #tpu.memory_space<vmem>>
            %dma_wait3A_745 = tpu.memref_squeeze %dma_wait3A_744 : memref<1x128xi32, #tpu.memory_space<vmem>> -> memref<128xi32, #tpu.memory_space<vmem>>
            %dma_wait3A_746 = arith.constant 0 : i32
            %dma_wait3A_747 = arith.constant 0 : i32
            %dma_wait3A_748 = tpu.memref_slice %arg2[%dma_wait3A_746, %dma_wait3A_747] : memref<55296x128xf32, #tpu.memory_space<hbm>> -> memref<55296x128xf32, #tpu.memory_space<hbm>>
            tpu.wait_indirect_dma semaphore(%arg13 : memref<!tpu.dma_semaphore, #tpu.memory_space<semaphore_mem>>) src(%dma_wait3A_748 : memref<55296x128xf32, #tpu.memory_space<hbm>>) dst(%arg11 : memref<128x128xf32, #tpu.memory_space<vmem>>)
          } else {
          }
          %eq3A_724 = arith.constant 1 : i32
          %eq3A_725 = arith.cmpi eq, %div3A_0, %eq3A_724 : i32
          %convert_element_type3A_726 = arith.extui %eq3A_725 : i1 to i32
          %cond3A_727 = arith.constant 0 : i32
          %cond3A_728 = arith.cmpi ne, %convert_element_type3A_726, %cond3A_727 : i32
          scf.if %cond3A_728 {
            %dma_start3A = arith.constant 0 : i32
            %dma_start3A_739 = tpu.memref_slice %arg10[%while3A_718, %dma_start3A] : memref<41x128xi32, #tpu.memory_space<vmem>> -> memref<1x128xi32, #tpu.memory_space<vmem>>
            %dma_start3A_740 = tpu.memref_squeeze %dma_start3A_739 : memref<1x128xi32, #tpu.memory_space<vmem>> -> memref<128xi32, #tpu.memory_space<vmem>>
            %dma_start3A_741 = arith.constant 0 : i32
            %dma_start3A_742 = arith.constant 0 : i32
            %dma_start3A_743 = tpu.memref_slice %arg3[%dma_start3A_741, %dma_start3A_742] : memref<55296x128xf32, #tpu.memory_space<hbm>> -> memref<55296x128xf32, #tpu.memory_space<hbm>>
            tpu.enqueue_indirect_dma source(%dma_start3A_743 : memref<55296x128xf32, #tpu.memory_space<hbm>>) target(%arg11 : memref<128x128xf32, #tpu.memory_space<vmem>>) offsets(%dma_start3A_740 : memref<128xi32, #tpu.memory_space<vmem>>) semaphore(%arg13 : memref<!tpu.dma_semaphore, #tpu.memory_space<semaphore_mem>>)
            %dma_wait3A = arith.constant 0 : i32
            %dma_wait3A_744 = tpu.memref_slice %arg10[%while3A_718, %dma_wait3A] : memref<41x128xi32, #tpu.memory_space<vmem>> -> memref<1x128xi32, #tpu.memory_space<vmem>>
            %dma_wait3A_745 = tpu.memref_squeeze %dma_wait3A_744 : memref<1x128xi32, #tpu.memory_space<vmem>> -> memref<128xi32, #tpu.memory_space<vmem>>
            %dma_wait3A_746 = arith.constant 0 : i32
            %dma_wait3A_747 = arith.constant 0 : i32
            %dma_wait3A_748 = tpu.memref_slice %arg3[%dma_wait3A_746, %dma_wait3A_747] : memref<55296x128xf32, #tpu.memory_space<hbm>> -> memref<55296x128xf32, #tpu.memory_space<hbm>>
            tpu.wait_indirect_dma semaphore(%arg13 : memref<!tpu.dma_semaphore, #tpu.memory_space<semaphore_mem>>) src(%dma_wait3A_748 : memref<55296x128xf32, #tpu.memory_space<hbm>>) dst(%arg11 : memref<128x128xf32, #tpu.memory_space<vmem>>)
          } else {
          }
          %eq3A_729 = arith.constant 2 : i32
          %eq3A_730 = arith.cmpi eq, %div3A_0, %eq3A_729 : i32
          %convert_element_type3A_731 = arith.extui %eq3A_730 : i1 to i32
          %cond3A_732 = arith.constant 0 : i32
          %cond3A_733 = arith.cmpi ne, %convert_element_type3A_731, %cond3A_732 : i32
          scf.if %cond3A_733 {
            %dma_start3A = arith.constant 0 : i32
            %dma_start3A_739 = tpu.memref_slice %arg10[%while3A_718, %dma_start3A] : memref<41x128xi32, #tpu.memory_space<vmem>> -> memref<1x128xi32, #tpu.memory_space<vmem>>
            %dma_start3A_740 = tpu.memref_squeeze %dma_start3A_739 : memref<1x128xi32, #tpu.memory_space<vmem>> -> memref<128xi32, #tpu.memory_space<vmem>>
            %dma_start3A_741 = arith.constant 0 : i32
            %dma_start3A_742 = arith.constant 0 : i32
            %dma_start3A_743 = tpu.memref_slice %arg4[%dma_start3A_741, %dma_start3A_742] : memref<55296x128xf32, #tpu.memory_space<hbm>> -> memref<55296x128xf32, #tpu.memory_space<hbm>>
            tpu.enqueue_indirect_dma source(%dma_start3A_743 : memref<55296x128xf32, #tpu.memory_space<hbm>>) target(%arg11 : memref<128x128xf32, #tpu.memory_space<vmem>>) offsets(%dma_start3A_740 : memref<128xi32, #tpu.memory_space<vmem>>) semaphore(%arg13 : memref<!tpu.dma_semaphore, #tpu.memory_space<semaphore_mem>>)
            %dma_wait3A = arith.constant 0 : i32
            %dma_wait3A_744 = tpu.memref_slice %arg10[%while3A_718, %dma_wait3A] : memref<41x128xi32, #tpu.memory_space<vmem>> -> memref<1x128xi32, #tpu.memory_space<vmem>>
            %dma_wait3A_745 = tpu.memref_squeeze %dma_wait3A_744 : memref<1x128xi32, #tpu.memory_space<vmem>> -> memref<128xi32, #tpu.memory_space<vmem>>
            %dma_wait3A_746 = arith.constant 0 : i32
            %dma_wait3A_747 = arith.constant 0 : i32
            %dma_wait3A_748 = tpu.memref_slice %arg4[%dma_wait3A_746, %dma_wait3A_747] : memref<55296x128xf32, #tpu.memory_space<hbm>> -> memref<55296x128xf32, #tpu.memory_space<hbm>>
            tpu.wait_indirect_dma semaphore(%arg13 : memref<!tpu.dma_semaphore, #tpu.memory_space<semaphore_mem>>) src(%dma_wait3A_748 : memref<55296x128xf32, #tpu.memory_space<hbm>>) dst(%arg11 : memref<128x128xf32, #tpu.memory_space<vmem>>)
          } else {
          }
          %eq3A_734 = arith.constant 3 : i32
          %eq3A_735 = arith.cmpi eq, %div3A_0, %eq3A_734 : i32
          %convert_element_type3A_736 = arith.extui %eq3A_735 : i1 to i32
          %cond3A_737 = arith.constant 0 : i32
          %cond3A_738 = arith.cmpi ne, %convert_element_type3A_736, %cond3A_737 : i32
          scf.if %cond3A_738 {
            %dma_start3A = arith.constant 0 : i32
            %dma_start3A_739 = tpu.memref_slice %arg10[%while3A_718, %dma_start3A] : memref<41x128xi32, #tpu.memory_space<vmem>> -> memref<1x128xi32, #tpu.memory_space<vmem>>
            %dma_start3A_740 = tpu.memref_squeeze %dma_start3A_739 : memref<1x128xi32, #tpu.memory_space<vmem>> -> memref<128xi32, #tpu.memory_space<vmem>>
            %dma_start3A_741 = arith.constant 0 : i32
            %dma_start3A_742 = arith.constant 0 : i32
            %dma_start3A_743 = tpu.memref_slice %arg5[%dma_start3A_741, %dma_start3A_742] : memref<55296x128xf32, #tpu.memory_space<hbm>> -> memref<55296x128xf32, #tpu.memory_space<hbm>>
            tpu.enqueue_indirect_dma source(%dma_start3A_743 : memref<55296x128xf32, #tpu.memory_space<hbm>>) target(%arg11 : memref<128x128xf32, #tpu.memory_space<vmem>>) offsets(%dma_start3A_740 : memref<128xi32, #tpu.memory_space<vmem>>) semaphore(%arg13 : memref<!tpu.dma_semaphore, #tpu.memory_space<semaphore_mem>>)
            %dma_wait3A = arith.constant 0 : i32
            %dma_wait3A_744 = tpu.memref_slice %arg10[%while3A_718, %dma_wait3A] : memref<41x128xi32, #tpu.memory_space<vmem>> -> memref<1x128xi32, #tpu.memory_space<vmem>>
            %dma_wait3A_745 = tpu.memref_squeeze %dma_wait3A_744 : memref<1x128xi32, #tpu.memory_space<vmem>> -> memref<128xi32, #tpu.memory_space<vmem>>
            %dma_wait3A_746 = arith.constant 0 : i32
            %dma_wait3A_747 = arith.constant 0 : i32
            %dma_wait3A_748 = tpu.memref_slice %arg5[%dma_wait3A_746, %dma_wait3A_747] : memref<55296x128xf32, #tpu.memory_space<hbm>> -> memref<55296x128xf32, #tpu.memory_space<hbm>>
            tpu.wait_indirect_dma semaphore(%arg13 : memref<!tpu.dma_semaphore, #tpu.memory_space<semaphore_mem>>) src(%dma_wait3A_748 : memref<55296x128xf32, #tpu.memory_space<hbm>>) dst(%arg11 : memref<128x128xf32, #tpu.memory_space<vmem>>)
          } else {
          }
          "tpu.region"() ({
            %run_scoped3A = tpu.sem_alloc : memref<!tpu.dma_semaphore, #tpu.memory_space<semaphore_mem>>
            %dma_start3A = arith.constant 0 : i32
            %dma_start3A_739 = tpu.memref_slice %arg9[%while3A_718, %dma_start3A] : memref<41x128xi32, #tpu.memory_space<vmem>> -> memref<1x128xi32, #tpu.memory_space<vmem>>
            %dma_start3A_740 = tpu.memref_squeeze %dma_start3A_739 : memref<1x128xi32, #tpu.memory_space<vmem>> -> memref<128xi32, #tpu.memory_space<vmem>>
            %dma_start3A_741 = arith.constant 0 : i32
            %dma_start3A_742 = arith.constant 0 : i32
            %dma_start3A_743 = tpu.memref_slice %arg12[%dma_start3A_741, %dma_start3A_742] : memref<12544x128xf32, #tpu.memory_space<vmem_shared>> -> memref<12544x128xf32, #tpu.memory_space<vmem_shared>>
            tpu.enqueue_indirect_dma source(%arg11 : memref<128x128xf32, #tpu.memory_space<vmem>>) target(%dma_start3A_743 : memref<12544x128xf32, #tpu.memory_space<vmem_shared>>) offsets(%dma_start3A_740 : memref<128xi32, #tpu.memory_space<vmem>>) semaphore(%run_scoped3A : memref<!tpu.dma_semaphore, #tpu.memory_space<semaphore_mem>>) {add = true}
            %dma_wait3A = arith.constant 0 : i32
            %dma_wait3A_744 = tpu.memref_slice %arg9[%while3A_718, %dma_wait3A] : memref<41x128xi32, #tpu.memory_space<vmem>> -> memref<1x128xi32, #tpu.memory_space<vmem>>
            %dma_wait3A_745 = tpu.memref_squeeze %dma_wait3A_744 : memref<1x128xi32, #tpu.memory_space<vmem>> -> memref<128xi32, #tpu.memory_space<vmem>>
            %dma_wait3A_746 = arith.constant 0 : i32
            %dma_wait3A_747 = arith.constant 0 : i32
            %dma_wait3A_748 = tpu.memref_slice %arg12[%dma_wait3A_746, %dma_wait3A_747] : memref<12544x128xf32, #tpu.memory_space<vmem_shared>> -> memref<12544x128xf32, #tpu.memory_space<vmem_shared>>
            tpu.wait_indirect_dma semaphore(%run_scoped3A : memref<!tpu.dma_semaphore, #tpu.memory_space<semaphore_mem>>) src(%arg11 : memref<128x128xf32, #tpu.memory_space<vmem>>) dst(%dma_wait3A_748 : memref<12544x128xf32, #tpu.memory_space<vmem_shared>>)
            tpu.yield
          }) : () -> ()
        }
        %while3A_715 = arith.constant 1 : i32
        scf.for %while3A_718 = %while3A_713 to %while3A_709 step %while3A_715  : i32 {
          %eq3A_719 = arith.constant 0 : i32
          %eq3A_720 = arith.cmpi eq, %div3A_0, %eq3A_719 : i32
          %convert_element_type3A_721 = arith.extui %eq3A_720 : i1 to i32
          %cond3A_722 = arith.constant 0 : i32
          %cond3A_723 = arith.cmpi ne, %convert_element_type3A_721, %cond3A_722 : i32
          scf.if %cond3A_723 {
            %dma_start3A = arith.constant 0 : i32
            %dma_start3A_739 = tpu.memref_slice %arg10[%while3A_718, %dma_start3A] : memref<41x128xi32, #tpu.memory_space<vmem>> -> memref<1x128xi32, #tpu.memory_space<vmem>>
            %dma_start3A_740 = tpu.memref_squeeze %dma_start3A_739 : memref<1x128xi32, #tpu.memory_space<vmem>> -> memref<128xi32, #tpu.memory_space<vmem>>
            %dma_start3A_741 = arith.constant 0 : i32
            %dma_start3A_742 = arith.constant 0 : i32
            %dma_start3A_743 = tpu.memref_slice %arg2[%dma_start3A_741, %dma_start3A_742] : memref<55296x128xf32, #tpu.memory_space<hbm>> -> memref<55296x128xf32, #tpu.memory_space<hbm>>
            tpu.enqueue_indirect_dma source(%dma_start3A_743 : memref<55296x128xf32, #tpu.memory_space<hbm>>) target(%arg11 : memref<128x128xf32, #tpu.memory_space<vmem>>) offsets(%dma_start3A_740 : memref<128xi32, #tpu.memory_space<vmem>>) semaphore(%arg13 : memref<!tpu.dma_semaphore, #tpu.memory_space<semaphore_mem>>)
            %dma_wait3A = arith.constant 0 : i32
            %dma_wait3A_744 = tpu.memref_slice %arg10[%while3A_718, %dma_wait3A] : memref<41x128xi32, #tpu.memory_space<vmem>> -> memref<1x128xi32, #tpu.memory_space<vmem>>
            %dma_wait3A_745 = tpu.memref_squeeze %dma_wait3A_744 : memref<1x128xi32, #tpu.memory_space<vmem>> -> memref<128xi32, #tpu.memory_space<vmem>>
            %dma_wait3A_746 = arith.constant 0 : i32
            %dma_wait3A_747 = arith.constant 0 : i32
            %dma_wait3A_748 = tpu.memref_slice %arg2[%dma_wait3A_746, %dma_wait3A_747] : memref<55296x128xf32, #tpu.memory_space<hbm>> -> memref<55296x128xf32, #tpu.memory_space<hbm>>
            tpu.wait_indirect_dma semaphore(%arg13 : memref<!tpu.dma_semaphore, #tpu.memory_space<semaphore_mem>>) src(%dma_wait3A_748 : memref<55296x128xf32, #tpu.memory_space<hbm>>) dst(%arg11 : memref<128x128xf32, #tpu.memory_space<vmem>>)
          } else {
          }
          %eq3A_724 = arith.constant 1 : i32
          %eq3A_725 = arith.cmpi eq, %div3A_0, %eq3A_724 : i32
          %convert_element_type3A_726 = arith.extui %eq3A_725 : i1 to i32
          %cond3A_727 = arith.constant 0 : i32
          %cond3A_728 = arith.cmpi ne, %convert_element_type3A_726, %cond3A_727 : i32
          scf.if %cond3A_728 {
            %dma_start3A = arith.constant 0 : i32
            %dma_start3A_739 = tpu.memref_slice %arg10[%while3A_718, %dma_start3A] : memref<41x128xi32, #tpu.memory_space<vmem>> -> memref<1x128xi32, #tpu.memory_space<vmem>>
            %dma_start3A_740 = tpu.memref_squeeze %dma_start3A_739 : memref<1x128xi32, #tpu.memory_space<vmem>> -> memref<128xi32, #tpu.memory_space<vmem>>
            %dma_start3A_741 = arith.constant 0 : i32
            %dma_start3A_742 = arith.constant 0 : i32
            %dma_start3A_743 = tpu.memref_slice %arg3[%dma_start3A_741, %dma_start3A_742] : memref<55296x128xf32, #tpu.memory_space<hbm>> -> memref<55296x128xf32, #tpu.memory_space<hbm>>
            tpu.enqueue_indirect_dma source(%dma_start3A_743 : memref<55296x128xf32, #tpu.memory_space<hbm>>) target(%arg11 : memref<128x128xf32, #tpu.memory_space<vmem>>) offsets(%dma_start3A_740 : memref<128xi32, #tpu.memory_space<vmem>>) semaphore(%arg13 : memref<!tpu.dma_semaphore, #tpu.memory_space<semaphore_mem>>)
            %dma_wait3A = arith.constant 0 : i32
            %dma_wait3A_744 = tpu.memref_slice %arg10[%while3A_718, %dma_wait3A] : memref<41x128xi32, #tpu.memory_space<vmem>> -> memref<1x128xi32, #tpu.memory_space<vmem>>
            %dma_wait3A_745 = tpu.memref_squeeze %dma_wait3A_744 : memref<1x128xi32, #tpu.memory_space<vmem>> -> memref<128xi32, #tpu.memory_space<vmem>>
            %dma_wait3A_746 = arith.constant 0 : i32
            %dma_wait3A_747 = arith.constant 0 : i32
            %dma_wait3A_748 = tpu.memref_slice %arg3[%dma_wait3A_746, %dma_wait3A_747] : memref<55296x128xf32, #tpu.memory_space<hbm>> -> memref<55296x128xf32, #tpu.memory_space<hbm>>
            tpu.wait_indirect_dma semaphore(%arg13 : memref<!tpu.dma_semaphore, #tpu.memory_space<semaphore_mem>>) src(%dma_wait3A_748 : memref<55296x128xf32, #tpu.memory_space<hbm>>) dst(%arg11 : memref<128x128xf32, #tpu.memory_space<vmem>>)
          } else {
          }
          %eq3A_729 = arith.constant 2 : i32
          %eq3A_730 = arith.cmpi eq, %div3A_0, %eq3A_729 : i32
          %convert_element_type3A_731 = arith.extui %eq3A_730 : i1 to i32
          %cond3A_732 = arith.constant 0 : i32
          %cond3A_733 = arith.cmpi ne, %convert_element_type3A_731, %cond3A_732 : i32
          scf.if %cond3A_733 {
            %dma_start3A = arith.constant 0 : i32
            %dma_start3A_739 = tpu.memref_slice %arg10[%while3A_718, %dma_start3A] : memref<41x128xi32, #tpu.memory_space<vmem>> -> memref<1x128xi32, #tpu.memory_space<vmem>>
            %dma_start3A_740 = tpu.memref_squeeze %dma_start3A_739 : memref<1x128xi32, #tpu.memory_space<vmem>> -> memref<128xi32, #tpu.memory_space<vmem>>
            %dma_start3A_741 = arith.constant 0 : i32
            %dma_start3A_742 = arith.constant 0 : i32
            %dma_start3A_743 = tpu.memref_slice %arg4[%dma_start3A_741, %dma_start3A_742] : memref<55296x128xf32, #tpu.memory_space<hbm>> -> memref<55296x128xf32, #tpu.memory_space<hbm>>
            tpu.enqueue_indirect_dma source(%dma_start3A_743 : memref<55296x128xf32, #tpu.memory_space<hbm>>) target(%arg11 : memref<128x128xf32, #tpu.memory_space<vmem>>) offsets(%dma_start3A_740 : memref<128xi32, #tpu.memory_space<vmem>>) semaphore(%arg13 : memref<!tpu.dma_semaphore, #tpu.memory_space<semaphore_mem>>)
            %dma_wait3A = arith.constant 0 : i32
            %dma_wait3A_744 = tpu.memref_slice %arg10[%while3A_718, %dma_wait3A] : memref<41x128xi32, #tpu.memory_space<vmem>> -> memref<1x128xi32, #tpu.memory_space<vmem>>
            %dma_wait3A_745 = tpu.memref_squeeze %dma_wait3A_744 : memref<1x128xi32, #tpu.memory_space<vmem>> -> memref<128xi32, #tpu.memory_space<vmem>>
            %dma_wait3A_746 = arith.constant 0 : i32
            %dma_wait3A_747 = arith.constant 0 : i32
            %dma_wait3A_748 = tpu.memref_slice %arg4[%dma_wait3A_746, %dma_wait3A_747] : memref<55296x128xf32, #tpu.memory_space<hbm>> -> memref<55296x128xf32, #tpu.memory_space<hbm>>
            tpu.wait_indirect_dma semaphore(%arg13 : memref<!tpu.dma_semaphore, #tpu.memory_space<semaphore_mem>>) src(%dma_wait3A_748 : memref<55296x128xf32, #tpu.memory_space<hbm>>) dst(%arg11 : memref<128x128xf32, #tpu.memory_space<vmem>>)
          } else {
          }
          %eq3A_734 = arith.constant 3 : i32
          %eq3A_735 = arith.cmpi eq, %div3A_0, %eq3A_734 : i32
          %convert_element_type3A_736 = arith.extui %eq3A_735 : i1 to i32
          %cond3A_737 = arith.constant 0 : i32
          %cond3A_738 = arith.cmpi ne, %convert_element_type3A_736, %cond3A_737 : i32
          scf.if %cond3A_738 {
            %dma_start3A = arith.constant 0 : i32
            %dma_start3A_739 = tpu.memref_slice %arg10[%while3A_718, %dma_start3A] : memref<41x128xi32, #tpu.memory_space<vmem>> -> memref<1x128xi32, #tpu.memory_space<vmem>>
            %dma_start3A_740 = tpu.memref_squeeze %dma_start3A_739 : memref<1x128xi32, #tpu.memory_space<vmem>> -> memref<128xi32, #tpu.memory_space<vmem>>
            %dma_start3A_741 = arith.constant 0 : i32
            %dma_start3A_742 = arith.constant 0 : i32
            %dma_start3A_743 = tpu.memref_slice %arg5[%dma_start3A_741, %dma_start3A_742] : memref<55296x128xf32, #tpu.memory_space<hbm>> -> memref<55296x128xf32, #tpu.memory_space<hbm>>
            tpu.enqueue_indirect_dma source(%dma_start3A_743 : memref<55296x128xf32, #tpu.memory_space<hbm>>) target(%arg11 : memref<128x128xf32, #tpu.memory_space<vmem>>) offsets(%dma_start3A_740 : memref<128xi32, #tpu.memory_space<vmem>>) semaphore(%arg13 : memref<!tpu.dma_semaphore, #tpu.memory_space<semaphore_mem>>)
            %dma_wait3A = arith.constant 0 : i32
            %dma_wait3A_744 = tpu.memref_slice %arg10[%while3A_718, %dma_wait3A] : memref<41x128xi32, #tpu.memory_space<vmem>> -> memref<1x128xi32, #tpu.memory_space<vmem>>
            %dma_wait3A_745 = tpu.memref_squeeze %dma_wait3A_744 : memref<1x128xi32, #tpu.memory_space<vmem>> -> memref<128xi32, #tpu.memory_space<vmem>>
            %dma_wait3A_746 = arith.constant 0 : i32
            %dma_wait3A_747 = arith.constant 0 : i32
            %dma_wait3A_748 = tpu.memref_slice %arg5[%dma_wait3A_746, %dma_wait3A_747] : memref<55296x128xf32, #tpu.memory_space<hbm>> -> memref<55296x128xf32, #tpu.memory_space<hbm>>
            tpu.wait_indirect_dma semaphore(%arg13 : memref<!tpu.dma_semaphore, #tpu.memory_space<semaphore_mem>>) src(%dma_wait3A_748 : memref<55296x128xf32, #tpu.memory_space<hbm>>) dst(%arg11 : memref<128x128xf32, #tpu.memory_space<vmem>>)
          } else {
          }
          "tpu.region"() ({
            %run_scoped3A = tpu.sem_alloc : memref<!tpu.dma_semaphore, #tpu.memory_space<semaphore_mem>>
            %dma_start3A = arith.constant 0 : i32
            %dma_start3A_739 = tpu.memref_slice %arg9[%while3A_718, %dma_start3A] : memref<41x128xi32, #tpu.memory_space<vmem>> -> memref<1x128xi32, #tpu.memory_space<vmem>>
            %dma_start3A_740 = tpu.memref_squeeze %dma_start3A_739 : memref<1x128xi32, #tpu.memory_space<vmem>> -> memref<128xi32, #tpu.memory_space<vmem>>
            %dma_start3A_741 = arith.constant 0 : i32
            %dma_start3A_742 = arith.constant 0 : i32
            %dma_start3A_743 = tpu.memref_slice %arg12[%dma_start3A_741, %dma_start3A_742] : memref<12544x128xf32, #tpu.memory_space<vmem_shared>> -> memref<12544x128xf32, #tpu.memory_space<vmem_shared>>
            tpu.enqueue_indirect_dma source(%arg11 : memref<128x128xf32, #tpu.memory_space<vmem>>) target(%dma_start3A_743 : memref<12544x128xf32, #tpu.memory_space<vmem_shared>>) offsets(%dma_start3A_740 : memref<128xi32, #tpu.memory_space<vmem>>) semaphore(%run_scoped3A : memref<!tpu.dma_semaphore, #tpu.memory_space<semaphore_mem>>) {add = true}
            %dma_wait3A = arith.constant 0 : i32
            %dma_wait3A_744 = tpu.memref_slice %arg9[%while3A_718, %dma_wait3A] : memref<41x128xi32, #tpu.memory_space<vmem>> -> memref<1x128xi32, #tpu.memory_space<vmem>>
            %dma_wait3A_745 = tpu.memref_squeeze %dma_wait3A_744 : memref<1x128xi32, #tpu.memory_space<vmem>> -> memref<128xi32, #tpu.memory_space<vmem>>
            %dma_wait3A_746 = arith.constant 0 : i32
            %dma_wait3A_747 = arith.constant 0 : i32
            %dma_wait3A_748 = tpu.memref_slice %arg12[%dma_wait3A_746, %dma_wait3A_747] : memref<12544x128xf32, #tpu.memory_space<vmem_shared>> -> memref<12544x128xf32, #tpu.memory_space<vmem_shared>>
            tpu.wait_indirect_dma semaphore(%run_scoped3A : memref<!tpu.dma_semaphore, #tpu.memory_space<semaphore_mem>>) src(%arg11 : memref<128x128xf32, #tpu.memory_space<vmem>>) dst(%dma_wait3A_748 : memref<12544x128xf32, #tpu.memory_space<vmem_shared>>)
            tpu.yield
          }) : () -> ()
        }
        %broadcast_in_dim3A_716 = arith.constant 0 : i32
        %broadcast_in_dim3A_717 = vector.broadcast %broadcast_in_dim3A_716 : i32 to vector<16xi32>
        scf.yield %broadcast_in_dim3A_717 : vector<16xi32>
      } else {
        scf.yield %scan3A_519 : vector<16xi32>
      }
      %mul3A_535 = arith.constant 13824 : i32
      %mul3A_536 = arith.muli %arg1, %mul3A_535 : i32
      %mul3A_537 = arith.constant 1728 : i32
      %mul3A_538 = arith.muli %scan3A_518, %mul3A_537 : i32
      %add3A_539 = arith.addi %mul3A_536, %mul3A_538 : i32
      "tpu.region"() ({
        %run_scoped3A = tpu.sem_alloc : memref<!tpu.dma_semaphore, #tpu.memory_space<semaphore_mem>>
        %dma_start3A = tpu.memref_slice %arg6[%add3A_539] : memref<221184xi32, #tpu.memory_space<hbm>> -> memref<1728xi32, #tpu.memory_space<hbm>>
        %dma_start3A_546 = tpu.memref_slice %arg6[%add3A_539] : memref<221184xi32, #tpu.memory_space<hbm>> -> memref<1728xi32, #tpu.memory_space<hbm>>
        tpu.enqueue_dma source(%dma_start3A_546 : memref<1728xi32, #tpu.memory_space<hbm>>) target(%arg8 : memref<1728xi32, #tpu.memory_space<vmem>>) target_semaphore(%run_scoped3A : memref<!tpu.dma_semaphore, #tpu.memory_space<semaphore_mem>>)
        %dma_wait3A = tpu.memref_slice %arg6[%add3A_539] : memref<221184xi32, #tpu.memory_space<hbm>> -> memref<1728xi32, #tpu.memory_space<hbm>>
        %dma_wait3A_547 = tpu.memref_slice %arg6[%add3A_539] : memref<221184xi32, #tpu.memory_space<hbm>> -> memref<1728xi32, #tpu.memory_space<hbm>>
        tpu.wait_dma2 semaphore(%run_scoped3A : memref<!tpu.dma_semaphore, #tpu.memory_space<semaphore_mem>>) src(%dma_wait3A_547 : memref<1728xi32, #tpu.memory_space<hbm>>) dst(%arg8 : memref<1728xi32, #tpu.memory_space<vmem>>)
        tpu.yield
      }) : () -> ()
      %scan3A_540 = arith.constant 0 : i32
      %scan3A_541 = arith.constant 108 : i32
      %scan3A_542 = arith.addi %scan3A_540, %scan3A_541 : i32
      %scan3A_543 = arith.constant 1 : i32
      %scan3A_544 = scf.for %scan3A_546 = %scan3A_540 to %scan3A_542 step %scan3A_543 iter_args(%scan3A_547 = %cond3A_534) -> (vector<16xi32>)  : i32 {
        %mul3A_548 = arith.constant 16 : i32
        %mul3A_549 = arith.muli %scan3A_546, %mul3A_548 : i32
        %get3A = arith.index_cast %mul3A_549 : i32 to index
        %get3A_550 = tpu.vector_load %arg8[%get3A] {strides = array<i32>} : memref<1728xi32, #tpu.memory_space<vmem>>, vector<16xi32>,
        %sub3A_551 = vector.broadcast %mul3A_258 : i32 to vector<16xi32>
        %sub3A_552 = arith.subi %get3A_550, %sub3A_551 : vector<16xi32>
        %ge3A = arith.constant 0 : i32
        %ge3A_553 = vector.broadcast %ge3A : i32 to vector<16xi32>
        %ge3A_554 = arith.cmpi sge, %sub3A_552, %ge3A_553 : vector<16xi32>
        %lt3A_555 = vector.broadcast %min3A_262 : i32 to vector<16xi32>
        %lt3A_556 = arith.cmpi slt, %sub3A_552, %lt3A_555 : vector<16xi32>
        %and3A_557 = arith.andi %ge3A_554, %lt3A_556 : vector<16xi1>
        %convert_element_type3A_558 = arith.extui %and3A_557 : vector<16xi1> to vector<16xi32>
        %broadcast_in_dim3A_559 = arith.constant true
        %broadcast_in_dim3A_560 = vector.broadcast %broadcast_in_dim3A_559 : i1 to vector<16xi1>
        %masked_cumsum3A = tpu.scan <sum>, %convert_element_type3A_558 masked %broadcast_in_dim3A_560 : vector<16xi32>, vector<16xi1> -> vector<16xi32>
        %add3A_561 = arith.addi %scan3A_547, %masked_cumsum3A : vector<16xi32>
        %sub3A_562 = arith.constant 1 : i32
        %sub3A_563 = vector.broadcast %sub3A_562 : i32 to vector<16xi32>
        %sub3A_564 = arith.subi %add3A_561, %sub3A_563 : vector<16xi32>
        %shift_right_logical3A_565 = arith.constant 7 : i32
        %shift_right_logical3A_566 = vector.broadcast %shift_right_logical3A_565 : i32 to vector<16xi32>
        %shift_right_logical3A_567 = arith.shrui %sub3A_564, %shift_right_logical3A_566 : vector<16xi32>
        %and3A_568 = arith.constant 127 : i32
        %and3A_569 = vector.broadcast %and3A_568 : i32 to vector<16xi32>
        %and3A_570 = arith.andi %sub3A_564, %and3A_569 : vector<16xi32>
        tpu.vector_store_idx %arg9[%shift_right_logical3A_567, %and3A_570], %sub3A_552 masked %and3A_557 : memref<41x128xi32, #tpu.memory_space<vmem>>[vector<16xi32>, vector<16xi32>], vector<16xi32>, vector<16xi1>
        %rem3A_571 = arith.constant 4 : i32
        %rem3A_572 = arith.remsi %arg1, %rem3A_571 : i32
        %mul3A_573 = arith.constant 13824 : i32
        %mul3A_574 = arith.muli %rem3A_572, %mul3A_573 : i32
        %mul3A_575 = arith.constant 1728 : i32
        %mul3A_576 = arith.muli %scan3A_518, %mul3A_575 : i32
        %add3A_577 = arith.addi %mul3A_574, %mul3A_576 : i32
        %add3A_578 = arith.addi %add3A_577, %mul3A_549 : i32
        %add3A_579 = vector.broadcast %add3A_578 : i32 to vector<16xi32>
        %add3A_580 = arith.addi %add3A_579, %iota3A : vector<16xi32>
        tpu.vector_store_idx %arg10[%shift_right_logical3A_567, %and3A_570], %add3A_580 masked %and3A_557 : memref<41x128xi32, #tpu.memory_space<vmem>>[vector<16xi32>, vector<16xi32>], vector<16xi32>, vector<16xi1>
        %all_reduce_population_count3A = tpu.all_reduce %and3A_557 {dim = 0 : i64, kind = #tpu.reduction_kind<sum>} : vector<16xi1> -> vector<16xi32>
        %add3A_581 = arith.addi %scan3A_547, %all_reduce_population_count3A : vector<16xi32>
        scf.yield %add3A_581 : vector<16xi32>
      }
      %scan3A_545 = arith.constant 108 : i32
      scf.yield %scan3A_544 : vector<16xi32>
    }
    %scan3A_281 = arith.constant 8 : i32
    %reduce_max3A_282 = arith.constant true
    %reduce_max3A_283 = vector.broadcast %reduce_max3A_282 : i1 to vector<16xi1>
    %reduce_max3A_284 = arith.constant -2147483648 : i32
    %reduce_max3A_285 = vector.broadcast %reduce_max3A_284 : i32 to vector<16xi32>
    %reduce_max3A_286 = arith.xori %scan3A_280, %reduce_max3A_285 : vector<16xi32>
    %reduce_max3A_287 = tpu.scan <max>, %reduce_max3A_286 masked %reduce_max3A_283 : vector<16xi32>, vector<16xi1> -> vector<16xi32>
    %reduce_max3A_288 = arith.xori %reduce_max3A_287, %reduce_max3A_285 : vector<16xi32>
    %reduce_max3A_289 = vector.extract %reduce_max3A_288[15] : i32 from vector<16xi32>
    %add3A_290 = arith.constant 128 : i32
    %add3A_291 = arith.addi %reduce_max3A_289, %add3A_290 : i32
    %sub3A_292 = arith.constant 1 : i32
    %sub3A_293 = arith.subi %add3A_291, %sub3A_292 : i32
    %and3A_294 = arith.constant -128 : i32
    %and3A_295 = arith.andi %sub3A_293, %and3A_294 : i32
    %add3A_296 = arith.constant 0 : i32
    %add3A_297 = arith.addi %reduce_max3A_289, %add3A_296 : i32
    %add3A_298 = vector.broadcast %add3A_297 : i32 to vector<16xi32>
    %add3A_299 = arith.addi %add3A_298, %iota3A : vector<16xi32>
    %lt3A_300 = vector.broadcast %and3A_295 : i32 to vector<16xi32>
    %lt3A_301 = arith.cmpi slt, %add3A_299, %lt3A_300 : vector<16xi32>
    %shift_right_logical3A_302 = arith.constant 7 : i32
    %shift_right_logical3A_303 = vector.broadcast %shift_right_logical3A_302 : i32 to vector<16xi32>
    %shift_right_logical3A_304 = arith.shrui %add3A_299, %shift_right_logical3A_303 : vector<16xi32>
    %and3A_305 = arith.constant 127 : i32
    %and3A_306 = vector.broadcast %and3A_305 : i32 to vector<16xi32>
    %and3A_307 = arith.andi %add3A_299, %and3A_306 : vector<16xi32>
    %and3A_308 = arith.constant 31 : i32
    %and3A_309 = vector.broadcast %and3A_308 : i32 to vector<16xi32>
    %and3A_310 = arith.andi %add3A_299, %and3A_309 : vector<16xi32>
    %add3A_311 = arith.constant 12512 : i32
    %add3A_312 = vector.broadcast %add3A_311 : i32 to vector<16xi32>
    %add3A_313 = arith.addi %add3A_312, %and3A_310 : vector<16xi32>
    tpu.vector_store_idx %arg9[%shift_right_logical3A_304, %and3A_307], %add3A_313 masked %lt3A_301 : memref<41x128xi32, #tpu.memory_space<vmem>>[vector<16xi32>, vector<16xi32>], vector<16xi32>, vector<16xi1>
    tpu.vector_store_idx %arg10[%shift_right_logical3A_304, %and3A_307], %broadcast_in_dim3A_3 masked %lt3A_301 : memref<41x128xi32, #tpu.memory_space<vmem>>[vector<16xi32>, vector<16xi32>], vector<16xi32>, vector<16xi1>
    %add3A_314 = arith.constant 16 : i32
    %add3A_315 = arith.addi %reduce_max3A_289, %add3A_314 : i32
    %add3A_316 = vector.broadcast %add3A_315 : i32 to vector<16xi32>
    %add3A_317 = arith.addi %add3A_316, %iota3A : vector<16xi32>
    %lt3A_318 = vector.broadcast %and3A_295 : i32 to vector<16xi32>
    %lt3A_319 = arith.cmpi slt, %add3A_317, %lt3A_318 : vector<16xi32>
    %shift_right_logical3A_320 = arith.constant 7 : i32
    %shift_right_logical3A_321 = vector.broadcast %shift_right_logical3A_320 : i32 to vector<16xi32>
    %shift_right_logical3A_322 = arith.shrui %add3A_317, %shift_right_logical3A_321 : vector<16xi32>
    %and3A_323 = arith.constant 127 : i32
    %and3A_324 = vector.broadcast %and3A_323 : i32 to vector<16xi32>
    %and3A_325 = arith.andi %add3A_317, %and3A_324 : vector<16xi32>
    %and3A_326 = arith.constant 31 : i32
    %and3A_327 = vector.broadcast %and3A_326 : i32 to vector<16xi32>
    %and3A_328 = arith.andi %add3A_317, %and3A_327 : vector<16xi32>
    %add3A_329 = arith.constant 12512 : i32
    %add3A_330 = vector.broadcast %add3A_329 : i32 to vector<16xi32>
    %add3A_331 = arith.addi %add3A_330, %and3A_328 : vector<16xi32>
    tpu.vector_store_idx %arg9[%shift_right_logical3A_322, %and3A_325], %add3A_331 masked %lt3A_319 : memref<41x128xi32, #tpu.memory_space<vmem>>[vector<16xi32>, vector<16xi32>], vector<16xi32>, vector<16xi1>
    tpu.vector_store_idx %arg10[%shift_right_logical3A_322, %and3A_325], %broadcast_in_dim3A_3 masked %lt3A_319 : memref<41x128xi32, #tpu.memory_space<vmem>>[vector<16xi32>, vector<16xi32>], vector<16xi32>, vector<16xi1>
    %add3A_332 = arith.constant 32 : i32
    %add3A_333 = arith.addi %reduce_max3A_289, %add3A_332 : i32
    %add3A_334 = vector.broadcast %add3A_333 : i32 to vector<16xi32>
    %add3A_335 = arith.addi %add3A_334, %iota3A : vector<16xi32>
    %lt3A_336 = vector.broadcast %and3A_295 : i32 to vector<16xi32>
    %lt3A_337 = arith.cmpi slt, %add3A_335, %lt3A_336 : vector<16xi32>
    %shift_right_logical3A_338 = arith.constant 7 : i32
    %shift_right_logical3A_339 = vector.broadcast %shift_right_logical3A_338 : i32 to vector<16xi32>
    %shift_right_logical3A_340 = arith.shrui %add3A_335, %shift_right_logical3A_339 : vector<16xi32>
    %and3A_341 = arith.constant 127 : i32
    %and3A_342 = vector.broadcast %and3A_341 : i32 to vector<16xi32>
    %and3A_343 = arith.andi %add3A_335, %and3A_342 : vector<16xi32>
    %and3A_344 = arith.constant 31 : i32
    %and3A_345 = vector.broadcast %and3A_344 : i32 to vector<16xi32>
    %and3A_346 = arith.andi %add3A_335, %and3A_345 : vector<16xi32>
    %add3A_347 = arith.constant 12512 : i32
    %add3A_348 = vector.broadcast %add3A_347 : i32 to vector<16xi32>
    %add3A_349 = arith.addi %add3A_348, %and3A_346 : vector<16xi32>
    tpu.vector_store_idx %arg9[%shift_right_logical3A_340, %and3A_343], %add3A_349 masked %lt3A_337 : memref<41x128xi32, #tpu.memory_space<vmem>>[vector<16xi32>, vector<16xi32>], vector<16xi32>, vector<16xi1>
    tpu.vector_store_idx %arg10[%shift_right_logical3A_340, %and3A_343], %broadcast_in_dim3A_3 masked %lt3A_337 : memref<41x128xi32, #tpu.memory_space<vmem>>[vector<16xi32>, vector<16xi32>], vector<16xi32>, vector<16xi1>
    %add3A_350 = arith.constant 48 : i32
    %add3A_351 = arith.addi %reduce_max3A_289, %add3A_350 : i32
    %add3A_352 = vector.broadcast %add3A_351 : i32 to vector<16xi32>
    %add3A_353 = arith.addi %add3A_352, %iota3A : vector<16xi32>
    %lt3A_354 = vector.broadcast %and3A_295 : i32 to vector<16xi32>
    %lt3A_355 = arith.cmpi slt, %add3A_353, %lt3A_354 : vector<16xi32>
    %shift_right_logical3A_356 = arith.constant 7 : i32
    %shift_right_logical3A_357 = vector.broadcast %shift_right_logical3A_356 : i32 to vector<16xi32>
    %shift_right_logical3A_358 = arith.shrui %add3A_353, %shift_right_logical3A_357 : vector<16xi32>
    %and3A_359 = arith.constant 127 : i32
    %and3A_360 = vector.broadcast %and3A_359 : i32 to vector<16xi32>
    %and3A_361 = arith.andi %add3A_353, %and3A_360 : vector<16xi32>
    %and3A_362 = arith.constant 31 : i32
    %and3A_363 = vector.broadcast %and3A_362 : i32 to vector<16xi32>
    %and3A_364 = arith.andi %add3A_353, %and3A_363 : vector<16xi32>
    %add3A_365 = arith.constant 12512 : i32
    %add3A_366 = vector.broadcast %add3A_365 : i32 to vector<16xi32>
    %add3A_367 = arith.addi %add3A_366, %and3A_364 : vector<16xi32>
    tpu.vector_store_idx %arg9[%shift_right_logical3A_358, %and3A_361], %add3A_367 masked %lt3A_355 : memref<41x128xi32, #tpu.memory_space<vmem>>[vector<16xi32>, vector<16xi32>], vector<16xi32>, vector<16xi1>
    tpu.vector_store_idx %arg10[%shift_right_logical3A_358, %and3A_361], %broadcast_in_dim3A_3 masked %lt3A_355 : memref<41x128xi32, #tpu.memory_space<vmem>>[vector<16xi32>, vector<16xi32>], vector<16xi32>, vector<16xi1>
    %add3A_368 = arith.constant 64 : i32
    %add3A_369 = arith.addi %reduce_max3A_289, %add3A_368 : i32
    %add3A_370 = vector.broadcast %add3A_369 : i32 to vector<16xi32>
    %add3A_371 = arith.addi %add3A_370, %iota3A : vector<16xi32>
    %lt3A_372 = vector.broadcast %and3A_295 : i32 to vector<16xi32>
    %lt3A_373 = arith.cmpi slt, %add3A_371, %lt3A_372 : vector<16xi32>
    %shift_right_logical3A_374 = arith.constant 7 : i32
    %shift_right_logical3A_375 = vector.broadcast %shift_right_logical3A_374 : i32 to vector<16xi32>
    %shift_right_logical3A_376 = arith.shrui %add3A_371, %shift_right_logical3A_375 : vector<16xi32>
    %and3A_377 = arith.constant 127 : i32
    %and3A_378 = vector.broadcast %and3A_377 : i32 to vector<16xi32>
    %and3A_379 = arith.andi %add3A_371, %and3A_378 : vector<16xi32>
    %and3A_380 = arith.constant 31 : i32
    %and3A_381 = vector.broadcast %and3A_380 : i32 to vector<16xi32>
    %and3A_382 = arith.andi %add3A_371, %and3A_381 : vector<16xi32>
    %add3A_383 = arith.constant 12512 : i32
    %add3A_384 = vector.broadcast %add3A_383 : i32 to vector<16xi32>
    %add3A_385 = arith.addi %add3A_384, %and3A_382 : vector<16xi32>
    tpu.vector_store_idx %arg9[%shift_right_logical3A_376, %and3A_379], %add3A_385 masked %lt3A_373 : memref<41x128xi32, #tpu.memory_space<vmem>>[vector<16xi32>, vector<16xi32>], vector<16xi32>, vector<16xi1>
    tpu.vector_store_idx %arg10[%shift_right_logical3A_376, %and3A_379], %broadcast_in_dim3A_3 masked %lt3A_373 : memref<41x128xi32, #tpu.memory_space<vmem>>[vector<16xi32>, vector<16xi32>], vector<16xi32>, vector<16xi1>
    %add3A_386 = arith.constant 80 : i32
    %add3A_387 = arith.addi %reduce_max3A_289, %add3A_386 : i32
    %add3A_388 = vector.broadcast %add3A_387 : i32 to vector<16xi32>
    %add3A_389 = arith.addi %add3A_388, %iota3A : vector<16xi32>
    %lt3A_390 = vector.broadcast %and3A_295 : i32 to vector<16xi32>
    %lt3A_391 = arith.cmpi slt, %add3A_389, %lt3A_390 : vector<16xi32>
    %shift_right_logical3A_392 = arith.constant 7 : i32
    %shift_right_logical3A_393 = vector.broadcast %shift_right_logical3A_392 : i32 to vector<16xi32>
    %shift_right_logical3A_394 = arith.shrui %add3A_389, %shift_right_logical3A_393 : vector<16xi32>
    %and3A_395 = arith.constant 127 : i32
    %and3A_396 = vector.broadcast %and3A_395 : i32 to vector<16xi32>
    %and3A_397 = arith.andi %add3A_389, %and3A_396 : vector<16xi32>
    %and3A_398 = arith.constant 31 : i32
    %and3A_399 = vector.broadcast %and3A_398 : i32 to vector<16xi32>
    %and3A_400 = arith.andi %add3A_389, %and3A_399 : vector<16xi32>
    %add3A_401 = arith.constant 12512 : i32
    %add3A_402 = vector.broadcast %add3A_401 : i32 to vector<16xi32>
    %add3A_403 = arith.addi %add3A_402, %and3A_400 : vector<16xi32>
    tpu.vector_store_idx %arg9[%shift_right_logical3A_394, %and3A_397], %add3A_403 masked %lt3A_391 : memref<41x128xi32, #tpu.memory_space<vmem>>[vector<16xi32>, vector<16xi32>], vector<16xi32>, vector<16xi1>
    tpu.vector_store_idx %arg10[%shift_right_logical3A_394, %and3A_397], %broadcast_in_dim3A_3 masked %lt3A_391 : memref<41x128xi32, #tpu.memory_space<vmem>>[vector<16xi32>, vector<16xi32>], vector<16xi32>, vector<16xi1>
    %add3A_404 = arith.constant 96 : i32
    %add3A_405 = arith.addi %reduce_max3A_289, %add3A_404 : i32
    %add3A_406 = vector.broadcast %add3A_405 : i32 to vector<16xi32>
    %add3A_407 = arith.addi %add3A_406, %iota3A : vector<16xi32>
    %lt3A_408 = vector.broadcast %and3A_295 : i32 to vector<16xi32>
    %lt3A_409 = arith.cmpi slt, %add3A_407, %lt3A_408 : vector<16xi32>
    %shift_right_logical3A_410 = arith.constant 7 : i32
    %shift_right_logical3A_411 = vector.broadcast %shift_right_logical3A_410 : i32 to vector<16xi32>
    %shift_right_logical3A_412 = arith.shrui %add3A_407, %shift_right_logical3A_411 : vector<16xi32>
    %and3A_413 = arith.constant 127 : i32
    %and3A_414 = vector.broadcast %and3A_413 : i32 to vector<16xi32>
    %and3A_415 = arith.andi %add3A_407, %and3A_414 : vector<16xi32>
    %and3A_416 = arith.constant 31 : i32
    %and3A_417 = vector.broadcast %and3A_416 : i32 to vector<16xi32>
    %and3A_418 = arith.andi %add3A_407, %and3A_417 : vector<16xi32>
    %add3A_419 = arith.constant 12512 : i32
    %add3A_420 = vector.broadcast %add3A_419 : i32 to vector<16xi32>
    %add3A_421 = arith.addi %add3A_420, %and3A_418 : vector<16xi32>
    tpu.vector_store_idx %arg9[%shift_right_logical3A_412, %and3A_415], %add3A_421 masked %lt3A_409 : memref<41x128xi32, #tpu.memory_space<vmem>>[vector<16xi32>, vector<16xi32>], vector<16xi32>, vector<16xi1>
    tpu.vector_store_idx %arg10[%shift_right_logical3A_412, %and3A_415], %broadcast_in_dim3A_3 masked %lt3A_409 : memref<41x128xi32, #tpu.memory_space<vmem>>[vector<16xi32>, vector<16xi32>], vector<16xi32>, vector<16xi1>
    %add3A_422 = arith.constant 112 : i32
    %add3A_423 = arith.addi %reduce_max3A_289, %add3A_422 : i32
    %add3A_424 = vector.broadcast %add3A_423 : i32 to vector<16xi32>
    %add3A_425 = arith.addi %add3A_424, %iota3A : vector<16xi32>
    %lt3A_426 = vector.broadcast %and3A_295 : i32 to vector<16xi32>
    %lt3A_427 = arith.cmpi slt, %add3A_425, %lt3A_426 : vector<16xi32>
    %shift_right_logical3A_428 = arith.constant 7 : i32
    %shift_right_logical3A_429 = vector.broadcast %shift_right_logical3A_428 : i32 to vector<16xi32>
    %shift_right_logical3A_430 = arith.shrui %add3A_425, %shift_right_logical3A_429 : vector<16xi32>
    %and3A_431 = arith.constant 127 : i32
    %and3A_432 = vector.broadcast %and3A_431 : i32 to vector<16xi32>
    %and3A_433 = arith.andi %add3A_425, %and3A_432 : vector<16xi32>
    %and3A_434 = arith.constant 31 : i32
    %and3A_435 = vector.broadcast %and3A_434 : i32 to vector<16xi32>
    %and3A_436 = arith.andi %add3A_425, %and3A_435 : vector<16xi32>
    %add3A_437 = arith.constant 12512 : i32
    %add3A_438 = vector.broadcast %add3A_437 : i32 to vector<16xi32>
    %add3A_439 = arith.addi %add3A_438, %and3A_436 : vector<16xi32>
    tpu.vector_store_idx %arg9[%shift_right_logical3A_430, %and3A_433], %add3A_439 masked %lt3A_427 : memref<41x128xi32, #tpu.memory_space<vmem>>[vector<16xi32>, vector<16xi32>], vector<16xi32>, vector<16xi1>
    tpu.vector_store_idx %arg10[%shift_right_logical3A_430, %and3A_433], %broadcast_in_dim3A_3 masked %lt3A_427 : memref<41x128xi32, #tpu.memory_space<vmem>>[vector<16xi32>, vector<16xi32>], vector<16xi32>, vector<16xi1>
    %shift_right_logical3A_440 = arith.constant 7 : i32
    %shift_right_logical3A_441 = arith.shrui %and3A_295, %shift_right_logical3A_440 : i32
    %while3A_442 = arith.constant 0 : i32
    %while3A_443 = arith.constant 0 : i32
    %while3A_444 = arith.subi %shift_right_logical3A_441, %while3A_443 : i32
    %while3A_445 = arith.addi %while3A_443, %while3A_444 : i32
    %while3A_446 = arith.constant 1 : i32
    %while3A_447 = arith.divsi %while3A_444, %while3A_446 : i32
    %while3A_448 = arith.muli %while3A_447, %while3A_446 : i32
    %while3A_449 = arith.addi %while3A_443, %while3A_448 : i32
    %while3A_450 = arith.constant 1 : i32
    scf.for %while3A_518 = %while3A_443 to %while3A_449 step %while3A_450  : i32 {
      %eq3A_519 = arith.constant 0 : i32
      %eq3A_520 = arith.cmpi eq, %div3A_0, %eq3A_519 : i32
      %convert_element_type3A_521 = arith.extui %eq3A_520 : i1 to i32
      %cond3A_522 = arith.constant 0 : i32
      %cond3A_523 = arith.cmpi ne, %convert_element_type3A_521, %cond3A_522 : i32
      scf.if %cond3A_523 {
        %dma_start3A = arith.constant 0 : i32
        %dma_start3A_539 = tpu.memref_slice %arg10[%while3A_518, %dma_start3A] : memref<41x128xi32, #tpu.memory_space<vmem>> -> memref<1x128xi32, #tpu.memory_space<vmem>>
        %dma_start3A_540 = tpu.memref_squeeze %dma_start3A_539 : memref<1x128xi32, #tpu.memory_space<vmem>> -> memref<128xi32, #tpu.memory_space<vmem>>
        %dma_start3A_541 = arith.constant 0 : i32
        %dma_start3A_542 = arith.constant 0 : i32
        %dma_start3A_543 = tpu.memref_slice %arg2[%dma_start3A_541, %dma_start3A_542] : memref<55296x128xf32, #tpu.memory_space<hbm>> -> memref<55296x128xf32, #tpu.memory_space<hbm>>
        tpu.enqueue_indirect_dma source(%dma_start3A_543 : memref<55296x128xf32, #tpu.memory_space<hbm>>) target(%arg11 : memref<128x128xf32, #tpu.memory_space<vmem>>) offsets(%dma_start3A_540 : memref<128xi32, #tpu.memory_space<vmem>>) semaphore(%arg13 : memref<!tpu.dma_semaphore, #tpu.memory_space<semaphore_mem>>)
        %dma_wait3A = arith.constant 0 : i32
        %dma_wait3A_544 = tpu.memref_slice %arg10[%while3A_518, %dma_wait3A] : memref<41x128xi32, #tpu.memory_space<vmem>> -> memref<1x128xi32, #tpu.memory_space<vmem>>
        %dma_wait3A_545 = tpu.memref_squeeze %dma_wait3A_544 : memref<1x128xi32, #tpu.memory_space<vmem>> -> memref<128xi32, #tpu.memory_space<vmem>>
        %dma_wait3A_546 = arith.constant 0 : i32
        %dma_wait3A_547 = arith.constant 0 : i32
        %dma_wait3A_548 = tpu.memref_slice %arg2[%dma_wait3A_546, %dma_wait3A_547] : memref<55296x128xf32, #tpu.memory_space<hbm>> -> memref<55296x128xf32, #tpu.memory_space<hbm>>
        tpu.wait_indirect_dma semaphore(%arg13 : memref<!tpu.dma_semaphore, #tpu.memory_space<semaphore_mem>>) src(%dma_wait3A_548 : memref<55296x128xf32, #tpu.memory_space<hbm>>) dst(%arg11 : memref<128x128xf32, #tpu.memory_space<vmem>>)
      } else {
      }
      %eq3A_524 = arith.constant 1 : i32
      %eq3A_525 = arith.cmpi eq, %div3A_0, %eq3A_524 : i32
      %convert_element_type3A_526 = arith.extui %eq3A_525 : i1 to i32
      %cond3A_527 = arith.constant 0 : i32
      %cond3A_528 = arith.cmpi ne, %convert_element_type3A_526, %cond3A_527 : i32
      scf.if %cond3A_528 {
        %dma_start3A = arith.constant 0 : i32
        %dma_start3A_539 = tpu.memref_slice %arg10[%while3A_518, %dma_start3A] : memref<41x128xi32, #tpu.memory_space<vmem>> -> memref<1x128xi32, #tpu.memory_space<vmem>>
        %dma_start3A_540 = tpu.memref_squeeze %dma_start3A_539 : memref<1x128xi32, #tpu.memory_space<vmem>> -> memref<128xi32, #tpu.memory_space<vmem>>
        %dma_start3A_541 = arith.constant 0 : i32
        %dma_start3A_542 = arith.constant 0 : i32
        %dma_start3A_543 = tpu.memref_slice %arg3[%dma_start3A_541, %dma_start3A_542] : memref<55296x128xf32, #tpu.memory_space<hbm>> -> memref<55296x128xf32, #tpu.memory_space<hbm>>
        tpu.enqueue_indirect_dma source(%dma_start3A_543 : memref<55296x128xf32, #tpu.memory_space<hbm>>) target(%arg11 : memref<128x128xf32, #tpu.memory_space<vmem>>) offsets(%dma_start3A_540 : memref<128xi32, #tpu.memory_space<vmem>>) semaphore(%arg13 : memref<!tpu.dma_semaphore, #tpu.memory_space<semaphore_mem>>)
        %dma_wait3A = arith.constant 0 : i32
        %dma_wait3A_544 = tpu.memref_slice %arg10[%while3A_518, %dma_wait3A] : memref<41x128xi32, #tpu.memory_space<vmem>> -> memref<1x128xi32, #tpu.memory_space<vmem>>
        %dma_wait3A_545 = tpu.memref_squeeze %dma_wait3A_544 : memref<1x128xi32, #tpu.memory_space<vmem>> -> memref<128xi32, #tpu.memory_space<vmem>>
        %dma_wait3A_546 = arith.constant 0 : i32
        %dma_wait3A_547 = arith.constant 0 : i32
        %dma_wait3A_548 = tpu.memref_slice %arg3[%dma_wait3A_546, %dma_wait3A_547] : memref<55296x128xf32, #tpu.memory_space<hbm>> -> memref<55296x128xf32, #tpu.memory_space<hbm>>
        tpu.wait_indirect_dma semaphore(%arg13 : memref<!tpu.dma_semaphore, #tpu.memory_space<semaphore_mem>>) src(%dma_wait3A_548 : memref<55296x128xf32, #tpu.memory_space<hbm>>) dst(%arg11 : memref<128x128xf32, #tpu.memory_space<vmem>>)
      } else {
      }
      %eq3A_529 = arith.constant 2 : i32
      %eq3A_530 = arith.cmpi eq, %div3A_0, %eq3A_529 : i32
      %convert_element_type3A_531 = arith.extui %eq3A_530 : i1 to i32
      %cond3A_532 = arith.constant 0 : i32
      %cond3A_533 = arith.cmpi ne, %convert_element_type3A_531, %cond3A_532 : i32
      scf.if %cond3A_533 {
        %dma_start3A = arith.constant 0 : i32
        %dma_start3A_539 = tpu.memref_slice %arg10[%while3A_518, %dma_start3A] : memref<41x128xi32, #tpu.memory_space<vmem>> -> memref<1x128xi32, #tpu.memory_space<vmem>>
        %dma_start3A_540 = tpu.memref_squeeze %dma_start3A_539 : memref<1x128xi32, #tpu.memory_space<vmem>> -> memref<128xi32, #tpu.memory_space<vmem>>
        %dma_start3A_541 = arith.constant 0 : i32
        %dma_start3A_542 = arith.constant 0 : i32
        %dma_start3A_543 = tpu.memref_slice %arg4[%dma_start3A_541, %dma_start3A_542] : memref<55296x128xf32, #tpu.memory_space<hbm>> -> memref<55296x128xf32, #tpu.memory_space<hbm>>
        tpu.enqueue_indirect_dma source(%dma_start3A_543 : memref<55296x128xf32, #tpu.memory_space<hbm>>) target(%arg11 : memref<128x128xf32, #tpu.memory_space<vmem>>) offsets(%dma_start3A_540 : memref<128xi32, #tpu.memory_space<vmem>>) semaphore(%arg13 : memref<!tpu.dma_semaphore, #tpu.memory_space<semaphore_mem>>)
        %dma_wait3A = arith.constant 0 : i32
        %dma_wait3A_544 = tpu.memref_slice %arg10[%while3A_518, %dma_wait3A] : memref<41x128xi32, #tpu.memory_space<vmem>> -> memref<1x128xi32, #tpu.memory_space<vmem>>
        %dma_wait3A_545 = tpu.memref_squeeze %dma_wait3A_544 : memref<1x128xi32, #tpu.memory_space<vmem>> -> memref<128xi32, #tpu.memory_space<vmem>>
        %dma_wait3A_546 = arith.constant 0 : i32
        %dma_wait3A_547 = arith.constant 0 : i32
        %dma_wait3A_548 = tpu.memref_slice %arg4[%dma_wait3A_546, %dma_wait3A_547] : memref<55296x128xf32, #tpu.memory_space<hbm>> -> memref<55296x128xf32, #tpu.memory_space<hbm>>
        tpu.wait_indirect_dma semaphore(%arg13 : memref<!tpu.dma_semaphore, #tpu.memory_space<semaphore_mem>>) src(%dma_wait3A_548 : memref<55296x128xf32, #tpu.memory_space<hbm>>) dst(%arg11 : memref<128x128xf32, #tpu.memory_space<vmem>>)
      } else {
      }
      %eq3A_534 = arith.constant 3 : i32
      %eq3A_535 = arith.cmpi eq, %div3A_0, %eq3A_534 : i32
      %convert_element_type3A_536 = arith.extui %eq3A_535 : i1 to i32
      %cond3A_537 = arith.constant 0 : i32
      %cond3A_538 = arith.cmpi ne, %convert_element_type3A_536, %cond3A_537 : i32
      scf.if %cond3A_538 {
        %dma_start3A = arith.constant 0 : i32
        %dma_start3A_539 = tpu.memref_slice %arg10[%while3A_518, %dma_start3A] : memref<41x128xi32, #tpu.memory_space<vmem>> -> memref<1x128xi32, #tpu.memory_space<vmem>>
        %dma_start3A_540 = tpu.memref_squeeze %dma_start3A_539 : memref<1x128xi32, #tpu.memory_space<vmem>> -> memref<128xi32, #tpu.memory_space<vmem>>
        %dma_start3A_541 = arith.constant 0 : i32
        %dma_start3A_542 = arith.constant 0 : i32
        %dma_start3A_543 = tpu.memref_slice %arg5[%dma_start3A_541, %dma_start3A_542] : memref<55296x128xf32, #tpu.memory_space<hbm>> -> memref<55296x128xf32, #tpu.memory_space<hbm>>
        tpu.enqueue_indirect_dma source(%dma_start3A_543 : memref<55296x128xf32, #tpu.memory_space<hbm>>) target(%arg11 : memref<128x128xf32, #tpu.memory_space<vmem>>) offsets(%dma_start3A_540 : memref<128xi32, #tpu.memory_space<vmem>>) semaphore(%arg13 : memref<!tpu.dma_semaphore, #tpu.memory_space<semaphore_mem>>)
        %dma_wait3A = arith.constant 0 : i32
        %dma_wait3A_544 = tpu.memref_slice %arg10[%while3A_518, %dma_wait3A] : memref<41x128xi32, #tpu.memory_space<vmem>> -> memref<1x128xi32, #tpu.memory_space<vmem>>
        %dma_wait3A_545 = tpu.memref_squeeze %dma_wait3A_544 : memref<1x128xi32, #tpu.memory_space<vmem>> -> memref<128xi32, #tpu.memory_space<vmem>>
        %dma_wait3A_546 = arith.constant 0 : i32
        %dma_wait3A_547 = arith.constant 0 : i32
        %dma_wait3A_548 = tpu.memref_slice %arg5[%dma_wait3A_546, %dma_wait3A_547] : memref<55296x128xf32, #tpu.memory_space<hbm>> -> memref<55296x128xf32, #tpu.memory_space<hbm>>
        tpu.wait_indirect_dma semaphore(%arg13 : memref<!tpu.dma_semaphore, #tpu.memory_space<semaphore_mem>>) src(%dma_wait3A_548 : memref<55296x128xf32, #tpu.memory_space<hbm>>) dst(%arg11 : memref<128x128xf32, #tpu.memory_space<vmem>>)
      } else {
      }
      "tpu.region"() ({
        %run_scoped3A = tpu.sem_alloc : memref<!tpu.dma_semaphore, #tpu.memory_space<semaphore_mem>>
        %dma_start3A = arith.constant 0 : i32
        %dma_start3A_539 = tpu.memref_slice %arg9[%while3A_518, %dma_start3A] : memref<41x128xi32, #tpu.memory_space<vmem>> -> memref<1x128xi32, #tpu.memory_space<vmem>>
        %dma_start3A_540 = tpu.memref_squeeze %dma_start3A_539 : memref<1x128xi32, #tpu.memory_space<vmem>> -> memref<128xi32, #tpu.memory_space<vmem>>
        %dma_start3A_541 = arith.constant 0 : i32
        %dma_start3A_542 = arith.constant 0 : i32
        %dma_start3A_543 = tpu.memref_slice %arg12[%dma_start3A_541, %dma_start3A_542] : memref<12544x128xf32, #tpu.memory_space<vmem_shared>> -> memref<12544x128xf32, #tpu.memory_space<vmem_shared>>
        tpu.enqueue_indirect_dma source(%arg11 : memref<128x128xf32, #tpu.memory_space<vmem>>) target(%dma_start3A_543 : memref<12544x128xf32, #tpu.memory_space<vmem_shared>>) offsets(%dma_start3A_540 : memref<128xi32, #tpu.memory_space<vmem>>) semaphore(%run_scoped3A : memref<!tpu.dma_semaphore, #tpu.memory_space<semaphore_mem>>) {add = true}
        %dma_wait3A = arith.constant 0 : i32
        %dma_wait3A_544 = tpu.memref_slice %arg9[%while3A_518, %dma_wait3A] : memref<41x128xi32, #tpu.memory_space<vmem>> -> memref<1x128xi32, #tpu.memory_space<vmem>>
        %dma_wait3A_545 = tpu.memref_squeeze %dma_wait3A_544 : memref<1x128xi32, #tpu.memory_space<vmem>> -> memref<128xi32, #tpu.memory_space<vmem>>
        %dma_wait3A_546 = arith.constant 0 : i32
        %dma_wait3A_547 = arith.constant 0 : i32
        %dma_wait3A_548 = tpu.memref_slice %arg12[%dma_wait3A_546, %dma_wait3A_547] : memref<12544x128xf32, #tpu.memory_space<vmem_shared>> -> memref<12544x128xf32, #tpu.memory_space<vmem_shared>>
        tpu.wait_indirect_dma semaphore(%run_scoped3A : memref<!tpu.dma_semaphore, #tpu.memory_space<semaphore_mem>>) src(%arg11 : memref<128x128xf32, #tpu.memory_space<vmem>>) dst(%dma_wait3A_548 : memref<12544x128xf32, #tpu.memory_space<vmem_shared>>)
        tpu.yield
      }) : () -> ()
    }
    %while3A_451 = arith.constant 1 : i32
    scf.for %while3A_518 = %while3A_449 to %while3A_445 step %while3A_451  : i32 {
      %eq3A_519 = arith.constant 0 : i32
      %eq3A_520 = arith.cmpi eq, %div3A_0, %eq3A_519 : i32
      %convert_element_type3A_521 = arith.extui %eq3A_520 : i1 to i32
      %cond3A_522 = arith.constant 0 : i32
      %cond3A_523 = arith.cmpi ne, %convert_element_type3A_521, %cond3A_522 : i32
      scf.if %cond3A_523 {
        %dma_start3A = arith.constant 0 : i32
        %dma_start3A_539 = tpu.memref_slice %arg10[%while3A_518, %dma_start3A] : memref<41x128xi32, #tpu.memory_space<vmem>> -> memref<1x128xi32, #tpu.memory_space<vmem>>
        %dma_start3A_540 = tpu.memref_squeeze %dma_start3A_539 : memref<1x128xi32, #tpu.memory_space<vmem>> -> memref<128xi32, #tpu.memory_space<vmem>>
        %dma_start3A_541 = arith.constant 0 : i32
        %dma_start3A_542 = arith.constant 0 : i32
        %dma_start3A_543 = tpu.memref_slice %arg2[%dma_start3A_541, %dma_start3A_542] : memref<55296x128xf32, #tpu.memory_space<hbm>> -> memref<55296x128xf32, #tpu.memory_space<hbm>>
        tpu.enqueue_indirect_dma source(%dma_start3A_543 : memref<55296x128xf32, #tpu.memory_space<hbm>>) target(%arg11 : memref<128x128xf32, #tpu.memory_space<vmem>>) offsets(%dma_start3A_540 : memref<128xi32, #tpu.memory_space<vmem>>) semaphore(%arg13 : memref<!tpu.dma_semaphore, #tpu.memory_space<semaphore_mem>>)
        %dma_wait3A = arith.constant 0 : i32
        %dma_wait3A_544 = tpu.memref_slice %arg10[%while3A_518, %dma_wait3A] : memref<41x128xi32, #tpu.memory_space<vmem>> -> memref<1x128xi32, #tpu.memory_space<vmem>>
        %dma_wait3A_545 = tpu.memref_squeeze %dma_wait3A_544 : memref<1x128xi32, #tpu.memory_space<vmem>> -> memref<128xi32, #tpu.memory_space<vmem>>
        %dma_wait3A_546 = arith.constant 0 : i32
        %dma_wait3A_547 = arith.constant 0 : i32
        %dma_wait3A_548 = tpu.memref_slice %arg2[%dma_wait3A_546, %dma_wait3A_547] : memref<55296x128xf32, #tpu.memory_space<hbm>> -> memref<55296x128xf32, #tpu.memory_space<hbm>>
        tpu.wait_indirect_dma semaphore(%arg13 : memref<!tpu.dma_semaphore, #tpu.memory_space<semaphore_mem>>) src(%dma_wait3A_548 : memref<55296x128xf32, #tpu.memory_space<hbm>>) dst(%arg11 : memref<128x128xf32, #tpu.memory_space<vmem>>)
      } else {
      }
      %eq3A_524 = arith.constant 1 : i32
      %eq3A_525 = arith.cmpi eq, %div3A_0, %eq3A_524 : i32
      %convert_element_type3A_526 = arith.extui %eq3A_525 : i1 to i32
      %cond3A_527 = arith.constant 0 : i32
      %cond3A_528 = arith.cmpi ne, %convert_element_type3A_526, %cond3A_527 : i32
      scf.if %cond3A_528 {
        %dma_start3A = arith.constant 0 : i32
        %dma_start3A_539 = tpu.memref_slice %arg10[%while3A_518, %dma_start3A] : memref<41x128xi32, #tpu.memory_space<vmem>> -> memref<1x128xi32, #tpu.memory_space<vmem>>
        %dma_start3A_540 = tpu.memref_squeeze %dma_start3A_539 : memref<1x128xi32, #tpu.memory_space<vmem>> -> memref<128xi32, #tpu.memory_space<vmem>>
        %dma_start3A_541 = arith.constant 0 : i32
        %dma_start3A_542 = arith.constant 0 : i32
        %dma_start3A_543 = tpu.memref_slice %arg3[%dma_start3A_541, %dma_start3A_542] : memref<55296x128xf32, #tpu.memory_space<hbm>> -> memref<55296x128xf32, #tpu.memory_space<hbm>>
        tpu.enqueue_indirect_dma source(%dma_start3A_543 : memref<55296x128xf32, #tpu.memory_space<hbm>>) target(%arg11 : memref<128x128xf32, #tpu.memory_space<vmem>>) offsets(%dma_start3A_540 : memref<128xi32, #tpu.memory_space<vmem>>) semaphore(%arg13 : memref<!tpu.dma_semaphore, #tpu.memory_space<semaphore_mem>>)
        %dma_wait3A = arith.constant 0 : i32
        %dma_wait3A_544 = tpu.memref_slice %arg10[%while3A_518, %dma_wait3A] : memref<41x128xi32, #tpu.memory_space<vmem>> -> memref<1x128xi32, #tpu.memory_space<vmem>>
        %dma_wait3A_545 = tpu.memref_squeeze %dma_wait3A_544 : memref<1x128xi32, #tpu.memory_space<vmem>> -> memref<128xi32, #tpu.memory_space<vmem>>
        %dma_wait3A_546 = arith.constant 0 : i32
        %dma_wait3A_547 = arith.constant 0 : i32
        %dma_wait3A_548 = tpu.memref_slice %arg3[%dma_wait3A_546, %dma_wait3A_547] : memref<55296x128xf32, #tpu.memory_space<hbm>> -> memref<55296x128xf32, #tpu.memory_space<hbm>>
        tpu.wait_indirect_dma semaphore(%arg13 : memref<!tpu.dma_semaphore, #tpu.memory_space<semaphore_mem>>) src(%dma_wait3A_548 : memref<55296x128xf32, #tpu.memory_space<hbm>>) dst(%arg11 : memref<128x128xf32, #tpu.memory_space<vmem>>)
      } else {
      }
      %eq3A_529 = arith.constant 2 : i32
      %eq3A_530 = arith.cmpi eq, %div3A_0, %eq3A_529 : i32
      %convert_element_type3A_531 = arith.extui %eq3A_530 : i1 to i32
      %cond3A_532 = arith.constant 0 : i32
      %cond3A_533 = arith.cmpi ne, %convert_element_type3A_531, %cond3A_532 : i32
      scf.if %cond3A_533 {
        %dma_start3A = arith.constant 0 : i32
        %dma_start3A_539 = tpu.memref_slice %arg10[%while3A_518, %dma_start3A] : memref<41x128xi32, #tpu.memory_space<vmem>> -> memref<1x128xi32, #tpu.memory_space<vmem>>
        %dma_start3A_540 = tpu.memref_squeeze %dma_start3A_539 : memref<1x128xi32, #tpu.memory_space<vmem>> -> memref<128xi32, #tpu.memory_space<vmem>>
        %dma_start3A_541 = arith.constant 0 : i32
        %dma_start3A_542 = arith.constant 0 : i32
        %dma_start3A_543 = tpu.memref_slice %arg4[%dma_start3A_541, %dma_start3A_542] : memref<55296x128xf32, #tpu.memory_space<hbm>> -> memref<55296x128xf32, #tpu.memory_space<hbm>>
        tpu.enqueue_indirect_dma source(%dma_start3A_543 : memref<55296x128xf32, #tpu.memory_space<hbm>>) target(%arg11 : memref<128x128xf32, #tpu.memory_space<vmem>>) offsets(%dma_start3A_540 : memref<128xi32, #tpu.memory_space<vmem>>) semaphore(%arg13 : memref<!tpu.dma_semaphore, #tpu.memory_space<semaphore_mem>>)
        %dma_wait3A = arith.constant 0 : i32
        %dma_wait3A_544 = tpu.memref_slice %arg10[%while3A_518, %dma_wait3A] : memref<41x128xi32, #tpu.memory_space<vmem>> -> memref<1x128xi32, #tpu.memory_space<vmem>>
        %dma_wait3A_545 = tpu.memref_squeeze %dma_wait3A_544 : memref<1x128xi32, #tpu.memory_space<vmem>> -> memref<128xi32, #tpu.memory_space<vmem>>
        %dma_wait3A_546 = arith.constant 0 : i32
        %dma_wait3A_547 = arith.constant 0 : i32
        %dma_wait3A_548 = tpu.memref_slice %arg4[%dma_wait3A_546, %dma_wait3A_547] : memref<55296x128xf32, #tpu.memory_space<hbm>> -> memref<55296x128xf32, #tpu.memory_space<hbm>>
        tpu.wait_indirect_dma semaphore(%arg13 : memref<!tpu.dma_semaphore, #tpu.memory_space<semaphore_mem>>) src(%dma_wait3A_548 : memref<55296x128xf32, #tpu.memory_space<hbm>>) dst(%arg11 : memref<128x128xf32, #tpu.memory_space<vmem>>)
      } else {
      }
      %eq3A_534 = arith.constant 3 : i32
      %eq3A_535 = arith.cmpi eq, %div3A_0, %eq3A_534 : i32
      %convert_element_type3A_536 = arith.extui %eq3A_535 : i1 to i32
      %cond3A_537 = arith.constant 0 : i32
      %cond3A_538 = arith.cmpi ne, %convert_element_type3A_536, %cond3A_537 : i32
      scf.if %cond3A_538 {
        %dma_start3A = arith.constant 0 : i32
        %dma_start3A_539 = tpu.memref_slice %arg10[%while3A_518, %dma_start3A] : memref<41x128xi32, #tpu.memory_space<vmem>> -> memref<1x128xi32, #tpu.memory_space<vmem>>
        %dma_start3A_540 = tpu.memref_squeeze %dma_start3A_539 : memref<1x128xi32, #tpu.memory_space<vmem>> -> memref<128xi32, #tpu.memory_space<vmem>>
        %dma_start3A_541 = arith.constant 0 : i32
        %dma_start3A_542 = arith.constant 0 : i32
        %dma_start3A_543 = tpu.memref_slice %arg5[%dma_start3A_541, %dma_start3A_542] : memref<55296x128xf32, #tpu.memory_space<hbm>> -> memref<55296x128xf32, #tpu.memory_space<hbm>>
        tpu.enqueue_indirect_dma source(%dma_start3A_543 : memref<55296x128xf32, #tpu.memory_space<hbm>>) target(%arg11 : memref<128x128xf32, #tpu.memory_space<vmem>>) offsets(%dma_start3A_540 : memref<128xi32, #tpu.memory_space<vmem>>) semaphore(%arg13 : memref<!tpu.dma_semaphore, #tpu.memory_space<semaphore_mem>>)
        %dma_wait3A = arith.constant 0 : i32
        %dma_wait3A_544 = tpu.memref_slice %arg10[%while3A_518, %dma_wait3A] : memref<41x128xi32, #tpu.memory_space<vmem>> -> memref<1x128xi32, #tpu.memory_space<vmem>>
        %dma_wait3A_545 = tpu.memref_squeeze %dma_wait3A_544 : memref<1x128xi32, #tpu.memory_space<vmem>> -> memref<128xi32, #tpu.memory_space<vmem>>
        %dma_wait3A_546 = arith.constant 0 : i32
        %dma_wait3A_547 = arith.constant 0 : i32
        %dma_wait3A_548 = tpu.memref_slice %arg5[%dma_wait3A_546, %dma_wait3A_547] : memref<55296x128xf32, #tpu.memory_space<hbm>> -> memref<55296x128xf32, #tpu.memory_space<hbm>>
        tpu.wait_indirect_dma semaphore(%arg13 : memref<!tpu.dma_semaphore, #tpu.memory_space<semaphore_mem>>) src(%dma_wait3A_548 : memref<55296x128xf32, #tpu.memory_space<hbm>>) dst(%arg11 : memref<128x128xf32, #tpu.memory_space<vmem>>)
      } else {
      }
      "tpu.region"() ({
        %run_scoped3A = tpu.sem_alloc : memref<!tpu.dma_semaphore, #tpu.memory_space<semaphore_mem>>
        %dma_start3A = arith.constant 0 : i32
        %dma_start3A_539 = tpu.memref_slice %arg9[%while3A_518, %dma_start3A] : memref<41x128xi32, #tpu.memory_space<vmem>> -> memref<1x128xi32, #tpu.memory_space<vmem>>
        %dma_start3A_540 = tpu.memref_squeeze %dma_start3A_539 : memref<1x128xi32, #tpu.memory_space<vmem>> -> memref<128xi32, #tpu.memory_space<vmem>>
        %dma_start3A_541 = arith.constant 0 : i32
        %dma_start3A_542 = arith.constant 0 : i32
        %dma_start3A_543 = tpu.memref_slice %arg12[%dma_start3A_541, %dma_start3A_542] : memref<12544x128xf32, #tpu.memory_space<vmem_shared>> -> memref<12544x128xf32, #tpu.memory_space<vmem_shared>>
        tpu.enqueue_indirect_dma source(%arg11 : memref<128x128xf32, #tpu.memory_space<vmem>>) target(%dma_start3A_543 : memref<12544x128xf32, #tpu.memory_space<vmem_shared>>) offsets(%dma_start3A_540 : memref<128xi32, #tpu.memory_space<vmem>>) semaphore(%run_scoped3A : memref<!tpu.dma_semaphore, #tpu.memory_space<semaphore_mem>>) {add = true}
        %dma_wait3A = arith.constant 0 : i32
        %dma_wait3A_544 = tpu.memref_slice %arg9[%while3A_518, %dma_wait3A] : memref<41x128xi32, #tpu.memory_space<vmem>> -> memref<1x128xi32, #tpu.memory_space<vmem>>
        %dma_wait3A_545 = tpu.memref_squeeze %dma_wait3A_544 : memref<1x128xi32, #tpu.memory_space<vmem>> -> memref<128xi32, #tpu.memory_space<vmem>>
        %dma_wait3A_546 = arith.constant 0 : i32
        %dma_wait3A_547 = arith.constant 0 : i32
        %dma_wait3A_548 = tpu.memref_slice %arg12[%dma_wait3A_546, %dma_wait3A_547] : memref<12544x128xf32, #tpu.memory_space<vmem_shared>> -> memref<12544x128xf32, #tpu.memory_space<vmem_shared>>
        tpu.wait_indirect_dma semaphore(%run_scoped3A : memref<!tpu.dma_semaphore, #tpu.memory_space<semaphore_mem>>) src(%arg11 : memref<128x128xf32, #tpu.memory_space<vmem>>) dst(%dma_wait3A_548 : memref<12544x128xf32, #tpu.memory_space<vmem_shared>>)
        tpu.yield
      }) : () -> ()
    }
    %broadcast_in_dim3A_452 = arith.constant 0 : i32
    %broadcast_in_dim3A_453 = vector.broadcast %broadcast_in_dim3A_452 : i32 to vector<16xi32>
    %barrier3A_454 = arith.constant 0 : index
    tpu.barrier barrier_id(%barrier3A_454)
    %rem3A_455 = arith.constant 96 : i32
    %rem3A_456 = arith.remsi %min3A_262, %rem3A_455 : i32
    %sub3A_457 = arith.subi %min3A_262, %rem3A_456 : i32
    %scan3A_458 = arith.constant 0 : i32
    %scan3A_459 = arith.constant 130 : i32
    %scan3A_460 = arith.addi %scan3A_458, %scan3A_459 : i32
    %scan3A_461 = arith.constant 1 : i32
    scf.for %scan3A_518 = %scan3A_458 to %scan3A_460 step %scan3A_461  : i32 {
      %mul3A_519 = arith.constant 1 : i32
      %mul3A_520 = arith.muli %scan3A_518, %mul3A_519 : i32
      %add3A_521 = arith.constant 0 : i32
      %add3A_522 = arith.addi %add3A_521, %mul3A_520 : i32
      %rem3A_523 = arith.constant 16 : i32
      %rem3A_524 = arith.remsi %add3A_522, %rem3A_523 : i32
      %eq3A_525 = arith.cmpi eq, %rem3A_524, %arg1 : i32
      %add3A_526 = arith.constant 1 : i32
      %add3A_527 = arith.addi %add3A_522, %add3A_526 : i32
      %mul3A_528 = arith.constant 96 : i32
      %mul3A_529 = arith.muli %add3A_527, %mul3A_528 : i32
      %le3A_530 = arith.cmpi sle, %mul3A_529, %min3A_262 : i32
      %and3A_531 = arith.andi %eq3A_525, %le3A_530 : i1
      %convert_element_type3A_532 = arith.extui %and3A_531 : i1 to i32
      %cond3A_533 = arith.constant 0 : i32
      %cond3A_534 = arith.cmpi ne, %convert_element_type3A_532, %cond3A_533 : i32
      scf.if %cond3A_534 {
        %mul3A_535 = arith.constant 96 : i32
        %mul3A_536 = arith.muli %add3A_522, %mul3A_535 : i32
        %mul3A_537 = arith.constant 96 : i32
        %mul3A_538 = arith.muli %add3A_522, %mul3A_537 : i32
        %add3A_539 = arith.addi %mul3A_258, %mul3A_538 : i32
        "tpu.region"() ({
          %run_scoped3A = tpu.sem_alloc : memref<!tpu.dma_semaphore, #tpu.memory_space<semaphore_mem>>
          %dma_start3A = arith.constant 0 : i32
          %dma_start3A_540 = tpu.memref_slice %arg7[%add3A_539, %dma_start3A] : memref<50000x128xf32, #tpu.memory_space<hbm>> -> memref<96x128xf32, #tpu.memory_space<hbm>>
          %dma_start3A_541 = arith.constant 0 : i32
          %dma_start3A_542 = tpu.memref_slice %arg12[%mul3A_536, %dma_start3A_541] : memref<12544x128xf32, #tpu.memory_space<vmem_shared>> -> memref<96x128xf32, #tpu.memory_space<vmem_shared>>
          tpu.enqueue_dma source(%dma_start3A_542 : memref<96x128xf32, #tpu.memory_space<vmem_shared>>) target(%dma_start3A_540 : memref<96x128xf32, #tpu.memory_space<hbm>>) target_semaphore(%run_scoped3A : memref<!tpu.dma_semaphore, #tpu.memory_space<semaphore_mem>>)
          %dma_wait3A = arith.constant 0 : i32
          %dma_wait3A_543 = tpu.memref_slice %arg7[%add3A_539, %dma_wait3A] : memref<50000x128xf32, #tpu.memory_space<hbm>> -> memref<96x128xf32, #tpu.memory_space<hbm>>
          %dma_wait3A_544 = arith.constant 0 : i32
          %dma_wait3A_545 = tpu.memref_slice %arg12[%mul3A_536, %dma_wait3A_544] : memref<12544x128xf32, #tpu.memory_space<vmem_shared>> -> memref<96x128xf32, #tpu.memory_space<vmem_shared>>
          tpu.wait_dma2 semaphore(%run_scoped3A : memref<!tpu.dma_semaphore, #tpu.memory_space<semaphore_mem>>) src(%dma_wait3A_545 : memref<96x128xf32, #tpu.memory_space<vmem_shared>>) dst(%dma_wait3A_543 : memref<96x128xf32, #tpu.memory_space<hbm>>)
          tpu.yield
        }) : () -> ()
      } else {
      }
    }
    %scan3A_462 = arith.constant 130 : i32
    %eq3A_463 = arith.constant 0 : i32
    %eq3A_464 = arith.cmpi eq, %arg1, %eq3A_463 : i32
    %add3A_465 = arith.constant 16 : i32
    %add3A_466 = arith.addi %sub3A_457, %add3A_465 : i32
    %le3A_467 = arith.cmpi sle, %add3A_466, %min3A_262 : i32
    %and3A_468 = arith.andi %eq3A_464, %le3A_467 : i1
    %convert_element_type3A_469 = arith.extui %and3A_468 : i1 to i32
    %cond3A_470 = arith.constant 0 : i32
    %cond3A_471 = arith.cmpi ne, %convert_element_type3A_469, %cond3A_470 : i32
    scf.if %cond3A_471 {
      %add3A_518 = arith.constant 0 : i32
      %add3A_519 = arith.addi %sub3A_457, %add3A_518 : i32
      %add3A_520 = arith.addi %mul3A_258, %sub3A_457 : i32
      %add3A_521 = arith.constant 0 : i32
      %add3A_522 = arith.addi %add3A_520, %add3A_521 : i32
      "tpu.region"() ({
        %run_scoped3A = tpu.sem_alloc : memref<!tpu.dma_semaphore, #tpu.memory_space<semaphore_mem>>
        %dma_start3A = arith.constant 0 : i32
        %dma_start3A_523 = tpu.memref_slice %arg7[%add3A_522, %dma_start3A] : memref<50000x128xf32, #tpu.memory_space<hbm>> -> memref<16x128xf32, #tpu.memory_space<hbm>>
        %dma_start3A_524 = arith.constant 0 : i32
        %dma_start3A_525 = tpu.memref_slice %arg12[%add3A_519, %dma_start3A_524] : memref<12544x128xf32, #tpu.memory_space<vmem_shared>> -> memref<16x128xf32, #tpu.memory_space<vmem_shared>>
        tpu.enqueue_dma source(%dma_start3A_525 : memref<16x128xf32, #tpu.memory_space<vmem_shared>>) target(%dma_start3A_523 : memref<16x128xf32, #tpu.memory_space<hbm>>) target_semaphore(%run_scoped3A : memref<!tpu.dma_semaphore, #tpu.memory_space<semaphore_mem>>)
        %dma_wait3A = arith.constant 0 : i32
        %dma_wait3A_526 = tpu.memref_slice %arg7[%add3A_522, %dma_wait3A] : memref<50000x128xf32, #tpu.memory_space<hbm>> -> memref<16x128xf32, #tpu.memory_space<hbm>>
        %dma_wait3A_527 = arith.constant 0 : i32
        %dma_wait3A_528 = tpu.memref_slice %arg12[%add3A_519, %dma_wait3A_527] : memref<12544x128xf32, #tpu.memory_space<vmem_shared>> -> memref<16x128xf32, #tpu.memory_space<vmem_shared>>
        tpu.wait_dma2 semaphore(%run_scoped3A : memref<!tpu.dma_semaphore, #tpu.memory_space<semaphore_mem>>) src(%dma_wait3A_528 : memref<16x128xf32, #tpu.memory_space<vmem_shared>>) dst(%dma_wait3A_526 : memref<16x128xf32, #tpu.memory_space<hbm>>)
        tpu.yield
      }) : () -> ()
    } else {
    }
    %eq3A_472 = arith.constant 1 : i32
    %eq3A_473 = arith.cmpi eq, %arg1, %eq3A_472 : i32
    %add3A_474 = arith.constant 32 : i32
    %add3A_475 = arith.addi %sub3A_457, %add3A_474 : i32
    %le3A_476 = arith.cmpi sle, %add3A_475, %min3A_262 : i32
    %and3A_477 = arith.andi %eq3A_473, %le3A_476 : i1
    %convert_element_type3A_478 = arith.extui %and3A_477 : i1 to i32
    %cond3A_479 = arith.constant 0 : i32
    %cond3A_480 = arith.cmpi ne, %convert_element_type3A_478, %cond3A_479 : i32
    scf.if %cond3A_480 {
      %add3A_518 = arith.constant 16 : i32
      %add3A_519 = arith.addi %sub3A_457, %add3A_518 : i32
      %add3A_520 = arith.addi %mul3A_258, %sub3A_457 : i32
      %add3A_521 = arith.constant 16 : i32
      %add3A_522 = arith.addi %add3A_520, %add3A_521 : i32
      "tpu.region"() ({
        %run_scoped3A = tpu.sem_alloc : memref<!tpu.dma_semaphore, #tpu.memory_space<semaphore_mem>>
        %dma_start3A = arith.constant 0 : i32
        %dma_start3A_523 = tpu.memref_slice %arg7[%add3A_522, %dma_start3A] : memref<50000x128xf32, #tpu.memory_space<hbm>> -> memref<16x128xf32, #tpu.memory_space<hbm>>
        %dma_start3A_524 = arith.constant 0 : i32
        %dma_start3A_525 = tpu.memref_slice %arg12[%add3A_519, %dma_start3A_524] : memref<12544x128xf32, #tpu.memory_space<vmem_shared>> -> memref<16x128xf32, #tpu.memory_space<vmem_shared>>
        tpu.enqueue_dma source(%dma_start3A_525 : memref<16x128xf32, #tpu.memory_space<vmem_shared>>) target(%dma_start3A_523 : memref<16x128xf32, #tpu.memory_space<hbm>>) target_semaphore(%run_scoped3A : memref<!tpu.dma_semaphore, #tpu.memory_space<semaphore_mem>>)
        %dma_wait3A = arith.constant 0 : i32
        %dma_wait3A_526 = tpu.memref_slice %arg7[%add3A_522, %dma_wait3A] : memref<50000x128xf32, #tpu.memory_space<hbm>> -> memref<16x128xf32, #tpu.memory_space<hbm>>
        %dma_wait3A_527 = arith.constant 0 : i32
        %dma_wait3A_528 = tpu.memref_slice %arg12[%add3A_519, %dma_wait3A_527] : memref<12544x128xf32, #tpu.memory_space<vmem_shared>> -> memref<16x128xf32, #tpu.memory_space<vmem_shared>>
        tpu.wait_dma2 semaphore(%run_scoped3A : memref<!tpu.dma_semaphore, #tpu.memory_space<semaphore_mem>>) src(%dma_wait3A_528 : memref<16x128xf32, #tpu.memory_space<vmem_shared>>) dst(%dma_wait3A_526 : memref<16x128xf32, #tpu.memory_space<hbm>>)
        tpu.yield
      }) : () -> ()
    } else {
    }
    %eq3A_481 = arith.constant 2 : i32
    %eq3A_482 = arith.cmpi eq, %arg1, %eq3A_481 : i32
    %add3A_483 = arith.constant 48 : i32
    %add3A_484 = arith.addi %sub3A_457, %add3A_483 : i32
    %le3A_485 = arith.cmpi sle, %add3A_484, %min3A_262 : i32
    %and3A_486 = arith.andi %eq3A_482, %le3A_485 : i1
    %convert_element_type3A_487 = arith.extui %and3A_486 : i1 to i32
    %cond3A_488 = arith.constant 0 : i32
    %cond3A_489 = arith.cmpi ne, %convert_element_type3A_487, %cond3A_488 : i32
    scf.if %cond3A_489 {
      %add3A_518 = arith.constant 32 : i32
      %add3A_519 = arith.addi %sub3A_457, %add3A_518 : i32
      %add3A_520 = arith.addi %mul3A_258, %sub3A_457 : i32
      %add3A_521 = arith.constant 32 : i32
      %add3A_522 = arith.addi %add3A_520, %add3A_521 : i32
      "tpu.region"() ({
        %run_scoped3A = tpu.sem_alloc : memref<!tpu.dma_semaphore, #tpu.memory_space<semaphore_mem>>
        %dma_start3A = arith.constant 0 : i32
        %dma_start3A_523 = tpu.memref_slice %arg7[%add3A_522, %dma_start3A] : memref<50000x128xf32, #tpu.memory_space<hbm>> -> memref<16x128xf32, #tpu.memory_space<hbm>>
        %dma_start3A_524 = arith.constant 0 : i32
        %dma_start3A_525 = tpu.memref_slice %arg12[%add3A_519, %dma_start3A_524] : memref<12544x128xf32, #tpu.memory_space<vmem_shared>> -> memref<16x128xf32, #tpu.memory_space<vmem_shared>>
        tpu.enqueue_dma source(%dma_start3A_525 : memref<16x128xf32, #tpu.memory_space<vmem_shared>>) target(%dma_start3A_523 : memref<16x128xf32, #tpu.memory_space<hbm>>) target_semaphore(%run_scoped3A : memref<!tpu.dma_semaphore, #tpu.memory_space<semaphore_mem>>)
        %dma_wait3A = arith.constant 0 : i32
        %dma_wait3A_526 = tpu.memref_slice %arg7[%add3A_522, %dma_wait3A] : memref<50000x128xf32, #tpu.memory_space<hbm>> -> memref<16x128xf32, #tpu.memory_space<hbm>>
        %dma_wait3A_527 = arith.constant 0 : i32
        %dma_wait3A_528 = tpu.memref_slice %arg12[%add3A_519, %dma_wait3A_527] : memref<12544x128xf32, #tpu.memory_space<vmem_shared>> -> memref<16x128xf32, #tpu.memory_space<vmem_shared>>
        tpu.wait_dma2 semaphore(%run_scoped3A : memref<!tpu.dma_semaphore, #tpu.memory_space<semaphore_mem>>) src(%dma_wait3A_528 : memref<16x128xf32, #tpu.memory_space<vmem_shared>>) dst(%dma_wait3A_526 : memref<16x128xf32, #tpu.memory_space<hbm>>)
        tpu.yield
      }) : () -> ()
    } else {
    }
    %eq3A_490 = arith.constant 3 : i32
    %eq3A_491 = arith.cmpi eq, %arg1, %eq3A_490 : i32
    %add3A_492 = arith.constant 64 : i32
    %add3A_493 = arith.addi %sub3A_457, %add3A_492 : i32
    %le3A_494 = arith.cmpi sle, %add3A_493, %min3A_262 : i32
    %and3A_495 = arith.andi %eq3A_491, %le3A_494 : i1
    %convert_element_type3A_496 = arith.extui %and3A_495 : i1 to i32
    %cond3A_497 = arith.constant 0 : i32
    %cond3A_498 = arith.cmpi ne, %convert_element_type3A_496, %cond3A_497 : i32
    scf.if %cond3A_498 {
      %add3A_518 = arith.constant 48 : i32
      %add3A_519 = arith.addi %sub3A_457, %add3A_518 : i32
      %add3A_520 = arith.addi %mul3A_258, %sub3A_457 : i32
      %add3A_521 = arith.constant 48 : i32
      %add3A_522 = arith.addi %add3A_520, %add3A_521 : i32
      "tpu.region"() ({
        %run_scoped3A = tpu.sem_alloc : memref<!tpu.dma_semaphore, #tpu.memory_space<semaphore_mem>>
        %dma_start3A = arith.constant 0 : i32
        %dma_start3A_523 = tpu.memref_slice %arg7[%add3A_522, %dma_start3A] : memref<50000x128xf32, #tpu.memory_space<hbm>> -> memref<16x128xf32, #tpu.memory_space<hbm>>
        %dma_start3A_524 = arith.constant 0 : i32
        %dma_start3A_525 = tpu.memref_slice %arg12[%add3A_519, %dma_start3A_524] : memref<12544x128xf32, #tpu.memory_space<vmem_shared>> -> memref<16x128xf32, #tpu.memory_space<vmem_shared>>
        tpu.enqueue_dma source(%dma_start3A_525 : memref<16x128xf32, #tpu.memory_space<vmem_shared>>) target(%dma_start3A_523 : memref<16x128xf32, #tpu.memory_space<hbm>>) target_semaphore(%run_scoped3A : memref<!tpu.dma_semaphore, #tpu.memory_space<semaphore_mem>>)
        %dma_wait3A = arith.constant 0 : i32
        %dma_wait3A_526 = tpu.memref_slice %arg7[%add3A_522, %dma_wait3A] : memref<50000x128xf32, #tpu.memory_space<hbm>> -> memref<16x128xf32, #tpu.memory_space<hbm>>
        %dma_wait3A_527 = arith.constant 0 : i32
        %dma_wait3A_528 = tpu.memref_slice %arg12[%add3A_519, %dma_wait3A_527] : memref<12544x128xf32, #tpu.memory_space<vmem_shared>> -> memref<16x128xf32, #tpu.memory_space<vmem_shared>>
        tpu.wait_dma2 semaphore(%run_scoped3A : memref<!tpu.dma_semaphore, #tpu.memory_space<semaphore_mem>>) src(%dma_wait3A_528 : memref<16x128xf32, #tpu.memory_space<vmem_shared>>) dst(%dma_wait3A_526 : memref<16x128xf32, #tpu.memory_space<hbm>>)
        tpu.yield
      }) : () -> ()
    } else {
    }
    %eq3A_499 = arith.constant 4 : i32
    %eq3A_500 = arith.cmpi eq, %arg1, %eq3A_499 : i32
    %add3A_501 = arith.constant 80 : i32
    %add3A_502 = arith.addi %sub3A_457, %add3A_501 : i32
    %le3A_503 = arith.cmpi sle, %add3A_502, %min3A_262 : i32
    %and3A_504 = arith.andi %eq3A_500, %le3A_503 : i1
    %convert_element_type3A_505 = arith.extui %and3A_504 : i1 to i32
    %cond3A_506 = arith.constant 0 : i32
    %cond3A_507 = arith.cmpi ne, %convert_element_type3A_505, %cond3A_506 : i32
    scf.if %cond3A_507 {
      %add3A_518 = arith.constant 64 : i32
      %add3A_519 = arith.addi %sub3A_457, %add3A_518 : i32
      %add3A_520 = arith.addi %mul3A_258, %sub3A_457 : i32
      %add3A_521 = arith.constant 64 : i32
      %add3A_522 = arith.addi %add3A_520, %add3A_521 : i32
      "tpu.region"() ({
        %run_scoped3A = tpu.sem_alloc : memref<!tpu.dma_semaphore, #tpu.memory_space<semaphore_mem>>
        %dma_start3A = arith.constant 0 : i32
        %dma_start3A_523 = tpu.memref_slice %arg7[%add3A_522, %dma_start3A] : memref<50000x128xf32, #tpu.memory_space<hbm>> -> memref<16x128xf32, #tpu.memory_space<hbm>>
        %dma_start3A_524 = arith.constant 0 : i32
        %dma_start3A_525 = tpu.memref_slice %arg12[%add3A_519, %dma_start3A_524] : memref<12544x128xf32, #tpu.memory_space<vmem_shared>> -> memref<16x128xf32, #tpu.memory_space<vmem_shared>>
        tpu.enqueue_dma source(%dma_start3A_525 : memref<16x128xf32, #tpu.memory_space<vmem_shared>>) target(%dma_start3A_523 : memref<16x128xf32, #tpu.memory_space<hbm>>) target_semaphore(%run_scoped3A : memref<!tpu.dma_semaphore, #tpu.memory_space<semaphore_mem>>)
        %dma_wait3A = arith.constant 0 : i32
        %dma_wait3A_526 = tpu.memref_slice %arg7[%add3A_522, %dma_wait3A] : memref<50000x128xf32, #tpu.memory_space<hbm>> -> memref<16x128xf32, #tpu.memory_space<hbm>>
        %dma_wait3A_527 = arith.constant 0 : i32
        %dma_wait3A_528 = tpu.memref_slice %arg12[%add3A_519, %dma_wait3A_527] : memref<12544x128xf32, #tpu.memory_space<vmem_shared>> -> memref<16x128xf32, #tpu.memory_space<vmem_shared>>
        tpu.wait_dma2 semaphore(%run_scoped3A : memref<!tpu.dma_semaphore, #tpu.memory_space<semaphore_mem>>) src(%dma_wait3A_528 : memref<16x128xf32, #tpu.memory_space<vmem_shared>>) dst(%dma_wait3A_526 : memref<16x128xf32, #tpu.memory_space<hbm>>)
        tpu.yield
      }) : () -> ()
    } else {
    }
    %eq3A_508 = arith.constant 5 : i32
    %eq3A_509 = arith.cmpi eq, %arg1, %eq3A_508 : i32
    %add3A_510 = arith.constant 96 : i32
    %add3A_511 = arith.addi %sub3A_457, %add3A_510 : i32
    %le3A_512 = arith.cmpi sle, %add3A_511, %min3A_262 : i32
    %and3A_513 = arith.andi %eq3A_509, %le3A_512 : i1
    %convert_element_type3A_514 = arith.extui %and3A_513 : i1 to i32
    %cond3A_515 = arith.constant 0 : i32
    %cond3A_516 = arith.cmpi ne, %convert_element_type3A_514, %cond3A_515 : i32
    scf.if %cond3A_516 {
      %add3A_518 = arith.constant 80 : i32
      %add3A_519 = arith.addi %sub3A_457, %add3A_518 : i32
      %add3A_520 = arith.addi %mul3A_258, %sub3A_457 : i32
      %add3A_521 = arith.constant 80 : i32
      %add3A_522 = arith.addi %add3A_520, %add3A_521 : i32
      "tpu.region"() ({
        %run_scoped3A = tpu.sem_alloc : memref<!tpu.dma_semaphore, #tpu.memory_space<semaphore_mem>>
        %dma_start3A = arith.constant 0 : i32
        %dma_start3A_523 = tpu.memref_slice %arg7[%add3A_522, %dma_start3A] : memref<50000x128xf32, #tpu.memory_space<hbm>> -> memref<16x128xf32, #tpu.memory_space<hbm>>
        %dma_start3A_524 = arith.constant 0 : i32
        %dma_start3A_525 = tpu.memref_slice %arg12[%add3A_519, %dma_start3A_524] : memref<12544x128xf32, #tpu.memory_space<vmem_shared>> -> memref<16x128xf32, #tpu.memory_space<vmem_shared>>
        tpu.enqueue_dma source(%dma_start3A_525 : memref<16x128xf32, #tpu.memory_space<vmem_shared>>) target(%dma_start3A_523 : memref<16x128xf32, #tpu.memory_space<hbm>>) target_semaphore(%run_scoped3A : memref<!tpu.dma_semaphore, #tpu.memory_space<semaphore_mem>>)
        %dma_wait3A = arith.constant 0 : i32
        %dma_wait3A_526 = tpu.memref_slice %arg7[%add3A_522, %dma_wait3A] : memref<50000x128xf32, #tpu.memory_space<hbm>> -> memref<16x128xf32, #tpu.memory_space<hbm>>
        %dma_wait3A_527 = arith.constant 0 : i32
        %dma_wait3A_528 = tpu.memref_slice %arg12[%add3A_519, %dma_wait3A_527] : memref<12544x128xf32, #tpu.memory_space<vmem_shared>> -> memref<16x128xf32, #tpu.memory_space<vmem_shared>>
        tpu.wait_dma2 semaphore(%run_scoped3A : memref<!tpu.dma_semaphore, #tpu.memory_space<semaphore_mem>>) src(%dma_wait3A_528 : memref<16x128xf32, #tpu.memory_space<vmem_shared>>) dst(%dma_wait3A_526 : memref<16x128xf32, #tpu.memory_space<hbm>>)
        tpu.yield
      }) : () -> ()
    } else {
    }
    %barrier3A_517 = arith.constant 0 : index
    tpu.barrier barrier_id(%barrier3A_517)
    return
  }
}

module attributes {stable_mosaic.version = 14 : i64} {
  func.func @body(%arg0: i32, %arg1: memref<2048x128xf32, #tpu.memory_space<vmem>>, %arg2: memref<1x128x128xf32, #tpu.memory_space<vmem>>, %arg3: memref<2048x128xf32, #tpu.memory_space<vmem>>) attributes {dimension_semantics = [#tpu.dimension_semantics<parallel>], iteration_bounds = array<i64: 27>, scalar_prefetch = 0 : i64, scratch_operands = 0 : i64, tpu.core_type = #tpu.core_type<tc>, window_params = [{transform_indices = @transform_0, window_bounds = array<i64: 2048, 128>}, {transform_indices = @transform_1, window_bounds = array<i64: 1, 128, 128>}, {transform_indices = @transform_2, window_bounds = array<i64: 2048, 128>}]} {
    %get3A = arith.constant 0 : index
    %get3A_0 = arith.constant 0 : index
    %get3A_1 = vector.load %arg1[%get3A, %get3A_0] : memref<2048x128xf32, #tpu.memory_space<vmem>>, vector<2048x128xf32>
    %convert_element_type3A = arith.truncf %get3A_1 : vector<2048x128xf32> to vector<2048x128xbf16>
    %get3A_2 = arith.constant 0 : index
    %get3A_3 = arith.constant 0 : index
    %get3A_4 = arith.constant 0 : index
    %get3A_5 = vector.load %arg2[%get3A_2, %get3A_3, %get3A_4] : memref<1x128x128xf32, #tpu.memory_space<vmem>>, vector<1x128x128xf32>
    %get3A_6 = vector.shape_cast %get3A_5 : vector<1x128x128xf32> to vector<128x128xf32>
    %convert_element_type3A_7 = arith.truncf %get3A_6 : vector<128x128xf32> to vector<128x128xbf16>
    %dot_general3A = arith.constant dense<0.000000e+00> : vector<2048x128xf32>
    %dot_general3A_8 = tpu.matmul %convert_element_type3A, %convert_element_type3A_7, %dot_general3A {dimension_numbers = #tpu.dot_dimension_numbers<[1], [0], [0], [1], [0, 0, 1, 1], [], []>, transpose_lhs_hint = false} : vector<2048x128xbf16>, vector<128x128xbf16>, vector<2048x128xf32> -> vector<2048x128xf32>
    %swap3A = arith.constant 0 : index
    %swap3A_9 = arith.constant 0 : index
    %swap3A_10 = vector.load %arg3[%swap3A, %swap3A_9] : memref<2048x128xf32, #tpu.memory_space<vmem>>, vector<2048x128xf32>
    tpu.vector_store %arg3[%swap3A, %swap3A_9], %dot_general3A_8 {strides = array<i32>} : memref<2048x128xf32, #tpu.memory_space<vmem>>, vector<2048x128xf32>,
    return
  }
  func.func @transform_0(%arg0: i32) -> (i32, i32) {
    %c0_i32 = arith.constant 0 : i32
    %c0_i32_0 = arith.constant 0 : i32
    return %arg0, %c0_i32 : i32, i32
  }
  func.func @transform_1(%arg0: i32) -> (i32, i32, i32) {
    %add3A = arith.constant 54 : i32
    %add3A_0 = arith.addi %add3A, %arg0 : i32
    %jit3A = arith.constant 4 : i32
    %div3A = arith.divsi %add3A_0, %jit3A : i32
    %sign3A = arith.constant 0 : i32
    %sign3A_1 = arith.cmpi sgt, %add3A_0, %sign3A : i32
    %sign3A_2 = arith.extui %sign3A_1 : i1 to i32
    %sign3A_3 = arith.constant 0 : i32
    %sign3A_4 = arith.cmpi slt, %add3A_0, %sign3A_3 : i32
    %sign3A_5 = arith.extui %sign3A_4 : i1 to i32
    %sign3A_6 = arith.subi %sign3A_2, %sign3A_5 : i32
    %sign3A_7 = arith.constant 0 : i32
    %sign3A_8 = arith.cmpi sgt, %jit3A, %sign3A_7 : i32
    %sign3A_9 = arith.extui %sign3A_8 : i1 to i32
    %sign3A_10 = arith.constant 0 : i32
    %sign3A_11 = arith.cmpi slt, %jit3A, %sign3A_10 : i32
    %sign3A_12 = arith.extui %sign3A_11 : i1 to i32
    %sign3A_13 = arith.subi %sign3A_9, %sign3A_12 : i32
    %ne3A = arith.cmpi ne, %sign3A_6, %sign3A_13 : i32
    %rem3A = arith.remsi %add3A_0, %jit3A : i32
    %ne3A_14 = arith.constant 0 : i32
    %ne3A_15 = arith.cmpi ne, %rem3A, %ne3A_14 : i32
    %and3A = arith.andi %ne3A, %ne3A_15 : i1
    %sub3A = arith.constant 1 : i32
    %sub3A_16 = arith.subi %div3A, %sub3A : i32
    %select_n3A = arith.select %and3A, %sub3A_16, %div3A : i32
    %c0_i32 = arith.constant 0 : i32
    %c0_i32_17 = arith.constant 0 : i32
    %c0_i32_18 = arith.constant 0 : i32
    return %select_n3A, %c0_i32, %c0_i32_17 : i32, i32, i32
  }
  func.func @transform_2(%arg0: i32) -> (i32, i32) {
    %c0_i32 = arith.constant 0 : i32
    %c0_i32_0 = arith.constant 0 : i32
    return %arg0, %c0_i32 : i32, i32
  }
}

module attributes {stable_mosaic.version = 14 : i64} {
  func.func @body(%arg0: i32, %arg1: memref<2048x128xf32, #tpu.memory_space<vmem>>, %arg2: memref<1x128x128xf32, #tpu.memory_space<vmem>>, %arg3: memref<2048x128xf32, #tpu.memory_space<vmem>>) attributes {dimension_semantics = [#tpu.dimension_semantics<parallel>], iteration_bounds = array<i64: 27>, scalar_prefetch = 0 : i64, scratch_operands = 0 : i64, tpu.core_type = #tpu.core_type<tc>, window_params = [{transform_indices = @transform_0, window_bounds = array<i64: 2048, 128>}, {transform_indices = @transform_1, window_bounds = array<i64: 1, 128, 128>}, {transform_indices = @transform_2, window_bounds = array<i64: 2048, 128>}]} {
    %get3A = arith.constant 0 : index
    %get3A_0 = arith.constant 0 : index
    %get3A_1 = vector.load %arg1[%get3A, %get3A_0] : memref<2048x128xf32, #tpu.memory_space<vmem>>, vector<2048x128xf32>
    %convert_element_type3A = arith.truncf %get3A_1 : vector<2048x128xf32> to vector<2048x128xbf16>
    %get3A_2 = arith.constant 0 : index
    %get3A_3 = arith.constant 0 : index
    %get3A_4 = arith.constant 0 : index
    %get3A_5 = vector.load %arg2[%get3A_2, %get3A_3, %get3A_4] : memref<1x128x128xf32, #tpu.memory_space<vmem>>, vector<1x128x128xf32>
    %get3A_6 = vector.shape_cast %get3A_5 : vector<1x128x128xf32> to vector<128x128xf32>
    %convert_element_type3A_7 = arith.truncf %get3A_6 : vector<128x128xf32> to vector<128x128xbf16>
    %dot_general3A = arith.constant dense<0.000000e+00> : vector<2048x128xf32>
    %dot_general3A_8 = tpu.matmul %convert_element_type3A, %convert_element_type3A_7, %dot_general3A {dimension_numbers = #tpu.dot_dimension_numbers<[1], [0], [0], [1], [0, 0, 1, 1], [], []>, transpose_lhs_hint = false} : vector<2048x128xbf16>, vector<128x128xbf16>, vector<2048x128xf32> -> vector<2048x128xf32>
    %swap3A = arith.constant 0 : index
    %swap3A_9 = arith.constant 0 : index
    %swap3A_10 = vector.load %arg3[%swap3A, %swap3A_9] : memref<2048x128xf32, #tpu.memory_space<vmem>>, vector<2048x128xf32>
    tpu.vector_store %arg3[%swap3A, %swap3A_9], %dot_general3A_8 {strides = array<i32>} : memref<2048x128xf32, #tpu.memory_space<vmem>>, vector<2048x128xf32>,
    return
  }
  func.func @transform_0(%arg0: i32) -> (i32, i32) {
    %c0_i32 = arith.constant 0 : i32
    %c0_i32_0 = arith.constant 0 : i32
    return %arg0, %c0_i32 : i32, i32
  }
  func.func @transform_1(%arg0: i32) -> (i32, i32, i32) {
    %add3A = arith.constant 81 : i32
    %add3A_0 = arith.addi %add3A, %arg0 : i32
    %jit3A = arith.constant 4 : i32
    %div3A = arith.divsi %add3A_0, %jit3A : i32
    %sign3A = arith.constant 0 : i32
    %sign3A_1 = arith.cmpi sgt, %add3A_0, %sign3A : i32
    %sign3A_2 = arith.extui %sign3A_1 : i1 to i32
    %sign3A_3 = arith.constant 0 : i32
    %sign3A_4 = arith.cmpi slt, %add3A_0, %sign3A_3 : i32
    %sign3A_5 = arith.extui %sign3A_4 : i1 to i32
    %sign3A_6 = arith.subi %sign3A_2, %sign3A_5 : i32
    %sign3A_7 = arith.constant 0 : i32
    %sign3A_8 = arith.cmpi sgt, %jit3A, %sign3A_7 : i32
    %sign3A_9 = arith.extui %sign3A_8 : i1 to i32
    %sign3A_10 = arith.constant 0 : i32
    %sign3A_11 = arith.cmpi slt, %jit3A, %sign3A_10 : i32
    %sign3A_12 = arith.extui %sign3A_11 : i1 to i32
    %sign3A_13 = arith.subi %sign3A_9, %sign3A_12 : i32
    %ne3A = arith.cmpi ne, %sign3A_6, %sign3A_13 : i32
    %rem3A = arith.remsi %add3A_0, %jit3A : i32
    %ne3A_14 = arith.constant 0 : i32
    %ne3A_15 = arith.cmpi ne, %rem3A, %ne3A_14 : i32
    %and3A = arith.andi %ne3A, %ne3A_15 : i1
    %sub3A = arith.constant 1 : i32
    %sub3A_16 = arith.subi %div3A, %sub3A : i32
    %select_n3A = arith.select %and3A, %sub3A_16, %div3A : i32
    %c0_i32 = arith.constant 0 : i32
    %c0_i32_17 = arith.constant 0 : i32
    %c0_i32_18 = arith.constant 0 : i32
    return %select_n3A, %c0_i32, %c0_i32_17 : i32, i32, i32
  }
  func.func @transform_2(%arg0: i32) -> (i32, i32) {
    %c0_i32 = arith.constant 0 : i32
    %c0_i32_0 = arith.constant 0 : i32
    return %arg0, %c0_i32 : i32, i32
  }
}

module attributes {stable_mosaic.version = 14 : i64} {
  func.func @body(%arg0: i32, %arg1: memref<2048x128xf32, #tpu.memory_space<vmem>>, %arg2: memref<1x128x128xf32, #tpu.memory_space<vmem>>, %arg3: memref<2048x128xf32, #tpu.memory_space<vmem>>) attributes {dimension_semantics = [#tpu.dimension_semantics<parallel>], iteration_bounds = array<i64: 27>, scalar_prefetch = 0 : i64, scratch_operands = 0 : i64, tpu.core_type = #tpu.core_type<tc>, window_params = [{transform_indices = @transform_0, window_bounds = array<i64: 2048, 128>}, {transform_indices = @transform_1, window_bounds = array<i64: 1, 128, 128>}, {transform_indices = @transform_2, window_bounds = array<i64: 2048, 128>}]} {
    %get3A = arith.constant 0 : index
    %get3A_0 = arith.constant 0 : index
    %get3A_1 = vector.load %arg1[%get3A, %get3A_0] : memref<2048x128xf32, #tpu.memory_space<vmem>>, vector<2048x128xf32>
    %convert_element_type3A = arith.truncf %get3A_1 : vector<2048x128xf32> to vector<2048x128xbf16>
    %get3A_2 = arith.constant 0 : index
    %get3A_3 = arith.constant 0 : index
    %get3A_4 = arith.constant 0 : index
    %get3A_5 = vector.load %arg2[%get3A_2, %get3A_3, %get3A_4] : memref<1x128x128xf32, #tpu.memory_space<vmem>>, vector<1x128x128xf32>
    %get3A_6 = vector.shape_cast %get3A_5 : vector<1x128x128xf32> to vector<128x128xf32>
    %convert_element_type3A_7 = arith.truncf %get3A_6 : vector<128x128xf32> to vector<128x128xbf16>
    %dot_general3A = arith.constant dense<0.000000e+00> : vector<2048x128xf32>
    %dot_general3A_8 = tpu.matmul %convert_element_type3A, %convert_element_type3A_7, %dot_general3A {dimension_numbers = #tpu.dot_dimension_numbers<[1], [0], [0], [1], [0, 0, 1, 1], [], []>, transpose_lhs_hint = false} : vector<2048x128xbf16>, vector<128x128xbf16>, vector<2048x128xf32> -> vector<2048x128xf32>
    %swap3A = arith.constant 0 : index
    %swap3A_9 = arith.constant 0 : index
    %swap3A_10 = vector.load %arg3[%swap3A, %swap3A_9] : memref<2048x128xf32, #tpu.memory_space<vmem>>, vector<2048x128xf32>
    tpu.vector_store %arg3[%swap3A, %swap3A_9], %dot_general3A_8 {strides = array<i32>} : memref<2048x128xf32, #tpu.memory_space<vmem>>, vector<2048x128xf32>,
    return
  }
  func.func @transform_0(%arg0: i32) -> (i32, i32) {
    %c0_i32 = arith.constant 0 : i32
    %c0_i32_0 = arith.constant 0 : i32
    return %arg0, %c0_i32 : i32, i32
  }
  func.func @transform_1(%arg0: i32) -> (i32, i32, i32) {
    %add3A = arith.constant 27 : i32
    %add3A_0 = arith.addi %add3A, %arg0 : i32
    %jit3A = arith.constant 4 : i32
    %div3A = arith.divsi %add3A_0, %jit3A : i32
    %sign3A = arith.constant 0 : i32
    %sign3A_1 = arith.cmpi sgt, %add3A_0, %sign3A : i32
    %sign3A_2 = arith.extui %sign3A_1 : i1 to i32
    %sign3A_3 = arith.constant 0 : i32
    %sign3A_4 = arith.cmpi slt, %add3A_0, %sign3A_3 : i32
    %sign3A_5 = arith.extui %sign3A_4 : i1 to i32
    %sign3A_6 = arith.subi %sign3A_2, %sign3A_5 : i32
    %sign3A_7 = arith.constant 0 : i32
    %sign3A_8 = arith.cmpi sgt, %jit3A, %sign3A_7 : i32
    %sign3A_9 = arith.extui %sign3A_8 : i1 to i32
    %sign3A_10 = arith.constant 0 : i32
    %sign3A_11 = arith.cmpi slt, %jit3A, %sign3A_10 : i32
    %sign3A_12 = arith.extui %sign3A_11 : i1 to i32
    %sign3A_13 = arith.subi %sign3A_9, %sign3A_12 : i32
    %ne3A = arith.cmpi ne, %sign3A_6, %sign3A_13 : i32
    %rem3A = arith.remsi %add3A_0, %jit3A : i32
    %ne3A_14 = arith.constant 0 : i32
    %ne3A_15 = arith.cmpi ne, %rem3A, %ne3A_14 : i32
    %and3A = arith.andi %ne3A, %ne3A_15 : i1
    %sub3A = arith.constant 1 : i32
    %sub3A_16 = arith.subi %div3A, %sub3A : i32
    %select_n3A = arith.select %and3A, %sub3A_16, %div3A : i32
    %c0_i32 = arith.constant 0 : i32
    %c0_i32_17 = arith.constant 0 : i32
    %c0_i32_18 = arith.constant 0 : i32
    return %select_n3A, %c0_i32, %c0_i32_17 : i32, i32, i32
  }
  func.func @transform_2(%arg0: i32) -> (i32, i32) {
    %c0_i32 = arith.constant 0 : i32
    %c0_i32_0 = arith.constant 0 : i32
    return %arg0, %c0_i32 : i32, i32
  }
}

module attributes {stable_mosaic.version = 14 : i64} {
  func.func @body(%arg0: i32, %arg1: memref<2048x128xf32, #tpu.memory_space<vmem>>, %arg2: memref<1x128x128xf32, #tpu.memory_space<vmem>>, %arg3: memref<2048x128xf32, #tpu.memory_space<vmem>>) attributes {dimension_semantics = [#tpu.dimension_semantics<parallel>], iteration_bounds = array<i64: 27>, scalar_prefetch = 0 : i64, scratch_operands = 0 : i64, tpu.core_type = #tpu.core_type<tc>, window_params = [{transform_indices = @transform_0, window_bounds = array<i64: 2048, 128>}, {transform_indices = @transform_1, window_bounds = array<i64: 1, 128, 128>}, {transform_indices = @transform_2, window_bounds = array<i64: 2048, 128>}]} {
    %get3A = arith.constant 0 : index
    %get3A_0 = arith.constant 0 : index
    %get3A_1 = vector.load %arg1[%get3A, %get3A_0] : memref<2048x128xf32, #tpu.memory_space<vmem>>, vector<2048x128xf32>
    %convert_element_type3A = arith.truncf %get3A_1 : vector<2048x128xf32> to vector<2048x128xbf16>
    %get3A_2 = arith.constant 0 : index
    %get3A_3 = arith.constant 0 : index
    %get3A_4 = arith.constant 0 : index
    %get3A_5 = vector.load %arg2[%get3A_2, %get3A_3, %get3A_4] : memref<1x128x128xf32, #tpu.memory_space<vmem>>, vector<1x128x128xf32>
    %get3A_6 = vector.shape_cast %get3A_5 : vector<1x128x128xf32> to vector<128x128xf32>
    %convert_element_type3A_7 = arith.truncf %get3A_6 : vector<128x128xf32> to vector<128x128xbf16>
    %dot_general3A = arith.constant dense<0.000000e+00> : vector<2048x128xf32>
    %dot_general3A_8 = tpu.matmul %convert_element_type3A, %convert_element_type3A_7, %dot_general3A {dimension_numbers = #tpu.dot_dimension_numbers<[1], [0], [0], [1], [0, 0, 1, 1], [], []>, transpose_lhs_hint = false} : vector<2048x128xbf16>, vector<128x128xbf16>, vector<2048x128xf32> -> vector<2048x128xf32>
    %swap3A = arith.constant 0 : index
    %swap3A_9 = arith.constant 0 : index
    %swap3A_10 = vector.load %arg3[%swap3A, %swap3A_9] : memref<2048x128xf32, #tpu.memory_space<vmem>>, vector<2048x128xf32>
    tpu.vector_store %arg3[%swap3A, %swap3A_9], %dot_general3A_8 {strides = array<i32>} : memref<2048x128xf32, #tpu.memory_space<vmem>>, vector<2048x128xf32>,
    return
  }
  func.func @transform_0(%arg0: i32) -> (i32, i32) {
    %c0_i32 = arith.constant 0 : i32
    %c0_i32_0 = arith.constant 0 : i32
    return %arg0, %c0_i32 : i32, i32
  }
  func.func @transform_1(%arg0: i32) -> (i32, i32, i32) {
    %add3A = arith.constant 0 : i32
    %add3A_0 = arith.addi %add3A, %arg0 : i32
    %jit3A = arith.constant 4 : i32
    %div3A = arith.divsi %add3A_0, %jit3A : i32
    %sign3A = arith.constant 0 : i32
    %sign3A_1 = arith.cmpi sgt, %add3A_0, %sign3A : i32
    %sign3A_2 = arith.extui %sign3A_1 : i1 to i32
    %sign3A_3 = arith.constant 0 : i32
    %sign3A_4 = arith.cmpi slt, %add3A_0, %sign3A_3 : i32
    %sign3A_5 = arith.extui %sign3A_4 : i1 to i32
    %sign3A_6 = arith.subi %sign3A_2, %sign3A_5 : i32
    %sign3A_7 = arith.constant 0 : i32
    %sign3A_8 = arith.cmpi sgt, %jit3A, %sign3A_7 : i32
    %sign3A_9 = arith.extui %sign3A_8 : i1 to i32
    %sign3A_10 = arith.constant 0 : i32
    %sign3A_11 = arith.cmpi slt, %jit3A, %sign3A_10 : i32
    %sign3A_12 = arith.extui %sign3A_11 : i1 to i32
    %sign3A_13 = arith.subi %sign3A_9, %sign3A_12 : i32
    %ne3A = arith.cmpi ne, %sign3A_6, %sign3A_13 : i32
    %rem3A = arith.remsi %add3A_0, %jit3A : i32
    %ne3A_14 = arith.constant 0 : i32
    %ne3A_15 = arith.cmpi ne, %rem3A, %ne3A_14 : i32
    %and3A = arith.andi %ne3A, %ne3A_15 : i1
    %sub3A = arith.constant 1 : i32
    %sub3A_16 = arith.subi %div3A, %sub3A : i32
    %select_n3A = arith.select %and3A, %sub3A_16, %div3A : i32
    %c0_i32 = arith.constant 0 : i32
    %c0_i32_17 = arith.constant 0 : i32
    %c0_i32_18 = arith.constant 0 : i32
    return %select_n3A, %c0_i32, %c0_i32_17 : i32, i32, i32
  }
  func.func @transform_2(%arg0: i32) -> (i32, i32) {
    %c0_i32 = arith.constant 0 : i32
    %c0_i32_0 = arith.constant 0 : i32
    return %arg0, %c0_i32 : i32, i32
  }
}

</mosaic_0001>

<sc_bundles>
// kernel: kernel.12.cloned.1.call-start
scs
__scs_entry_jumppad:
0x0: {  	(pc) =	sbr.rel $0x88, $3  }
0x1: {  	(tag) =	ssettag $0x0;
	lr =	simm.s32 $0x1  }
0x2: {  	[smem:$0x3F9E] =	sst lr;
	_ =	strace $0xD0000000  }
0x3: {  	_ = 	snop  }
0x4: {  	_ = 	snop  }
0x5: {  	_ = 	snop  }
0x6: {  	_ = 	snop  }
0x7: {  	_ = 	snop  }
__scs_overlays_trampoline_lowered:
0x8: {  	[smem:$0x3FAD] =	sst s0  }
0x9: {  	[smem:$0x3FAE] =	sst s1  }
0xa: {  	[smem:$0x3FAF] =	sst s2  }
0xb: {  	[smem:$0x3FB0] =	sst s3  }
0xc: {  	[smem:$0x3FB1] =	sst s4  }
0xd: {  	[smem:$0x3FB2] =	sst s5  }
0xe: {  	[smem:$0x3FB3] =	sst s6  }
0xf: {  	[smem:$0x3FB4] =	sst s7  }
0x10: {  	[smem:$0x3FB5] =	sst s8  }
0x11: {  	[smem:$0x3FB6] =	sst s9;
	s0 =	simm.s32 @!p0 $0x0  }
0x12: {  	s1 =	sld [smem:$0x3F9C];
	s0 =	simm.s32 @p0 $0x1  }
0x13: {  	[smem:$0x3FB7] =	sst s0;
	s0 =	simm.s32 @!p1 $0x0  }
0x14: {  	s2 =	sld [smem:$0x3F9B];
	s0 =	simm.s32 @p1 $0x1  }
0x15: {  	[smem:$0x3FB8] =	sst s0;
	s0 =	simm.s32 @!p2 $0x0  }
0x16: {  	s3 =	sld [smem:$0x3FDB];
	s0 =	simm.s32 @p2 $0x1  }
0x17: {  	s4 =	simm.s32 $0x1BF5;
	[smem:$0x3FBA] =	sst s0  }
0x18: {  	s0 =	sld [smem:$0x3F9D];
	_ =	swait.ge [sflag:s4], $0x0  }
0x19: {  	s7 =	sld [smem:$0x3F9E]  }
0x1a: {  	s8 =	sadd.s32 $0xFFFFE003, lr  }
0x1b: {  	s9 =	sadd.s32 $0xFFFFFEF7, lr;
	s5 =	simm.s32 $0xFFFFFFFF;
	p2 =	slt.u32 s8, $0xFFFFF086  }
0x1c: {  	p1 =	slt.u32 s9, $0xF7A;
	s5 =	simm.s32 @!p2 $0x0  }
0x1d: {  	s5 =	simm.s32 @p1 $0x1;
	p0 =	seq.s32 s7, s2  }
0x1e: {  	s7 =	smul.u32 @!p0 $0xF7A, s2;
	p2 =	seq.s32 @!p0 s5, $0x0  }
0x1f: {  	s9 =	smul.u32 $0xF7A, s1;
	s8 =	simm.s32 @!p0 $0x1BF5;
	p2 =	por !p2, p0  }
0x20: {  	[sflag:s8] =	ssyncset.s32 @!p0 $0xFFFFF086;
	s6 =	sadd.s32 @!p0 s3, s7;
	s7 =	simm.s32 @!p0 $0x108  }
0x21: {  	s3 =	sadd.s32 s3, s9;
	s6 =	sadd.s32 @!p0 $0x88, s6;
	s7 =	simm.s32 @p2 $0x1082  }
0x22: {  	[simem:s7], [sflag:s8] =	dma.local @!p0 [hbm:s6], $0xF7A  }
0x23: {  	s9 =	sor.u32 $0xD0000000, s2;
	s6 =	simm.s32 $0x108;
	_ =	swait.ge @!p0 [sflag:s8], $0x0  }
0x24: {  	s3 =	sadd.s32 $0x88, s3;
	s6 =	simm.s32 @!p1 $0x1082;
	[sflag:s4] =	ssyncset.s32 $0xFFFFF086  }
0x25: {  	[simem:s6], [sflag:s4] =	dma.local [hbm:s3], $0xF7A  }
0x26: {  	[smem:$0x3F9E] =	sst s1;
	(tag) =	ssettag s2;
	_ =	strace s9  }
0x27: {  	s1 =	sld [smem:$0x3FAE]  }
0x28: {  	s2 =	sld [smem:$0x3FAF]  }
0x29: {  	s4 =	sld [smem:$0x3FB1]  }
0x2a: {  	p0 =	seq.s32 s5, $0x0;
	s5 =	sld [smem:$0x3FB2]  }
0x2b: {  	s6 =	sld [smem:$0x3FB3]  }
0x2c: {  	s7 =	sld [smem:$0x3FB4]  }
0x2d: {  	s3 =	simm.s32 $0x108;
	s8 =	sld [smem:$0x3FB5]  }
0x2e: {  	s3 =	simm.s32 @!p0 $0x1082;
	s9 =	sld [smem:$0x3FB6]  }
0x2f: {  	lr =	sadd.s32 s0, s3;
	s0 =	sld [smem:$0x3FAD]  }
0x30: {  	s3 =	sld [smem:$0x3FB0]  }
0x31: {  	[smem:$0x3FB9] =	sst s10  }
0x32: {  	s10 =	sld [smem:$0x3FB7];
	_ =	sdelay $0x3  }
0x33: {  	p0 =	seq.s32 s10, $0x1;
	s10 =	sld [smem:$0x3FB9];
	_ =	sdelay $0x3  }
0x34: {  	[smem:$0x3FB9] =	sst s10  }
0x35: {  	s10 =	sld [smem:$0x3FB8];
	_ =	sdelay $0x3  }
0x36: {  	p1 =	seq.s32 s10, $0x1;
	s10 =	sld [smem:$0x3FB9];
	_ =	sdelay $0x3  }
0x37: {  	[smem:$0x3FB9] =	sst s10  }
0x38: {  	s10 =	sld [smem:$0x3FBA]  }
0x39: {  	_ = 	snop;
	(pc) =	sbr.ind lr, $3  }
0x3a: {  	_ = 	snop  }
0x3b: {  	_ = 	snop  }
0x3c: {  	p2 =	seq.s32 s10, $0x1;
	s10 =	sld [smem:$0x3FB9]  }
0x3d: {  	_ =	shalt  }
0x3e: {  	_ =	shalt  }
0x3f: {  	_ =	shalt  }
0x40: {  	_ =	shalt  }
0x41: {  	_ =	shalt  }
0x42: {  	_ =	shalt  }
0x43: {  	_ =	shalt  }
0x44: {  	_ =	shalt  }
0x45: {  	_ =	shalt  }
0x46: {  	_ =	shalt  }
0x47: {  	_ =	shalt  }
0x48: {  	_ =	shalt  }
0x49: {  	_ =	shalt  }
0x4a: {  	_ =	shalt  }
0x4b: {  	_ =	shalt  }
0x4c: {  	_ =	shalt  }
0x4d: {  	_ =	shalt  }
0x4e: {  	_ =	shalt  }
0x4f: {  	_ =	shalt  }
0x50: {  	_ =	shalt  }
0x51: {  	_ =	shalt  }
0x52: {  	_ =	shalt  }
0x53: {  	_ =	shalt  }
0x54: {  	_ =	shalt  }
0x55: {  	_ =	shalt  }
0x56: {  	_ =	shalt  }
0x57: {  	_ =	shalt  }
0x58: {  	_ =	shalt  }
0x59: {  	_ =	shalt  }
0x5a: {  	_ =	shalt  }
0x5b: {  	_ =	shalt  }
0x5c: {  	_ =	shalt  }
0x5d: {  	_ =	shalt  }
0x5e: {  	_ =	shalt  }
0x5f: {  	_ =	shalt  }
0x60: {  	_ =	shalt  }
0x61: {  	_ =	shalt  }
0x62: {  	_ =	shalt  }
0x63: {  	_ =	shalt  }
0x64: {  	_ =	shalt  }
0x65: {  	_ =	shalt  }
0x66: {  	_ =	shalt  }
0x67: {  	_ =	shalt  }
0x68: {  	_ =	shalt  }
0x69: {  	_ =	shalt  }
0x6a: {  	_ =	shalt  }
0x6b: {  	_ =	shalt  }
0x6c: {  	_ =	shalt  }
0x6d: {  	_ =	shalt  }
0x6e: {  	_ =	shalt  }
0x6f: {  	_ =	shalt  }
0x70: {  	_ =	shalt  }
0x71: {  	_ =	shalt  }
0x72: {  	_ =	shalt  }
0x73: {  	_ =	shalt  }
0x74: {  	_ =	shalt  }
0x75: {  	_ =	shalt  }
0x76: {  	_ =	shalt  }
0x77: {  	_ =	shalt  }
0x78: {  	_ =	shalt  }
0x79: {  	_ =	shalt  }
0x7a: {  	_ =	shalt  }
0x7b: {  	_ =	shalt  }
0x7c: {  	_ =	shalt  }
0x7d: {  	_ =	shalt  }
0x7e: {  	_ =	shalt  }
0x7f: {  	_ =	shalt  }
0x80: {  	_ =	shalt  }
0x81: {  	_ =	shalt  }
0x82: {  	_ =	shalt  }
0x83: {  	_ =	shalt  }
0x84: {  	_ =	shalt  }
0x85: {  	_ =	shalt  }
0x86: {  	_ =	shalt  }
0x87: {  	_ =	shalt  }
.Lfunc_end0:
.L_simem_size_0:
called_computation_lowered:
.L_overlay_start_0:
0x88: {  	s2 =	sld [smem:$0x3FD9]  }
0x89: {  	s3 =	sld [smem:$0x3FFE];
	_ =	sdelay $0x1  }
0x8a: {  	s1 =	srdreg.scid  }
0x8b: {  	s0 =	sand.u32 $0x1, s1  }
0x8c: {  	s17 =	sshll.u32 s0, $0xA;
	s2 =	sadd.s32 s3, s2  }
0x8d: {  	s2 =	sadd.s32 s2, s17  }
0x8e: {  	[smem:$0x3FC5] =	sst s2  }
0x8f: {  	_ = 	snop  }
0x90: {  	s18 =	sld [smem:$0x3FC9];
	(tm) =	ssettm $0x1  }
0x91: {  	s19 =	sld [smem:$0x3FFB];
	_ =	sdelay $0x3  }
0x92: {  	_ =	strace s19  }
0x93: {  	s2 =	sld [smem:$0x3FFC];
	_ =	sdelay $0x3  }
0x94: {  	_ =	strace s2  }
0x95: {  	s2 =	sld [smem:$0x3FFD];
	_ =	sdelay $0x3  }
0x96: {  	_ =	strace s2  }
0x97: {  	_ =	strace $0x8FFFFFFF  }
0x98: {  	s20 =	sld [smem:$0x3FDB];
	_ =	sdelay $0x1  }
0x99: {  	s4 =	simm.s32 $_scs_section_size  }
0x9a: {  	s5 =	simm.s32 $_size__tile_overlayer_lowered;
	s6 =	simm.s32 $_tile_overlayer_lowered  }
0x9b: {  	s7 =	simm.s32 $0x1BFF;
	s21 =	sshll.u32 s6, $0x1;
	s4 =	sadd.s32 s4, s20  }
0x9c: {  	s22 =	simm.s32 $0x0;
	s5 =	sshll.u32 s5, $0x1;
	s6 =	sadd.s32 s21, s4  }
0x9d: {  	[timem:s22], [sflag:s7] =	dma.local [hbm:s6], s5  }
0x9e: {  	_ =	swait.ge [sflag:s7], s5  }
0x9f: {  	s5 =	ssub.s32 $0x0, s5;
	[sflag:s7] =	ssyncset.done $0x0  }
0xa0: {  	[sflag:s7] =	ssyncadd.s32 s5;
	_ =	sdelay $0x1  }
0xa1: {  	s23 =	simm.s32 $0x1B8B  }
0xa2: {  	_ =	swait.ge [sflag:s23], $0x1  }
0xa3: {  	[sflag:s23] =	ssyncset.done $0x0  }
0xa4: {  	[sflag:s23] =	ssyncadd.s32 $0xFFFFFFFF  }
0xa5: {  	s5 =	sld [smem:$0x0]  }
0xa6: {  	s6 =	sand.u32 $0xFFFFFFFE, s1  }
0xa7: {  	p0 =	sne.s32 s1, s6  }
0xa8: {  	s6 =	sshll.u32 @p0 s6, $0xE  }
0xa9: {  	s6 =	sadd.s32 @p0 $0x11B8D, s6;
	s7 =	sshll.u32 @p0 s5, $0x11  }
0xaa: {  	s6 =	sor.u32 @p0 s7, s6  }
0xab: {  	[sflag:s6] =	ssyncadd.remote.s32 @p0 $0x1;
	_ =	sdelay $0x1  }
0xac: {  	s6 =	simm.s32 @p0 $0x1B8D  }
0xad: {  	_ =	swait.eq @p0 [sflag:s6], $0x1  }
0xae: {  	[sflag:s6] =	ssyncadd.s32 @p0 $0xFFFFFFFF  }
0xaf: {  	s7 =	sshll.u32 @!p0 s1, $0xE  }
0xb0: {  	s7 =	sor.u32 @!p0 $0x4000, s7;
	s6 =	simm.s32 @!p0 $0x1B8D  }
0xb1: {  	s5 =	sshll.u32 @!p0 s5, $0x11;
	s7 =	sadd.s32 @!p0 $0x11B8D, s7;
	_ =	swait.eq @!p0 [sflag:s6], $0x1  }
0xb2: {  	s5 =	sor.u32 @!p0 s5, s7;
	[sflag:s6] =	ssyncadd.s32 @!p0 $0xFFFFFFFF  }
0xb3: {  	s25 =	simm.s32 $0x1B8E;
	s24 =	sld [smem:$0x3FFE];
	[sflag:s5] =	ssyncadd.remote.s32 @!p0 $0x1  }
0xb4: {  	s26 =	simm.s32 $execute0_lowered;
	[smem:$0x3FD2] =	sst s25  }
0xb5: {  	s6 =	sshll.u32 s26, $0x1;
	_ =	strace $0x8000004F;
	[dreg:$0x1] =	wrdreg $0xFFFFFFFF  }
0xb6: {  	s28 =	simm.s32 $_size_execute0_lowered;
	s4 =	sadd.s32 s4, s6;
	[dreg:$0x0] =	wrdreg $0x0  }
0xb7: {  	s6 =	sshll.u32 s28, $0x1;
	[dreg:$0x2] =	wrdreg s4  }
0xb8: {  	[dreg:$0x3] =	wrdreg s6  }
0xb9: {  	[dreg:$0x4] =	wrdreg $0xC0  }
0xba: {  	_ =	task [dreg:s22], $0x5FFFF  }
0xbb: {  	[dreg:$0x1] =	wrdreg $0xFFFFFFFF  }
0xbc: {  	[dreg:$0x0] =	wrdreg $0x60  }
0xbd: {  	[dreg:$0x2] =	wrdreg s18  }
0xbe: {  	[dreg:$0x3] =	wrdreg s24  }
0xbf: {  	[dreg:$0x4] =	wrdreg $0x9  }
0xc0: {  	_ =	task.clear_ibuf [dreg:s22], $0x5FFFF;
	_ =	strace $0x9000004F  }
0xc1: {  	s29 =	simm.s32 $0x9;
	_ =	strace $0x80000051  }
0xc2: {  	_ =	swait.ge [sflag:s29], $0x1  }
0xc3: {  	[sflag:s29] =	ssyncadd.s32 $0xFFFFFFFF  }
0xc4: {  	_ =	strace $0x90000051  }
0xc5: {  	_ =	sfence  }
0xc6: {  	s30 =	sld [smem:$0x0];
	_ =	sdelay $0x2  }
0xc7: {  	s31 =	sshll.u32 s1, $0xD;
	s1 =	sshrl.u32 s1, $0x2  }
0xc8: {  	s4 =	sand.u32 $0x4000, s31;
	s1 =	sadd.s32 s1, s30  }
0xc9: {  	s0 =	sor.u32 s4, s0;
	s1 =	sshll.u32 s1, $0x11  }
0xca: {  	s0 =	sor.u32 s1, s0  }
0xcb: {  	s0 =	sadd.s32 $0x8F2B, s0  }
0xcc: {  	[sflag:s0] =	ssyncadd.remote.s32 $0x1  }
0xcd: {  	_ =	sfence.sel $0xFFFF  }
0xce: {  	[dreg:$0x0] =	wrdreg $0xFFFFFFFF;
	(pc) =	sbr.abs _section_cstart, $3  }
0xcf: {  	[dreg:$0x1] =	wrdreg $0xFFFFFFFF  }
0xd0: {  	_ =	task.clear_ibuf [dreg:s22], $0x2FFFF;
	_ =	strace $0x9FFFFFFF  }
0xd1: {  	(tm) =	ssettm $0x7FFFFFFF  }
tec
execute0_lowered:
.L_overlay_start_1:
0x0: {  	(tag) =	ssettag $0x1  }
0x1: {  	s1 =	srdreg.scid;
	s2 =	rddreg [dreg:$0x0]  }
0x2: {  	s0 =	stileid.u32;
	s4 =	rddreg [dreg:$0x1];
	s3 =	simm.s32 $0x0  }
0x3: {  	s15 =	simm.s32 $0x1;
	s16 =	simm.s32 $0x2;
	s17 =	simm.s32 $0x3  }
0x4: {  	s18 =	simm.s32 $0x4;
	s19 =	simm.s32 $0x680;
	s11 =	smul.u32 $0xD800, s0  }
0x5: {  	s20 =	simm.s32 $0x0;
	s8 =	sand.u32 $0x1, s1;
	s13 =	smul.u32 $0x6C000, s0  }
0x6: {  	s24 =	sshll.u32 s0, $0x1;
	s1 =	rddreg [dreg:$0x2];
	s14 =	smul.u32 $0x36000, s8  }
0x7: {  	[smem:$0x7FF] =	sst s3;
	s5 =	sor.u32 s8, s24;
	s28 =	smul.u32 $0x6C00, s8  }
0x8: {  	s10 =	sadd.s32 $0x295A00, s4;
	s25 =	ssub.s32 $0x2, s8;
	s6 =	smul.u32 $0xD8, s5  }
0x9: {  	_ =	strace $0x80000050;
	s7 =	smul.u32 $0x36000, s5;
	s26 =	sshrl.u32 s25, $0x1  }
0xa: {  	s9 =	smul.u32 $0x6C00, s5;
	s30 =	sadd.s32 s11, s10;
	s12 =	ssub.s32 s25, s26  }
0xb: {  	s31 =	sadd.s32 s14, s13;
	s13 =	simm.s32 $0x700;
	s14 =	simm.s32 $0x2700  }
0xc: {  	s6 =	sadd.s32 s6, s4;
	s7 =	sshrl.u32 s7, $0x3;
	s29 =	sadd.s32 s9, s10  }
0xd: {  	s9 =	sadd.s32 s28, s30;
	s11 =	sshrl.u32 s31, $0x3;
	s7 =	sadd.s32 s10, s7  }
0xe: {  	s4 =	sadd.s32 $0xBE00, s6;
	s6 =	smax.u32 s12, $0x1;
	s8 =	sadd.s32 $0x6400, s29  }
0xf: {  	s9 =	sadd.s32 $0x400, s9;
	s10 =	sadd.s32 s11, s10;
	s11 =	simm.s32 $0x5  }
0x10: {  	s12 =	simm.s32 $0x40;
	s5 =	sadd.s32 $0x6800, s7;
	s7 =	sadd.s32 $0x6000, s7  }
.LBB2_1:
0x11: {  	[tilespmem:s3], [sflag:$0x5] =	stream.linear.gather [hbm4b:s4+s3], $0x6C0, $0x38;
	[tilespmem:$0x4700] =	vst v63  }
0x12: {  	_ =	swait.ge [sflag:s11], $0x6C0  }
0x13: {  	[sflag:s11] =	ssyncset.done $0x0  }
0x14: {  	[sflag:s11] =	ssyncadd.s32 $0xFFFFF940  }
0x15: {  	[tilespmem:s13], [sflag:$0x1] =	stream.indirect.gather [hbm4b:s2+s12], $0x80, s3, s12, $0xb8;
	[tilespmem:$0x4700] =	vst v63  }
0x16: {  	_ = 	snop  }
0x17: {  	[tilespmem:s14], [sflag:$0x2] =	stream.indirect.gather [hbm4b:s2+s12], $0x80, s12, s12, $0xb8;
	[tilespmem:$0x4700] =	vst v63  }
0x18: {  	_ =	swait.ge [sflag:s15], $0x2000  }
0x19: {  	[sflag:s15] =	ssyncset.done $0x0  }
0x1a: {  	s21 =	sadd.s32 $0x0, s10;
	[sflag:s15] =	ssyncadd.s32 $0xFFFFE000  }
0x1b: {  	[hbm4b:s21+s3] =	stream.linear.scatter [tilespmem:s13], [sflag:$0x3], $0x2000, $0x38;
	[tilespmem:$0x4700] =	vst v63  }
0x1c: {  	_ =	swait.ge [sflag:s16], $0x2000  }
0x1d: {  	[sflag:s16] =	ssyncset.done $0x0  }
0x1e: {  	s30 =	sadd.s32 $0x0, s9;
	[sflag:s16] =	ssyncadd.s32 $0xFFFFE000  }
0x1f: {  	[hbm4b:s30+s3] =	stream.linear.scatter [tilespmem:s14], [sflag:$0x4], $0x2000, $0x38;
	[tilespmem:$0x4700] =	vst v63  }
0x20: {  	_ =	swait.ge [sflag:s17], $0x2000  }
0x21: {  	[sflag:s17] =	ssyncset.done $0x0  }
0x22: {  	s31 =	simm.s32 $0x80;
	[sflag:s17] =	ssyncadd.s32 $0xFFFFE000  }
0x23: {  	[tilespmem:s13], [sflag:$0x1] =	stream.indirect.gather [hbm4b:s2+s12], $0x80, s31, s12, $0xb8;
	[tilespmem:$0x4700] =	vst v63  }
0x24: {  	_ =	swait.ge [sflag:s18], $0x2000  }
0x25: {  	s22 =	simm.s32 $0x800;
	[sflag:s18] =	ssyncset.done $0x0  }
0x26: {  	s23 =	simm.s32 $0x140;
	s21 =	simm.s32 $0xC0;
	[sflag:s18] =	ssyncadd.s32 $0xFFFFE000  }
.LBB2_2:
0x27: {  	[tilespmem:s14], [sflag:$0x2] =	stream.indirect.gather [hbm4b:s2+s12], $0x80, s21, s12, $0xb8;
	[tilespmem:$0x4700] =	vst v63  }
0x28: {  	s24 =	smov.u32 s22;
	s21 =	smov.u32 s23  }
0x29: {  	p0 =	sne.s32 s22, $0x5800;
	s22 =	sadd.s32 $0x800, s22;
	_ =	swait.ge [sflag:s15], $0x2000  }
0x2a: {  	[sflag:s15] =	ssyncset.done $0x0  }
0x2b: {  	s25 =	sadd.s32 s24, s10;
	[sflag:s15] =	ssyncadd.s32 $0xFFFFE000  }
0x2c: {  	[hbm4b:s25+s3] =	stream.linear.scatter [tilespmem:s13], [sflag:$0x3], $0x2000, $0x38;
	[tilespmem:$0x4700] =	vst v63  }
0x2d: {  	_ =	swait.ge [sflag:s16], $0x2000  }
0x2e: {  	[sflag:s16] =	ssyncset.done $0x0  }
0x2f: {  	s24 =	sadd.s32 s24, s9;
	[sflag:s16] =	ssyncadd.s32 $0xFFFFE000  }
0x30: {  	[hbm4b:s24+s3] =	stream.linear.scatter [tilespmem:s14], [sflag:$0x4], $0x2000, $0x38;
	[tilespmem:$0x4700] =	vst v63  }
0x31: {  	_ =	swait.ge [sflag:s17], $0x2000  }
0x32: {  	[sflag:s17] =	ssyncset.done $0x0  }
.Ltmp0:
0x33: {  	s24 =	sadd.s32 $0xFFFFFFC0, s23;
	[sflag:s17] =	ssyncadd.s32 $0xFFFFE000;
	(pc) =	sbr.rel @p0 .LBB2_2-.Ltmp0, $4  }
0x34: {  	[tilespmem:s13], [sflag:$0x1] =	stream.indirect.gather [hbm4b:s2+s12], $0x80, s24, s12, $0xb8;
	[tilespmem:$0x4700] =	vst v63  }
0x35: {  	_ =	swait.ge [sflag:s18], $0x2000  }
0x36: {  	[sflag:s18] =	ssyncset.done $0x0  }
0x37: {  	s23 =	sadd.s32 $0x80, s23;
	[sflag:s18] =	ssyncadd.s32 $0xFFFFE000  }
0x38: {  	[tilespmem:s14], [sflag:$0x2] =	stream.indirect.gather [hbm4b:s2+s12], $0x80, s21, s12, $0xb8;
	[tilespmem:$0x4700] =	vst v63  }
0x39: {  	_ =	swait.ge [sflag:s15], $0x2000  }
0x3a: {  	[sflag:s15] =	ssyncset.done $0x0  }
0x3b: {  	[sflag:s15] =	ssyncadd.s32 $0xFFFFE000  }
0x3c: {  	[hbm4b:s7+s3] =	stream.linear.scatter [tilespmem:s13], [sflag:$0x3], $0x2000, $0x38;
	[tilespmem:$0x4700] =	vst v63  }
0x3d: {  	_ =	swait.ge [sflag:s16], $0x2000  }
0x3e: {  	[sflag:s16] =	ssyncset.done $0x0  }
0x3f: {  	[sflag:s16] =	ssyncadd.s32 $0xFFFFE000  }
0x40: {  	[hbm4b:s8+s3] =	stream.linear.scatter [tilespmem:s14], [sflag:$0x4], $0x2000, $0x38;
	[tilespmem:$0x4700] =	vst v63  }
0x41: {  	_ =	swait.ge [sflag:s17], $0x2000  }
0x42: {  	[sflag:s17] =	ssyncset.done $0x0  }
0x43: {  	[sflag:s17] =	ssyncadd.s32 $0xFFFFE000  }
0x44: {  	_ =	swait.ge [sflag:s18], $0x2000  }
0x45: {  	[sflag:s18] =	ssyncset.done $0x0  }
0x46: {  	[sflag:s18] =	ssyncadd.s32 $0xFFFFE000  }
0x47: {  	[tilespmem:s13], [sflag:$0x1] =	stream.indirect.gather [hbm4b:s2+s12], $0x80, s19, s12, $0xb8;
	[tilespmem:$0x4700] =	vst v63  }
0x48: {  	s20 =	sadd.s32 $0x1, s20;
	_ =	swait.ge [sflag:s15], $0x2000  }
0x49: {  	p0 =	sne.s32 s20, s6;
	[sflag:s15] =	ssyncset.done $0x0  }
.Ltmp1:
0x4a: {  	[sflag:s15] =	ssyncadd.s32 $0xFFFFE000;
	(pc) =	sbr.rel @p0 .LBB2_1-.Ltmp1, $4  }
0x4b: {  	[hbm4b:s5+s3] =	stream.linear.scatter [tilespmem:s13], [sflag:$0x3], $0x2000, $0x38;
	[tilespmem:$0x4700] =	vst v63  }
0x4c: {  	_ =	swait.ge [sflag:s17], $0x2000  }
0x4d: {  	[sflag:s17] =	ssyncset.done $0x0  }
0x4e: {  	[sflag:s17] =	ssyncadd.s32 $0xFFFFE000  }
0x4f: {  	_ =	sfence.sel $0x180000  }
0x50: {  	[bflag:$0x0] =	sbarrier.arrive $0xFFFF  }
0x51: {  	p0 =	sne.s32 s0, $0x0;
	_ =	strace $0x90000050  }
0x52: {  	s0 =	sadd.s32 @!p0 $0x100000, s1;
	[bflag:$0x2] =	sbarrier.arrive $0xFFFF  }
0x53: {  	[sflag:s0] =	ssyncadd.tile.s32 @!p0 $0x1;
	_ =	shalt  }
.Lfunc_end2:
_tile_overlayer_lowered:
.L_overlay_start_2:
0x54: {  	(tag) =	ssettag $0x2  }
0x55: {  	s0 =	rddreg [dreg:$0x0];
	s2 =	stileid.u32  }
0x56: {  	s1 =	rddreg [dreg:$0x1];
	p0 =	sne.s32 s2, $0x0  }
0x57: {  	s3 =	rddreg [dreg:$0x2];
	[bflag:$0x3] =	sbarrier.arrive $0xFFFF;
	s2 =	simm.s32 @!p0 $0x1C05  }
0x58: {  	[timem:s3], [sflag:s2] =	dma.local @!p0 [hbm:s0], s1  }
0x59: {  	s0 =	simm.s32 @!p0 $0x5  }
0x5a: {  	_ =	swait.ge @!p0 [sflag:s0], s1  }
0x5b: {  	s1 =	ssub.s32 @!p0 $0x0, s1;
	[sflag:s0] =	ssyncset.done @!p0 $0x0  }
0x5c: {  	[sflag:s0] =	ssyncadd.s32 @!p0 s1  }
0x5d: {  	[bflag:$0x3] =	sbarrier.arrive $0xFFFF  }
0x5e: {  	_ =	shalt  }

// kernel: kernel.15.cloned.1.call-start
scs
__scs_entry_jumppad:
0x0: {  	(pc) =	sbr.rel $0x88, $3  }
0x1: {  	(tag) =	ssettag $0x0;
	lr =	simm.s32 $0x1  }
0x2: {  	[smem:$0x3F9E] =	sst lr;
	_ =	strace $0xD0000000  }
0x3: {  	_ = 	snop  }
0x4: {  	_ = 	snop  }
0x5: {  	_ = 	snop  }
0x6: {  	_ = 	snop  }
0x7: {  	_ = 	snop  }
__scs_overlays_trampoline_lowered:
0x8: {  	[smem:$0x3FAD] =	sst s0  }
0x9: {  	[smem:$0x3FAE] =	sst s1  }
0xa: {  	[smem:$0x3FAF] =	sst s2  }
0xb: {  	[smem:$0x3FB0] =	sst s3  }
0xc: {  	[smem:$0x3FB1] =	sst s4  }
0xd: {  	[smem:$0x3FB2] =	sst s5  }
0xe: {  	[smem:$0x3FB3] =	sst s6  }
0xf: {  	[smem:$0x3FB4] =	sst s7  }
0x10: {  	[smem:$0x3FB5] =	sst s8  }
0x11: {  	[smem:$0x3FB6] =	sst s9;
	s0 =	simm.s32 @!p0 $0x0  }
0x12: {  	s1 =	sld [smem:$0x3F9C];
	s0 =	simm.s32 @p0 $0x1  }
0x13: {  	[smem:$0x3FB7] =	sst s0;
	s0 =	simm.s32 @!p1 $0x0  }
0x14: {  	s2 =	sld [smem:$0x3F9B];
	s0 =	simm.s32 @p1 $0x1  }
0x15: {  	[smem:$0x3FB8] =	sst s0;
	s0 =	simm.s32 @!p2 $0x0  }
0x16: {  	s3 =	sld [smem:$0x3FDB];
	s0 =	simm.s32 @p2 $0x1  }
0x17: {  	s4 =	simm.s32 $0x1BF5;
	[smem:$0x3FBA] =	sst s0  }
0x18: {  	s0 =	sld [smem:$0x3F9D];
	_ =	swait.ge [sflag:s4], $0x0  }
0x19: {  	s7 =	sld [smem:$0x3F9E]  }
0x1a: {  	s8 =	sadd.s32 $0xFFFFE003, lr  }
0x1b: {  	s9 =	sadd.s32 $0xFFFFFEF7, lr;
	s5 =	simm.s32 $0xFFFFFFFF;
	p2 =	slt.u32 s8, $0xFFFFF086  }
0x1c: {  	p1 =	slt.u32 s9, $0xF7A;
	s5 =	simm.s32 @!p2 $0x0  }
0x1d: {  	s5 =	simm.s32 @p1 $0x1;
	p0 =	seq.s32 s7, s2  }
0x1e: {  	s7 =	smul.u32 @!p0 $0xF7A, s2;
	p2 =	seq.s32 @!p0 s5, $0x0  }
0x1f: {  	s9 =	smul.u32 $0xF7A, s1;
	s8 =	simm.s32 @!p0 $0x1BF5;
	p2 =	por !p2, p0  }
0x20: {  	[sflag:s8] =	ssyncset.s32 @!p0 $0xFFFFF086;
	s6 =	sadd.s32 @!p0 s3, s7;
	s7 =	simm.s32 @!p0 $0x108  }
0x21: {  	s3 =	sadd.s32 s3, s9;
	s6 =	sadd.s32 @!p0 $0x88, s6;
	s7 =	simm.s32 @p2 $0x1082  }
0x22: {  	[simem:s7], [sflag:s8] =	dma.local @!p0 [hbm:s6], $0xF7A  }
0x23: {  	s9 =	sor.u32 $0xD0000000, s2;
	s6 =	simm.s32 $0x108;
	_ =	swait.ge @!p0 [sflag:s8], $0x0  }
0x24: {  	s3 =	sadd.s32 $0x88, s3;
	s6 =	simm.s32 @!p1 $0x1082;
	[sflag:s4] =	ssyncset.s32 $0xFFFFF086  }
0x25: {  	[simem:s6], [sflag:s4] =	dma.local [hbm:s3], $0xF7A  }
0x26: {  	[smem:$0x3F9E] =	sst s1;
	(tag) =	ssettag s2;
	_ =	strace s9  }
0x27: {  	s1 =	sld [smem:$0x3FAE]  }
0x28: {  	s2 =	sld [smem:$0x3FAF]  }
0x29: {  	s4 =	sld [smem:$0x3FB1]  }
0x2a: {  	p0 =	seq.s32 s5, $0x0;
	s5 =	sld [smem:$0x3FB2]  }
0x2b: {  	s6 =	sld [smem:$0x3FB3]  }
0x2c: {  	s7 =	sld [smem:$0x3FB4]  }
0x2d: {  	s3 =	simm.s32 $0x108;
	s8 =	sld [smem:$0x3FB5]  }
0x2e: {  	s3 =	simm.s32 @!p0 $0x1082;
	s9 =	sld [smem:$0x3FB6]  }
0x2f: {  	lr =	sadd.s32 s0, s3;
	s0 =	sld [smem:$0x3FAD]  }
0x30: {  	s3 =	sld [smem:$0x3FB0]  }
0x31: {  	[smem:$0x3FB9] =	sst s10  }
0x32: {  	s10 =	sld [smem:$0x3FB7];
	_ =	sdelay $0x3  }
0x33: {  	p0 =	seq.s32 s10, $0x1;
	s10 =	sld [smem:$0x3FB9];
	_ =	sdelay $0x3  }
0x34: {  	[smem:$0x3FB9] =	sst s10  }
0x35: {  	s10 =	sld [smem:$0x3FB8];
	_ =	sdelay $0x3  }
0x36: {  	p1 =	seq.s32 s10, $0x1;
	s10 =	sld [smem:$0x3FB9];
	_ =	sdelay $0x3  }
0x37: {  	[smem:$0x3FB9] =	sst s10  }
0x38: {  	s10 =	sld [smem:$0x3FBA]  }
0x39: {  	_ = 	snop;
	(pc) =	sbr.ind lr, $3  }
0x3a: {  	_ = 	snop  }
0x3b: {  	_ = 	snop  }
0x3c: {  	p2 =	seq.s32 s10, $0x1;
	s10 =	sld [smem:$0x3FB9]  }
0x3d: {  	_ =	shalt  }
0x3e: {  	_ =	shalt  }
0x3f: {  	_ =	shalt  }
0x40: {  	_ =	shalt  }
0x41: {  	_ =	shalt  }
0x42: {  	_ =	shalt  }
0x43: {  	_ =	shalt  }
0x44: {  	_ =	shalt  }
0x45: {  	_ =	shalt  }
0x46: {  	_ =	shalt  }
0x47: {  	_ =	shalt  }
0x48: {  	_ =	shalt  }
0x49: {  	_ =	shalt  }
0x4a: {  	_ =	shalt  }
0x4b: {  	_ =	shalt  }
0x4c: {  	_ =	shalt  }
0x4d: {  	_ =	shalt  }
0x4e: {  	_ =	shalt  }
0x4f: {  	_ =	shalt  }
0x50: {  	_ =	shalt  }
0x51: {  	_ =	shalt  }
0x52: {  	_ =	shalt  }
0x53: {  	_ =	shalt  }
0x54: {  	_ =	shalt  }
0x55: {  	_ =	shalt  }
0x56: {  	_ =	shalt  }
0x57: {  	_ =	shalt  }
0x58: {  	_ =	shalt  }
0x59: {  	_ =	shalt  }
0x5a: {  	_ =	shalt  }
0x5b: {  	_ =	shalt  }
0x5c: {  	_ =	shalt  }
0x5d: {  	_ =	shalt  }
0x5e: {  	_ =	shalt  }
0x5f: {  	_ =	shalt  }
0x60: {  	_ =	shalt  }
0x61: {  	_ =	shalt  }
0x62: {  	_ =	shalt  }
0x63: {  	_ =	shalt  }
0x64: {  	_ =	shalt  }
0x65: {  	_ =	shalt  }
0x66: {  	_ =	shalt  }
0x67: {  	_ =	shalt  }
0x68: {  	_ =	shalt  }
0x69: {  	_ =	shalt  }
0x6a: {  	_ =	shalt  }
0x6b: {  	_ =	shalt  }
0x6c: {  	_ =	shalt  }
0x6d: {  	_ =	shalt  }
0x6e: {  	_ =	shalt  }
0x6f: {  	_ =	shalt  }
0x70: {  	_ =	shalt  }
0x71: {  	_ =	shalt  }
0x72: {  	_ =	shalt  }
0x73: {  	_ =	shalt  }
0x74: {  	_ =	shalt  }
0x75: {  	_ =	shalt  }
0x76: {  	_ =	shalt  }
0x77: {  	_ =	shalt  }
0x78: {  	_ =	shalt  }
0x79: {  	_ =	shalt  }
0x7a: {  	_ =	shalt  }
0x7b: {  	_ =	shalt  }
0x7c: {  	_ =	shalt  }
0x7d: {  	_ =	shalt  }
0x7e: {  	_ =	shalt  }
0x7f: {  	_ =	shalt  }
0x80: {  	_ =	shalt  }
0x81: {  	_ =	shalt  }
0x82: {  	_ =	shalt  }
0x83: {  	_ =	shalt  }
0x84: {  	_ =	shalt  }
0x85: {  	_ =	shalt  }
0x86: {  	_ =	shalt  }
0x87: {  	_ =	shalt  }
.Lfunc_end0:
.L_simem_size_0:
called_computation.1_lowered:
.L_overlay_start_0:
0x88: {  	s2 =	sld [smem:$0x3FD9]  }
0x89: {  	s3 =	sld [smem:$0x3FFE];
	_ =	sdelay $0x1  }
0x8a: {  	s1 =	srdreg.scid  }
0x8b: {  	s0 =	sand.u32 $0x1, s1  }
0x8c: {  	s17 =	sshll.u32 s0, $0xA;
	s2 =	sadd.s32 s3, s2  }
0x8d: {  	s2 =	sadd.s32 s2, s17  }
0x8e: {  	[smem:$0x3FC5] =	sst s2  }
0x8f: {  	_ = 	snop  }
0x90: {  	s18 =	sld [smem:$0x3FC9];
	(tm) =	ssettm $0x1  }
0x91: {  	s19 =	sld [smem:$0x3FFB];
	_ =	sdelay $0x3  }
0x92: {  	_ =	strace s19  }
0x93: {  	s2 =	sld [smem:$0x3FFC];
	_ =	sdelay $0x3  }
0x94: {  	_ =	strace s2  }
0x95: {  	s2 =	sld [smem:$0x3FFD];
	_ =	sdelay $0x3  }
0x96: {  	_ =	strace s2  }
0x97: {  	_ =	strace $0x8FFFFFFF  }
0x98: {  	s20 =	sld [smem:$0x3FDB];
	_ =	sdelay $0x1  }
0x99: {  	s4 =	simm.s32 $_scs_section_size  }
0x9a: {  	s5 =	simm.s32 $_size__tile_overlayer_lowered;
	s6 =	simm.s32 $_tile_overlayer_lowered  }
0x9b: {  	s7 =	simm.s32 $0x1BFF;
	s21 =	sshll.u32 s6, $0x1;
	s4 =	sadd.s32 s4, s20  }
0x9c: {  	s22 =	simm.s32 $0x0;
	s5 =	sshll.u32 s5, $0x1;
	s6 =	sadd.s32 s21, s4  }
0x9d: {  	[timem:s22], [sflag:s7] =	dma.local [hbm:s6], s5  }
0x9e: {  	_ =	swait.ge [sflag:s7], s5  }
0x9f: {  	s5 =	ssub.s32 $0x0, s5;
	[sflag:s7] =	ssyncset.done $0x0  }
0xa0: {  	[sflag:s7] =	ssyncadd.s32 s5;
	_ =	sdelay $0x1  }
0xa1: {  	s23 =	simm.s32 $0x1B8B  }
0xa2: {  	_ =	swait.ge [sflag:s23], $0x1  }
0xa3: {  	[sflag:s23] =	ssyncset.done $0x0  }
0xa4: {  	[sflag:s23] =	ssyncadd.s32 $0xFFFFFFFF  }
0xa5: {  	s5 =	sld [smem:$0x0]  }
0xa6: {  	s6 =	sand.u32 $0xFFFFFFFE, s1  }
0xa7: {  	p0 =	sne.s32 s1, s6  }
0xa8: {  	s6 =	sshll.u32 @p0 s6, $0xE  }
0xa9: {  	s6 =	sadd.s32 @p0 $0x11B8D, s6;
	s7 =	sshll.u32 @p0 s5, $0x11  }
0xaa: {  	s6 =	sor.u32 @p0 s7, s6  }
0xab: {  	[sflag:s6] =	ssyncadd.remote.s32 @p0 $0x1;
	_ =	sdelay $0x1  }
0xac: {  	s6 =	simm.s32 @p0 $0x1B8D  }
0xad: {  	_ =	swait.eq @p0 [sflag:s6], $0x1  }
0xae: {  	[sflag:s6] =	ssyncadd.s32 @p0 $0xFFFFFFFF  }
0xaf: {  	s7 =	sshll.u32 @!p0 s1, $0xE  }
0xb0: {  	s7 =	sor.u32 @!p0 $0x4000, s7;
	s6 =	simm.s32 @!p0 $0x1B8D  }
0xb1: {  	s5 =	sshll.u32 @!p0 s5, $0x11;
	s7 =	sadd.s32 @!p0 $0x11B8D, s7;
	_ =	swait.eq @!p0 [sflag:s6], $0x1  }
0xb2: {  	s5 =	sor.u32 @!p0 s5, s7;
	[sflag:s6] =	ssyncadd.s32 @!p0 $0xFFFFFFFF  }
0xb3: {  	s25 =	simm.s32 $0x1B8E;
	s24 =	sld [smem:$0x3FFE];
	[sflag:s5] =	ssyncadd.remote.s32 @!p0 $0x1  }
0xb4: {  	s26 =	simm.s32 $execute0_lowered;
	[smem:$0x3FD2] =	sst s25  }
0xb5: {  	s6 =	sshll.u32 s26, $0x1;
	_ =	strace $0x8000004C;
	[dreg:$0x1] =	wrdreg $0xFFFFFFFF  }
0xb6: {  	s28 =	simm.s32 $_size_execute0_lowered;
	s4 =	sadd.s32 s4, s6;
	[dreg:$0x0] =	wrdreg $0x0  }
0xb7: {  	s6 =	sshll.u32 s28, $0x1;
	[dreg:$0x2] =	wrdreg s4  }
0xb8: {  	[dreg:$0x3] =	wrdreg s6  }
0xb9: {  	[dreg:$0x4] =	wrdreg $0xC0  }
0xba: {  	_ =	task [dreg:s22], $0x5FFFF  }
0xbb: {  	[dreg:$0x1] =	wrdreg $0xFFFFFFFF  }
0xbc: {  	[dreg:$0x0] =	wrdreg $0x60  }
0xbd: {  	[dreg:$0x2] =	wrdreg s18  }
0xbe: {  	[dreg:$0x3] =	wrdreg s24  }
0xbf: {  	[dreg:$0x4] =	wrdreg $0xA  }
0xc0: {  	_ =	task.clear_ibuf [dreg:s22], $0x5FFFF;
	_ =	strace $0x9000004C  }
0xc1: {  	s29 =	simm.s32 $0xA;
	_ =	strace $0x8000004E  }
0xc2: {  	_ =	swait.ge [sflag:s29], $0x1  }
0xc3: {  	[sflag:s29] =	ssyncadd.s32 $0xFFFFFFFF  }
0xc4: {  	_ =	strace $0x9000004E  }
0xc5: {  	_ =	sfence  }
0xc6: {  	s30 =	sld [smem:$0x0];
	_ =	sdelay $0x2  }
0xc7: {  	s31 =	sshll.u32 s1, $0xD;
	s1 =	sshrl.u32 s1, $0x2  }
0xc8: {  	s4 =	sand.u32 $0x4000, s31;
	s1 =	sadd.s32 s1, s30  }
0xc9: {  	s0 =	sor.u32 s4, s0;
	s1 =	sshll.u32 s1, $0x11  }
0xca: {  	s0 =	sor.u32 s1, s0  }
0xcb: {  	s0 =	sadd.s32 $0x8F2B, s0  }
0xcc: {  	[sflag:s0] =	ssyncadd.remote.s32 $0x1  }
0xcd: {  	_ =	sfence.sel $0xFFFF  }
0xce: {  	[dreg:$0x0] =	wrdreg $0xFFFFFFFF;
	(pc) =	sbr.abs _section_cstart, $3  }
0xcf: {  	[dreg:$0x1] =	wrdreg $0xFFFFFFFF  }
0xd0: {  	_ =	task.clear_ibuf [dreg:s22], $0x2FFFF;
	_ =	strace $0x9FFFFFFF  }
0xd1: {  	(tm) =	ssettm $0x7FFFFFFF  }
tec
execute0_lowered:
.L_overlay_start_1:
0x0: {  	(tag) =	ssettag $0x1  }
0x1: {  	s1 =	srdreg.scid;
	s2 =	rddreg [dreg:$0x0]  }
0x2: {  	s0 =	stileid.u32;
	s4 =	rddreg [dreg:$0x1];
	s3 =	simm.s32 $0x0  }
0x3: {  	s15 =	simm.s32 $0x1;
	s16 =	simm.s32 $0x2;
	s17 =	simm.s32 $0x3  }
0x4: {  	s18 =	simm.s32 $0x4;
	s19 =	simm.s32 $0x680;
	s11 =	smul.u32 $0xD800, s0  }
0x5: {  	s20 =	simm.s32 $0x0;
	s8 =	sand.u32 $0x1, s1;
	s13 =	smul.u32 $0x6C000, s0  }
0x6: {  	s24 =	sshll.u32 s0, $0x1;
	s1 =	rddreg [dreg:$0x2];
	s14 =	smul.u32 $0x36000, s8  }
0x7: {  	[smem:$0x7FF] =	sst s3;
	s5 =	sor.u32 s8, s24;
	s28 =	smul.u32 $0x6C00, s8  }
0x8: {  	s10 =	sadd.s32 $0x1BDA00, s4;
	s25 =	ssub.s32 $0x2, s8;
	s6 =	smul.u32 $0xD8, s5  }
0x9: {  	_ =	strace $0x8000004D;
	s7 =	smul.u32 $0x36000, s5;
	s26 =	sshrl.u32 s25, $0x1  }
0xa: {  	s9 =	smul.u32 $0x6C00, s5;
	s30 =	sadd.s32 s11, s10;
	s12 =	ssub.s32 s25, s26  }
0xb: {  	s31 =	sadd.s32 s14, s13;
	s13 =	simm.s32 $0x700;
	s14 =	simm.s32 $0x2700  }
0xc: {  	s6 =	sadd.s32 s6, s4;
	s7 =	sshrl.u32 s7, $0x3;
	s29 =	sadd.s32 s9, s10  }
0xd: {  	s9 =	sadd.s32 s28, s30;
	s11 =	sshrl.u32 s31, $0x3;
	s7 =	sadd.s32 s10, s7  }
0xe: {  	s4 =	sadd.s32 $0xA200, s6;
	s6 =	smax.u32 s12, $0x1;
	s8 =	sadd.s32 $0x6400, s29  }
0xf: {  	s9 =	sadd.s32 $0x400, s9;
	s10 =	sadd.s32 s11, s10;
	s11 =	simm.s32 $0x5  }
0x10: {  	s12 =	simm.s32 $0x40;
	s5 =	sadd.s32 $0x6800, s7;
	s7 =	sadd.s32 $0x6000, s7  }
.LBB2_1:
0x11: {  	[tilespmem:s3], [sflag:$0x5] =	stream.linear.gather [hbm4b:s4+s3], $0x6C0, $0x38;
	[tilespmem:$0x4700] =	vst v63  }
0x12: {  	_ =	swait.ge [sflag:s11], $0x6C0  }
0x13: {  	[sflag:s11] =	ssyncset.done $0x0  }
0x14: {  	[sflag:s11] =	ssyncadd.s32 $0xFFFFF940  }
0x15: {  	[tilespmem:s13], [sflag:$0x1] =	stream.indirect.gather [hbm4b:s2+s12], $0x80, s3, s12, $0xb8;
	[tilespmem:$0x4700] =	vst v63  }
0x16: {  	_ = 	snop  }
0x17: {  	[tilespmem:s14], [sflag:$0x2] =	stream.indirect.gather [hbm4b:s2+s12], $0x80, s12, s12, $0xb8;
	[tilespmem:$0x4700] =	vst v63  }
0x18: {  	_ =	swait.ge [sflag:s15], $0x2000  }
0x19: {  	[sflag:s15] =	ssyncset.done $0x0  }
0x1a: {  	s21 =	sadd.s32 $0x0, s10;
	[sflag:s15] =	ssyncadd.s32 $0xFFFFE000  }
0x1b: {  	[hbm4b:s21+s3] =	stream.linear.scatter [tilespmem:s13], [sflag:$0x3], $0x2000, $0x38;
	[tilespmem:$0x4700] =	vst v63  }
0x1c: {  	_ =	swait.ge [sflag:s16], $0x2000  }
0x1d: {  	[sflag:s16] =	ssyncset.done $0x0  }
0x1e: {  	s30 =	sadd.s32 $0x0, s9;
	[sflag:s16] =	ssyncadd.s32 $0xFFFFE000  }
0x1f: {  	[hbm4b:s30+s3] =	stream.linear.scatter [tilespmem:s14], [sflag:$0x4], $0x2000, $0x38;
	[tilespmem:$0x4700] =	vst v63  }
0x20: {  	_ =	swait.ge [sflag:s17], $0x2000  }
0x21: {  	[sflag:s17] =	ssyncset.done $0x0  }
0x22: {  	s31 =	simm.s32 $0x80;
	[sflag:s17] =	ssyncadd.s32 $0xFFFFE000  }
0x23: {  	[tilespmem:s13], [sflag:$0x1] =	stream.indirect.gather [hbm4b:s2+s12], $0x80, s31, s12, $0xb8;
	[tilespmem:$0x4700] =	vst v63  }
0x24: {  	_ =	swait.ge [sflag:s18], $0x2000  }
0x25: {  	s22 =	simm.s32 $0x800;
	[sflag:s18] =	ssyncset.done $0x0  }
0x26: {  	s23 =	simm.s32 $0x140;
	s21 =	simm.s32 $0xC0;
	[sflag:s18] =	ssyncadd.s32 $0xFFFFE000  }
.LBB2_2:
0x27: {  	[tilespmem:s14], [sflag:$0x2] =	stream.indirect.gather [hbm4b:s2+s12], $0x80, s21, s12, $0xb8;
	[tilespmem:$0x4700] =	vst v63  }
0x28: {  	s24 =	smov.u32 s22;
	s21 =	smov.u32 s23  }
0x29: {  	p0 =	sne.s32 s22, $0x5800;
	s22 =	sadd.s32 $0x800, s22;
	_ =	swait.ge [sflag:s15], $0x2000  }
0x2a: {  	[sflag:s15] =	ssyncset.done $0x0  }
0x2b: {  	s25 =	sadd.s32 s24, s10;
	[sflag:s15] =	ssyncadd.s32 $0xFFFFE000  }
0x2c: {  	[hbm4b:s25+s3] =	stream.linear.scatter [tilespmem:s13], [sflag:$0x3], $0x2000, $0x38;
	[tilespmem:$0x4700] =	vst v63  }
0x2d: {  	_ =	swait.ge [sflag:s16], $0x2000  }
0x2e: {  	[sflag:s16] =	ssyncset.done $0x0  }
0x2f: {  	s24 =	sadd.s32 s24, s9;
	[sflag:s16] =	ssyncadd.s32 $0xFFFFE000  }
0x30: {  	[hbm4b:s24+s3] =	stream.linear.scatter [tilespmem:s14], [sflag:$0x4], $0x2000, $0x38;
	[tilespmem:$0x4700] =	vst v63  }
0x31: {  	_ =	swait.ge [sflag:s17], $0x2000  }
0x32: {  	[sflag:s17] =	ssyncset.done $0x0  }
.Ltmp0:
0x33: {  	s24 =	sadd.s32 $0xFFFFFFC0, s23;
	[sflag:s17] =	ssyncadd.s32 $0xFFFFE000;
	(pc) =	sbr.rel @p0 .LBB2_2-.Ltmp0, $4  }
0x34: {  	[tilespmem:s13], [sflag:$0x1] =	stream.indirect.gather [hbm4b:s2+s12], $0x80, s24, s12, $0xb8;
	[tilespmem:$0x4700] =	vst v63  }
0x35: {  	_ =	swait.ge [sflag:s18], $0x2000  }
0x36: {  	[sflag:s18] =	ssyncset.done $0x0  }
0x37: {  	s23 =	sadd.s32 $0x80, s23;
	[sflag:s18] =	ssyncadd.s32 $0xFFFFE000  }
0x38: {  	[tilespmem:s14], [sflag:$0x2] =	stream.indirect.gather [hbm4b:s2+s12], $0x80, s21, s12, $0xb8;
	[tilespmem:$0x4700] =	vst v63  }
0x39: {  	_ =	swait.ge [sflag:s15], $0x2000  }
0x3a: {  	[sflag:s15] =	ssyncset.done $0x0  }
0x3b: {  	[sflag:s15] =	ssyncadd.s32 $0xFFFFE000  }
0x3c: {  	[hbm4b:s7+s3] =	stream.linear.scatter [tilespmem:s13], [sflag:$0x3], $0x2000, $0x38;
	[tilespmem:$0x4700] =	vst v63  }
0x3d: {  	_ =	swait.ge [sflag:s16], $0x2000  }
0x3e: {  	[sflag:s16] =	ssyncset.done $0x0  }
0x3f: {  	[sflag:s16] =	ssyncadd.s32 $0xFFFFE000  }
0x40: {  	[hbm4b:s8+s3] =	stream.linear.scatter [tilespmem:s14], [sflag:$0x4], $0x2000, $0x38;
	[tilespmem:$0x4700] =	vst v63  }
0x41: {  	_ =	swait.ge [sflag:s17], $0x2000  }
0x42: {  	[sflag:s17] =	ssyncset.done $0x0  }
0x43: {  	[sflag:s17] =	ssyncadd.s32 $0xFFFFE000  }
0x44: {  	_ =	swait.ge [sflag:s18], $0x2000  }
0x45: {  	[sflag:s18] =	ssyncset.done $0x0  }
0x46: {  	[sflag:s18] =	ssyncadd.s32 $0xFFFFE000  }
0x47: {  	[tilespmem:s13], [sflag:$0x1] =	stream.indirect.gather [hbm4b:s2+s12], $0x80, s19, s12, $0xb8;
	[tilespmem:$0x4700] =	vst v63  }
0x48: {  	s20 =	sadd.s32 $0x1, s20;
	_ =	swait.ge [sflag:s15], $0x2000  }
0x49: {  	p0 =	sne.s32 s20, s6;
	[sflag:s15] =	ssyncset.done $0x0  }
.Ltmp1:
0x4a: {  	[sflag:s15] =	ssyncadd.s32 $0xFFFFE000;
	(pc) =	sbr.rel @p0 .LBB2_1-.Ltmp1, $4  }
0x4b: {  	[hbm4b:s5+s3] =	stream.linear.scatter [tilespmem:s13], [sflag:$0x3], $0x2000, $0x38;
	[tilespmem:$0x4700] =	vst v63  }
0x4c: {  	_ =	swait.ge [sflag:s17], $0x2000  }
0x4d: {  	[sflag:s17] =	ssyncset.done $0x0  }
0x4e: {  	[sflag:s17] =	ssyncadd.s32 $0xFFFFE000  }
0x4f: {  	_ =	sfence.sel $0x180000  }
0x50: {  	[bflag:$0x0] =	sbarrier.arrive $0xFFFF  }
0x51: {  	p0 =	sne.s32 s0, $0x0;
	_ =	strace $0x9000004D  }
0x52: {  	s0 =	sadd.s32 @!p0 $0x100000, s1;
	[bflag:$0x2] =	sbarrier.arrive $0xFFFF  }
0x53: {  	[sflag:s0] =	ssyncadd.tile.s32 @!p0 $0x1;
	_ =	shalt  }
.Lfunc_end2:
_tile_overlayer_lowered:
.L_overlay_start_2:
0x54: {  	(tag) =	ssettag $0x2  }
0x55: {  	s0 =	rddreg [dreg:$0x0];
	s2 =	stileid.u32  }
0x56: {  	s1 =	rddreg [dreg:$0x1];
	p0 =	sne.s32 s2, $0x0  }
0x57: {  	s3 =	rddreg [dreg:$0x2];
	[bflag:$0x3] =	sbarrier.arrive $0xFFFF;
	s2 =	simm.s32 @!p0 $0x1C05  }
0x58: {  	[timem:s3], [sflag:s2] =	dma.local @!p0 [hbm:s0], s1  }
0x59: {  	s0 =	simm.s32 @!p0 $0x5  }
0x5a: {  	_ =	swait.ge @!p0 [sflag:s0], s1  }
0x5b: {  	s1 =	ssub.s32 @!p0 $0x0, s1;
	[sflag:s0] =	ssyncset.done @!p0 $0x0  }
0x5c: {  	[sflag:s0] =	ssyncadd.s32 @!p0 s1  }
0x5d: {  	[bflag:$0x3] =	sbarrier.arrive $0xFFFF  }
0x5e: {  	_ =	shalt  }

// kernel: kernel.18.cloned.1.call-start
scs
__scs_entry_jumppad:
0x0: {  	(pc) =	sbr.rel $0x88, $3  }
0x1: {  	(tag) =	ssettag $0x0;
	lr =	simm.s32 $0x1  }
0x2: {  	[smem:$0x3F9E] =	sst lr;
	_ =	strace $0xD0000000  }
0x3: {  	_ = 	snop  }
0x4: {  	_ = 	snop  }
0x5: {  	_ = 	snop  }
0x6: {  	_ = 	snop  }
0x7: {  	_ = 	snop  }
__scs_overlays_trampoline_lowered:
0x8: {  	[smem:$0x3FAD] =	sst s0  }
0x9: {  	[smem:$0x3FAE] =	sst s1  }
0xa: {  	[smem:$0x3FAF] =	sst s2  }
0xb: {  	[smem:$0x3FB0] =	sst s3  }
0xc: {  	[smem:$0x3FB1] =	sst s4  }
0xd: {  	[smem:$0x3FB2] =	sst s5  }
0xe: {  	[smem:$0x3FB3] =	sst s6  }
0xf: {  	[smem:$0x3FB4] =	sst s7  }
0x10: {  	[smem:$0x3FB5] =	sst s8  }
0x11: {  	[smem:$0x3FB6] =	sst s9;
	s0 =	simm.s32 @!p0 $0x0  }
0x12: {  	s1 =	sld [smem:$0x3F9C];
	s0 =	simm.s32 @p0 $0x1  }
0x13: {  	[smem:$0x3FB7] =	sst s0;
	s0 =	simm.s32 @!p1 $0x0  }
0x14: {  	s2 =	sld [smem:$0x3F9B];
	s0 =	simm.s32 @p1 $0x1  }
0x15: {  	[smem:$0x3FB8] =	sst s0;
	s0 =	simm.s32 @!p2 $0x0  }
0x16: {  	s3 =	sld [smem:$0x3FDB];
	s0 =	simm.s32 @p2 $0x1  }
0x17: {  	s4 =	simm.s32 $0x1BF5;
	[smem:$0x3FBA] =	sst s0  }
0x18: {  	s0 =	sld [smem:$0x3F9D];
	_ =	swait.ge [sflag:s4], $0x0  }
0x19: {  	s7 =	sld [smem:$0x3F9E]  }
0x1a: {  	s8 =	sadd.s32 $0xFFFFE003, lr  }
0x1b: {  	s9 =	sadd.s32 $0xFFFFFEF7, lr;
	s5 =	simm.s32 $0xFFFFFFFF;
	p2 =	slt.u32 s8, $0xFFFFF086  }
0x1c: {  	p1 =	slt.u32 s9, $0xF7A;
	s5 =	simm.s32 @!p2 $0x0  }
0x1d: {  	s5 =	simm.s32 @p1 $0x1;
	p0 =	seq.s32 s7, s2  }
0x1e: {  	s7 =	smul.u32 @!p0 $0xF7A, s2;
	p2 =	seq.s32 @!p0 s5, $0x0  }
0x1f: {  	s9 =	smul.u32 $0xF7A, s1;
	s8 =	simm.s32 @!p0 $0x1BF5;
	p2 =	por !p2, p0  }
0x20: {  	[sflag:s8] =	ssyncset.s32 @!p0 $0xFFFFF086;
	s6 =	sadd.s32 @!p0 s3, s7;
	s7 =	simm.s32 @!p0 $0x108  }
0x21: {  	s3 =	sadd.s32 s3, s9;
	s6 =	sadd.s32 @!p0 $0x88, s6;
	s7 =	simm.s32 @p2 $0x1082  }
0x22: {  	[simem:s7], [sflag:s8] =	dma.local @!p0 [hbm:s6], $0xF7A  }
0x23: {  	s9 =	sor.u32 $0xD0000000, s2;
	s6 =	simm.s32 $0x108;
	_ =	swait.ge @!p0 [sflag:s8], $0x0  }
0x24: {  	s3 =	sadd.s32 $0x88, s3;
	s6 =	simm.s32 @!p1 $0x1082;
	[sflag:s4] =	ssyncset.s32 $0xFFFFF086  }
0x25: {  	[simem:s6], [sflag:s4] =	dma.local [hbm:s3], $0xF7A  }
0x26: {  	[smem:$0x3F9E] =	sst s1;
	(tag) =	ssettag s2;
	_ =	strace s9  }
0x27: {  	s1 =	sld [smem:$0x3FAE]  }
0x28: {  	s2 =	sld [smem:$0x3FAF]  }
0x29: {  	s4 =	sld [smem:$0x3FB1]  }
0x2a: {  	p0 =	seq.s32 s5, $0x0;
	s5 =	sld [smem:$0x3FB2]  }
0x2b: {  	s6 =	sld [smem:$0x3FB3]  }
0x2c: {  	s7 =	sld [smem:$0x3FB4]  }
0x2d: {  	s3 =	simm.s32 $0x108;
	s8 =	sld [smem:$0x3FB5]  }
0x2e: {  	s3 =	simm.s32 @!p0 $0x1082;
	s9 =	sld [smem:$0x3FB6]  }
0x2f: {  	lr =	sadd.s32 s0, s3;
	s0 =	sld [smem:$0x3FAD]  }
0x30: {  	s3 =	sld [smem:$0x3FB0]  }
0x31: {  	[smem:$0x3FB9] =	sst s10  }
0x32: {  	s10 =	sld [smem:$0x3FB7];
	_ =	sdelay $0x3  }
0x33: {  	p0 =	seq.s32 s10, $0x1;
	s10 =	sld [smem:$0x3FB9];
	_ =	sdelay $0x3  }
0x34: {  	[smem:$0x3FB9] =	sst s10  }
0x35: {  	s10 =	sld [smem:$0x3FB8];
	_ =	sdelay $0x3  }
0x36: {  	p1 =	seq.s32 s10, $0x1;
	s10 =	sld [smem:$0x3FB9];
	_ =	sdelay $0x3  }
0x37: {  	[smem:$0x3FB9] =	sst s10  }
0x38: {  	s10 =	sld [smem:$0x3FBA]  }
0x39: {  	_ = 	snop;
	(pc) =	sbr.ind lr, $3  }
0x3a: {  	_ = 	snop  }
0x3b: {  	_ = 	snop  }
0x3c: {  	p2 =	seq.s32 s10, $0x1;
	s10 =	sld [smem:$0x3FB9]  }
0x3d: {  	_ =	shalt  }
0x3e: {  	_ =	shalt  }
0x3f: {  	_ =	shalt  }
0x40: {  	_ =	shalt  }
0x41: {  	_ =	shalt  }
0x42: {  	_ =	shalt  }
0x43: {  	_ =	shalt  }
0x44: {  	_ =	shalt  }
0x45: {  	_ =	shalt  }
0x46: {  	_ =	shalt  }
0x47: {  	_ =	shalt  }
0x48: {  	_ =	shalt  }
0x49: {  	_ =	shalt  }
0x4a: {  	_ =	shalt  }
0x4b: {  	_ =	shalt  }
0x4c: {  	_ =	shalt  }
0x4d: {  	_ =	shalt  }
0x4e: {  	_ =	shalt  }
0x4f: {  	_ =	shalt  }
0x50: {  	_ =	shalt  }
0x51: {  	_ =	shalt  }
0x52: {  	_ =	shalt  }
0x53: {  	_ =	shalt  }
0x54: {  	_ =	shalt  }
0x55: {  	_ =	shalt  }
0x56: {  	_ =	shalt  }
0x57: {  	_ =	shalt  }
0x58: {  	_ =	shalt  }
0x59: {  	_ =	shalt  }
0x5a: {  	_ =	shalt  }
0x5b: {  	_ =	shalt  }
0x5c: {  	_ =	shalt  }
0x5d: {  	_ =	shalt  }
0x5e: {  	_ =	shalt  }
0x5f: {  	_ =	shalt  }
0x60: {  	_ =	shalt  }
0x61: {  	_ =	shalt  }
0x62: {  	_ =	shalt  }
0x63: {  	_ =	shalt  }
0x64: {  	_ =	shalt  }
0x65: {  	_ =	shalt  }
0x66: {  	_ =	shalt  }
0x67: {  	_ =	shalt  }
0x68: {  	_ =	shalt  }
0x69: {  	_ =	shalt  }
0x6a: {  	_ =	shalt  }
0x6b: {  	_ =	shalt  }
0x6c: {  	_ =	shalt  }
0x6d: {  	_ =	shalt  }
0x6e: {  	_ =	shalt  }
0x6f: {  	_ =	shalt  }
0x70: {  	_ =	shalt  }
0x71: {  	_ =	shalt  }
0x72: {  	_ =	shalt  }
0x73: {  	_ =	shalt  }
0x74: {  	_ =	shalt  }
0x75: {  	_ =	shalt  }
0x76: {  	_ =	shalt  }
0x77: {  	_ =	shalt  }
0x78: {  	_ =	shalt  }
0x79: {  	_ =	shalt  }
0x7a: {  	_ =	shalt  }
0x7b: {  	_ =	shalt  }
0x7c: {  	_ =	shalt  }
0x7d: {  	_ =	shalt  }
0x7e: {  	_ =	shalt  }
0x7f: {  	_ =	shalt  }
0x80: {  	_ =	shalt  }
0x81: {  	_ =	shalt  }
0x82: {  	_ =	shalt  }
0x83: {  	_ =	shalt  }
0x84: {  	_ =	shalt  }
0x85: {  	_ =	shalt  }
0x86: {  	_ =	shalt  }
0x87: {  	_ =	shalt  }
.Lfunc_end0:
.L_simem_size_0:
called_computation.2_lowered:
.L_overlay_start_0:
0x88: {  	s2 =	sld [smem:$0x3FD9]  }
0x89: {  	s3 =	sld [smem:$0x3FFE];
	_ =	sdelay $0x1  }
0x8a: {  	s1 =	srdreg.scid  }
0x8b: {  	s0 =	sand.u32 $0x1, s1  }
0x8c: {  	s17 =	sshll.u32 s0, $0xA;
	s2 =	sadd.s32 s3, s2  }
0x8d: {  	s2 =	sadd.s32 s2, s17  }
0x8e: {  	[smem:$0x3FC5] =	sst s2  }
0x8f: {  	_ = 	snop  }
0x90: {  	s18 =	sld [smem:$0x3FC9];
	(tm) =	ssettm $0x1  }
0x91: {  	s19 =	sld [smem:$0x3FFB];
	_ =	sdelay $0x3  }
0x92: {  	_ =	strace s19  }
0x93: {  	s2 =	sld [smem:$0x3FFC];
	_ =	sdelay $0x3  }
0x94: {  	_ =	strace s2  }
0x95: {  	s2 =	sld [smem:$0x3FFD];
	_ =	sdelay $0x3  }
0x96: {  	_ =	strace s2  }
0x97: {  	_ =	strace $0x8FFFFFFF  }
0x98: {  	s20 =	sld [smem:$0x3FDB];
	_ =	sdelay $0x1  }
0x99: {  	s4 =	simm.s32 $_scs_section_size  }
0x9a: {  	s5 =	simm.s32 $_size__tile_overlayer_lowered;
	s6 =	simm.s32 $_tile_overlayer_lowered  }
0x9b: {  	s7 =	simm.s32 $0x1BFF;
	s21 =	sshll.u32 s6, $0x1;
	s4 =	sadd.s32 s4, s20  }
0x9c: {  	s22 =	simm.s32 $0x0;
	s5 =	sshll.u32 s5, $0x1;
	s6 =	sadd.s32 s21, s4  }
0x9d: {  	[timem:s22], [sflag:s7] =	dma.local [hbm:s6], s5  }
0x9e: {  	_ =	swait.ge [sflag:s7], s5  }
0x9f: {  	s5 =	ssub.s32 $0x0, s5;
	[sflag:s7] =	ssyncset.done $0x0  }
0xa0: {  	[sflag:s7] =	ssyncadd.s32 s5;
	_ =	sdelay $0x1  }
0xa1: {  	s23 =	simm.s32 $0x1B8B  }
0xa2: {  	_ =	swait.ge [sflag:s23], $0x1  }
0xa3: {  	[sflag:s23] =	ssyncset.done $0x0  }
0xa4: {  	[sflag:s23] =	ssyncadd.s32 $0xFFFFFFFF  }
0xa5: {  	s5 =	sld [smem:$0x0]  }
0xa6: {  	s6 =	sand.u32 $0xFFFFFFFE, s1  }
0xa7: {  	p0 =	sne.s32 s1, s6  }
0xa8: {  	s6 =	sshll.u32 @p0 s6, $0xE  }
0xa9: {  	s6 =	sadd.s32 @p0 $0x11B8D, s6;
	s7 =	sshll.u32 @p0 s5, $0x11  }
0xaa: {  	s6 =	sor.u32 @p0 s7, s6  }
0xab: {  	[sflag:s6] =	ssyncadd.remote.s32 @p0 $0x1;
	_ =	sdelay $0x1  }
0xac: {  	s6 =	simm.s32 @p0 $0x1B8D  }
0xad: {  	_ =	swait.eq @p0 [sflag:s6], $0x1  }
0xae: {  	[sflag:s6] =	ssyncadd.s32 @p0 $0xFFFFFFFF  }
0xaf: {  	s7 =	sshll.u32 @!p0 s1, $0xE  }
0xb0: {  	s7 =	sor.u32 @!p0 $0x4000, s7;
	s6 =	simm.s32 @!p0 $0x1B8D  }
0xb1: {  	s5 =	sshll.u32 @!p0 s5, $0x11;
	s7 =	sadd.s32 @!p0 $0x11B8D, s7;
	_ =	swait.eq @!p0 [sflag:s6], $0x1  }
0xb2: {  	s5 =	sor.u32 @!p0 s5, s7;
	[sflag:s6] =	ssyncadd.s32 @!p0 $0xFFFFFFFF  }
0xb3: {  	s25 =	simm.s32 $0x1B8E;
	s24 =	sld [smem:$0x3FFE];
	[sflag:s5] =	ssyncadd.remote.s32 @!p0 $0x1  }
0xb4: {  	s26 =	simm.s32 $execute0_lowered;
	[smem:$0x3FD2] =	sst s25  }
0xb5: {  	s6 =	sshll.u32 s26, $0x1;
	_ =	strace $0x80000049;
	[dreg:$0x1] =	wrdreg $0xFFFFFFFF  }
0xb6: {  	s28 =	simm.s32 $_size_execute0_lowered;
	s4 =	sadd.s32 s4, s6;
	[dreg:$0x0] =	wrdreg $0x0  }
0xb7: {  	s6 =	sshll.u32 s28, $0x1;
	[dreg:$0x2] =	wrdreg s4  }
0xb8: {  	[dreg:$0x3] =	wrdreg s6  }
0xb9: {  	[dreg:$0x4] =	wrdreg $0xC0  }
0xba: {  	_ =	task [dreg:s22], $0x5FFFF  }
0xbb: {  	[dreg:$0x1] =	wrdreg $0xFFFFFFFF  }
0xbc: {  	[dreg:$0x0] =	wrdreg $0x60  }
0xbd: {  	[dreg:$0x2] =	wrdreg s18  }
0xbe: {  	[dreg:$0x3] =	wrdreg s24  }
0xbf: {  	[dreg:$0x4] =	wrdreg $0xB  }
0xc0: {  	_ =	task.clear_ibuf [dreg:s22], $0x5FFFF;
	_ =	strace $0x90000049  }
0xc1: {  	s29 =	simm.s32 $0xB;
	_ =	strace $0x8000004B  }
0xc2: {  	_ =	swait.ge [sflag:s29], $0x1  }
0xc3: {  	[sflag:s29] =	ssyncadd.s32 $0xFFFFFFFF  }
0xc4: {  	_ =	strace $0x9000004B  }
0xc5: {  	_ =	sfence  }
0xc6: {  	s30 =	sld [smem:$0x0];
	_ =	sdelay $0x2  }
0xc7: {  	s31 =	sshll.u32 s1, $0xD;
	s1 =	sshrl.u32 s1, $0x2  }
0xc8: {  	s4 =	sand.u32 $0x4000, s31;
	s1 =	sadd.s32 s1, s30  }
0xc9: {  	s0 =	sor.u32 s4, s0;
	s1 =	sshll.u32 s1, $0x11  }
0xca: {  	s0 =	sor.u32 s1, s0  }
0xcb: {  	s0 =	sadd.s32 $0x8F2B, s0  }
0xcc: {  	[sflag:s0] =	ssyncadd.remote.s32 $0x1  }
0xcd: {  	_ =	sfence.sel $0xFFFF  }
0xce: {  	[dreg:$0x0] =	wrdreg $0xFFFFFFFF;
	(pc) =	sbr.abs _section_cstart, $3  }
0xcf: {  	[dreg:$0x1] =	wrdreg $0xFFFFFFFF  }
0xd0: {  	_ =	task.clear_ibuf [dreg:s22], $0x2FFFF;
	_ =	strace $0x9FFFFFFF  }
0xd1: {  	(tm) =	ssettm $0x7FFFFFFF  }
tec
execute0_lowered:
.L_overlay_start_1:
0x0: {  	(tag) =	ssettag $0x1  }
0x1: {  	s1 =	srdreg.scid;
	s2 =	rddreg [dreg:$0x0]  }
0x2: {  	s0 =	stileid.u32;
	s4 =	rddreg [dreg:$0x1];
	s3 =	simm.s32 $0x0  }
0x3: {  	s15 =	simm.s32 $0x1;
	s16 =	simm.s32 $0x2;
	s17 =	simm.s32 $0x3  }
0x4: {  	s18 =	simm.s32 $0x4;
	s19 =	simm.s32 $0x680;
	s11 =	smul.u32 $0xD800, s0  }
0x5: {  	s20 =	simm.s32 $0x0;
	s8 =	sand.u32 $0x1, s1;
	s13 =	smul.u32 $0x6C000, s0  }
0x6: {  	s24 =	sshll.u32 s0, $0x1;
	s1 =	rddreg [dreg:$0x2];
	s14 =	smul.u32 $0x36000, s8  }
0x7: {  	[smem:$0x7FF] =	sst s3;
	s5 =	sor.u32 s8, s24;
	s28 =	smul.u32 $0x6C00, s8  }
0x8: {  	s10 =	sadd.s32 $0xE5A00, s4;
	s25 =	ssub.s32 $0x2, s8;
	s6 =	smul.u32 $0xD8, s5  }
0x9: {  	_ =	strace $0x8000004A;
	s7 =	smul.u32 $0x36000, s5;
	s26 =	sshrl.u32 s25, $0x1  }
0xa: {  	s9 =	smul.u32 $0x6C00, s5;
	s30 =	sadd.s32 s11, s10;
	s12 =	ssub.s32 s25, s26  }
0xb: {  	s31 =	sadd.s32 s14, s13;
	s13 =	simm.s32 $0x700;
	s14 =	simm.s32 $0x2700  }
0xc: {  	s6 =	sadd.s32 s6, s4;
	s7 =	sshrl.u32 s7, $0x3;
	s29 =	sadd.s32 s9, s10  }
0xd: {  	s9 =	sadd.s32 s28, s30;
	s11 =	sshrl.u32 s31, $0x3;
	s7 =	sadd.s32 s10, s7  }
0xe: {  	s4 =	sadd.s32 $0x8600, s6;
	s6 =	smax.u32 s12, $0x1;
	s8 =	sadd.s32 $0x6400, s29  }
0xf: {  	s9 =	sadd.s32 $0x400, s9;
	s10 =	sadd.s32 s11, s10;
	s11 =	simm.s32 $0x5  }
0x10: {  	s12 =	simm.s32 $0x40;
	s5 =	sadd.s32 $0x6800, s7;
	s7 =	sadd.s32 $0x6000, s7  }
.LBB2_1:
0x11: {  	[tilespmem:s3], [sflag:$0x5] =	stream.linear.gather [hbm4b:s4+s3], $0x6C0, $0x38;
	[tilespmem:$0x4700] =	vst v63  }
0x12: {  	_ =	swait.ge [sflag:s11], $0x6C0  }
0x13: {  	[sflag:s11] =	ssyncset.done $0x0  }
0x14: {  	[sflag:s11] =	ssyncadd.s32 $0xFFFFF940  }
0x15: {  	[tilespmem:s13], [sflag:$0x1] =	stream.indirect.gather [hbm4b:s2+s12], $0x80, s3, s12, $0xb8;
	[tilespmem:$0x4700] =	vst v63  }
0x16: {  	_ = 	snop  }
0x17: {  	[tilespmem:s14], [sflag:$0x2] =	stream.indirect.gather [hbm4b:s2+s12], $0x80, s12, s12, $0xb8;
	[tilespmem:$0x4700] =	vst v63  }
0x18: {  	_ =	swait.ge [sflag:s15], $0x2000  }
0x19: {  	[sflag:s15] =	ssyncset.done $0x0  }
0x1a: {  	s21 =	sadd.s32 $0x0, s10;
	[sflag:s15] =	ssyncadd.s32 $0xFFFFE000  }
0x1b: {  	[hbm4b:s21+s3] =	stream.linear.scatter [tilespmem:s13], [sflag:$0x3], $0x2000, $0x38;
	[tilespmem:$0x4700] =	vst v63  }
0x1c: {  	_ =	swait.ge [sflag:s16], $0x2000  }
0x1d: {  	[sflag:s16] =	ssyncset.done $0x0  }
0x1e: {  	s30 =	sadd.s32 $0x0, s9;
	[sflag:s16] =	ssyncadd.s32 $0xFFFFE000  }
0x1f: {  	[hbm4b:s30+s3] =	stream.linear.scatter [tilespmem:s14], [sflag:$0x4], $0x2000, $0x38;
	[tilespmem:$0x4700] =	vst v63  }
0x20: {  	_ =	swait.ge [sflag:s17], $0x2000  }
0x21: {  	[sflag:s17] =	ssyncset.done $0x0  }
0x22: {  	s31 =	simm.s32 $0x80;
	[sflag:s17] =	ssyncadd.s32 $0xFFFFE000  }
0x23: {  	[tilespmem:s13], [sflag:$0x1] =	stream.indirect.gather [hbm4b:s2+s12], $0x80, s31, s12, $0xb8;
	[tilespmem:$0x4700] =	vst v63  }
0x24: {  	_ =	swait.ge [sflag:s18], $0x2000  }
0x25: {  	s22 =	simm.s32 $0x800;
	[sflag:s18] =	ssyncset.done $0x0  }
0x26: {  	s23 =	simm.s32 $0x140;
	s21 =	simm.s32 $0xC0;
	[sflag:s18] =	ssyncadd.s32 $0xFFFFE000  }
.LBB2_2:
0x27: {  	[tilespmem:s14], [sflag:$0x2] =	stream.indirect.gather [hbm4b:s2+s12], $0x80, s21, s12, $0xb8;
	[tilespmem:$0x4700] =	vst v63  }
0x28: {  	s24 =	smov.u32 s22;
	s21 =	smov.u32 s23  }
0x29: {  	p0 =	sne.s32 s22, $0x5800;
	s22 =	sadd.s32 $0x800, s22;
	_ =	swait.ge [sflag:s15], $0x2000  }
0x2a: {  	[sflag:s15] =	ssyncset.done $0x0  }
0x2b: {  	s25 =	sadd.s32 s24, s10;
	[sflag:s15] =	ssyncadd.s32 $0xFFFFE000  }
0x2c: {  	[hbm4b:s25+s3] =	stream.linear.scatter [tilespmem:s13], [sflag:$0x3], $0x2000, $0x38;
	[tilespmem:$0x4700] =	vst v63  }
0x2d: {  	_ =	swait.ge [sflag:s16], $0x2000  }
0x2e: {  	[sflag:s16] =	ssyncset.done $0x0  }
0x2f: {  	s24 =	sadd.s32 s24, s9;
	[sflag:s16] =	ssyncadd.s32 $0xFFFFE000  }
0x30: {  	[hbm4b:s24+s3] =	stream.linear.scatter [tilespmem:s14], [sflag:$0x4], $0x2000, $0x38;
	[tilespmem:$0x4700] =	vst v63  }
0x31: {  	_ =	swait.ge [sflag:s17], $0x2000  }
0x32: {  	[sflag:s17] =	ssyncset.done $0x0  }
.Ltmp0:
0x33: {  	s24 =	sadd.s32 $0xFFFFFFC0, s23;
	[sflag:s17] =	ssyncadd.s32 $0xFFFFE000;
	(pc) =	sbr.rel @p0 .LBB2_2-.Ltmp0, $4  }
0x34: {  	[tilespmem:s13], [sflag:$0x1] =	stream.indirect.gather [hbm4b:s2+s12], $0x80, s24, s12, $0xb8;
	[tilespmem:$0x4700] =	vst v63  }
0x35: {  	_ =	swait.ge [sflag:s18], $0x2000  }
0x36: {  	[sflag:s18] =	ssyncset.done $0x0  }
0x37: {  	s23 =	sadd.s32 $0x80, s23;
	[sflag:s18] =	ssyncadd.s32 $0xFFFFE000  }
0x38: {  	[tilespmem:s14], [sflag:$0x2] =	stream.indirect.gather [hbm4b:s2+s12], $0x80, s21, s12, $0xb8;
	[tilespmem:$0x4700] =	vst v63  }
0x39: {  	_ =	swait.ge [sflag:s15], $0x2000  }
0x3a: {  	[sflag:s15] =	ssyncset.done $0x0  }
0x3b: {  	[sflag:s15] =	ssyncadd.s32 $0xFFFFE000  }
0x3c: {  	[hbm4b:s7+s3] =	stream.linear.scatter [tilespmem:s13], [sflag:$0x3], $0x2000, $0x38;
	[tilespmem:$0x4700] =	vst v63  }
0x3d: {  	_ =	swait.ge [sflag:s16], $0x2000  }
0x3e: {  	[sflag:s16] =	ssyncset.done $0x0  }
0x3f: {  	[sflag:s16] =	ssyncadd.s32 $0xFFFFE000  }
0x40: {  	[hbm4b:s8+s3] =	stream.linear.scatter [tilespmem:s14], [sflag:$0x4], $0x2000, $0x38;
	[tilespmem:$0x4700] =	vst v63  }
0x41: {  	_ =	swait.ge [sflag:s17], $0x2000  }
0x42: {  	[sflag:s17] =	ssyncset.done $0x0  }
0x43: {  	[sflag:s17] =	ssyncadd.s32 $0xFFFFE000  }
0x44: {  	_ =	swait.ge [sflag:s18], $0x2000  }
0x45: {  	[sflag:s18] =	ssyncset.done $0x0  }
0x46: {  	[sflag:s18] =	ssyncadd.s32 $0xFFFFE000  }
0x47: {  	[tilespmem:s13], [sflag:$0x1] =	stream.indirect.gather [hbm4b:s2+s12], $0x80, s19, s12, $0xb8;
	[tilespmem:$0x4700] =	vst v63  }
0x48: {  	s20 =	sadd.s32 $0x1, s20;
	_ =	swait.ge [sflag:s15], $0x2000  }
0x49: {  	p0 =	sne.s32 s20, s6;
	[sflag:s15] =	ssyncset.done $0x0  }
.Ltmp1:
0x4a: {  	[sflag:s15] =	ssyncadd.s32 $0xFFFFE000;
	(pc) =	sbr.rel @p0 .LBB2_1-.Ltmp1, $4  }
0x4b: {  	[hbm4b:s5+s3] =	stream.linear.scatter [tilespmem:s13], [sflag:$0x3], $0x2000, $0x38;
	[tilespmem:$0x4700] =	vst v63  }
0x4c: {  	_ =	swait.ge [sflag:s17], $0x2000  }
0x4d: {  	[sflag:s17] =	ssyncset.done $0x0  }
0x4e: {  	[sflag:s17] =	ssyncadd.s32 $0xFFFFE000  }
0x4f: {  	_ =	sfence.sel $0x180000  }
0x50: {  	[bflag:$0x0] =	sbarrier.arrive $0xFFFF  }
0x51: {  	p0 =	sne.s32 s0, $0x0;
	_ =	strace $0x9000004A  }
0x52: {  	s0 =	sadd.s32 @!p0 $0x100000, s1;
	[bflag:$0x2] =	sbarrier.arrive $0xFFFF  }
0x53: {  	[sflag:s0] =	ssyncadd.tile.s32 @!p0 $0x1;
	_ =	shalt  }
.Lfunc_end2:
_tile_overlayer_lowered:
.L_overlay_start_2:
0x54: {  	(tag) =	ssettag $0x2  }
0x55: {  	s0 =	rddreg [dreg:$0x0];
	s2 =	stileid.u32  }
0x56: {  	s1 =	rddreg [dreg:$0x1];
	p0 =	sne.s32 s2, $0x0  }
0x57: {  	s3 =	rddreg [dreg:$0x2];
	[bflag:$0x3] =	sbarrier.arrive $0xFFFF;
	s2 =	simm.s32 @!p0 $0x1C05  }
0x58: {  	[timem:s3], [sflag:s2] =	dma.local @!p0 [hbm:s0], s1  }
0x59: {  	s0 =	simm.s32 @!p0 $0x5  }
0x5a: {  	_ =	swait.ge @!p0 [sflag:s0], s1  }
0x5b: {  	s1 =	ssub.s32 @!p0 $0x0, s1;
	[sflag:s0] =	ssyncset.done @!p0 $0x0  }
0x5c: {  	[sflag:s0] =	ssyncadd.s32 @!p0 s1  }
0x5d: {  	[bflag:$0x3] =	sbarrier.arrive $0xFFFF  }
0x5e: {  	_ =	shalt  }

// kernel: kernel.21.cloned.1.call-start
scs
__scs_entry_jumppad:
0x0: {  	(pc) =	sbr.rel $0x88, $3  }
0x1: {  	(tag) =	ssettag $0x0;
	lr =	simm.s32 $0x1  }
0x2: {  	[smem:$0x3F9E] =	sst lr;
	_ =	strace $0xD0000000  }
0x3: {  	_ = 	snop  }
0x4: {  	_ = 	snop  }
0x5: {  	_ = 	snop  }
0x6: {  	_ = 	snop  }
0x7: {  	_ = 	snop  }
__scs_overlays_trampoline_lowered:
0x8: {  	[smem:$0x3FAD] =	sst s0  }
0x9: {  	[smem:$0x3FAE] =	sst s1  }
0xa: {  	[smem:$0x3FAF] =	sst s2  }
0xb: {  	[smem:$0x3FB0] =	sst s3  }
0xc: {  	[smem:$0x3FB1] =	sst s4  }
0xd: {  	[smem:$0x3FB2] =	sst s5  }
0xe: {  	[smem:$0x3FB3] =	sst s6  }
0xf: {  	[smem:$0x3FB4] =	sst s7  }
0x10: {  	[smem:$0x3FB5] =	sst s8  }
0x11: {  	[smem:$0x3FB6] =	sst s9;
	s0 =	simm.s32 @!p0 $0x0  }
0x12: {  	s1 =	sld [smem:$0x3F9C];
	s0 =	simm.s32 @p0 $0x1  }
0x13: {  	[smem:$0x3FB7] =	sst s0;
	s0 =	simm.s32 @!p1 $0x0  }
0x14: {  	s2 =	sld [smem:$0x3F9B];
	s0 =	simm.s32 @p1 $0x1  }
0x15: {  	[smem:$0x3FB8] =	sst s0;
	s0 =	simm.s32 @!p2 $0x0  }
0x16: {  	s3 =	sld [smem:$0x3FDB];
	s0 =	simm.s32 @p2 $0x1  }
0x17: {  	s4 =	simm.s32 $0x1BF5;
	[smem:$0x3FBA] =	sst s0  }
0x18: {  	s0 =	sld [smem:$0x3F9D];
	_ =	swait.ge [sflag:s4], $0x0  }
0x19: {  	s7 =	sld [smem:$0x3F9E]  }
0x1a: {  	s8 =	sadd.s32 $0xFFFFE003, lr  }
0x1b: {  	s9 =	sadd.s32 $0xFFFFFEF7, lr;
	s5 =	simm.s32 $0xFFFFFFFF;
	p2 =	slt.u32 s8, $0xFFFFF086  }
0x1c: {  	p1 =	slt.u32 s9, $0xF7A;
	s5 =	simm.s32 @!p2 $0x0  }
0x1d: {  	s5 =	simm.s32 @p1 $0x1;
	p0 =	seq.s32 s7, s2  }
0x1e: {  	s7 =	smul.u32 @!p0 $0xF7A, s2;
	p2 =	seq.s32 @!p0 s5, $0x0  }
0x1f: {  	s9 =	smul.u32 $0xF7A, s1;
	s8 =	simm.s32 @!p0 $0x1BF5;
	p2 =	por !p2, p0  }
0x20: {  	[sflag:s8] =	ssyncset.s32 @!p0 $0xFFFFF086;
	s6 =	sadd.s32 @!p0 s3, s7;
	s7 =	simm.s32 @!p0 $0x108  }
0x21: {  	s3 =	sadd.s32 s3, s9;
	s6 =	sadd.s32 @!p0 $0x88, s6;
	s7 =	simm.s32 @p2 $0x1082  }
0x22: {  	[simem:s7], [sflag:s8] =	dma.local @!p0 [hbm:s6], $0xF7A  }
0x23: {  	s9 =	sor.u32 $0xD0000000, s2;
	s6 =	simm.s32 $0x108;
	_ =	swait.ge @!p0 [sflag:s8], $0x0  }
0x24: {  	s3 =	sadd.s32 $0x88, s3;
	s6 =	simm.s32 @!p1 $0x1082;
	[sflag:s4] =	ssyncset.s32 $0xFFFFF086  }
0x25: {  	[simem:s6], [sflag:s4] =	dma.local [hbm:s3], $0xF7A  }
0x26: {  	[smem:$0x3F9E] =	sst s1;
	(tag) =	ssettag s2;
	_ =	strace s9  }
0x27: {  	s1 =	sld [smem:$0x3FAE]  }
0x28: {  	s2 =	sld [smem:$0x3FAF]  }
0x29: {  	s4 =	sld [smem:$0x3FB1]  }
0x2a: {  	p0 =	seq.s32 s5, $0x0;
	s5 =	sld [smem:$0x3FB2]  }
0x2b: {  	s6 =	sld [smem:$0x3FB3]  }
0x2c: {  	s7 =	sld [smem:$0x3FB4]  }
0x2d: {  	s3 =	simm.s32 $0x108;
	s8 =	sld [smem:$0x3FB5]  }
0x2e: {  	s3 =	simm.s32 @!p0 $0x1082;
	s9 =	sld [smem:$0x3FB6]  }
0x2f: {  	lr =	sadd.s32 s0, s3;
	s0 =	sld [smem:$0x3FAD]  }
0x30: {  	s3 =	sld [smem:$0x3FB0]  }
0x31: {  	[smem:$0x3FB9] =	sst s10  }
0x32: {  	s10 =	sld [smem:$0x3FB7];
	_ =	sdelay $0x3  }
0x33: {  	p0 =	seq.s32 s10, $0x1;
	s10 =	sld [smem:$0x3FB9];
	_ =	sdelay $0x3  }
0x34: {  	[smem:$0x3FB9] =	sst s10  }
0x35: {  	s10 =	sld [smem:$0x3FB8];
	_ =	sdelay $0x3  }
0x36: {  	p1 =	seq.s32 s10, $0x1;
	s10 =	sld [smem:$0x3FB9];
	_ =	sdelay $0x3  }
0x37: {  	[smem:$0x3FB9] =	sst s10  }
0x38: {  	s10 =	sld [smem:$0x3FBA]  }
0x39: {  	_ = 	snop;
	(pc) =	sbr.ind lr, $3  }
0x3a: {  	_ = 	snop  }
0x3b: {  	_ = 	snop  }
0x3c: {  	p2 =	seq.s32 s10, $0x1;
	s10 =	sld [smem:$0x3FB9]  }
0x3d: {  	_ =	shalt  }
0x3e: {  	_ =	shalt  }
0x3f: {  	_ =	shalt  }
0x40: {  	_ =	shalt  }
0x41: {  	_ =	shalt  }
0x42: {  	_ =	shalt  }
0x43: {  	_ =	shalt  }
0x44: {  	_ =	shalt  }
0x45: {  	_ =	shalt  }
0x46: {  	_ =	shalt  }
0x47: {  	_ =	shalt  }
0x48: {  	_ =	shalt  }
0x49: {  	_ =	shalt  }
0x4a: {  	_ =	shalt  }
0x4b: {  	_ =	shalt  }
0x4c: {  	_ =	shalt  }
0x4d: {  	_ =	shalt  }
0x4e: {  	_ =	shalt  }
0x4f: {  	_ =	shalt  }
0x50: {  	_ =	shalt  }
0x51: {  	_ =	shalt  }
0x52: {  	_ =	shalt  }
0x53: {  	_ =	shalt  }
0x54: {  	_ =	shalt  }
0x55: {  	_ =	shalt  }
0x56: {  	_ =	shalt  }
0x57: {  	_ =	shalt  }
0x58: {  	_ =	shalt  }
0x59: {  	_ =	shalt  }
0x5a: {  	_ =	shalt  }
0x5b: {  	_ =	shalt  }
0x5c: {  	_ =	shalt  }
0x5d: {  	_ =	shalt  }
0x5e: {  	_ =	shalt  }
0x5f: {  	_ =	shalt  }
0x60: {  	_ =	shalt  }
0x61: {  	_ =	shalt  }
0x62: {  	_ =	shalt  }
0x63: {  	_ =	shalt  }
0x64: {  	_ =	shalt  }
0x65: {  	_ =	shalt  }
0x66: {  	_ =	shalt  }
0x67: {  	_ =	shalt  }
0x68: {  	_ =	shalt  }
0x69: {  	_ =	shalt  }
0x6a: {  	_ =	shalt  }
0x6b: {  	_ =	shalt  }
0x6c: {  	_ =	shalt  }
0x6d: {  	_ =	shalt  }
0x6e: {  	_ =	shalt  }
0x6f: {  	_ =	shalt  }
0x70: {  	_ =	shalt  }
0x71: {  	_ =	shalt  }
0x72: {  	_ =	shalt  }
0x73: {  	_ =	shalt  }
0x74: {  	_ =	shalt  }
0x75: {  	_ =	shalt  }
0x76: {  	_ =	shalt  }
0x77: {  	_ =	shalt  }
0x78: {  	_ =	shalt  }
0x79: {  	_ =	shalt  }
0x7a: {  	_ =	shalt  }
0x7b: {  	_ =	shalt  }
0x7c: {  	_ =	shalt  }
0x7d: {  	_ =	shalt  }
0x7e: {  	_ =	shalt  }
0x7f: {  	_ =	shalt  }
0x80: {  	_ =	shalt  }
0x81: {  	_ =	shalt  }
0x82: {  	_ =	shalt  }
0x83: {  	_ =	shalt  }
0x84: {  	_ =	shalt  }
0x85: {  	_ =	shalt  }
0x86: {  	_ =	shalt  }
0x87: {  	_ =	shalt  }
.Lfunc_end0:
.L_simem_size_0:
called_computation.3_lowered:
.L_overlay_start_0:
0x88: {  	s2 =	sld [smem:$0x3FD9]  }
0x89: {  	s3 =	sld [smem:$0x3FFE];
	_ =	sdelay $0x1  }
0x8a: {  	s1 =	srdreg.scid  }
0x8b: {  	s0 =	sand.u32 $0x1, s1  }
0x8c: {  	s17 =	sshll.u32 s0, $0xA;
	s2 =	sadd.s32 s3, s2  }
0x8d: {  	s2 =	sadd.s32 s2, s17  }
0x8e: {  	[smem:$0x3FC5] =	sst s2  }
0x8f: {  	_ = 	snop  }
0x90: {  	s2 =	sld [smem:$0x3FC9]  }
0x91: {  	s18 =	sld [smem:$0x3FD0];
	(tm) =	ssettm $0x1  }
0x92: {  	s4 =	sld [smem:$0x3FFB];
	_ =	sdelay $0x3  }
0x93: {  	_ =	strace s4  }
0x94: {  	s4 =	sld [smem:$0x3FFC];
	_ =	sdelay $0x3  }
0x95: {  	_ =	strace s4  }
0x96: {  	s4 =	sld [smem:$0x3FFD];
	_ =	sdelay $0x3  }
0x97: {  	_ =	strace s4  }
0x98: {  	_ =	strace $0x8FFFFFFF  }
0x99: {  	s19 =	sld [smem:$0x3FDB];
	_ =	sdelay $0x1  }
0x9a: {  	s5 =	simm.s32 $_scs_section_size  }
0x9b: {  	s6 =	simm.s32 $_size__tile_overlayer_lowered;
	s7 =	simm.s32 $_tile_overlayer_lowered  }
0x9c: {  	s22 =	simm.s32 $0x1BFF;
	s21 =	sshll.u32 s7, $0x1;
	s4 =	sadd.s32 s5, s19  }
0x9d: {  	s8 =	simm.s32 $0x0;
	s20 =	sshll.u32 s6, $0x1;
	s6 =	sadd.s32 s21, s4  }
0x9e: {  	[timem:s8], [sflag:s22] =	dma.local [hbm:s6], s20  }
0x9f: {  	_ =	swait.ge [sflag:s22], s20  }
0xa0: {  	s5 =	ssub.s32 $0x0, s20;
	[sflag:s22] =	ssyncset.done $0x0  }
0xa1: {  	[sflag:s22] =	ssyncadd.s32 s5;
	_ =	sdelay $0x1  }
0xa2: {  	s23 =	simm.s32 $0x1B8B  }
0xa3: {  	_ =	swait.ge [sflag:s23], $0x1  }
0xa4: {  	[sflag:s23] =	ssyncset.done $0x0  }
0xa5: {  	s25 =	simm.s32 $0x1B8E;
	s24 =	sld [smem:$0x3FFE];
	[sflag:s23] =	ssyncadd.s32 $0xFFFFFFFF  }
0xa6: {  	s26 =	simm.s32 $execute0_lowered;
	[smem:$0x3FD2] =	sst s25  }
0xa7: {  	s6 =	sshll.u32 s26, $0x1;
	_ =	strace $0x80000046;
	[dreg:$0x1] =	wrdreg $0xFFFFFFFF  }
0xa8: {  	s28 =	simm.s32 $_size_execute0_lowered;
	s4 =	sadd.s32 s4, s6;
	[dreg:$0x0] =	wrdreg $0x0  }
0xa9: {  	s6 =	sshll.u32 s28, $0x1;
	[dreg:$0x2] =	wrdreg s4  }
0xaa: {  	[dreg:$0x3] =	wrdreg s6  }
0xab: {  	[dreg:$0x4] =	wrdreg $0xC0  }
0xac: {  	_ =	task [dreg:s8], $0x5FFFF  }
0xad: {  	[dreg:$0x1] =	wrdreg $0xFFFFFFFF  }
0xae: {  	[dreg:$0x0] =	wrdreg $0x60  }
0xaf: {  	[dreg:$0x2] =	wrdreg s2  }
0xb0: {  	[dreg:$0x3] =	wrdreg s18  }
0xb1: {  	[dreg:$0x4] =	wrdreg s24  }
0xb2: {  	[dreg:$0x5] =	wrdreg $0xC  }
0xb3: {  	_ =	task.clear_ibuf [dreg:s8], $0x6FFFF;
	_ =	strace $0x90000046  }
0xb4: {  	s29 =	simm.s32 $0xC;
	_ =	strace $0x80000048  }
0xb5: {  	_ =	swait.ge [sflag:s29], $0x1  }
0xb6: {  	[sflag:s29] =	ssyncadd.s32 $0xFFFFFFFF  }
0xb7: {  	_ =	strace $0x90000048  }
0xb8: {  	_ =	sfence  }
0xb9: {  	s30 =	sld [smem:$0x0];
	_ =	sdelay $0x2  }
0xba: {  	s31 =	sshll.u32 s1, $0xD;
	s1 =	sshrl.u32 s1, $0x2  }
0xbb: {  	s3 =	sand.u32 $0x4000, s31;
	s1 =	sadd.s32 s1, s30  }
0xbc: {  	s0 =	sor.u32 s3, s0;
	s1 =	sshll.u32 s1, $0x11  }
0xbd: {  	s0 =	sor.u32 s1, s0  }
0xbe: {  	s0 =	sadd.s32 $0x8F2B, s0  }
0xbf: {  	[sflag:s0] =	ssyncadd.remote.s32 $0x1  }
0xc0: {  	_ =	sfence.sel $0xFFFF  }
0xc1: {  	[dreg:$0x0] =	wrdreg $0xFFFFFFFF;
	(pc) =	sbr.abs _section_cstart, $3  }
0xc2: {  	[dreg:$0x1] =	wrdreg $0xFFFFFFFF  }
0xc3: {  	_ =	task.clear_ibuf [dreg:s8], $0x2FFFF;
	_ =	strace $0x9FFFFFFF  }
0xc4: {  	(tm) =	ssettm $0x7FFFFFFF  }
0xc5: {  	_ =	shalt  }
tec
execute0_lowered:
.L_overlay_start_1:
0x0: {  	(tag) =	ssettag $0x1  }
0x1: {  	s1 =	rddreg [dreg:$0x0]  }
0x2: {  	s4 =	rddreg [dreg:$0x1];
	s2 =	srdreg.scid  }
0x3: {  	s0 =	stileid.u32;
	s5 =	rddreg [dreg:$0x2]  }
0x4: {  	s3 =	simm.s32 $0x0;
	s15 =	simm.s32 $0x1;
	s16 =	simm.s32 $0x2  }
0x5: {  	s17 =	simm.s32 $0x3;
	s18 =	simm.s32 $0x4;
	s12 =	smul.u32 $0xD800, s0  }
0x6: {  	s19 =	simm.s32 $0x680;
	s8 =	sand.u32 $0x1, s2;
	s13 =	smul.u32 $0x6C000, s0  }
0x7: {  	s20 =	simm.s32 $0x0;
	s6 =	sshll.u32 s0, $0x1;
	s14 =	smul.u32 $0x36000, s8  }
0x8: {  	s2 =	rddreg [dreg:$0x3];
	s6 =	sor.u32 s8, s6;
	s26 =	smul.u32 $0x6C00, s8  }
0x9: {  	[smem:$0x7FF] =	sst s3;
	s10 =	sadd.s32 $0xDA00, s5;
	s7 =	smul.u32 $0xD8, s6  }
0xa: {  	_ =	strace $0x80000047;
	s24 =	ssub.s32 $0x2, s8;
	s9 =	smul.u32 $0x36000, s6  }
0xb: {  	s11 =	smul.u32 $0x6C00, s6;
	s25 =	sshrl.u32 s24, $0x1;
	s29 =	sadd.s32 s12, s10  }
0xc: {  	s12 =	simm.s32 $0x40;
	s6 =	ssub.s32 s24, s25;
	s30 =	sadd.s32 s14, s13  }
0xd: {  	s13 =	simm.s32 $0x700;
	s14 =	simm.s32 $0x2700;
	s9 =	sshrl.u32 s9, $0x3  }
0xe: {  	s4 =	sadd.s32 s4, s7;
	s6 =	smax.u32 s6, $0x1;
	s28 =	sadd.s32 s11, s10  }
0xf: {  	s31 =	sshrl.u32 s30, $0x3;
	s11 =	simm.s32 $0x5;
	s9 =	sadd.s32 s10, s9  }
0x10: {  	s5 =	sadd.s32 $0x6800, s9;
	s7 =	sadd.s32 $0x6000, s9;
	s9 =	sadd.s32 s26, s29  }
0x11: {  	s8 =	sadd.s32 $0x6400, s28;
	s10 =	sadd.s32 s31, s10;
	s9 =	sadd.s32 $0x400, s9  }
.LBB2_1:
0x12: {  	[tilespmem:s3], [sflag:$0x5] =	stream.linear.gather [hbm4b:s4+s3], $0x6C0, $0x38;
	[tilespmem:$0x4700] =	vst v63  }
0x13: {  	_ =	swait.ge [sflag:s11], $0x6C0  }
0x14: {  	[sflag:s11] =	ssyncset.done $0x0  }
0x15: {  	[sflag:s11] =	ssyncadd.s32 $0xFFFFF940  }
0x16: {  	[tilespmem:s13], [sflag:$0x1] =	stream.indirect.gather [hbm4b:s1+s12], $0x80, s3, s12, $0xb8;
	[tilespmem:$0x4700] =	vst v63  }
0x17: {  	_ = 	snop  }
0x18: {  	[tilespmem:s14], [sflag:$0x2] =	stream.indirect.gather [hbm4b:s1+s12], $0x80, s12, s12, $0xb8;
	[tilespmem:$0x4700] =	vst v63  }
0x19: {  	_ =	swait.ge [sflag:s15], $0x2000  }
0x1a: {  	[sflag:s15] =	ssyncset.done $0x0  }
0x1b: {  	s21 =	sadd.s32 $0x0, s10;
	[sflag:s15] =	ssyncadd.s32 $0xFFFFE000  }
0x1c: {  	[hbm4b:s21+s3] =	stream.linear.scatter [tilespmem:s13], [sflag:$0x3], $0x2000, $0x38;
	[tilespmem:$0x4700] =	vst v63  }
0x1d: {  	_ =	swait.ge [sflag:s16], $0x2000  }
0x1e: {  	[sflag:s16] =	ssyncset.done $0x0  }
0x1f: {  	s30 =	sadd.s32 $0x0, s9;
	[sflag:s16] =	ssyncadd.s32 $0xFFFFE000  }
0x20: {  	[hbm4b:s30+s3] =	stream.linear.scatter [tilespmem:s14], [sflag:$0x4], $0x2000, $0x38;
	[tilespmem:$0x4700] =	vst v63  }
0x21: {  	_ =	swait.ge [sflag:s17], $0x2000  }
0x22: {  	[sflag:s17] =	ssyncset.done $0x0  }
0x23: {  	s31 =	simm.s32 $0x80;
	[sflag:s17] =	ssyncadd.s32 $0xFFFFE000  }
0x24: {  	[tilespmem:s13], [sflag:$0x1] =	stream.indirect.gather [hbm4b:s1+s12], $0x80, s31, s12, $0xb8;
	[tilespmem:$0x4700] =	vst v63  }
0x25: {  	_ =	swait.ge [sflag:s18], $0x2000  }
0x26: {  	s22 =	simm.s32 $0x800;
	[sflag:s18] =	ssyncset.done $0x0  }
0x27: {  	s23 =	simm.s32 $0x140;
	s21 =	simm.s32 $0xC0;
	[sflag:s18] =	ssyncadd.s32 $0xFFFFE000  }
.LBB2_2:
0x28: {  	[tilespmem:s14], [sflag:$0x2] =	stream.indirect.gather [hbm4b:s1+s12], $0x80, s21, s12, $0xb8;
	[tilespmem:$0x4700] =	vst v63  }
0x29: {  	s24 =	smov.u32 s22;
	s21 =	smov.u32 s23  }
0x2a: {  	p0 =	sne.s32 s22, $0x5800;
	s22 =	sadd.s32 $0x800, s22;
	_ =	swait.ge [sflag:s15], $0x2000  }
0x2b: {  	[sflag:s15] =	ssyncset.done $0x0  }
0x2c: {  	s25 =	sadd.s32 s24, s10;
	[sflag:s15] =	ssyncadd.s32 $0xFFFFE000  }
0x2d: {  	[hbm4b:s25+s3] =	stream.linear.scatter [tilespmem:s13], [sflag:$0x3], $0x2000, $0x38;
	[tilespmem:$0x4700] =	vst v63  }
0x2e: {  	_ =	swait.ge [sflag:s16], $0x2000  }
0x2f: {  	[sflag:s16] =	ssyncset.done $0x0  }
0x30: {  	s24 =	sadd.s32 s24, s9;
	[sflag:s16] =	ssyncadd.s32 $0xFFFFE000  }
0x31: {  	[hbm4b:s24+s3] =	stream.linear.scatter [tilespmem:s14], [sflag:$0x4], $0x2000, $0x38;
	[tilespmem:$0x4700] =	vst v63  }
0x32: {  	_ =	swait.ge [sflag:s17], $0x2000  }
0x33: {  	[sflag:s17] =	ssyncset.done $0x0  }
.Ltmp0:
0x34: {  	s24 =	sadd.s32 $0xFFFFFFC0, s23;
	[sflag:s17] =	ssyncadd.s32 $0xFFFFE000;
	(pc) =	sbr.rel @p0 .LBB2_2-.Ltmp0, $4  }
0x35: {  	[tilespmem:s13], [sflag:$0x1] =	stream.indirect.gather [hbm4b:s1+s12], $0x80, s24, s12, $0xb8;
	[tilespmem:$0x4700] =	vst v63  }
0x36: {  	_ =	swait.ge [sflag:s18], $0x2000  }
0x37: {  	[sflag:s18] =	ssyncset.done $0x0  }
0x38: {  	s23 =	sadd.s32 $0x80, s23;
	[sflag:s18] =	ssyncadd.s32 $0xFFFFE000  }
0x39: {  	[tilespmem:s14], [sflag:$0x2] =	stream.indirect.gather [hbm4b:s1+s12], $0x80, s21, s12, $0xb8;
	[tilespmem:$0x4700] =	vst v63  }
0x3a: {  	_ =	swait.ge [sflag:s15], $0x2000  }
0x3b: {  	[sflag:s15] =	ssyncset.done $0x0  }
0x3c: {  	[sflag:s15] =	ssyncadd.s32 $0xFFFFE000  }
0x3d: {  	[hbm4b:s7+s3] =	stream.linear.scatter [tilespmem:s13], [sflag:$0x3], $0x2000, $0x38;
	[tilespmem:$0x4700] =	vst v63  }
0x3e: {  	_ =	swait.ge [sflag:s16], $0x2000  }
0x3f: {  	[sflag:s16] =	ssyncset.done $0x0  }
0x40: {  	[sflag:s16] =	ssyncadd.s32 $0xFFFFE000  }
0x41: {  	[hbm4b:s8+s3] =	stream.linear.scatter [tilespmem:s14], [sflag:$0x4], $0x2000, $0x38;
	[tilespmem:$0x4700] =	vst v63  }
0x42: {  	_ =	swait.ge [sflag:s17], $0x2000  }
0x43: {  	[sflag:s17] =	ssyncset.done $0x0  }
0x44: {  	[sflag:s17] =	ssyncadd.s32 $0xFFFFE000  }
0x45: {  	_ =	swait.ge [sflag:s18], $0x2000  }
0x46: {  	[sflag:s18] =	ssyncset.done $0x0  }
0x47: {  	[sflag:s18] =	ssyncadd.s32 $0xFFFFE000  }
0x48: {  	[tilespmem:s13], [sflag:$0x1] =	stream.indirect.gather [hbm4b:s1+s12], $0x80, s19, s12, $0xb8;
	[tilespmem:$0x4700] =	vst v63  }
0x49: {  	s20 =	sadd.s32 $0x1, s20;
	_ =	swait.ge [sflag:s15], $0x2000  }
0x4a: {  	p0 =	sne.s32 s20, s6;
	[sflag:s15] =	ssyncset.done $0x0  }
.Ltmp1:
0x4b: {  	[sflag:s15] =	ssyncadd.s32 $0xFFFFE000;
	(pc) =	sbr.rel @p0 .LBB2_1-.Ltmp1, $4  }
0x4c: {  	[hbm4b:s5+s3] =	stream.linear.scatter [tilespmem:s13], [sflag:$0x3], $0x2000, $0x38;
	[tilespmem:$0x4700] =	vst v63  }
0x4d: {  	_ =	swait.ge [sflag:s17], $0x2000  }
0x4e: {  	[sflag:s17] =	ssyncset.done $0x0  }
0x4f: {  	[sflag:s17] =	ssyncadd.s32 $0xFFFFE000  }
0x50: {  	_ =	sfence.sel $0x180000  }
0x51: {  	[bflag:$0x0] =	sbarrier.arrive $0xFFFF  }
0x52: {  	p0 =	sne.s32 s0, $0x0;
	_ =	strace $0x90000047  }
0x53: {  	s0 =	sadd.s32 @!p0 $0x100000, s2;
	[bflag:$0x2] =	sbarrier.arrive $0xFFFF  }
0x54: {  	[sflag:s0] =	ssyncadd.tile.s32 @!p0 $0x1;
	_ =	shalt  }
.Lfunc_end2:
_tile_overlayer_lowered:
.L_overlay_start_2:
0x55: {  	(tag) =	ssettag $0x2  }
0x56: {  	s0 =	rddreg [dreg:$0x0];
	s2 =	stileid.u32  }
0x57: {  	s1 =	rddreg [dreg:$0x1];
	p0 =	sne.s32 s2, $0x0  }
0x58: {  	s3 =	rddreg [dreg:$0x2];
	[bflag:$0x3] =	sbarrier.arrive $0xFFFF;
	s2 =	simm.s32 @!p0 $0x1C05  }
0x59: {  	[timem:s3], [sflag:s2] =	dma.local @!p0 [hbm:s0], s1  }
0x5a: {  	s0 =	simm.s32 @!p0 $0x5  }
0x5b: {  	_ =	swait.ge @!p0 [sflag:s0], s1  }
0x5c: {  	s1 =	ssub.s32 @!p0 $0x0, s1;
	[sflag:s0] =	ssyncset.done @!p0 $0x0  }
0x5d: {  	[sflag:s0] =	ssyncadd.s32 @!p0 s1  }
0x5e: {  	[bflag:$0x3] =	sbarrier.arrive $0xFFFF  }
0x5f: {  	_ =	shalt  }

// kernel: kernel.24.cloned.1.call-start
scs
__scs_entry_jumppad:
0x0: {  	(pc) =	sbr.rel $0x88, $3  }
0x1: {  	(tag) =	ssettag $0x0;
	lr =	simm.s32 $0x1  }
0x2: {  	[smem:$0x3F9E] =	sst lr;
	_ =	strace $0xD0000000  }
0x3: {  	_ = 	snop  }
0x4: {  	_ = 	snop  }
0x5: {  	_ = 	snop  }
0x6: {  	_ = 	snop  }
0x7: {  	_ = 	snop  }
__scs_overlays_trampoline_lowered:
0x8: {  	[smem:$0x3FAD] =	sst s0  }
0x9: {  	[smem:$0x3FAE] =	sst s1  }
0xa: {  	[smem:$0x3FAF] =	sst s2  }
0xb: {  	[smem:$0x3FB0] =	sst s3  }
0xc: {  	[smem:$0x3FB1] =	sst s4  }
0xd: {  	[smem:$0x3FB2] =	sst s5  }
0xe: {  	[smem:$0x3FB3] =	sst s6  }
0xf: {  	[smem:$0x3FB4] =	sst s7  }
0x10: {  	[smem:$0x3FB5] =	sst s8  }
0x11: {  	[smem:$0x3FB6] =	sst s9;
	s0 =	simm.s32 @!p0 $0x0  }
0x12: {  	s1 =	sld [smem:$0x3F9C];
	s0 =	simm.s32 @p0 $0x1  }
0x13: {  	[smem:$0x3FB7] =	sst s0;
	s0 =	simm.s32 @!p1 $0x0  }
0x14: {  	s2 =	sld [smem:$0x3F9B];
	s0 =	simm.s32 @p1 $0x1  }
0x15: {  	[smem:$0x3FB8] =	sst s0;
	s0 =	simm.s32 @!p2 $0x0  }
0x16: {  	s3 =	sld [smem:$0x3FDB];
	s0 =	simm.s32 @p2 $0x1  }
0x17: {  	s4 =	simm.s32 $0x1BF5;
	[smem:$0x3FBA] =	sst s0  }
0x18: {  	s0 =	sld [smem:$0x3F9D];
	_ =	swait.ge [sflag:s4], $0x0  }
0x19: {  	s7 =	sld [smem:$0x3F9E]  }
0x1a: {  	s8 =	sadd.s32 $0xFFFFE003, lr  }
0x1b: {  	s9 =	sadd.s32 $0xFFFFFEF7, lr;
	s5 =	simm.s32 $0xFFFFFFFF;
	p2 =	slt.u32 s8, $0xFFFFF086  }
0x1c: {  	p1 =	slt.u32 s9, $0xF7A;
	s5 =	simm.s32 @!p2 $0x0  }
0x1d: {  	s5 =	simm.s32 @p1 $0x1;
	p0 =	seq.s32 s7, s2  }
0x1e: {  	s7 =	smul.u32 @!p0 $0xF7A, s2;
	p2 =	seq.s32 @!p0 s5, $0x0  }
0x1f: {  	s9 =	smul.u32 $0xF7A, s1;
	s8 =	simm.s32 @!p0 $0x1BF5;
	p2 =	por !p2, p0  }
0x20: {  	[sflag:s8] =	ssyncset.s32 @!p0 $0xFFFFF086;
	s6 =	sadd.s32 @!p0 s3, s7;
	s7 =	simm.s32 @!p0 $0x108  }
0x21: {  	s3 =	sadd.s32 s3, s9;
	s6 =	sadd.s32 @!p0 $0x88, s6;
	s7 =	simm.s32 @p2 $0x1082  }
0x22: {  	[simem:s7], [sflag:s8] =	dma.local @!p0 [hbm:s6], $0xF7A  }
0x23: {  	s9 =	sor.u32 $0xD0000000, s2;
	s6 =	simm.s32 $0x108;
	_ =	swait.ge @!p0 [sflag:s8], $0x0  }
0x24: {  	s3 =	sadd.s32 $0x88, s3;
	s6 =	simm.s32 @!p1 $0x1082;
	[sflag:s4] =	ssyncset.s32 $0xFFFFF086  }
0x25: {  	[simem:s6], [sflag:s4] =	dma.local [hbm:s3], $0xF7A  }
0x26: {  	[smem:$0x3F9E] =	sst s1;
	(tag) =	ssettag s2;
	_ =	strace s9  }
0x27: {  	s1 =	sld [smem:$0x3FAE]  }
0x28: {  	s2 =	sld [smem:$0x3FAF]  }
0x29: {  	s4 =	sld [smem:$0x3FB1]  }
0x2a: {  	p0 =	seq.s32 s5, $0x0;
	s5 =	sld [smem:$0x3FB2]  }
0x2b: {  	s6 =	sld [smem:$0x3FB3]  }
0x2c: {  	s7 =	sld [smem:$0x3FB4]  }
0x2d: {  	s3 =	simm.s32 $0x108;
	s8 =	sld [smem:$0x3FB5]  }
0x2e: {  	s3 =	simm.s32 @!p0 $0x1082;
	s9 =	sld [smem:$0x3FB6]  }
0x2f: {  	lr =	sadd.s32 s0, s3;
	s0 =	sld [smem:$0x3FAD]  }
0x30: {  	s3 =	sld [smem:$0x3FB0]  }
0x31: {  	[smem:$0x3FB9] =	sst s10  }
0x32: {  	s10 =	sld [smem:$0x3FB7];
	_ =	sdelay $0x3  }
0x33: {  	p0 =	seq.s32 s10, $0x1;
	s10 =	sld [smem:$0x3FB9];
	_ =	sdelay $0x3  }
0x34: {  	[smem:$0x3FB9] =	sst s10  }
0x35: {  	s10 =	sld [smem:$0x3FB8];
	_ =	sdelay $0x3  }
0x36: {  	p1 =	seq.s32 s10, $0x1;
	s10 =	sld [smem:$0x3FB9];
	_ =	sdelay $0x3  }
0x37: {  	[smem:$0x3FB9] =	sst s10  }
0x38: {  	s10 =	sld [smem:$0x3FBA]  }
0x39: {  	_ = 	snop;
	(pc) =	sbr.ind lr, $3  }
0x3a: {  	_ = 	snop  }
0x3b: {  	_ = 	snop  }
0x3c: {  	p2 =	seq.s32 s10, $0x1;
	s10 =	sld [smem:$0x3FB9]  }
0x3d: {  	_ =	shalt  }
0x3e: {  	_ =	shalt  }
0x3f: {  	_ =	shalt  }
0x40: {  	_ =	shalt  }
0x41: {  	_ =	shalt  }
0x42: {  	_ =	shalt  }
0x43: {  	_ =	shalt  }
0x44: {  	_ =	shalt  }
0x45: {  	_ =	shalt  }
0x46: {  	_ =	shalt  }
0x47: {  	_ =	shalt  }
0x48: {  	_ =	shalt  }
0x49: {  	_ =	shalt  }
0x4a: {  	_ =	shalt  }
0x4b: {  	_ =	shalt  }
0x4c: {  	_ =	shalt  }
0x4d: {  	_ =	shalt  }
0x4e: {  	_ =	shalt  }
0x4f: {  	_ =	shalt  }
0x50: {  	_ =	shalt  }
0x51: {  	_ =	shalt  }
0x52: {  	_ =	shalt  }
0x53: {  	_ =	shalt  }
0x54: {  	_ =	shalt  }
0x55: {  	_ =	shalt  }
0x56: {  	_ =	shalt  }
0x57: {  	_ =	shalt  }
0x58: {  	_ =	shalt  }
0x59: {  	_ =	shalt  }
0x5a: {  	_ =	shalt  }
0x5b: {  	_ =	shalt  }
0x5c: {  	_ =	shalt  }
0x5d: {  	_ =	shalt  }
0x5e: {  	_ =	shalt  }
0x5f: {  	_ =	shalt  }
0x60: {  	_ =	shalt  }
0x61: {  	_ =	shalt  }
0x62: {  	_ =	shalt  }
0x63: {  	_ =	shalt  }
0x64: {  	_ =	shalt  }
0x65: {  	_ =	shalt  }
0x66: {  	_ =	shalt  }
0x67: {  	_ =	shalt  }
0x68: {  	_ =	shalt  }
0x69: {  	_ =	shalt  }
0x6a: {  	_ =	shalt  }
0x6b: {  	_ =	shalt  }
0x6c: {  	_ =	shalt  }
0x6d: {  	_ =	shalt  }
0x6e: {  	_ =	shalt  }
0x6f: {  	_ =	shalt  }
0x70: {  	_ =	shalt  }
0x71: {  	_ =	shalt  }
0x72: {  	_ =	shalt  }
0x73: {  	_ =	shalt  }
0x74: {  	_ =	shalt  }
0x75: {  	_ =	shalt  }
0x76: {  	_ =	shalt  }
0x77: {  	_ =	shalt  }
0x78: {  	_ =	shalt  }
0x79: {  	_ =	shalt  }
0x7a: {  	_ =	shalt  }
0x7b: {  	_ =	shalt  }
0x7c: {  	_ =	shalt  }
0x7d: {  	_ =	shalt  }
0x7e: {  	_ =	shalt  }
0x7f: {  	_ =	shalt  }
0x80: {  	_ =	shalt  }
0x81: {  	_ =	shalt  }
0x82: {  	_ =	shalt  }
0x83: {  	_ =	shalt  }
0x84: {  	_ =	shalt  }
0x85: {  	_ =	shalt  }
0x86: {  	_ =	shalt  }
0x87: {  	_ =	shalt  }
.Lfunc_end0:
.L_simem_size_0:
called_computation.4_lowered:
.L_overlay_start_0:
0x88: {  	s2 =	sld [smem:$0x3FD9]  }
0x89: {  	s3 =	sld [smem:$0x3FFE];
	_ =	sdelay $0x1  }
0x8a: {  	s1 =	srdreg.scid  }
0x8b: {  	s0 =	sand.u32 $0x1, s1  }
0x8c: {  	s17 =	sshll.u32 s0, $0xA;
	s2 =	sadd.s32 s3, s2  }
0x8d: {  	s2 =	sadd.s32 s2, s17  }
0x8e: {  	[smem:$0x3FC5] =	sst s2  }
0x8f: {  	_ = 	snop  }
0x90: {  	s2 =	sld [smem:$0x3FD0];
	(tm) =	ssettm $0x1  }
0x91: {  	s18 =	sld [smem:$0x3FFB];
	_ =	sdelay $0x3  }
0x92: {  	_ =	strace s18  }
0x93: {  	s3 =	sld [smem:$0x3FFC];
	_ =	sdelay $0x3  }
0x94: {  	_ =	strace s3  }
0x95: {  	s3 =	sld [smem:$0x3FFD];
	_ =	sdelay $0x3  }
0x96: {  	_ =	strace s3  }
0x97: {  	_ =	strace $0x8FFFFFFF  }
0x98: {  	s19 =	sld [smem:$0x3FDB];
	_ =	sdelay $0x1  }
0x99: {  	s4 =	simm.s32 $_scs_section_size  }
0x9a: {  	s5 =	simm.s32 $_size__tile_overlayer_lowered;
	s6 =	simm.s32 $_tile_overlayer_lowered  }
0x9b: {  	s22 =	simm.s32 $0x1BFF;
	s21 =	sshll.u32 s6, $0x1;
	s3 =	sadd.s32 s4, s19  }
0x9c: {  	s7 =	simm.s32 $0x0;
	s20 =	sshll.u32 s5, $0x1;
	s5 =	sadd.s32 s21, s3  }
0x9d: {  	[timem:s7], [sflag:s22] =	dma.local [hbm:s5], s20  }
0x9e: {  	_ =	swait.ge [sflag:s22], s20  }
0x9f: {  	s4 =	ssub.s32 $0x0, s20;
	[sflag:s22] =	ssyncset.done $0x0  }
0xa0: {  	[sflag:s22] =	ssyncadd.s32 s4;
	_ =	sdelay $0x1  }
0xa1: {  	s23 =	simm.s32 $0x1B8B  }
0xa2: {  	_ =	swait.ge [sflag:s23], $0x1  }
0xa3: {  	[sflag:s23] =	ssyncset.done $0x0  }
0xa4: {  	s25 =	simm.s32 $0x1B8E;
	s24 =	sld [smem:$0x3FFE];
	[sflag:s23] =	ssyncadd.s32 $0xFFFFFFFF  }
0xa5: {  	s26 =	simm.s32 $execute0_lowered;
	[smem:$0x3FD2] =	sst s25  }
0xa6: {  	s5 =	sshll.u32 s26, $0x1;
	_ =	strace $0x80000052;
	[dreg:$0x1] =	wrdreg $0xFFFFFFFF  }
0xa7: {  	s28 =	simm.s32 $_size_execute0_lowered;
	s3 =	sadd.s32 s3, s5;
	[dreg:$0x0] =	wrdreg $0x0  }
0xa8: {  	s5 =	sshll.u32 s28, $0x1;
	[dreg:$0x2] =	wrdreg s3  }
0xa9: {  	[dreg:$0x3] =	wrdreg s5  }
0xaa: {  	[dreg:$0x4] =	wrdreg $0xC0  }
0xab: {  	_ =	task [dreg:s7], $0x5FFFF  }
0xac: {  	[dreg:$0x1] =	wrdreg $0xFFFFFFFF  }
0xad: {  	[dreg:$0x0] =	wrdreg $0x60  }
0xae: {  	[dreg:$0x2] =	wrdreg s24  }
0xaf: {  	[dreg:$0x3] =	wrdreg s2  }
0xb0: {  	[dreg:$0x4] =	wrdreg $0x77000  }
0xb1: {  	[dreg:$0x5] =	wrdreg $0x9  }
0xb2: {  	_ =	task.clear_ibuf [dreg:s7], $0x6FFFF;
	_ =	strace $0x90000052  }
0xb3: {  	s29 =	simm.s32 $0x9;
	_ =	strace $0x80000054  }
0xb4: {  	_ =	swait.ge [sflag:s29], $0x1  }
0xb5: {  	[sflag:s29] =	ssyncadd.s32 $0xFFFFFFFF  }
0xb6: {  	_ =	strace $0x90000054  }
0xb7: {  	_ =	sfence  }
0xb8: {  	s30 =	sld [smem:$0x0];
	_ =	sdelay $0x2  }
0xb9: {  	s31 =	sshll.u32 s1, $0xD;
	s1 =	sshrl.u32 s1, $0x2  }
0xba: {  	s3 =	sand.u32 $0x4000, s31;
	s1 =	sadd.s32 s1, s30  }
0xbb: {  	s0 =	sor.u32 s3, s0;
	s1 =	sshll.u32 s1, $0x11  }
0xbc: {  	s0 =	sor.u32 s1, s0  }
0xbd: {  	s0 =	sadd.s32 $0x8F2B, s0  }
0xbe: {  	[sflag:s0] =	ssyncadd.remote.s32 $0x1  }
0xbf: {  	_ =	sfence.sel $0xFFFF  }
0xc0: {  	[dreg:$0x0] =	wrdreg $0xFFFFFFFF;
	(pc) =	sbr.abs _section_cstart, $3  }
0xc1: {  	[dreg:$0x1] =	wrdreg $0xFFFFFFFF  }
0xc2: {  	_ =	task.clear_ibuf [dreg:s7], $0x2FFFF;
	_ =	strace $0x9FFFFFFF  }
0xc3: {  	(tm) =	ssettm $0x7FFFFFFF  }
tec
execute0_lowered:
.L_overlay_start_1:
0x0: {  	(tag) =	ssettag $0x1  }
0x1: {  	s0 =	rddreg [dreg:$0x0]  }
0x2: {  	s11 =	rddreg [dreg:$0x1]  }
0x3: {  	s1 =	rddreg [dreg:$0x2];
	s2 =	simm.s32 $0x0;
	s3 =	srdreg.scid  }
0x4: {  	s6 =	stileid.u32;
	s28 =	simm.s32 $0x700;
	[smem:$0x7FF] =	sst s2  }
0x5: {  	s5 =	sand.u32 $0x1, s3;
	s24 =	sadd.s32 $0x1BDA00, s0;
	s4 =	sadd.s32 $0xE5A00, s0  }
0x6: {  	s12 =	sadd.s32 $0xDA00, s0;
	s7 =	sadd.s32 $0x36DA00, s0;
	s8 =	smul.u32 $0x3600, s6  }
0x7: {  	s16 =	sand.u32 $0x3, s6;
	s10 =	sadd.s32 $0x1A00, s0;
	s3 =	smul.u32 $0x61C0, s5  }
0x8: {  	p0 =	seq.s32 s6, $0x0;
	s19 =	sadd.s32 $0x186000, s1;
	p4 =	seq.s32 s6, $0x2  }
0x9: {  	p1 =	seq.s32 s6, $0x3;
	s14 =	smul.u32 $0x30E000, s5;
	s9 =	ssub.s32 $0x9270, s3  }
0xa: {  	p2 =	seq.s32 s6, $0x4;
	s18 =	smul.u32 $0x3600, s16;
	s9 =	smin.u32 s9, $0x30E0  }
0xb: {  	p3 =	seq.s32 s6, $0x5;
	s13 =	ssub.s32 $0x2, s5;
	s17 =	smul.u32 $0x2AAB, s9  }
0xc: {  	_ =	strace $0x80000053;
	s5 =	smul.u32 $0x61C00, s5;
	s15 =	sshrl.u32 s13, $0x1  }
0xd: {  	s0 =	ssub.s32 s13, s15;
	s20 =	sshrl.u32 s14, $0x3;
	s21 =	sshrl.u32 s17, $0x14  }
0xe: {  	s13 =	sadd.s32 s11, s20;
	s0 =	smax.u32 s0, $0x1;
	s14 =	smul.u32 $0x60, s21  }
0xf: {  	s16 =	sshrl.u32 s6, $0x2;
	s13 =	sadd.s32 $0x30D00, s13;
	[dreg:$0x7] =	wrdreg s0  }
0x10: {  	[dreg:$0x4] =	wrdreg s13;
	s13 =	sadd.s32 s5, s11;
	s22 =	ssub.s32 s9, s14  }
0x11: {  	s5 =	sadd.s32 $0x30E0, s3;
	s17 =	sadd.s32 $0x186800, s1;
	s25 =	sand.u32 $0xFFF0, s22  }
0x12: {  	s23 =	sadd.s32 $0x30C00, s13;
	s31 =	sadd.s32 $0x30E00, s13;
	s20 =	ssub.s32 s9, s25  }
0x13: {  	[dreg:$0x5] =	wrdreg s23;
	p5 =	sne.s32 s25, $0x0;
	s26 =	sadd.s32 s5, s20  }
0x14: {  	s21 =	sadd.s32 $0x30, s20;
	p5 =	por !p0, !p5;
	s30 =	sadd.s32 $0x40, s20  }
0x15: {  	s22 =	sadd.s32 $0x60, s20;
	s23 =	sadd.s32 $0x50, s20;
	s25 =	sshll.u32 s20, $0x7  }
0x16: {  	s20 =	sadd.s32 $0x20, s20;
	s29 =	sshll.u32 s26, $0x4;
	p6 =	sle.u32 s21, s9  }
0x17: {  	p5 =	por !p5, !p5;
	s14 =	sshll.u32 s23, $0x7;
	s21 =	sshll.u32 s21, $0x7  }
0x18: {  	s26 =	sshrl.u32 s17, $0x3;
	s15 =	sadd.s32 s11, s29;
	p0 =	por !p4, !p6  }
0x19: {  	p4 =	sle.u32 s30, s9;
	p6 =	sle.u32 s22, s9;
	s22 =	simm.s32 @!p5 $0x0  }
0x1a: {  	s14 =	sadd.s32 s14, s1;
	s11 =	sshll.u32 s30, $0x7;
	s21 =	sadd.s32 s21, s1  }
0x1b: {  	[dreg:$0x8] =	wrdreg s26;
	s22 =	simm.s32 @p5 $0x1;
	p4 =	por !p1, !p4  }
0x1c: {  	p5 =	sle.u32 s23, s9;
	p6 =	por !p3, !p6;
	p1 =	sgt.s32 s16, $0x1  }
0x1d: {  	p0 =	por !p0, !p0;
	s11 =	sadd.s32 s11, s1;
	s30 =	sshrl.u32 s21, $0x3  }
0x1e: {  	s21 =	sshrl.u32 s19, $0x3;
	s23 =	sadd.s32 $0x100, s15;
	[smem:$0x7F6] =	sst s22  }
0x1f: {  	s26 =	sadd.s32 $0x400, s15;
	p5 =	por !p2, !p5;
	[dreg:$0xa] =	wrdreg s30  }
0x20: {  	p2 =	seq.s32 @p1 s16, $0x2;
	p3 =	seq.s32 @!p1 s16, $0x0;
	[dreg:$0xd] =	wrdreg s21  }
0x21: {  	s16 =	sadd.s32 s25, s1;
	s22 =	simm.s32 @!p0 $0x0;
	[dreg:$0xf] =	wrdreg s23  }
0x22: {  	s17 =	sshrl.u32 s11, $0x3;
	s25 =	sadd.s32 $0x500, s15;
	[dreg:$0x11] =	wrdreg s26  }
0x23: {  	s30 =	sadd.s32 $0x200, s15;
	s22 =	simm.s32 @p0 $0x1;
	p0 =	por !p4, !p4  }
0x24: {  	s26 =	simm.s32 $0x1;
	[smem:$0x7F7] =	sst s22;
	s22 =	simm.s32 @!p0 $0x0  }
0x25: {  	[dreg:$0xb] =	wrdreg s17;
	s22 =	simm.s32 @p0 $0x1;
	p0 =	por !p5, !p5  }
0x26: {  	s21 =	simm.s32 $0x2;
	[smem:$0x7F8] =	sst s22;
	s22 =	simm.s32 @!p0 $0x0  }
0x27: {  	[dreg:$0x6] =	wrdreg s16;
	s22 =	simm.s32 @p0 $0x1;
	p0 =	por !p6, !p6  }
0x28: {  	p4 =	por !p3, p1;
	[smem:$0x7F9] =	sst s22;
	s22 =	simm.s32 @!p0 $0x0  }
0x29: {  	[dreg:$0x10] =	wrdreg s25;
	s22 =	simm.s32 @p0 $0x1;
	p0 =	sle.u32 s20, s9  }
0x2a: {  	s20 =	sshll.u32 s20, $0x7;
	[smem:$0x7FA] =	sst s22;
	s22 =	simm.s32 @!p0 $0x0  }
0x2b: {  	[dreg:$0x13] =	wrdreg s30;
	s20 =	sadd.s32 s20, s1;
	s22 =	simm.s32 @p0 $0x1  }
0x2c: {  	p5 =	por !p2, !p1;
	s29 =	sshrl.u32 s20, $0x3;
	[smem:$0x7FB] =	sst s22  }
0x2d: {  	s20 =	sshrl.u32 s14, $0x3;
	p0 =	seq.s32 s6, $0x1;
	[dreg:$0x9] =	wrdreg s29  }
0x2e: {  	[dreg:$0xc] =	wrdreg s20;
	s0 =	simm.s32 @!p0 $0x0;
	s22 =	sadd.s32 $0x800, s16  }
0x2f: {  	s0 =	simm.s32 @p0 $0x1;
	p0 =	sne.s32 s6, $0x0;
	[dreg:$0xe] =	wrdreg s22  }
0x30: {  	s29 =	sadd.s32 $0x300, s15;
	[smem:$0x7FC] =	sst s0;
	s0 =	simm.s32 @!p0 $0x0  }
0x31: {  	v3 =	vimm.f32 $0.0e+00;
	v4 =	vlaneseq.u32;
	v5 =	vimm.s32 $0x0;
	s20 =	simm.s32 $0x1F00;
	[dreg:$0x12] =	wrdreg s29;
	s0 =	simm.s32 @p0 $0x1  }
0x32: {  	v0 =	vmov s3;
	v2 =	vmov s9;
	v1 =	vmov s5;
	s22 =	simm.s32 $0x3700;
	[smem:$0x7FD] =	sst s0;
	s0 =	simm.s32 $0x80  }
.LBB2_1:
0x33: {  	s3 =	simm.s32 $0x0;
	s5 =	simm.s32 $0x200  }
.LBB2_2:
0x34: {  	p0 =	sne.s32 s5, $0xFE00;
	[tilespmem:s3+$0x3770] =	vst v3  }
0x35: {  	[tilespmem:s3+$0x3700] =	vst v3  }
0x36: {  	[tilespmem:s3+$0x3710] =	vst v3  }
.Ltmp0:
0x37: {  	[tilespmem:s3+$0x3720] =	vst v3;
	(pc) =	sbr.rel @p0 .LBB2_2-.Ltmp0, $4  }
0x38: {  	[tilespmem:s3+$0x3730] =	vst v3  }
0x39: {  	[tilespmem:s3+$0x3740] =	vst v3  }
0x3a: {  	[tilespmem:s3+$0x3750] =	vst v3  }
0x3b: {  	[tilespmem:s3+$0x3760] =	vst v3;
	s3 =	sshra.s32 s5, $0x2;
	s5 =	sadd.s32 $0x200, s5  }
0x3c: {  	[tilespmem:s3+$0x3770] =	vst v3  }
0x3d: {  	[tilespmem:s3+$0x3700] =	vst v3  }
0x3e: {  	[tilespmem:s3+$0x3710] =	vst v3  }
0x3f: {  	[tilespmem:s3+$0x3720] =	vst v3  }
0x40: {  	[tilespmem:s3+$0x3730] =	vst v3;
	s5 =	simm.s32 $0x0  }
0x41: {  	[tilespmem:s3+$0x3740] =	vst v3;
	s5 =	sand.u32 $0xF, s5  }
0x42: {  	[tilespmem:s3+$0x3750] =	vst v3;
	p2 =	sne.s32 s5, s6  }
0x43: {  	[tilespmem:s3+$0x3760] =	vst v3;
	s3 =	simm.s32 @!p2 $0x3700;
	s14 =	simm.s32 @!p2 $0x2  }
0x44: {  	[spmem:s1] =	stream.linear.scatter @!p2 [tilespmem:s3], [sflag:$0x2], $0x4000, $0x38;
	[tilespmem:$0x1FF00] =	vst v63  }
0x45: {  	s11 =	simm.s32 $0x2;
	_ =	swait.ge @!p2 [sflag:s14], $0x4000  }
0x46: {  	s5 =	simm.s32 $0x1;
	s3 =	sadd.s32 $0x4000, s1;
	[sflag:s14] =	ssyncset.done @!p2 $0x0  }
.LBB2_4:
0x47: {  	s17 =	sand.u32 $0xF, s5;
	s5 =	smov.u32 s11;
	s11 =	sadd.s32 $0x1, s11  }
0x48: {  	[sflag:s14] =	ssyncadd.s32 @!p2 $0xFFFFC000;
	p0 =	sne.s32 s11, $0x62  }
.Ltmp1:
0x49: {  	p2 =	sne.s32 s17, s6;
	(pc) =	sbr.rel @p0 .LBB2_4-.Ltmp1, $4  }
0x4a: {  	s17 =	simm.s32 @!p2 $0x3700;
	s14 =	simm.s32 @!p2 $0x2  }
0x4b: {  	[spmem:s3] =	stream.linear.scatter @!p2 [tilespmem:s17], [sflag:$0x2], $0x4000, $0x38;
	[tilespmem:$0x1FF00] =	vst v63  }
0x4c: {  	_ =	swait.ge @!p2 [sflag:s14], $0x4000  }
0x4d: {  	s3 =	sadd.s32 $0x4000, s3;
	[sflag:s14] =	ssyncset.done @!p2 $0x0  }
0x4e: {  	s5 =	sand.u32 $0xF, s5  }
0x4f: {  	p0 =	sne.s32 s5, s6  }
0x50: {  	[sflag:s14] =	ssyncadd.s32 @!p2 $0xFFFFC000;
	s5 =	simm.s32 @!p0 $0x3700;
	s11 =	simm.s32 @!p0 $0x2  }
0x51: {  	[spmem:s3] =	stream.linear.scatter @!p0 [tilespmem:s5], [sflag:$0x2], $0x4000, $0x38;
	[tilespmem:$0x1FF00] =	vst v63  }
0x52: {  	_ =	swait.ge @!p0 [sflag:s11], $0x4000  }
0x53: {  	[sflag:s11] =	ssyncset.done @!p0 $0x0  }
0x54: {  	[sflag:s11] =	ssyncadd.s32 @!p0 $0xFFFFC000  }
0x55: {  	v6 =	vimm.s32 $0x0;
	s14 =	smov.u32 s18;
	s11 =	simm.s32 $0x0;
	[bflag:$0x0] =	sbarrier.arrive $0xFFFF  }
.LBB2_6:
0x56: {  	v7 =	vxor.u32 $0x80000000, v6  }
0x57: {  	(xrf0) =	vmax.scan.msk.u32 $0xffff, v7;
	_ =	sdelay $0x5  }
0x58: {  	v7, _, _ =	vpop (xrf0)  }
0x59: {  	(v2sf) =	vpush v7, $0xF;
	_ =	sdelay $0xe  }
0x5a: {  	s3 =	spop (v2sf)  }
0x5b: {  	s23 =	sadd.s32 $0x800006C0, s3  }
0x5c: {  	p0 =	slt.s32 s23, $0x1481  }
.Ltmp2:
0x5d: {  	_ = 	snop;
	(pc) =	sbr.rel @p0 .LBB2_9-.Ltmp2, $3  }
0x5e: {  	_ =	sdelay $0x1  }
0x5f: {  	s5 =	smov.u32 s12;
	s29 =	smov.u32 s24  }
0x60: {  	s5 =	smov.u32 @p5 s7;
	s29 =	smov.u32 @p4 s4  }
0x61: {  	s30 =	sand.u32 $0x7FFFFFFF, s3;
	s3 =	sadd.s32 $0x8000007F, s3  }
0x62: {  	s25 =	sand.u32 $0xFFFFFF80, s3;
	v7 =	vadd.s32 s30, v4  }
0x63: {  	s17 =	sadd.s32 $0x10, s30;
	vm0 =	vlt.s32 v7, s25  }
0x64: {  	v8 =	vadd.s32 s17, v4  }
0x65: {  	s19 =	sadd.s32 $0x20, s30;
	vm1 =	vlt.s32 v8, s25  }
0x66: {  	v9 =	vadd.s32 s19, v4  }
0x67: {  	s16 =	sadd.s32 $0x30, s30;
	v10 =	vand.u32 $0x1F, v7;
	vm2 =	vlt.s32 v9, s25  }
0x68: {  	s19 =	simm.s32 $0x700;
	v11 =	vadd.s32 s16, v4;
	v10 =	vor.u32 $0x30E0, v10  }
0x69: {  	s17 =	simm.s32 $0x1F00;
	s16 =	sadd.s32 $0x40, s30;
	v60 =	vand.u32 $0x1F, v8;
	vm3 =	vlt.s32 v11, s25;
	[tilespmem:v7+s19+$0x0] =	vst.idx.msk vm0, v10  }
0x6a: {  	v61 =	vadd.s32 s16, v4;
	[tilespmem:v7+s17+$0x0] =	vst.idx.msk vm0, v5;
	v7 =	vor.u32 $0x30E0, v60  }
0x6b: {  	s16 =	sadd.s32 $0x50, s30;
	vm12 =	vlt.s32 v61, s25;
	[tilespmem:v8+s19+$0x0] =	vst.idx.msk vm1, v7;
	v7 =	vand.u32 $0x1F, v9  }
0x6c: {  	[tilespmem:v8+s17+$0x0] =	vst.idx.msk vm1, v5;
	v7 =	vor.u32 $0x30E0, v7;
	v8 =	vadd.s32 s16, v4  }
0x6d: {  	s16 =	sadd.s32 $0x60, s30;
	[tilespmem:v9+s19+$0x0] =	vst.idx.msk vm2, v7;
	v7 =	vand.u32 $0x1F, v11;
	vm13 =	vlt.s32 v8, s25  }
0x6e: {  	v62 =	vadd.s32 s16, v4;
	[tilespmem:v9+s17+$0x0] =	vst.idx.msk vm2, v5;
	v7 =	vor.u32 $0x30E0, v7  }
0x6f: {  	s30 =	sadd.s32 $0x70, s30;
	vm14 =	vlt.s32 v62, s25;
	[tilespmem:v11+s19+$0x0] =	vst.idx.msk vm3, v7;
	v7 =	vand.u32 $0x1F, v61  }
0x70: {  	v63 =	vadd.s32 s30, v4;
	[tilespmem:v11+s17+$0x0] =	vst.idx.msk vm3, v5;
	v7 =	vor.u32 $0x30E0, v7  }
0x71: {  	vm15 =	vlt.s32 v63, s25;
	[tilespmem:v61+s19+$0x0] =	vst.idx.msk vm12, v7;
	v7 =	vand.u32 $0x1F, v8  }
0x72: {  	[tilespmem:v61+s17+$0x0] =	vst.idx.msk vm12, v5;
	v7 =	vor.u32 $0x30E0, v7  }
0x73: {  	[tilespmem:v8+s19+$0x0] =	vst.idx.msk vm13, v7;
	v7 =	vand.u32 $0x1F, v62  }
0x74: {  	[tilespmem:v8+s17+$0x0] =	vst.idx.msk vm13, v5;
	v7 =	vor.u32 $0x30E0, v7  }
0x75: {  	[tilespmem:v62+s19+$0x0] =	vst.idx.msk vm14, v7;
	v7 =	vand.u32 $0x1F, v63  }
0x76: {  	[tilespmem:v62+s17+$0x0] =	vst.idx.msk vm14, v5;
	v7 =	vor.u32 $0x30E0, v7  }
0x77: {  	[tilespmem:v63+s19+$0x0] =	vst.idx.msk vm15, v7  }
0x78: {  	s3 =	sshrl.u32 s3, $0x7;
	[tilespmem:v63+s17+$0x0] =	vst.idx.msk vm15, v5  }
.LBB2_8:
0x79: {  	s30 =	smov.u32 s29  }
0x7a: {  	s30 =	smov.u32 @p1 s5  }
0x7b: {  	[tilespmem:s22], [sflag:$0x1] =	stream.indirect.gather [hbm4b:s30+s0], $0x80, s17, s0, $0xb8;
	[tilespmem:$0x1FF00] =	vst v63  }
0x7c: {  	s3 =	sadd.s32 $0xFFFFFFFF, s3;
	_ =	swait.ge [sflag:s26], $0x4000  }
0x7d: {  	p0 =	sne.s32 s3, $0x0;
	[sflag:s26] =	ssyncset.done $0x0  }
.Ltmp3:
0x7e: {  	[sflag:s26] =	ssyncadd.s32 $0xFFFFC000;
	(pc) =	sbr.rel @p0 .LBB2_8-.Ltmp3, $4  }
0x7f: {  	[spmem:s1] =	stream.indirect.scatter.add.f32 [tilespmem:s22], [sflag:$0x2], $0x80, s19, s0, $0xb8;
	[tilespmem:$0x1FF00] =	vst v63  }
0x80: {  	_ =	swait.ge [sflag:s21], $0x4000  }
0x81: {  	[sflag:s21] =	ssyncset.done $0x0  }
0x82: {  	s17 =	sadd.s32 $0x80, s17;
	s19 =	sadd.s32 $0x80, s19;
	[sflag:s21] =	ssyncadd.s32 $0xFFFFC000  }
.LBB2_9:
0x83: {  	s3 =	smul.u32 $0x6C0, s11;
	_ =	sdelay $0x1  }
0x84: {  	s3 =	sadd.s32 s8, s3  }
0x85: {  	s3 =	sshrl.u32 s3, $0x3  }
0x86: {  	s16 =	simm.s32 $0x0;
	s3 =	sadd.s32 s10, s3  }
0x87: {  	[tilespmem:s16], [sflag:$0x2] =	stream.linear.gather [hbm4b:s3+s16], $0x6C0, $0x38;
	[tilespmem:$0x1FF00] =	vst v63  }
0x88: {  	_ =	swait.ge [sflag:s21], $0x6C0  }
0x89: {  	[sflag:s21] =	ssyncset.done $0x0  }
0x8a: {  	s25 =	simm.s32 $0x0;
	[sflag:s21] =	ssyncadd.s32 $0xFFFFF940  }
0x8b: {  	v7 =	vld [tilespmem:s25+$0x0];
	_ =	sdelay $0x4  }
0x8c: {  	v7 =	vsub.s32 v7, v0  }
0x8d: {  	vm0 =	vlt.u32 v7, $0x30E0  }
0x8e: {  	v8 =	vsel vm0, $0x1, v5  }
0x8f: {  	(xrf0) =	vadd.scan.msk.s32 $0xffff, v8;
	_ =	sdelay $0x4  }
0x90: {  	p0 =	sgt.s32 s23, $0x1480  }
0x91: {  	v6 =	vpsel p0, $0x0, v6;
	v8, _, _ =	vpop (xrf0)  }
0x92: {  	v8 =	vadd.s32 v8, v6  }
0x93: {  	v8 =	vadd.s32 $0xFFFFFFFF, v8;
	_ =	sdelay $0x4  }
0x94: {  	v9 =	vmpcnt.ones.xlane vm0;
	[tilespmem:v8+s28+$0x0] =	vst.idx.msk vm0, v7;
	v7 =	vor.u32 s14, v4;
	_ =	sdelay $0x1  }
0x95: {  	s30 =	simm.s32 $0x10;
	v6 =	vadd.s32 v6, v9;
	[tilespmem:v8+s20+$0x0] =	vst.idx.msk vm0, v7  }
0x96: {  	s19 =	simm.s32 $0x80;
	s17 =	smov.u32 s14;
	v8 =	vld [tilespmem:s30+$0x0];
	v7 =	vmov v6  }
.LBB2_10:
0x97: {  	p2 =	sne.s32 s19, $0x1AC0;
	_ =	sdelay $0x3  }
0x98: {  	v8 =	vsub.s32 v8, v0  }
0x99: {  	vm0 =	vlt.u32 v8, $0x30E0  }
0x9a: {  	v9 =	vsel vm0, $0x1, v5;
	v10 =	vmpcnt.ones.xlane vm0  }
0x9b: {  	(xrf0) =	vadd.scan.msk.s32 $0xffff, v9  }
0x9c: {  	v6 =	vadd.s32 v6, v10;
	_ =	sdelay $0x4  }
0x9d: {  	v9, _, _ =	vpop (xrf0)  }
0x9e: {  	v9 =	vadd.s32 v9, v7;
	v7 =	vmov v6  }
0x9f: {  	v9 =	vadd.s32 $0xFFFFFFFF, v9;
	_ =	sdelay $0x2  }
.Ltmp4:
0xa0: {  	(pc) =	sbr.rel @p2 .LBB2_10-.Ltmp4, $4  }
0xa1: {  	s17 =	sadd.s32 $0x10, s17  }
0xa2: {  	[tilespmem:v9+s28+$0x0] =	vst.idx.msk vm0, v8;
	v8 =	vor.u32 s17, v4  }
0xa3: {  	s3 =	sshra.s32 s19, $0x2;
	[tilespmem:v9+s20+$0x0] =	vst.idx.msk vm0, v8  }
0xa4: {  	s19 =	sadd.s32 $0x40, s19;
	v8 =	vld [tilespmem:s3+$0x0]  }
0xa5: {  	_ =	sdelay $0x3  }
0xa6: {  	v8 =	vsub.s32 v8, v0  }
0xa7: {  	vm0 =	vlt.u32 v8, $0x30E0  }
0xa8: {  	v9 =	vsel vm0, $0x1, v5  }
0xa9: {  	(xrf0) =	vadd.scan.msk.s32 $0xffff, v9;
	_ =	sdelay $0x5  }
0xaa: {  	v9, _, _ =	vpop (xrf0)  }
0xab: {  	v7 =	vadd.s32 v9, v7  }
0xac: {  	s11 =	sadd.s32 $0x1, s11;
	v7 =	vadd.s32 $0xFFFFFFFF, v7  }
0xad: {  	p0 =	sne.s32 s11, $0x8  }
.Ltmp5:
0xae: {  	_ = 	snop;
	(pc) =	sbr.rel @p0 .LBB2_6-.Ltmp5, $4  }
0xaf: {  	_ = 	snop  }
0xb0: {  	s3 =	sadd.s32 $0x10, s17;
	v63 =	vmpcnt.ones.xlane vm0  }
0xb1: {  	[tilespmem:v7+s28+$0x0] =	vst.idx.msk vm0, v8;
	v8 =	vor.u32 s3, v4  }
0xb2: {  	s14 =	sadd.s32 $0x6C0, s14;
	v6 =	vadd.s32 v6, v63;
	[tilespmem:v7+s20+$0x0] =	vst.idx.msk vm0, v8  }
0xb3: {  	v6 =	vxor.u32 $0x80000000, v6  }
0xb4: {  	(xrf0) =	vmax.scan.msk.u32 $0xffff, v6;
	_ =	sdelay $0x5  }
0xb5: {  	v6, _, _ =	vpop (xrf0)  }
0xb6: {  	(v2sf) =	vpush v6, $0xF;
	_ =	sdelay $0xe  }
0xb7: {  	s3 =	spop (v2sf)  }
0xb8: {  	s11 =	sxor.u32 $0x80000000, s3;
	s16 =	sadd.s32 $0x8000007F, s3  }
0xb9: {  	s17 =	sand.u32 $0xFFFFFF80, s16;
	v6 =	vadd.s32 s11, v4  }
0xba: {  	s19 =	sadd.s32 $0x80000010, s3;
	vm0 =	vlt.s32 v6, s17  }
0xbb: {  	v7 =	vadd.s32 s19, v4  }
0xbc: {  	s23 =	sadd.s32 $0x80000020, s3;
	vm1 =	vlt.s32 v7, s17  }
0xbd: {  	v8 =	vadd.s32 s23, v4  }
0xbe: {  	s14 =	sadd.s32 $0x80000030, s3;
	v9 =	vand.u32 $0x1F, v6;
	vm2 =	vlt.s32 v8, s17  }
0xbf: {  	s11 =	simm.s32 $0x700;
	v10 =	vadd.s32 s14, v4;
	v9 =	vor.u32 $0x30E0, v9  }
0xc0: {  	s14 =	simm.s32 $0x1F00;
	s19 =	sadd.s32 $0x80000040, s3;
	v60 =	vand.u32 $0x1F, v7;
	vm3 =	vlt.s32 v10, s17;
	[tilespmem:v6+s11+$0x0] =	vst.idx.msk vm0, v9  }
0xc1: {  	v61 =	vadd.s32 s19, v4;
	[tilespmem:v6+s14+$0x0] =	vst.idx.msk vm0, v5;
	v6 =	vor.u32 $0x30E0, v60  }
0xc2: {  	s25 =	sadd.s32 $0x80000050, s3;
	vm12 =	vlt.s32 v61, s17;
	[tilespmem:v7+s11+$0x0] =	vst.idx.msk vm1, v6;
	v6 =	vand.u32 $0x1F, v8  }
0xc3: {  	[tilespmem:v7+s14+$0x0] =	vst.idx.msk vm1, v5;
	v6 =	vor.u32 $0x30E0, v6;
	v7 =	vadd.s32 s25, v4  }
0xc4: {  	s30 =	sadd.s32 $0x80000060, s3;
	[tilespmem:v8+s11+$0x0] =	vst.idx.msk vm2, v6;
	v6 =	vand.u32 $0x1F, v10;
	vm13 =	vlt.s32 v7, s17  }
0xc5: {  	v62 =	vadd.s32 s30, v4;
	[tilespmem:v8+s14+$0x0] =	vst.idx.msk vm2, v5;
	v6 =	vor.u32 $0x30E0, v6  }
0xc6: {  	s3 =	sadd.s32 $0x80000070, s3;
	vm14 =	vlt.s32 v62, s17;
	[tilespmem:v10+s11+$0x0] =	vst.idx.msk vm3, v6;
	v6 =	vand.u32 $0x1F, v61  }
0xc7: {  	v63 =	vadd.s32 s3, v4;
	[tilespmem:v10+s14+$0x0] =	vst.idx.msk vm3, v5;
	v6 =	vor.u32 $0x30E0, v6  }
0xc8: {  	vm15 =	vlt.s32 v63, s17;
	[tilespmem:v61+s11+$0x0] =	vst.idx.msk vm12, v6;
	v6 =	vand.u32 $0x1F, v7  }
0xc9: {  	s17 =	sshrl.u32 s16, $0x7;
	[tilespmem:v61+s14+$0x0] =	vst.idx.msk vm12, v5;
	v6 =	vor.u32 $0x30E0, v6  }
0xca: {  	p0 =	seq.s32 s17, $0x0;
	[tilespmem:v7+s11+$0x0] =	vst.idx.msk vm13, v6;
	v6 =	vand.u32 $0x1F, v62  }
.Ltmp6:
0xcb: {  	[tilespmem:v7+s14+$0x0] =	vst.idx.msk vm13, v5;
	v6 =	vor.u32 $0x30E0, v6;
	(pc) =	sbr.rel @p0 .LBB2_16-.Ltmp6, $4  }
0xcc: {  	[tilespmem:v62+s11+$0x0] =	vst.idx.msk vm14, v6;
	v6 =	vand.u32 $0x1F, v63  }
0xcd: {  	[tilespmem:v62+s14+$0x0] =	vst.idx.msk vm14, v5;
	v6 =	vor.u32 $0x30E0, v6  }
0xce: {  	[tilespmem:v63+s11+$0x0] =	vst.idx.msk vm15, v6  }
0xcf: {  	[tilespmem:v63+s14+$0x0] =	vst.idx.msk vm15, v5  }
0xd0: {  	s3 =	smov.u32 s29  }
0xd1: {  	s17 =	sadd.s32 $0xFFFFFFFF, s17;
	s3 =	smov.u32 @p1 s5  }
0xd2: {  	[tilespmem:s22], [sflag:$0x1] =	stream.indirect.gather [hbm4b:s3+s0], $0x80, s14, s0, $0xb8;
	[tilespmem:$0x1FF00] =	vst v63  }
0xd3: {  	p0 =	sne.s32 s17, $0x0;
	_ =	swait.ge [sflag:s26], $0x4000  }
.Ltmp7:
0xd4: {  	[sflag:s26] =	ssyncset.done $0x0;
	(pc) =	sbr.rel @!p0 .LBB2_15-.Ltmp7, $4  }
0xd5: {  	[sflag:s26] =	ssyncadd.s32 $0xFFFFC000  }
0xd6: {  	[spmem:s1] =	stream.indirect.scatter.add.f32 [tilespmem:s22], [sflag:$0x2], $0x80, s11, s0, $0xb8;
	[tilespmem:$0x1FF00] =	vst v63  }
0xd7: {  	_ =	swait.ge [sflag:s21], $0x4000  }
0xd8: {  	[sflag:s21] =	ssyncset.done $0x0  }
.LBB2_14:
0xd9: {  	[sflag:s21] =	ssyncadd.s32 $0xFFFFC000;
	s14 =	sadd.s32 $0x80, s14;
	s17 =	sadd.s32 $0xFFFFFFFF, s17  }
0xda: {  	[tilespmem:s22], [sflag:$0x1] =	stream.indirect.gather [hbm4b:s3+s0], $0x80, s14, s0, $0xb8;
	[tilespmem:$0x1FF00] =	vst v63  }
0xdb: {  	p0 =	sne.s32 s17, $0x0;
	_ =	swait.ge [sflag:s26], $0x4000  }
.Ltmp8:
0xdc: {  	[sflag:s26] =	ssyncset.done $0x0;
	(pc) =	sbr.rel @p0 .LBB2_14-.Ltmp8, $4  }
0xdd: {  	s11 =	sadd.s32 $0x80, s11;
	[sflag:s26] =	ssyncadd.s32 $0xFFFFC000  }
0xde: {  	[spmem:s1] =	stream.indirect.scatter.add.f32 [tilespmem:s22], [sflag:$0x2], $0x80, s11, s0, $0xb8;
	[tilespmem:$0x1FF00] =	vst v63  }
0xdf: {  	_ =	swait.ge [sflag:s21], $0x4000  }
0xe0: {  	[sflag:s21] =	ssyncset.done $0x0  }
.LBB2_15:
0xe1: {  	[sflag:s21] =	ssyncadd.s32 $0xFFFFC000  }
.LBB2_16:
0xe2: {  	s3 =	simm.s32 $0x0  }
0xe3: {  	s3 =	sand.u32 $0xF, s3  }
0xe4: {  	p2 =	sne.s32 s3, s6  }
0xe5: {  	[bflag:$0x0] =	sbarrier.arrive $0xFFFF;
	s11 =	simm.s32 $0x1;
	s3 =	sshll.u32 @!p2 s6, $0x6  }
0xe6: {  	s14 =	sshrl.u32 @!p2 s1, $0x3;
	s17 =	simm.s32 @!p2 $0x2;
	s3 =	sor.u32 @!p2 $0x1C02, s3  }
0xe7: {  	[hbm:s13], [sflag:s3] =	dma.local @!p2 [spmem:s14], $0x600  }
0xe8: {  	s19 =	sand.u32 $0xF, s11;
	s11 =	sadd.s32 $0x3000, s1;
	_ =	swait.ge @!p2 [sflag:s17], $0x600  }
0xe9: {  	s14 =	simm.s32 $0x2;
	s3 =	sadd.s32 $0x600, s13;
	[sflag:s17] =	ssyncset.done @!p2 $0x0  }
.LBB2_17:
0xea: {  	s16 =	smov.u32 s14;
	s14 =	sadd.s32 $0x1, s14  }
0xeb: {  	[sflag:s17] =	ssyncadd.s32 @!p2 $0xFFFFFA00;
	p2 =	sne.s32 s19, s6;
	p0 =	sne.s32 s14, $0x82  }
.Ltmp9:
0xec: {  	s17 =	sshll.u32 @!p2 s6, $0x6;
	(pc) =	sbr.rel @p0 .LBB2_17-.Ltmp9, $4  }
0xed: {  	s23 =	sshrl.u32 @!p2 s11, $0x3;
	s19 =	sor.u32 @!p2 $0x1C02, s17;
	s17 =	simm.s32 @!p2 $0x2  }
0xee: {  	[hbm:s3], [sflag:s19] =	dma.local @!p2 [spmem:s23], $0x600  }
0xef: {  	s3 =	sadd.s32 $0x600, s3;
	_ =	swait.ge @!p2 [sflag:s17], $0x600  }
0xf0: {  	s11 =	sadd.s32 $0x3000, s11;
	s19 =	sand.u32 $0xF, s16;
	[sflag:s17] =	ssyncset.done @!p2 $0x0  }
0xf1: {  	p0 =	sne.s32 s19, s6  }
0xf2: {  	[sflag:s17] =	ssyncadd.s32 @!p2 $0xFFFFFA00;
	s14 =	sshll.u32 @!p0 s6, $0x6  }
0xf3: {  	s11 =	sshrl.u32 @!p0 s11, $0x3;
	s16 =	simm.s32 @!p0 $0x2;
	s14 =	sor.u32 @!p0 $0x1C02, s14  }
0xf4: {  	[hbm:s3], [sflag:s14] =	dma.local @!p0 [spmem:s11], $0x600  }
0xf5: {  	_ =	swait.ge @!p0 [sflag:s16], $0x600  }
0xf6: {  	s30 =	sld [smem:$0x7FC];
	_ =	sdelay $0x1  }
0xf7: {  	[sflag:s16] =	ssyncset.done @!p0 $0x0  }
0xf8: {  	[sflag:s16] =	ssyncadd.s32 @!p0 $0xFFFFFA00;
	p0 =	seq.s32 s30, $0x1  }
.Ltmp10:
0xf9: {  	_ = 	snop;
	(pc) =	sbr.rel @p0 .LBB2_21-.Ltmp10, $1  }
0xfa: {  	_ =	sdelay $0x3  }
0xfb: {  	s3 =	sld [smem:$0x7FD];
	_ =	sdelay $0x2  }
0xfc: {  	p0 =	seq.s32 s3, $0x1  }
.Ltmp11:
0xfd: {  	_ = 	snop;
	(pc) =	sbr.rel @p0 .LBB2_23-.Ltmp11, $2  }
0xfe: {  	_ =	sdelay $0x2  }
0xff: {  	p2 =	por $0x0, $0x0  }
.Ltmp12:
0x100: {  	(pc) =	sbr.rel .LBB2_22-.Ltmp12, $4  }
0x101: {  	_ = 	snop  }
0x102: {  	s3 =	rddreg [dreg:$0x5]  }
0x103: {  	s11 =	rddreg [dreg:$0xd];
	s14 =	simm.s32 $0x1C02;
	p2 =	por $0x0, $0x0  }
0x104: {  	[hbm:s3], [sflag:s14] =	dma.local [spmem:s11], $0x100  }
.LBB2_21:
0x105: {  	s3 =	rddreg [dreg:$0x4]  }
0x106: {  	s11 =	rddreg [dreg:$0x8];
	s14 =	simm.s32 $0x1C42  }
0x107: {  	[hbm:s3], [sflag:s14] =	dma.local [spmem:s11], $0x100  }
0x108: {  	s3 =	sld [smem:$0x7FB];
	_ =	sdelay $0x2  }
0x109: {  	p2 =	seq.s32 s3, $0x1  }
.LBB2_22:
0x10a: {  	_ =	swait.ge [sflag:s21], $0x100  }
0x10b: {  	[sflag:s21] =	ssyncset.done $0x0  }
0x10c: {  	[sflag:s21] =	ssyncadd.s32 $0xFFFFFF00  }
.LBB2_23:
0x10d: {  	s3 =	simm.s32 @!p2 $0x0  }
0x10e: {  	s3 =	simm.s32 @p2 $0x1  }
0x10f: {  	s11 =	simm.s32 $0x0;
	[smem:$0x7F5] =	sst s3  }
0x110: {  	s14 =	simm.s32 $0x200;
	s3 =	simm.s32 $0x0;
	[bflag:$0x0] =	sbarrier.arrive $0xFFFF  }
.LBB2_24:
0x111: {  	p0 =	sne.s32 s14, $0xFE00;
	[tilespmem:s3+$0x3770] =	vst v3  }
0x112: {  	[tilespmem:s3+$0x3700] =	vst v3  }
0x113: {  	[tilespmem:s3+$0x3710] =	vst v3  }
.Ltmp13:
0x114: {  	[tilespmem:s3+$0x3720] =	vst v3;
	(pc) =	sbr.rel @p0 .LBB2_24-.Ltmp13, $4  }
0x115: {  	[tilespmem:s3+$0x3730] =	vst v3  }
0x116: {  	[tilespmem:s3+$0x3740] =	vst v3  }
0x117: {  	[tilespmem:s3+$0x3750] =	vst v3  }
0x118: {  	[tilespmem:s3+$0x3760] =	vst v3;
	s3 =	sshra.s32 s14, $0x2;
	s14 =	sadd.s32 $0x200, s14  }
0x119: {  	[tilespmem:s3+$0x3770] =	vst v3  }
0x11a: {  	[tilespmem:s3+$0x3700] =	vst v3  }
0x11b: {  	[tilespmem:s3+$0x3710] =	vst v3  }
0x11c: {  	[tilespmem:s3+$0x3720] =	vst v3  }
0x11d: {  	[tilespmem:s3+$0x3730] =	vst v3  }
0x11e: {  	[tilespmem:s3+$0x3740] =	vst v3;
	s11 =	sand.u32 $0xF, s11  }
0x11f: {  	[tilespmem:s3+$0x3750] =	vst v3;
	p2 =	sne.s32 s11, s6  }
0x120: {  	[tilespmem:s3+$0x3760] =	vst v3;
	s3 =	simm.s32 @!p2 $0x3700;
	s17 =	simm.s32 @!p2 $0x2  }
0x121: {  	[spmem:s1] =	stream.linear.scatter @!p2 [tilespmem:s3], [sflag:$0x2], $0x4000, $0x38;
	[tilespmem:$0x1FF00] =	vst v63  }
0x122: {  	s14 =	simm.s32 $0x2;
	_ =	swait.ge @!p2 [sflag:s17], $0x4000  }
0x123: {  	s11 =	simm.s32 $0x1;
	s3 =	sadd.s32 $0x4000, s1;
	[sflag:s17] =	ssyncset.done @!p2 $0x0  }
.LBB2_26:
0x124: {  	s16 =	sand.u32 $0xF, s11;
	s11 =	smov.u32 s14;
	s14 =	sadd.s32 $0x1, s14  }
0x125: {  	[sflag:s17] =	ssyncadd.s32 @!p2 $0xFFFFC000;
	p0 =	sne.s32 s14, $0x62  }
.Ltmp14:
0x126: {  	p2 =	sne.s32 s16, s6;
	(pc) =	sbr.rel @p0 .LBB2_26-.Ltmp14, $4  }
0x127: {  	s16 =	simm.s32 @!p2 $0x3700;
	s17 =	simm.s32 @!p2 $0x2  }
0x128: {  	[spmem:s3] =	stream.linear.scatter @!p2 [tilespmem:s16], [sflag:$0x2], $0x4000, $0x38;
	[tilespmem:$0x1FF00] =	vst v63  }
0x129: {  	_ =	swait.ge @!p2 [sflag:s17], $0x4000  }
0x12a: {  	s3 =	sadd.s32 $0x4000, s3;
	[sflag:s17] =	ssyncset.done @!p2 $0x0  }
0x12b: {  	s11 =	sand.u32 $0xF, s11  }
0x12c: {  	p0 =	sne.s32 s11, s6  }
0x12d: {  	[sflag:s17] =	ssyncadd.s32 @!p2 $0xFFFFC000;
	s11 =	simm.s32 @!p0 $0x3700;
	s14 =	simm.s32 @!p0 $0x2  }
0x12e: {  	[spmem:s3] =	stream.linear.scatter @!p0 [tilespmem:s11], [sflag:$0x2], $0x4000, $0x38;
	[tilespmem:$0x1FF00] =	vst v63  }
0x12f: {  	_ =	swait.ge @!p0 [sflag:s14], $0x4000  }
0x130: {  	[sflag:s14] =	ssyncset.done @!p0 $0x0  }
0x131: {  	[sflag:s14] =	ssyncadd.s32 @!p0 $0xFFFFC000  }
0x132: {  	v6 =	vimm.s32 $0x0;
	s11 =	smov.u32 s18;
	s14 =	simm.s32 $0x0;
	[bflag:$0x0] =	sbarrier.arrive $0xFFFF  }
.LBB2_28:
0x133: {  	v7 =	vxor.u32 $0x80000000, v6  }
0x134: {  	(xrf0) =	vmax.scan.msk.u32 $0xffff, v7;
	_ =	sdelay $0x5  }
0x135: {  	v7, _, _ =	vpop (xrf0)  }
0x136: {  	(v2sf) =	vpush v7, $0xF;
	_ =	sdelay $0xe  }
0x137: {  	s3 =	spop (v2sf)  }
0x138: {  	s23 =	sadd.s32 $0x800006C0, s3  }
0x139: {  	p0 =	slt.s32 s23, $0x1481  }
.Ltmp15:
0x13a: {  	_ = 	snop;
	(pc) =	sbr.rel @p0 .LBB2_32-.Ltmp15, $1  }
0x13b: {  	_ =	sdelay $0x3  }
0x13c: {  	s16 =	sand.u32 $0x7FFFFFFF, s3;
	s17 =	sadd.s32 $0x8000007F, s3  }
0x13d: {  	s3 =	sand.u32 $0xFFFFFF80, s17;
	v7 =	vadd.s32 s16, v4  }
0x13e: {  	s19 =	sadd.s32 $0x10, s16;
	vm0 =	vlt.s32 v7, s3  }
0x13f: {  	v8 =	vadd.s32 s19, v4  }
0x140: {  	s25 =	sadd.s32 $0x20, s16;
	vm1 =	vlt.s32 v8, s3  }
0x141: {  	v9 =	vadd.s32 s25, v4  }
0x142: {  	v10 =	vand.u32 $0x1F, v7;
	s25 =	sadd.s32 $0x30, s16;
	vm2 =	vlt.s32 v9, s3  }
0x143: {  	s19 =	simm.s32 $0x700;
	v10 =	vor.u32 $0x30E0, v10;
	v11 =	vadd.s32 s25, v4  }
0x144: {  	s30 =	simm.s32 $0x1F00;
	v60 =	vand.u32 $0x1F, v8;
	s25 =	sadd.s32 $0x40, s16;
	vm3 =	vlt.s32 v11, s3;
	[tilespmem:v7+s19+$0x0] =	vst.idx.msk vm0, v10  }
0x145: {  	v61 =	vadd.s32 s25, v4;
	[tilespmem:v7+s30+$0x0] =	vst.idx.msk vm0, v5;
	v7 =	vor.u32 $0x30E0, v60  }
0x146: {  	s25 =	sadd.s32 $0x50, s16;
	vm12 =	vlt.s32 v61, s3;
	[tilespmem:v8+s19+$0x0] =	vst.idx.msk vm1, v7;
	v7 =	vand.u32 $0x1F, v9  }
0x147: {  	[tilespmem:v8+s30+$0x0] =	vst.idx.msk vm1, v5;
	v7 =	vor.u32 $0x30E0, v7;
	v8 =	vadd.s32 s25, v4  }
0x148: {  	s25 =	sadd.s32 $0x60, s16;
	[tilespmem:v9+s19+$0x0] =	vst.idx.msk vm2, v7;
	v7 =	vand.u32 $0x1F, v11;
	vm13 =	vlt.s32 v8, s3  }
0x149: {  	v62 =	vadd.s32 s25, v4;
	[tilespmem:v9+s30+$0x0] =	vst.idx.msk vm2, v5;
	v7 =	vor.u32 $0x30E0, v7  }
0x14a: {  	s16 =	sadd.s32 $0x70, s16;
	vm14 =	vlt.s32 v62, s3;
	[tilespmem:v11+s19+$0x0] =	vst.idx.msk vm3, v7;
	v7 =	vand.u32 $0x1F, v61  }
0x14b: {  	v63 =	vadd.s32 s16, v4;
	[tilespmem:v11+s30+$0x0] =	vst.idx.msk vm3, v5;
	v7 =	vor.u32 $0x30E0, v7  }
0x14c: {  	vm15 =	vlt.s32 v63, s3;
	[tilespmem:v61+s19+$0x0] =	vst.idx.msk vm12, v7;
	v7 =	vand.u32 $0x1F, v8  }
0x14d: {  	[tilespmem:v61+s30+$0x0] =	vst.idx.msk vm12, v5;
	v7 =	vor.u32 $0x30E0, v7  }
0x14e: {  	[tilespmem:v8+s19+$0x0] =	vst.idx.msk vm13, v7;
	v7 =	vand.u32 $0x1F, v62  }
0x14f: {  	[tilespmem:v8+s30+$0x0] =	vst.idx.msk vm13, v5;
	v7 =	vor.u32 $0x30E0, v7  }
0x150: {  	[tilespmem:v62+s19+$0x0] =	vst.idx.msk vm14, v7;
	v7 =	vand.u32 $0x1F, v63  }
0x151: {  	[tilespmem:v62+s30+$0x0] =	vst.idx.msk vm14, v5;
	v7 =	vor.u32 $0x30E0, v7  }
0x152: {  	s25 =	sshrl.u32 s17, $0x7;
	s3 =	smov.u32 s29;
	[tilespmem:v63+s19+$0x0] =	vst.idx.msk vm15, v7  }
0x153: {  	s17 =	sadd.s32 $0xFFFFFFFF, s25;
	s3 =	smov.u32 @p1 s5;
	[tilespmem:v63+s30+$0x0] =	vst.idx.msk vm15, v5  }
0x154: {  	[tilespmem:s22], [sflag:$0x1] =	stream.indirect.gather [hbm4b:s3+s0], $0x80, s30, s0, $0xb8;
	[tilespmem:$0x1FF00] =	vst v63  }
0x155: {  	p0 =	sne.s32 s17, $0x0;
	_ =	swait.ge [sflag:s26], $0x4000  }
.Ltmp16:
0x156: {  	[sflag:s26] =	ssyncset.done $0x0;
	(pc) =	sbr.rel @!p0 .LBB2_31-.Ltmp16, $4  }
0x157: {  	[sflag:s26] =	ssyncadd.s32 $0xFFFFC000  }
0x158: {  	[spmem:s1] =	stream.indirect.scatter.add.f32 [tilespmem:s22], [sflag:$0x2], $0x80, s19, s0, $0xb8;
	[tilespmem:$0x1FF00] =	vst v63  }
0x159: {  	_ =	swait.ge [sflag:s21], $0x4000  }
0x15a: {  	[sflag:s21] =	ssyncset.done $0x0  }
.LBB2_30:
0x15b: {  	[sflag:s21] =	ssyncadd.s32 $0xFFFFC000;
	s30 =	sadd.s32 $0x80, s30;
	s17 =	sadd.s32 $0xFFFFFFFF, s17  }
0x15c: {  	[tilespmem:s22], [sflag:$0x1] =	stream.indirect.gather [hbm4b:s3+s0], $0x80, s30, s0, $0xb8;
	[tilespmem:$0x1FF00] =	vst v63  }
0x15d: {  	p0 =	sne.s32 s17, $0x0;
	_ =	swait.ge [sflag:s26], $0x4000  }
.Ltmp17:
0x15e: {  	[sflag:s26] =	ssyncset.done $0x0;
	(pc) =	sbr.rel @p0 .LBB2_30-.Ltmp17, $4  }
0x15f: {  	s19 =	sadd.s32 $0x80, s19;
	[sflag:s26] =	ssyncadd.s32 $0xFFFFC000  }
0x160: {  	[spmem:s1] =	stream.indirect.scatter.add.f32 [tilespmem:s22], [sflag:$0x2], $0x80, s19, s0, $0xb8;
	[tilespmem:$0x1FF00] =	vst v63  }
0x161: {  	_ =	swait.ge [sflag:s21], $0x4000  }
0x162: {  	[sflag:s21] =	ssyncset.done $0x0  }
.LBB2_31:
0x163: {  	[sflag:s21] =	ssyncadd.s32 $0xFFFFC000  }
.LBB2_32:
0x164: {  	s3 =	smul.u32 $0x6C0, s14;
	_ =	sdelay $0x1  }
0x165: {  	s3 =	sadd.s32 s8, s3  }
0x166: {  	s3 =	sshrl.u32 s3, $0x3  }
0x167: {  	s16 =	simm.s32 $0x0;
	s3 =	sadd.s32 s10, s3  }
0x168: {  	[tilespmem:s16], [sflag:$0x2] =	stream.linear.gather [hbm4b:s3+s16], $0x6C0, $0x38;
	[tilespmem:$0x1FF00] =	vst v63  }
0x169: {  	_ =	swait.ge [sflag:s21], $0x6C0  }
0x16a: {  	[sflag:s21] =	ssyncset.done $0x0  }
0x16b: {  	s25 =	simm.s32 $0x0;
	[sflag:s21] =	ssyncadd.s32 $0xFFFFF940  }
0x16c: {  	v7 =	vld [tilespmem:s25+$0x0];
	_ =	sdelay $0x4  }
0x16d: {  	v7 =	vsub.s32 v7, v1  }
0x16e: {  	vm0 =	vgt.s32 v7, $0xFFFFFFFF;
	vm1 =	vlt.s32 v7, v2  }
0x16f: {  	vm0 =	vmand vm0, vm1  }
0x170: {  	v8 =	vsel vm0, $0x1, v5  }
0x171: {  	(xrf0) =	vadd.scan.msk.s32 $0xffff, v8;
	_ =	sdelay $0x4  }
0x172: {  	p0 =	sgt.s32 s23, $0x1480  }
0x173: {  	v6 =	vpsel p0, $0x0, v6;
	v8, _, _ =	vpop (xrf0)  }
0x174: {  	v8 =	vadd.s32 v8, v6  }
0x175: {  	v8 =	vadd.s32 $0xFFFFFFFF, v8;
	_ =	sdelay $0x4  }
0x176: {  	v9 =	vmpcnt.ones.xlane vm0;
	[tilespmem:v8+s28+$0x0] =	vst.idx.msk vm0, v7;
	v7 =	vor.u32 s11, v4;
	_ =	sdelay $0x1  }
0x177: {  	s30 =	simm.s32 $0x10;
	v6 =	vadd.s32 v6, v9;
	[tilespmem:v8+s20+$0x0] =	vst.idx.msk vm0, v7  }
0x178: {  	s19 =	simm.s32 $0x80;
	s17 =	smov.u32 s11;
	v8 =	vld [tilespmem:s30+$0x0];
	v7 =	vmov v6  }
.LBB2_33:
0x179: {  	p2 =	sne.s32 s19, $0x1AC0;
	_ =	sdelay $0x3  }
0x17a: {  	v8 =	vsub.s32 v8, v1  }
0x17b: {  	vm0 =	vgt.s32 v8, $0xFFFFFFFF;
	vm1 =	vlt.s32 v8, v2  }
0x17c: {  	vm0 =	vmand vm0, vm1  }
0x17d: {  	v9 =	vsel vm0, $0x1, v5;
	v10 =	vmpcnt.ones.xlane vm0  }
0x17e: {  	(xrf0) =	vadd.scan.msk.s32 $0xffff, v9  }
0x17f: {  	v6 =	vadd.s32 v6, v10;
	_ =	sdelay $0x4  }
0x180: {  	v9, _, _ =	vpop (xrf0)  }
0x181: {  	v9 =	vadd.s32 v9, v7;
	v7 =	vmov v6  }
0x182: {  	v9 =	vadd.s32 $0xFFFFFFFF, v9;
	_ =	sdelay $0x2  }
.Ltmp18:
0x183: {  	(pc) =	sbr.rel @p2 .LBB2_33-.Ltmp18, $4  }
0x184: {  	s17 =	sadd.s32 $0x10, s17  }
0x185: {  	[tilespmem:v9+s28+$0x0] =	vst.idx.msk vm0, v8;
	v8 =	vor.u32 s17, v4  }
0x186: {  	s3 =	sshra.s32 s19, $0x2;
	[tilespmem:v9+s20+$0x0] =	vst.idx.msk vm0, v8  }
0x187: {  	s19 =	sadd.s32 $0x40, s19;
	v8 =	vld [tilespmem:s3+$0x0]  }
0x188: {  	_ =	sdelay $0x3  }
0x189: {  	v8 =	vsub.s32 v8, v1  }
0x18a: {  	vm0 =	vgt.s32 v8, $0xFFFFFFFF;
	vm1 =	vlt.s32 v8, v2  }
0x18b: {  	vm0 =	vmand vm0, vm1  }
0x18c: {  	v9 =	vsel vm0, $0x1, v5  }
0x18d: {  	(xrf0) =	vadd.scan.msk.s32 $0xffff, v9;
	_ =	sdelay $0x5  }
0x18e: {  	v9, _, _ =	vpop (xrf0)  }
0x18f: {  	v7 =	vadd.s32 v9, v7  }
0x190: {  	s14 =	sadd.s32 $0x1, s14;
	v7 =	vadd.s32 $0xFFFFFFFF, v7  }
0x191: {  	p0 =	sne.s32 s14, $0x8  }
.Ltmp19:
0x192: {  	_ = 	snop;
	(pc) =	sbr.rel @p0 .LBB2_28-.Ltmp19, $4  }
0x193: {  	_ = 	snop  }
0x194: {  	s3 =	sadd.s32 $0x10, s17;
	v63 =	vmpcnt.ones.xlane vm0  }
0x195: {  	[tilespmem:v7+s28+$0x0] =	vst.idx.msk vm0, v8;
	v8 =	vor.u32 s3, v4  }
0x196: {  	s11 =	sadd.s32 $0x6C0, s11;
	v6 =	vadd.s32 v6, v63;
	[tilespmem:v7+s20+$0x0] =	vst.idx.msk vm0, v8  }
0x197: {  	v6 =	vxor.u32 $0x80000000, v6  }
0x198: {  	(xrf0) =	vmax.scan.msk.u32 $0xffff, v6;
	_ =	sdelay $0x5  }
0x199: {  	v6, _, _ =	vpop (xrf0)  }
0x19a: {  	(v2sf) =	vpush v6, $0xF;
	_ =	sdelay $0xe  }
0x19b: {  	s3 =	spop (v2sf)  }
0x19c: {  	s11 =	sxor.u32 $0x80000000, s3;
	s16 =	sadd.s32 $0x8000007F, s3  }
0x19d: {  	s17 =	sand.u32 $0xFFFFFF80, s16;
	v6 =	vadd.s32 s11, v4  }
0x19e: {  	s19 =	sadd.s32 $0x80000010, s3;
	vm0 =	vlt.s32 v6, s17  }
0x19f: {  	v7 =	vadd.s32 s19, v4  }
0x1a0: {  	s23 =	sadd.s32 $0x80000020, s3;
	vm1 =	vlt.s32 v7, s17  }
0x1a1: {  	v8 =	vadd.s32 s23, v4  }
0x1a2: {  	s14 =	sadd.s32 $0x80000030, s3;
	v9 =	vand.u32 $0x1F, v6;
	vm2 =	vlt.s32 v8, s17  }
0x1a3: {  	s11 =	simm.s32 $0x700;
	v10 =	vadd.s32 s14, v4;
	v9 =	vor.u32 $0x30E0, v9  }
0x1a4: {  	s14 =	simm.s32 $0x1F00;
	s19 =	sadd.s32 $0x80000040, s3;
	v60 =	vand.u32 $0x1F, v7;
	vm3 =	vlt.s32 v10, s17;
	[tilespmem:v6+s11+$0x0] =	vst.idx.msk vm0, v9  }
0x1a5: {  	v61 =	vadd.s32 s19, v4;
	[tilespmem:v6+s14+$0x0] =	vst.idx.msk vm0, v5;
	v6 =	vor.u32 $0x30E0, v60  }
0x1a6: {  	s25 =	sadd.s32 $0x80000050, s3;
	vm12 =	vlt.s32 v61, s17;
	[tilespmem:v7+s11+$0x0] =	vst.idx.msk vm1, v6;
	v6 =	vand.u32 $0x1F, v8  }
0x1a7: {  	[tilespmem:v7+s14+$0x0] =	vst.idx.msk vm1, v5;
	v6 =	vor.u32 $0x30E0, v6;
	v7 =	vadd.s32 s25, v4  }
0x1a8: {  	s30 =	sadd.s32 $0x80000060, s3;
	[tilespmem:v8+s11+$0x0] =	vst.idx.msk vm2, v6;
	v6 =	vand.u32 $0x1F, v10;
	vm13 =	vlt.s32 v7, s17  }
0x1a9: {  	v62 =	vadd.s32 s30, v4;
	[tilespmem:v8+s14+$0x0] =	vst.idx.msk vm2, v5;
	v6 =	vor.u32 $0x30E0, v6  }
0x1aa: {  	s3 =	sadd.s32 $0x80000070, s3;
	vm14 =	vlt.s32 v62, s17;
	[tilespmem:v10+s11+$0x0] =	vst.idx.msk vm3, v6;
	v6 =	vand.u32 $0x1F, v61  }
0x1ab: {  	v63 =	vadd.s32 s3, v4;
	[tilespmem:v10+s14+$0x0] =	vst.idx.msk vm3, v5;
	v6 =	vor.u32 $0x30E0, v6  }
0x1ac: {  	vm15 =	vlt.s32 v63, s17;
	[tilespmem:v61+s11+$0x0] =	vst.idx.msk vm12, v6;
	v6 =	vand.u32 $0x1F, v7  }
0x1ad: {  	s3 =	sshrl.u32 s16, $0x7;
	[tilespmem:v61+s14+$0x0] =	vst.idx.msk vm12, v5;
	v6 =	vor.u32 $0x30E0, v6  }
0x1ae: {  	p0 =	seq.s32 s3, $0x0;
	[tilespmem:v7+s11+$0x0] =	vst.idx.msk vm13, v6;
	v6 =	vand.u32 $0x1F, v62  }
.Ltmp20:
0x1af: {  	[tilespmem:v7+s14+$0x0] =	vst.idx.msk vm13, v5;
	v6 =	vor.u32 $0x30E0, v6;
	(pc) =	sbr.rel @p0 .LBB2_39-.Ltmp20, $4  }
0x1b0: {  	[tilespmem:v62+s11+$0x0] =	vst.idx.msk vm14, v6;
	v6 =	vand.u32 $0x1F, v63  }
0x1b1: {  	[tilespmem:v62+s14+$0x0] =	vst.idx.msk vm14, v5;
	v6 =	vor.u32 $0x30E0, v6  }
0x1b2: {  	[tilespmem:v63+s11+$0x0] =	vst.idx.msk vm15, v6  }
0x1b3: {  	[tilespmem:v63+s14+$0x0] =	vst.idx.msk vm15, v5  }
0x1b4: {  	s29 =	smov.u32 @p1 s5;
	s3 =	sadd.s32 $0xFFFFFFFF, s3  }
0x1b5: {  	[tilespmem:s22], [sflag:$0x1] =	stream.indirect.gather [hbm4b:s29+s0], $0x80, s14, s0, $0xb8;
	[tilespmem:$0x1FF00] =	vst v63  }
0x1b6: {  	p0 =	sne.s32 s3, $0x0;
	_ =	swait.ge [sflag:s26], $0x4000  }
.Ltmp21:
0x1b7: {  	[sflag:s26] =	ssyncset.done $0x0;
	(pc) =	sbr.rel @!p0 .LBB2_38-.Ltmp21, $4  }
0x1b8: {  	[sflag:s26] =	ssyncadd.s32 $0xFFFFC000  }
0x1b9: {  	[spmem:s1] =	stream.indirect.scatter.add.f32 [tilespmem:s22], [sflag:$0x2], $0x80, s11, s0, $0xb8;
	[tilespmem:$0x1FF00] =	vst v63  }
0x1ba: {  	_ =	swait.ge [sflag:s21], $0x4000  }
0x1bb: {  	[sflag:s21] =	ssyncset.done $0x0  }
.LBB2_37:
0x1bc: {  	[sflag:s21] =	ssyncadd.s32 $0xFFFFC000;
	s14 =	sadd.s32 $0x80, s14;
	s3 =	sadd.s32 $0xFFFFFFFF, s3  }
0x1bd: {  	[tilespmem:s22], [sflag:$0x1] =	stream.indirect.gather [hbm4b:s29+s0], $0x80, s14, s0, $0xb8;
	[tilespmem:$0x1FF00] =	vst v63  }
0x1be: {  	p0 =	sne.s32 s3, $0x0;
	_ =	swait.ge [sflag:s26], $0x4000  }
.Ltmp22:
0x1bf: {  	[sflag:s26] =	ssyncset.done $0x0;
	(pc) =	sbr.rel @p0 .LBB2_37-.Ltmp22, $4  }
0x1c0: {  	s11 =	sadd.s32 $0x80, s11;
	[sflag:s26] =	ssyncadd.s32 $0xFFFFC000  }
0x1c1: {  	[spmem:s1] =	stream.indirect.scatter.add.f32 [tilespmem:s22], [sflag:$0x2], $0x80, s11, s0, $0xb8;
	[tilespmem:$0x1FF00] =	vst v63  }
0x1c2: {  	_ =	swait.ge [sflag:s21], $0x4000  }
0x1c3: {  	[sflag:s21] =	ssyncset.done $0x0  }
.LBB2_38:
0x1c4: {  	[sflag:s21] =	ssyncadd.s32 $0xFFFFC000  }
.LBB2_39:
0x1c5: {  	s3 =	simm.s32 $0x0  }
0x1c6: {  	s3 =	sand.u32 $0xF, s3  }
0x1c7: {  	p0 =	sne.s32 s3, s6  }
0x1c8: {  	p2 =	slt.u32 @!p0 s9, $0x60  }
0x1c9: {  	[bflag:$0x0] =	sbarrier.arrive $0xFFFF;
	s11 =	simm.s32 $0x1;
	p2 =	por p2, p0  }
0x1ca: {  	s5 =	simm.s32 $0x2;
	s30 =	sand.u32 $0xF, s11;
	s3 =	sshll.u32 @!p2 s6, $0x6  }
0x1cb: {  	s14 =	sshrl.u32 @!p2 s1, $0x3;
	s17 =	simm.s32 @!p2 $0x2;
	s16 =	sor.u32 @!p2 $0x1C02, s3  }
0x1cc: {  	[hbm:s31], [sflag:s16] =	dma.local @!p2 [spmem:s14], $0x600  }
0x1cd: {  	s11 =	sadd.s32 $0x3000, s1;
	p0 =	sne.s32 s30, s6;
	_ =	swait.ge @!p2 [sflag:s17], $0x600  }
0x1ce: {  	s3 =	sadd.s32 $0x600, s31;
	s14 =	simm.s32 $0xC0;
	[sflag:s17] =	ssyncset.done @!p2 $0x0  }
.LBB2_40:
0x1cf: {  	p6 =	sgt.u32 @!p0 s14, s9;
	[sflag:s17] =	ssyncadd.s32 @!p2 $0xFFFFFA00  }
0x1d0: {  	s16 =	smov.u32 s5;
	s5 =	sadd.s32 $0x1, s5;
	s19 =	smov.u32 s3  }
0x1d1: {  	p3 =	sne.s32 s5, $0x82;
	p2 =	por p6, p0  }
.Ltmp23:
0x1d2: {  	s17 =	sshll.u32 @!p2 s6, $0x6;
	s23 =	sshrl.u32 @!p2 s11, $0x3;
	(pc) =	sbr.rel @p3 .LBB2_40-.Ltmp23, $4  }
0x1d3: {  	s3 =	sadd.s32 $0x600, s3;
	s25 =	sor.u32 @!p2 $0x1C02, s17;
	s17 =	simm.s32 @!p2 $0x2  }
0x1d4: {  	[hbm:s19], [sflag:s25] =	dma.local @!p2 [spmem:s23], $0x600  }
0x1d5: {  	s16 =	sand.u32 $0xF, s16;
	s11 =	sadd.s32 $0x3000, s11;
	_ =	swait.ge @!p2 [sflag:s17], $0x600  }
0x1d6: {  	s14 =	sadd.s32 $0x60, s14;
	p0 =	sne.s32 s16, s6;
	[sflag:s17] =	ssyncset.done @!p2 $0x0  }
0x1d7: {  	p3 =	sgt.u32 @!p0 s14, s9  }
0x1d8: {  	p0 =	por p3, p0  }
0x1d9: {  	[sflag:s17] =	ssyncadd.s32 @!p2 $0xFFFFFA00;
	s5 =	sshll.u32 @!p0 s6, $0x6  }
0x1da: {  	s11 =	sshrl.u32 @!p0 s11, $0x3;
	s14 =	simm.s32 @!p0 $0x2;
	s5 =	sor.u32 @!p0 $0x1C02, s5  }
0x1db: {  	[hbm:s3], [sflag:s5] =	dma.local @!p0 [spmem:s11], $0x600  }
0x1dc: {  	_ =	swait.ge @!p0 [sflag:s14], $0x600  }
0x1dd: {  	s25 =	sld [smem:$0x7F6];
	_ =	sdelay $0x1  }
0x1de: {  	[sflag:s14] =	ssyncset.done @!p0 $0x0  }
0x1df: {  	s3 =	rddreg [dreg:$0x6];
	[sflag:s14] =	ssyncadd.s32 @!p0 $0xFFFFFA00;
	p0 =	seq.s32 s25, $0x1  }
0x1e0: {  	s3 =	sshrl.u32 @p0 s3, $0x3;
	s5 =	simm.s32 @p0 $0x1C02  }
0x1e1: {  	[hbm:s15], [sflag:s5] =	dma.local @p0 [spmem:s3], $0x100  }
0x1e2: {  	s3 =	simm.s32 @p0 $0x2  }
0x1e3: {  	_ =	swait.ge @p0 [sflag:s3], $0x100  }
0x1e4: {  	s29 =	sld [smem:$0x7F5];
	_ =	sdelay $0x2  }
0x1e5: {  	p2 =	seq.s32 s29, $0x1  }
0x1e6: {  	[sflag:s3] =	ssyncset.done @p0 $0x0;
	s5 =	sshll.u32 @p2 s6, $0x6  }
0x1e7: {  	[sflag:s3] =	ssyncadd.s32 @p0 $0xFFFFFF00;
	s3 =	sor.u32 @p2 $0x1C02, s5;
	s5 =	rddreg [dreg:$0xe]  }
0x1e8: {  	s11 =	rddreg [dreg:$0xf];
	s5 =	sshrl.u32 @p2 s5, $0x3  }
0x1e9: {  	[hbm:s11], [sflag:s3] =	dma.local @p2 [spmem:s5], $0x100  }
0x1ea: {  	s3 =	simm.s32 @p2 $0x2  }
0x1eb: {  	_ =	swait.ge @p2 [sflag:s3], $0x100  }
0x1ec: {  	s30 =	sld [smem:$0x7F7];
	_ =	sdelay $0x2  }
0x1ed: {  	p0 =	seq.s32 s30, $0x1  }
.Ltmp24:
0x1ee: {  	_ = 	snop;
	(pc) =	sbr.rel @!p0 .LBB2_43-.Ltmp24, $3  }
0x1ef: {  	_ =	sdelay $0x1  }
0x1f0: {  	[sflag:s3] =	ssyncset.done @p2 $0x0  }
0x1f1: {  	[sflag:s3] =	ssyncadd.s32 @p2 $0xFFFFFF00  }
.Ltmp25:
0x1f2: {  	(pc) =	sbr.rel .LBB2_49-.Ltmp25, $4  }
0x1f3: {  	_ = 	snop  }
0x1f4: {  	s3 =	rddreg [dreg:$0x9]  }
0x1f5: {  	s5 =	rddreg [dreg:$0x13];
	s11 =	simm.s32 $0x1C82  }
0x1f6: {  	[hbm:s5], [sflag:s11] =	dma.local [spmem:s3], $0x100  }
.LBB2_43:
0x1f7: {  	s3 =	sld [smem:$0x7F8];
	_ =	sdelay $0x2  }
0x1f8: {  	p0 =	seq.s32 s3, $0x1  }
.Ltmp26:
0x1f9: {  	_ = 	snop;
	(pc) =	sbr.rel @!p0 .LBB2_45-.Ltmp26, $1  }
0x1fa: {  	_ =	sdelay $0x3  }
.Ltmp27:
0x1fb: {  	(pc) =	sbr.rel .LBB2_49-.Ltmp27, $4  }
0x1fc: {  	_ = 	snop  }
0x1fd: {  	s3 =	rddreg [dreg:$0xa]  }
0x1fe: {  	s5 =	rddreg [dreg:$0x12];
	s11 =	simm.s32 $0x1CC2  }
0x1ff: {  	[hbm:s5], [sflag:s11] =	dma.local [spmem:s3], $0x100  }
.LBB2_45:
0x200: {  	s3 =	sld [smem:$0x7F9];
	_ =	sdelay $0x2  }
0x201: {  	p0 =	seq.s32 s3, $0x1  }
.Ltmp28:
0x202: {  	_ = 	snop;
	(pc) =	sbr.rel @!p0 .LBB2_47-.Ltmp28, $1  }
0x203: {  	_ =	sdelay $0x3  }
.Ltmp29:
0x204: {  	(pc) =	sbr.rel .LBB2_49-.Ltmp29, $4  }
0x205: {  	_ = 	snop  }
0x206: {  	s3 =	rddreg [dreg:$0xb]  }
0x207: {  	s5 =	rddreg [dreg:$0x11];
	s11 =	simm.s32 $0x1D02  }
0x208: {  	[hbm:s5], [sflag:s11] =	dma.local [spmem:s3], $0x100  }
.LBB2_47:
0x209: {  	s3 =	sld [smem:$0x7FA];
	_ =	sdelay $0x2  }
0x20a: {  	p0 =	seq.s32 s3, $0x1  }
.Ltmp30:
0x20b: {  	_ = 	snop;
	(pc) =	sbr.rel @!p0 .LBB2_50-.Ltmp30, $1  }
0x20c: {  	_ =	sdelay $0x3  }
0x20d: {  	s3 =	rddreg [dreg:$0xc]  }
0x20e: {  	s5 =	rddreg [dreg:$0x10];
	s11 =	simm.s32 $0x1D42  }
0x20f: {  	[hbm:s5], [sflag:s11] =	dma.local [spmem:s3], $0x100  }
.LBB2_49:
0x210: {  	_ =	swait.ge [sflag:s21], $0x100  }
0x211: {  	[sflag:s21] =	ssyncset.done $0x0  }
0x212: {  	[sflag:s21] =	ssyncadd.s32 $0xFFFFFF00  }
.LBB2_50:
0x213: {  	s2 =	sadd.s32 $0x1, s2;
	s3 =	rddreg [dreg:$0x7]  }
0x214: {  	p0 =	sne.s32 s2, s3  }
.Ltmp31:
0x215: {  	_ = 	snop;
	(pc) =	sbr.rel @p0 .LBB2_1-.Ltmp31, $2  }
0x216: {  	_ =	sdelay $0x1  }
0x217: {  	[bflag:$0x0] =	sbarrier.arrive $0xFFFF;
	_ =	sdelay $0x1  }
0x218: {  	_ =	sfence.sel $0x180000  }
0x219: {  	[bflag:$0x0] =	sbarrier.arrive $0xFFFF  }
0x21a: {  	_ =	strace $0x90000053  }
0x21b: {  	[bflag:$0x2] =	sbarrier.arrive $0xFFFF  }
0x21c: {  	s1 =	sld [smem:$0x7FD];
	_ =	sdelay $0x2  }
0x21d: {  	s0 =	rddreg [dreg:$0x3];
	p0 =	seq.s32 s1, $0x1  }
0x21e: {  	s0 =	sadd.s32 @!p0 $0x100000, s0  }
0x21f: {  	[sflag:s0] =	ssyncadd.tile.s32 @!p0 $0x1;
	_ =	shalt  }
.Lfunc_end2:
_tile_overlayer_lowered:
.L_overlay_start_2:
0x220: {  	(tag) =	ssettag $0x2  }
0x221: {  	s0 =	rddreg [dreg:$0x0];
	s2 =	stileid.u32  }
0x222: {  	s1 =	rddreg [dreg:$0x1];
	p0 =	sne.s32 s2, $0x0  }
0x223: {  	s3 =	rddreg [dreg:$0x2];
	[bflag:$0x3] =	sbarrier.arrive $0xFFFF;
	s2 =	simm.s32 @!p0 $0x1C02  }
0x224: {  	[timem:s3], [sflag:s2] =	dma.local @!p0 [hbm:s0], s1  }
0x225: {  	s0 =	simm.s32 @!p0 $0x2  }
0x226: {  	_ =	swait.ge @!p0 [sflag:s0], s1  }
0x227: {  	s1 =	ssub.s32 @!p0 $0x0, s1;
	[sflag:s0] =	ssyncset.done @!p0 $0x0  }
0x228: {  	[sflag:s0] =	ssyncadd.s32 @!p0 s1  }
0x229: {  	[bflag:$0x3] =	sbarrier.arrive $0xFFFF  }
0x22a: {  	_ =	shalt  }

</sc_bundles>
